<compile_context>
chip_gen: v7x
topology: tpu7x:2x2x1
jax: 0.10.2.dev20260603
libtpu: 0.0.44.dev20260713+nightly
codegen_flags: <defaults>
</compile_context>

<pallas_src>
import functools

import jax
import jax.numpy as jnp
from jax import lax
from jax.experimental import pallas as pl
from jax.experimental.pallas import tpu as pltpu
from jax.experimental.pallas import tpu_sc as plsc

N = 10000
E = 320000
D = 128
H = 96
G = 64

NC = 2
NS = 16
NW = NC * NS
HH = H // NC
EPW = E // NW
EPT = E // NS
CHUNK = 128
EPTP = 20480
NCHUNK = EPTP // CHUNK
NBUF = 4
NGRP = NCHUNK // NBUF
NP = 10240
RPT = NP // NS
SPT = N // NS
RB = 1000

_mesh = plsc.VectorSubcoreMesh(
    core_axis_name="c", subcore_axis_name="s", num_cores=NC, num_subcores=NS)


@functools.partial(
    pl.kernel,
    out_type=jax.ShapeDtypeStruct((NW, N), jnp.float32),
    mesh=_mesh,
    compiler_params=pltpu.CompilerParams(needs_layout_passes=False),
    scratch_types=[
        pltpu.VMEM((EPW,), jnp.int32),
        pltpu.VMEM((N,), jnp.float32),
    ],
)
def _deg(dst_hbm, out_hbm, idx_v, deg_v):
    c = lax.axis_index("c")
    s = lax.axis_index("s")
    wid = c * NS + s

    def zero(i, carry):
        deg_v[pl.ds(i * 16, 16)] = jnp.zeros((16,), jnp.float32)
        return carry

    lax.fori_loop(0, N // 16, zero, 0)
    pltpu.sync_copy(dst_hbm.at[pl.ds(wid * EPW, EPW)], idx_v)
    ones = jnp.ones((16,), jnp.float32)

    def body(i, carry):
        idx = idx_v[pl.ds(i * 16, 16)]
        plsc.addupdate_scatter(deg_v, [idx], ones)
        return carry

    lax.fori_loop(0, EPW // 16, body, 0)
    pltpu.sync_copy(deg_v, out_hbm.at[wid])


@functools.partial(
    pl.kernel,
    out_type=jax.ShapeDtypeStruct((NC, NP, HH), jnp.float32),
    mesh=_mesh,
    compiler_params=pltpu.CompilerParams(needs_layout_passes=False,
                                         use_tc_tiling_on_sc=False),
    scratch_types=[
        pltpu.VMEM((NCHUNK, CHUNK), jnp.int32),
        pltpu.VMEM((NCHUNK, CHUNK), jnp.int32),
        [pltpu.VMEM((CHUNK, HH), jnp.float32)] * NBUF,
        pltpu.VMEM_SHARED((N, HH), jnp.float32),
        pltpu.VMEM_SHARED((NP, HH), jnp.float32),
        [pltpu.SemaphoreType.DMA] * NBUF,
        [pltpu.SemaphoreType.DMA] * NBUF,
    ],
)
def _edge(hn_hbm, src_hbm, dst_hbm, out_hbm, srcv, dstv, rows, hn_sh, acc_sh,
          gsem, ssem):
    c = lax.axis_index("c")
    s = lax.axis_index("s")

    pltpu.sync_copy(hn_hbm.at[pl.ds(c * N + s * SPT, SPT)],
                    hn_sh.at[pl.ds(s * SPT, SPT)])

    def zrow(i, carry):
        for j in range(HH // 16):
            rows[0][i, pl.ds(j * 16, 16)] = jnp.zeros((16,), jnp.float32)
        return carry

    lax.fori_loop(0, CHUNK, zrow, 0)
    for k in range(RPT // CHUNK):
        pltpu.sync_copy(rows[0], acc_sh.at[pl.ds(s * RPT + k * CHUNK, CHUNK)])
    pltpu.sync_copy(src_hbm.at[s], srcv)
    pltpu.sync_copy(dst_hbm.at[s], dstv)
    plsc.subcore_barrier()
    for b in range(NBUF):
        pltpu.async_copy(hn_sh.at[srcv.at[b]], rows[b], gsem[b])

    def group(g, carry):
        for b in range(NBUF):
            ch = g * NBUF + b
            pltpu.make_async_copy(hn_sh.at[srcv.at[ch]], rows[b],
                                  gsem[b]).wait()
            pltpu.async_copy(rows[b], acc_sh.at[dstv.at[ch]], ssem[b],
                             add=True)
        for b in range(NBUF):
            ch = g * NBUF + b
            pltpu.make_async_copy(rows[b], acc_sh.at[dstv.at[ch]],
                                  ssem[b]).wait()

            @pl.when(g < NGRP - 1)
            def _():
                nch = (g + 1) * NBUF + b
                pltpu.async_copy(hn_sh.at[srcv.at[nch]], rows[b], gsem[b])

        return carry

    lax.fori_loop(0, NGRP, group, 0)
    plsc.subcore_barrier()
    for k in range(RPT // CHUNK):
        r0 = s * RPT + k * CHUNK
        pltpu.sync_copy(acc_sh.at[pl.ds(r0, CHUNK)],
                        out_hbm.at[c, pl.ds(r0, CHUNK)])


def _bdot(a, b):
    return jnp.dot(a.astype(jnp.bfloat16), b.astype(jnp.bfloat16),
                   preferred_element_type=jnp.float32)


def _k1_body(x_ref, w_ref, dinv_ref, hn_ref):
    dinv = dinv_ref[...]
    h = _bdot(x_ref[...], w_ref[...])
    hn = h * dinv
    hn_ref[0] = hn[:, :HH]
    hn_ref[1] = hn[:, HH:]


def _k1(x, W1, dinv):
    return pl.pallas_call(
        _k1_body,
        grid=(N // RB,),
        in_specs=[
            pl.BlockSpec((RB, D), lambda i: (i, 0)),
            pl.BlockSpec((D, H), lambda i: (0, 0)),
            pl.BlockSpec((RB, 1), lambda i: (i, 0)),
        ],
        out_specs=pl.BlockSpec((NC, RB, HH), lambda i: (0, i, 0)),
        out_shape=jax.ShapeDtypeStruct((NC, N, HH), jnp.float32),
    )(x, W1, dinv)


def _mid_body(acc_ref, hn_ref, dinv_ref, b_ref, w_ref, out_ref):
    a = jnp.concatenate([acc_ref[0] + hn_ref[0], acc_ref[1] + hn_ref[1]],
                        axis=1)
    dinv = dinv_ref[...]
    t = jnp.maximum(dinv * a + b_ref[...], 0.0)
    hn = dinv * _bdot(t, w_ref[...])
    out_ref[0] = hn[:, :HH]
    out_ref[1] = hn[:, HH:]


def _mid(acc, hn, dinv, b, W):
    return pl.pallas_call(
        _mid_body,
        grid=(N // RB,),
        in_specs=[
            pl.BlockSpec((NC, RB, HH), lambda i: (0, i, 0)),
            pl.BlockSpec((NC, RB, HH), lambda i: (0, i, 0)),
            pl.BlockSpec((RB, 1), lambda i: (i, 0)),
            pl.BlockSpec((1, H), lambda i: (0, 0)),
            pl.BlockSpec((H, H), lambda i: (0, 0)),
        ],
        out_specs=pl.BlockSpec((NC, RB, HH), lambda i: (0, i, 0)),
        out_shape=jax.ShapeDtypeStruct((NC, N, HH), jnp.float32),
    )(acc, hn, dinv, b, W)


def _fin_body(acc_ref, hn_ref, dinv_ref, b_ref, batch_ref, wf1_ref, bf1_ref,
              wf2_ref, bf2_ref, out_ref, g_acc):
    i = pl.program_id(0)

    @pl.when(i == 0)
    def _():
        g_acc[...] = jnp.zeros_like(g_acc)

    a = jnp.concatenate([acc_ref[0] + hn_ref[0], acc_ref[1] + hn_ref[1]],
                        axis=1)
    t = jnp.maximum(dinv_ref[...] * a + b_ref[...], 0.0)
    bb = batch_ref[0]
    oh = (lax.broadcasted_iota(jnp.int32, (G, RB), 0) == bb)
    g_acc[...] += jnp.dot(oh.astype(jnp.float32), t,
                          preferred_element_type=jnp.float32,
                          precision=lax.Precision.HIGHEST)

    @pl.when(i == pl.num_programs(0) - 1)
    def _():
        r = jnp.maximum(_bdot(g_acc[...], wf1_ref[...]) + bf1_ref[...], 0.0)
        out_ref[...] = _bdot(r, wf2_ref[...]) + bf2_ref[...]


def _fin(acc, hn, dinv, b, batch3, Wf1, bf1, Wf2, bf2):
    return pl.pallas_call(
        _fin_body,
        grid=(N // RB,),
        in_specs=[
            pl.BlockSpec((NC, RB, HH), lambda i: (0, i, 0)),
            pl.BlockSpec((NC, RB, HH), lambda i: (0, i, 0)),
            pl.BlockSpec((RB, 1), lambda i: (i, 0)),
            pl.BlockSpec((1, H), lambda i: (0, 0)),
            pl.BlockSpec((1, 1, RB), lambda i: (i, 0, 0)),
            pl.BlockSpec((H, 32), lambda i: (0, 0)),
            pl.BlockSpec((1, 32), lambda i: (0, 0)),
            pl.BlockSpec((32, 1), lambda i: (0, 0)),
            pl.BlockSpec((1, 1), lambda i: (0, 0)),
        ],
        out_specs=pl.BlockSpec((G, 1), lambda i: (0, 0)),
        out_shape=jax.ShapeDtypeStruct((G, 1), jnp.float32),
        scratch_shapes=[pltpu.VMEM((G, H), jnp.float32)],
    )(acc, hn, dinv, b, batch3, Wf1, bf1, Wf2, bf2)


def kernel(x, edge_index, batch, W1, b1, W2, b2, W3, b3, W4, b4,
           Wf1, bf1, Wf2, bf2):
    src = edge_index[0]
    dst = edge_index[1]
    pad_src = jnp.zeros((NS, EPTP - EPT), jnp.int32)
    pad_dst = jnp.broadcast_to(
        N + jnp.arange(EPTP - EPT, dtype=jnp.int32), (NS, EPTP - EPT))
    srcp = jnp.concatenate([src.reshape(NS, EPT), pad_src],
                           axis=1).reshape(NS, NCHUNK, CHUNK)
    dstp = jnp.concatenate([dst.reshape(NS, EPT), pad_dst],
                           axis=1).reshape(NS, NCHUNK, CHUNK)
    degp = _deg(dst)
    deg = jnp.sum(degp, axis=0) + 1.0
    dinv = (1.0 / jnp.sqrt(deg)).reshape(N, 1)
    hn1 = _k1(x, W1, dinv)
    acc1 = _edge(hn1.reshape(NC * N, HH), srcp, dstp)
    hn2 = _mid(acc1, hn1, dinv, b1.reshape(1, H), W2)
    acc2 = _edge(hn2.reshape(NC * N, HH), srcp, dstp)
    hn3 = _mid(acc2, hn2, dinv, b2.reshape(1, H), W3)
    acc3 = _edge(hn3.reshape(NC * N, HH), srcp, dstp)
    hn4 = _mid(acc3, hn3, dinv, b3.reshape(1, H), W4)
    acc4 = _edge(hn4.reshape(NC * N, HH), srcp, dstp)
    batch3 = batch.reshape(N // RB, 1, RB)
    return _fin(acc4, hn4, dinv, b4.reshape(1, H), batch3,
                Wf1, bf1.reshape(1, 32), Wf2, bf2.reshape(1, 1))

# --- scband reference (transcript-rebuilt; emitter-appended) ---
"""Pipeline reference for scband-gcn-net-58291296141744 (READ-ONLY COPY).

The authoritative reference and input builder live on the scoring server;
editing this copy changes nothing except your own understanding.
"""

import jax, jax.numpy as jnp
import numpy as np

N = 10000
E = 320000
D = 128
H = 96
G = 64

def setup_inputs(seed: int = 0):
    key = jax.random.key(seed)
    ks = jax.random.split(key, 16)
    x = jax.random.normal(ks[0], (N, D), dtype=jnp.float32)
    edge_index = jax.random.randint(ks[1], (2, E), 0, N, dtype=jnp.int32)
    batch = jnp.sort(jax.random.randint(ks[2], (N,), 0, G, dtype=jnp.int32))
    def lin(k, fi, fo):
        return jax.random.normal(k, (fi, fo), dtype=jnp.float32) / np.sqrt(fi)
    W1 = lin(ks[3], D, H); b1 = jnp.zeros((H,), jnp.float32)
    W2 = lin(ks[4], H, H); b2 = jnp.zeros((H,), jnp.float32)
    W3 = lin(ks[5], H, H); b3 = jnp.zeros((H,), jnp.float32)
    W4 = lin(ks[6], H, H); b4 = jnp.zeros((H,), jnp.float32)
    Wf1 = lin(ks[7], H, 32); bf1 = jnp.zeros((32,), jnp.float32)
    Wf2 = lin(ks[8], 32, 1); bf2 = jnp.zeros((1,), jnp.float32)
    return {"x": x, "edge_index": edge_index, "batch": batch,
            "W1": W1, "b1": b1, "W2": W2, "b2": b2, "W3": W3, "b3": b3,
            "W4": W4, "b4": b4, "Wf1": Wf1, "bf1": bf1, "Wf2": Wf2, "bf2": bf2}

def _gcn_norm(edge_index, num_nodes):
    loop = jnp.arange(num_nodes, dtype=edge_index.dtype)
    src = jnp.concatenate([edge_index[0], loop])
    dst = jnp.concatenate([edge_index[1], loop])
    deg = jax.ops.segment_sum(jnp.ones_like(dst, dtype=jnp.float32), dst, num_segments=num_nodes)
    dinv = jnp.where(deg > 0, 1.0 / jnp.sqrt(deg), 0.0)
    norm = dinv[src] * dinv[dst]
    return src, dst, norm

def _gcn_conv(x, W, b, src, dst, norm, num_nodes):
    h = x @ W
    msg = h[src] * norm[:, None]
    out = jax.ops.segment_sum(msg, dst, num_segments=num_nodes)
    return out + b

def reference(x, edge_index, batch, W1, b1, W2, b2, W3, b3, W4, b4, Wf1, bf1, Wf2, bf2):
    src, dst, norm = _gcn_norm(edge_index, N)
    h = jax.nn.relu(_gcn_conv(x, W1, b1, src, dst, norm, N))
    h = jax.nn.relu(_gcn_conv(h, W2, b2, src, dst, norm, N))
    h = jax.nn.relu(_gcn_conv(h, W3, b3, src, dst, norm, N))
    h = jax.nn.relu(_gcn_conv(h, W4, b4, src, dst, norm, N))
    g = jax.ops.segment_sum(h, batch, num_segments=G)
    g = jax.nn.relu(g @ Wf1 + bf1)
    return g @ Wf2 + bf2

if __name__ == "__main__":
    import jax
    _d = setup_inputs()
    print(jax.jit(kernel)(*tuple(_d.values())))

</pallas_src>

<mosaic_0001>
#map = affine_map<(d0, d1) -> (0)>
#map1 = affine_map<(d0, d1) -> (0, 0)>
module attributes {stable_mosaic.version = 14 : i64} {
  func.func @_deg(%arg0: i32, %arg1: i32, %arg2: memref<320000xi32, #tpu.memory_space<hbm>>, %arg3: memref<32x10000xf32, #tpu.memory_space<hbm>>, %arg4: memref<10000xi32, #tpu.memory_space<vmem>>, %arg5: memref<10000xf32, #tpu.memory_space<vmem>>) attributes {dimension_semantics = [#tpu.dimension_semantics<core_parallel>, #tpu.dimension_semantics<subcore_parallel>], iteration_bounds = array<i64: 2, 16>, scalar_prefetch = 0 : i64, scratch_operands = 2 : i64, tpu.core_type = #tpu.core_type<sc_vector_subcore>, window_params = [{transform_indices = #map}, {transform_indices = #map1}]} {
    %mul3A = arith.constant 16 : i32
    %mul3A_0 = arith.muli %arg0, %mul3A : i32
    %add3A = arith.addi %mul3A_0, %arg1 : i32
    %scan3A = arith.constant 0 : i32
    %scan3A_1 = arith.constant 0 : i32
    %scan3A_2 = arith.constant 625 : i32
    %scan3A_3 = arith.addi %scan3A_1, %scan3A_2 : i32
    %scan3A_4 = arith.constant 1 : i32
    scf.for %scan3A_15 = %scan3A_1 to %scan3A_3 step %scan3A_4  : i32 {
      %broadcast_in_dim3A_16 = arith.constant 0.000000e+00 : f32
      %broadcast_in_dim3A_17 = vector.broadcast %broadcast_in_dim3A_16 : f32 to vector<16xf32>
      %mul3A_18 = arith.constant 16 : i32
      %mul3A_19 = arith.muli %scan3A_15, %mul3A_18 : i32
      %swap3A = arith.index_cast %mul3A_19 : i32 to index
      %swap3A_20 = tpu.vector_load %arg5[%swap3A] {strides = array<i32>} : memref<10000xf32, #tpu.memory_space<vmem>>, vector<16xf32>,
      tpu.vector_store %arg5[%swap3A], %broadcast_in_dim3A_17 {strides = array<i32>} : memref<10000xf32, #tpu.memory_space<vmem>>, vector<16xf32>,
    }
    %scan3A_5 = arith.constant 625 : i32
    %mul3A_6 = arith.constant 10000 : i32
    %mul3A_7 = arith.muli %add3A, %mul3A_6 : i32
    "tpu.region"() ({
      %run_scoped3A = tpu.sem_alloc : memref<!tpu.dma_semaphore, #tpu.memory_space<semaphore_mem>>
      %dma_start3A = tpu.memref_slice %arg2[%mul3A_7] : memref<320000xi32, #tpu.memory_space<hbm>> -> memref<10000xi32, #tpu.memory_space<hbm>>
      %dma_start3A_15 = tpu.memref_slice %arg2[%mul3A_7] : memref<320000xi32, #tpu.memory_space<hbm>> -> memref<10000xi32, #tpu.memory_space<hbm>>
      tpu.enqueue_dma source(%dma_start3A_15 : memref<10000xi32, #tpu.memory_space<hbm>>) target(%arg4 : memref<10000xi32, #tpu.memory_space<vmem>>) target_semaphore(%run_scoped3A : memref<!tpu.dma_semaphore, #tpu.memory_space<semaphore_mem>>)
      %dma_wait3A = tpu.memref_slice %arg2[%mul3A_7] : memref<320000xi32, #tpu.memory_space<hbm>> -> memref<10000xi32, #tpu.memory_space<hbm>>
      %dma_wait3A_16 = tpu.memref_slice %arg2[%mul3A_7] : memref<320000xi32, #tpu.memory_space<hbm>> -> memref<10000xi32, #tpu.memory_space<hbm>>
      tpu.wait_dma2 semaphore(%run_scoped3A : memref<!tpu.dma_semaphore, #tpu.memory_space<semaphore_mem>>) src(%dma_wait3A_16 : memref<10000xi32, #tpu.memory_space<hbm>>) dst(%arg4 : memref<10000xi32, #tpu.memory_space<vmem>>)
      tpu.yield
    }) : () -> ()
    %broadcast_in_dim3A = arith.constant 1.000000e+00 : f32
    %broadcast_in_dim3A_8 = vector.broadcast %broadcast_in_dim3A : f32 to vector<16xf32>
    %scan3A_9 = arith.constant 0 : i32
    %scan3A_10 = arith.constant 0 : i32
    %scan3A_11 = arith.constant 625 : i32
    %scan3A_12 = arith.addi %scan3A_10, %scan3A_11 : i32
    %scan3A_13 = arith.constant 1 : i32
    scf.for %scan3A_15 = %scan3A_10 to %scan3A_12 step %scan3A_13  : i32 {
      %mul3A_16 = arith.constant 16 : i32
      %mul3A_17 = arith.muli %scan3A_15, %mul3A_16 : i32
      %get3A = arith.index_cast %mul3A_17 : i32 to index
      %get3A_18 = tpu.vector_load %arg4[%get3A] {strides = array<i32>} : memref<10000xi32, #tpu.memory_space<vmem>>, vector<16xi32>,
      tpu.vector_store_idx %arg5[%get3A_18], %broadcast_in_dim3A_8 {add = true} : memref<10000xf32, #tpu.memory_space<vmem>>[vector<16xi32>], vector<16xf32>,
    }
    %scan3A_14 = arith.constant 625 : i32
    "tpu.region"() ({
      %run_scoped3A = tpu.sem_alloc : memref<!tpu.dma_semaphore, #tpu.memory_space<semaphore_mem>>
      %dma_start3A = arith.constant 0 : i32
      %dma_start3A_15 = tpu.memref_slice %arg3[%add3A, %dma_start3A] : memref<32x10000xf32, #tpu.memory_space<hbm>> -> memref<1x10000xf32, #tpu.memory_space<hbm>>
      %dma_start3A_16 = tpu.memref_squeeze %dma_start3A_15 : memref<1x10000xf32, #tpu.memory_space<hbm>> -> memref<10000xf32, #tpu.memory_space<hbm>>
      %dma_start3A_17 = arith.constant 0 : i32
      %dma_start3A_18 = tpu.memref_slice %arg3[%add3A, %dma_start3A_17] : memref<32x10000xf32, #tpu.memory_space<hbm>> -> memref<1x10000xf32, #tpu.memory_space<hbm>>
      %dma_start3A_19 = tpu.memref_squeeze %dma_start3A_18 : memref<1x10000xf32, #tpu.memory_space<hbm>> -> memref<10000xf32, #tpu.memory_space<hbm>>
      tpu.enqueue_dma source(%arg5 : memref<10000xf32, #tpu.memory_space<vmem>>) target(%dma_start3A_19 : memref<10000xf32, #tpu.memory_space<hbm>>) target_semaphore(%run_scoped3A : memref<!tpu.dma_semaphore, #tpu.memory_space<semaphore_mem>>)
      %dma_wait3A = arith.constant 0 : i32
      %dma_wait3A_20 = tpu.memref_slice %arg3[%add3A, %dma_wait3A] : memref<32x10000xf32, #tpu.memory_space<hbm>> -> memref<1x10000xf32, #tpu.memory_space<hbm>>
      %dma_wait3A_21 = tpu.memref_squeeze %dma_wait3A_20 : memref<1x10000xf32, #tpu.memory_space<hbm>> -> memref<10000xf32, #tpu.memory_space<hbm>>
      %dma_wait3A_22 = arith.constant 0 : i32
      %dma_wait3A_23 = tpu.memref_slice %arg3[%add3A, %dma_wait3A_22] : memref<32x10000xf32, #tpu.memory_space<hbm>> -> memref<1x10000xf32, #tpu.memory_space<hbm>>
      %dma_wait3A_24 = tpu.memref_squeeze %dma_wait3A_23 : memref<1x10000xf32, #tpu.memory_space<hbm>> -> memref<10000xf32, #tpu.memory_space<hbm>>
      tpu.wait_dma2 semaphore(%run_scoped3A : memref<!tpu.dma_semaphore, #tpu.memory_space<semaphore_mem>>) src(%arg5 : memref<10000xf32, #tpu.memory_space<vmem>>) dst(%dma_wait3A_24 : memref<10000xf32, #tpu.memory_space<hbm>>)
      tpu.yield
    }) : () -> ()
    return
  }
}

#map = affine_map<(d0, d1) -> (0, 0)>
#map1 = affine_map<(d0, d1) -> (0, 0, 0)>
module attributes {stable_mosaic.version = 14 : i64} {
  func.func @_edge(%arg0: i32, %arg1: i32, %arg2: memref<20000x48xf32, #tpu.memory_space<hbm>>, %arg3: memref<16x160x128xi32, #tpu.memory_space<hbm>>, %arg4: memref<16x160x128xi32, #tpu.memory_space<hbm>>, %arg5: memref<2x10240x48xf32, #tpu.memory_space<hbm>>, %arg6: memref<160x128xi32, #tpu.memory_space<vmem>>, %arg7: memref<160x128xi32, #tpu.memory_space<vmem>>, %arg8: memref<128x48xf32, #tpu.memory_space<vmem>>, %arg9: memref<128x48xf32, #tpu.memory_space<vmem>>, %arg10: memref<128x48xf32, #tpu.memory_space<vmem>>, %arg11: memref<128x48xf32, #tpu.memory_space<vmem>>, %arg12: memref<10000x48xf32, #tpu.memory_space<vmem_shared>>, %arg13: memref<10240x48xf32, #tpu.memory_space<vmem_shared>>, %arg14: memref<!tpu.dma_semaphore, #tpu.memory_space<semaphore_mem>>, %arg15: memref<!tpu.dma_semaphore, #tpu.memory_space<semaphore_mem>>, %arg16: memref<!tpu.dma_semaphore, #tpu.memory_space<semaphore_mem>>, %arg17: memref<!tpu.dma_semaphore, #tpu.memory_space<semaphore_mem>>, %arg18: memref<!tpu.dma_semaphore, #tpu.memory_space<semaphore_mem>>, %arg19: memref<!tpu.dma_semaphore, #tpu.memory_space<semaphore_mem>>, %arg20: memref<!tpu.dma_semaphore, #tpu.memory_space<semaphore_mem>>, %arg21: memref<!tpu.dma_semaphore, #tpu.memory_space<semaphore_mem>>) attributes {dimension_semantics = [#tpu.dimension_semantics<core_parallel>, #tpu.dimension_semantics<subcore_parallel>], iteration_bounds = array<i64: 2, 16>, scalar_prefetch = 0 : i64, scratch_operands = 16 : i64, tpu.core_type = #tpu.core_type<sc_vector_subcore>, window_params = [{transform_indices = #map}, {transform_indices = #map1}, {transform_indices = #map1}, {transform_indices = #map1}]} {
    %mul3A = arith.constant 10000 : i32
    %mul3A_0 = arith.muli %arg0, %mul3A : i32
    %mul3A_1 = arith.constant 625 : i32
    %mul3A_2 = arith.muli %arg1, %mul3A_1 : i32
    %add3A = arith.addi %mul3A_0, %mul3A_2 : i32
    %mul3A_3 = arith.constant 625 : i32
    %mul3A_4 = arith.muli %arg1, %mul3A_3 : i32
    "tpu.region"() ({
      %run_scoped3A = tpu.sem_alloc : memref<!tpu.dma_semaphore, #tpu.memory_space<semaphore_mem>>
      %dma_start3A_84 = arith.constant 0 : i32
      %dma_start3A_85 = tpu.memref_slice %arg12[%mul3A_4, %dma_start3A_84] : memref<10000x48xf32, #tpu.memory_space<vmem_shared>> -> memref<625x48xf32, #tpu.memory_space<vmem_shared>>
      %dma_start3A_86 = arith.constant 0 : i32
      %dma_start3A_87 = tpu.memref_slice %arg2[%add3A, %dma_start3A_86] : memref<20000x48xf32, #tpu.memory_space<hbm>> -> memref<625x48xf32, #tpu.memory_space<hbm>>
      tpu.enqueue_dma source(%dma_start3A_87 : memref<625x48xf32, #tpu.memory_space<hbm>>) target(%dma_start3A_85 : memref<625x48xf32, #tpu.memory_space<vmem_shared>>) target_semaphore(%run_scoped3A : memref<!tpu.dma_semaphore, #tpu.memory_space<semaphore_mem>>)
      %dma_wait3A = arith.constant 0 : i32
      %dma_wait3A_88 = tpu.memref_slice %arg12[%mul3A_4, %dma_wait3A] : memref<10000x48xf32, #tpu.memory_space<vmem_shared>> -> memref<625x48xf32, #tpu.memory_space<vmem_shared>>
      %dma_wait3A_89 = arith.constant 0 : i32
      %dma_wait3A_90 = tpu.memref_slice %arg2[%add3A, %dma_wait3A_89] : memref<20000x48xf32, #tpu.memory_space<hbm>> -> memref<625x48xf32, #tpu.memory_space<hbm>>
      tpu.wait_dma2 semaphore(%run_scoped3A : memref<!tpu.dma_semaphore, #tpu.memory_space<semaphore_mem>>) src(%dma_wait3A_90 : memref<625x48xf32, #tpu.memory_space<hbm>>) dst(%dma_wait3A_88 : memref<625x48xf32, #tpu.memory_space<vmem_shared>>)
      tpu.yield
    }) : () -> ()
    %scan3A = arith.constant 0 : i32
    %scan3A_5 = arith.constant 0 : i32
    %scan3A_6 = arith.constant 128 : i32
    %scan3A_7 = arith.addi %scan3A_5, %scan3A_6 : i32
    %scan3A_8 = arith.constant 1 : i32
    scf.for %scan3A_84 = %scan3A_5 to %scan3A_7 step %scan3A_8  : i32 {
      %broadcast_in_dim3A = arith.constant 0.000000e+00 : f32
      %broadcast_in_dim3A_85 = vector.broadcast %broadcast_in_dim3A : f32 to vector<16xf32>
      %swap3A = arith.index_cast %scan3A_84 : i32 to index
      %swap3A_86 = arith.constant 0 : index
      %swap3A_87 = tpu.vector_load %arg8[%swap3A, %swap3A_86] {strides = array<i32>} : memref<128x48xf32, #tpu.memory_space<vmem>>, vector<16xf32>,
      tpu.vector_store %arg8[%swap3A, %swap3A_86], %broadcast_in_dim3A_85 {strides = array<i32>} : memref<128x48xf32, #tpu.memory_space<vmem>>, vector<16xf32>,
      %broadcast_in_dim3A_88 = arith.constant 0.000000e+00 : f32
      %broadcast_in_dim3A_89 = vector.broadcast %broadcast_in_dim3A_88 : f32 to vector<16xf32>
      %swap3A_90 = arith.index_cast %scan3A_84 : i32 to index
      %swap3A_91 = arith.constant 16 : index
      %swap3A_92 = tpu.vector_load %arg8[%swap3A_90, %swap3A_91] {strides = array<i32>} : memref<128x48xf32, #tpu.memory_space<vmem>>, vector<16xf32>,
      tpu.vector_store %arg8[%swap3A_90, %swap3A_91], %broadcast_in_dim3A_89 {strides = array<i32>} : memref<128x48xf32, #tpu.memory_space<vmem>>, vector<16xf32>,
      %broadcast_in_dim3A_93 = arith.constant 0.000000e+00 : f32
      %broadcast_in_dim3A_94 = vector.broadcast %broadcast_in_dim3A_93 : f32 to vector<16xf32>
      %swap3A_95 = arith.index_cast %scan3A_84 : i32 to index
      %swap3A_96 = arith.constant 32 : index
      %swap3A_97 = tpu.vector_load %arg8[%swap3A_95, %swap3A_96] {strides = array<i32>} : memref<128x48xf32, #tpu.memory_space<vmem>>, vector<16xf32>,
      tpu.vector_store %arg8[%swap3A_95, %swap3A_96], %broadcast_in_dim3A_94 {strides = array<i32>} : memref<128x48xf32, #tpu.memory_space<vmem>>, vector<16xf32>,
    }
    %scan3A_9 = arith.constant 128 : i32
    %mul3A_10 = arith.constant 640 : i32
    %mul3A_11 = arith.muli %arg1, %mul3A_10 : i32
    %add3A_12 = arith.constant 0 : i32
    %add3A_13 = arith.addi %mul3A_11, %add3A_12 : i32
    "tpu.region"() ({
      %run_scoped3A = tpu.sem_alloc : memref<!tpu.dma_semaphore, #tpu.memory_space<semaphore_mem>>
      %dma_start3A_84 = arith.constant 0 : i32
      %dma_start3A_85 = tpu.memref_slice %arg13[%add3A_13, %dma_start3A_84] : memref<10240x48xf32, #tpu.memory_space<vmem_shared>> -> memref<128x48xf32, #tpu.memory_space<vmem_shared>>
      %dma_start3A_86 = arith.constant 0 : i32
      %dma_start3A_87 = tpu.memref_slice %arg13[%add3A_13, %dma_start3A_86] : memref<10240x48xf32, #tpu.memory_space<vmem_shared>> -> memref<128x48xf32, #tpu.memory_space<vmem_shared>>
      tpu.enqueue_dma source(%arg8 : memref<128x48xf32, #tpu.memory_space<vmem>>) target(%dma_start3A_87 : memref<128x48xf32, #tpu.memory_space<vmem_shared>>) target_semaphore(%run_scoped3A : memref<!tpu.dma_semaphore, #tpu.memory_space<semaphore_mem>>)
      %dma_wait3A = arith.constant 0 : i32
      %dma_wait3A_88 = tpu.memref_slice %arg13[%add3A_13, %dma_wait3A] : memref<10240x48xf32, #tpu.memory_space<vmem_shared>> -> memref<128x48xf32, #tpu.memory_space<vmem_shared>>
      %dma_wait3A_89 = arith.constant 0 : i32
      %dma_wait3A_90 = tpu.memref_slice %arg13[%add3A_13, %dma_wait3A_89] : memref<10240x48xf32, #tpu.memory_space<vmem_shared>> -> memref<128x48xf32, #tpu.memory_space<vmem_shared>>
      tpu.wait_dma2 semaphore(%run_scoped3A : memref<!tpu.dma_semaphore, #tpu.memory_space<semaphore_mem>>) src(%arg8 : memref<128x48xf32, #tpu.memory_space<vmem>>) dst(%dma_wait3A_90 : memref<128x48xf32, #tpu.memory_space<vmem_shared>>)
      tpu.yield
    }) : () -> ()
    %mul3A_14 = arith.constant 640 : i32
    %mul3A_15 = arith.muli %arg1, %mul3A_14 : i32
    %add3A_16 = arith.constant 128 : i32
    %add3A_17 = arith.addi %mul3A_15, %add3A_16 : i32
    "tpu.region"() ({
      %run_scoped3A = tpu.sem_alloc : memref<!tpu.dma_semaphore, #tpu.memory_space<semaphore_mem>>
      %dma_start3A_84 = arith.constant 0 : i32
      %dma_start3A_85 = tpu.memref_slice %arg13[%add3A_17, %dma_start3A_84] : memref<10240x48xf32, #tpu.memory_space<vmem_shared>> -> memref<128x48xf32, #tpu.memory_space<vmem_shared>>
      %dma_start3A_86 = arith.constant 0 : i32
      %dma_start3A_87 = tpu.memref_slice %arg13[%add3A_17, %dma_start3A_86] : memref<10240x48xf32, #tpu.memory_space<vmem_shared>> -> memref<128x48xf32, #tpu.memory_space<vmem_shared>>
      tpu.enqueue_dma source(%arg8 : memref<128x48xf32, #tpu.memory_space<vmem>>) target(%dma_start3A_87 : memref<128x48xf32, #tpu.memory_space<vmem_shared>>) target_semaphore(%run_scoped3A : memref<!tpu.dma_semaphore, #tpu.memory_space<semaphore_mem>>)
      %dma_wait3A = arith.constant 0 : i32
      %dma_wait3A_88 = tpu.memref_slice %arg13[%add3A_17, %dma_wait3A] : memref<10240x48xf32, #tpu.memory_space<vmem_shared>> -> memref<128x48xf32, #tpu.memory_space<vmem_shared>>
      %dma_wait3A_89 = arith.constant 0 : i32
      %dma_wait3A_90 = tpu.memref_slice %arg13[%add3A_17, %dma_wait3A_89] : memref<10240x48xf32, #tpu.memory_space<vmem_shared>> -> memref<128x48xf32, #tpu.memory_space<vmem_shared>>
      tpu.wait_dma2 semaphore(%run_scoped3A : memref<!tpu.dma_semaphore, #tpu.memory_space<semaphore_mem>>) src(%arg8 : memref<128x48xf32, #tpu.memory_space<vmem>>) dst(%dma_wait3A_90 : memref<128x48xf32, #tpu.memory_space<vmem_shared>>)
      tpu.yield
    }) : () -> ()
    %mul3A_18 = arith.constant 640 : i32
    %mul3A_19 = arith.muli %arg1, %mul3A_18 : i32
    %add3A_20 = arith.constant 256 : i32
    %add3A_21 = arith.addi %mul3A_19, %add3A_20 : i32
    "tpu.region"() ({
      %run_scoped3A = tpu.sem_alloc : memref<!tpu.dma_semaphore, #tpu.memory_space<semaphore_mem>>
      %dma_start3A_84 = arith.constant 0 : i32
      %dma_start3A_85 = tpu.memref_slice %arg13[%add3A_21, %dma_start3A_84] : memref<10240x48xf32, #tpu.memory_space<vmem_shared>> -> memref<128x48xf32, #tpu.memory_space<vmem_shared>>
      %dma_start3A_86 = arith.constant 0 : i32
      %dma_start3A_87 = tpu.memref_slice %arg13[%add3A_21, %dma_start3A_86] : memref<10240x48xf32, #tpu.memory_space<vmem_shared>> -> memref<128x48xf32, #tpu.memory_space<vmem_shared>>
      tpu.enqueue_dma source(%arg8 : memref<128x48xf32, #tpu.memory_space<vmem>>) target(%dma_start3A_87 : memref<128x48xf32, #tpu.memory_space<vmem_shared>>) target_semaphore(%run_scoped3A : memref<!tpu.dma_semaphore, #tpu.memory_space<semaphore_mem>>)
      %dma_wait3A = arith.constant 0 : i32
      %dma_wait3A_88 = tpu.memref_slice %arg13[%add3A_21, %dma_wait3A] : memref<10240x48xf32, #tpu.memory_space<vmem_shared>> -> memref<128x48xf32, #tpu.memory_space<vmem_shared>>
      %dma_wait3A_89 = arith.constant 0 : i32
      %dma_wait3A_90 = tpu.memref_slice %arg13[%add3A_21, %dma_wait3A_89] : memref<10240x48xf32, #tpu.memory_space<vmem_shared>> -> memref<128x48xf32, #tpu.memory_space<vmem_shared>>
      tpu.wait_dma2 semaphore(%run_scoped3A : memref<!tpu.dma_semaphore, #tpu.memory_space<semaphore_mem>>) src(%arg8 : memref<128x48xf32, #tpu.memory_space<vmem>>) dst(%dma_wait3A_90 : memref<128x48xf32, #tpu.memory_space<vmem_shared>>)
      tpu.yield
    }) : () -> ()
    %mul3A_22 = arith.constant 640 : i32
    %mul3A_23 = arith.muli %arg1, %mul3A_22 : i32
    %add3A_24 = arith.constant 384 : i32
    %add3A_25 = arith.addi %mul3A_23, %add3A_24 : i32
    "tpu.region"() ({
      %run_scoped3A = tpu.sem_alloc : memref<!tpu.dma_semaphore, #tpu.memory_space<semaphore_mem>>
      %dma_start3A_84 = arith.constant 0 : i32
      %dma_start3A_85 = tpu.memref_slice %arg13[%add3A_25, %dma_start3A_84] : memref<10240x48xf32, #tpu.memory_space<vmem_shared>> -> memref<128x48xf32, #tpu.memory_space<vmem_shared>>
      %dma_start3A_86 = arith.constant 0 : i32
      %dma_start3A_87 = tpu.memref_slice %arg13[%add3A_25, %dma_start3A_86] : memref<10240x48xf32, #tpu.memory_space<vmem_shared>> -> memref<128x48xf32, #tpu.memory_space<vmem_shared>>
      tpu.enqueue_dma source(%arg8 : memref<128x48xf32, #tpu.memory_space<vmem>>) target(%dma_start3A_87 : memref<128x48xf32, #tpu.memory_space<vmem_shared>>) target_semaphore(%run_scoped3A : memref<!tpu.dma_semaphore, #tpu.memory_space<semaphore_mem>>)
      %dma_wait3A = arith.constant 0 : i32
      %dma_wait3A_88 = tpu.memref_slice %arg13[%add3A_25, %dma_wait3A] : memref<10240x48xf32, #tpu.memory_space<vmem_shared>> -> memref<128x48xf32, #tpu.memory_space<vmem_shared>>
      %dma_wait3A_89 = arith.constant 0 : i32
      %dma_wait3A_90 = tpu.memref_slice %arg13[%add3A_25, %dma_wait3A_89] : memref<10240x48xf32, #tpu.memory_space<vmem_shared>> -> memref<128x48xf32, #tpu.memory_space<vmem_shared>>
      tpu.wait_dma2 semaphore(%run_scoped3A : memref<!tpu.dma_semaphore, #tpu.memory_space<semaphore_mem>>) src(%arg8 : memref<128x48xf32, #tpu.memory_space<vmem>>) dst(%dma_wait3A_90 : memref<128x48xf32, #tpu.memory_space<vmem_shared>>)
      tpu.yield
    }) : () -> ()
    %mul3A_26 = arith.constant 640 : i32
    %mul3A_27 = arith.muli %arg1, %mul3A_26 : i32
    %add3A_28 = arith.constant 512 : i32
    %add3A_29 = arith.addi %mul3A_27, %add3A_28 : i32
    "tpu.region"() ({
      %run_scoped3A = tpu.sem_alloc : memref<!tpu.dma_semaphore, #tpu.memory_space<semaphore_mem>>
      %dma_start3A_84 = arith.constant 0 : i32
      %dma_start3A_85 = tpu.memref_slice %arg13[%add3A_29, %dma_start3A_84] : memref<10240x48xf32, #tpu.memory_space<vmem_shared>> -> memref<128x48xf32, #tpu.memory_space<vmem_shared>>
      %dma_start3A_86 = arith.constant 0 : i32
      %dma_start3A_87 = tpu.memref_slice %arg13[%add3A_29, %dma_start3A_86] : memref<10240x48xf32, #tpu.memory_space<vmem_shared>> -> memref<128x48xf32, #tpu.memory_space<vmem_shared>>
      tpu.enqueue_dma source(%arg8 : memref<128x48xf32, #tpu.memory_space<vmem>>) target(%dma_start3A_87 : memref<128x48xf32, #tpu.memory_space<vmem_shared>>) target_semaphore(%run_scoped3A : memref<!tpu.dma_semaphore, #tpu.memory_space<semaphore_mem>>)
      %dma_wait3A = arith.constant 0 : i32
      %dma_wait3A_88 = tpu.memref_slice %arg13[%add3A_29, %dma_wait3A] : memref<10240x48xf32, #tpu.memory_space<vmem_shared>> -> memref<128x48xf32, #tpu.memory_space<vmem_shared>>
      %dma_wait3A_89 = arith.constant 0 : i32
      %dma_wait3A_90 = tpu.memref_slice %arg13[%add3A_29, %dma_wait3A_89] : memref<10240x48xf32, #tpu.memory_space<vmem_shared>> -> memref<128x48xf32, #tpu.memory_space<vmem_shared>>
      tpu.wait_dma2 semaphore(%run_scoped3A : memref<!tpu.dma_semaphore, #tpu.memory_space<semaphore_mem>>) src(%arg8 : memref<128x48xf32, #tpu.memory_space<vmem>>) dst(%dma_wait3A_90 : memref<128x48xf32, #tpu.memory_space<vmem_shared>>)
      tpu.yield
    }) : () -> ()
    "tpu.region"() ({
      %run_scoped3A = tpu.sem_alloc : memref<!tpu.dma_semaphore, #tpu.memory_space<semaphore_mem>>
      %dma_start3A_84 = arith.constant 0 : i32
      %dma_start3A_85 = arith.constant 0 : i32
      %dma_start3A_86 = tpu.memref_slice %arg3[%arg1, %dma_start3A_84, %dma_start3A_85] : memref<16x160x128xi32, #tpu.memory_space<hbm>> -> memref<1x160x128xi32, #tpu.memory_space<hbm>>
      %dma_start3A_87 = tpu.memref_squeeze %dma_start3A_86 : memref<1x160x128xi32, #tpu.memory_space<hbm>> -> memref<160x128xi32, #tpu.memory_space<hbm>>
      %dma_start3A_88 = arith.constant 0 : i32
      %dma_start3A_89 = arith.constant 0 : i32
      %dma_start3A_90 = tpu.memref_slice %arg3[%arg1, %dma_start3A_88, %dma_start3A_89] : memref<16x160x128xi32, #tpu.memory_space<hbm>> -> memref<1x160x128xi32, #tpu.memory_space<hbm>>
      %dma_start3A_91 = tpu.memref_squeeze %dma_start3A_90 : memref<1x160x128xi32, #tpu.memory_space<hbm>> -> memref<160x128xi32, #tpu.memory_space<hbm>>
      tpu.enqueue_dma source(%dma_start3A_91 : memref<160x128xi32, #tpu.memory_space<hbm>>) target(%arg6 : memref<160x128xi32, #tpu.memory_space<vmem>>) target_semaphore(%run_scoped3A : memref<!tpu.dma_semaphore, #tpu.memory_space<semaphore_mem>>)
      %dma_wait3A = arith.constant 0 : i32
      %dma_wait3A_92 = arith.constant 0 : i32
      %dma_wait3A_93 = tpu.memref_slice %arg3[%arg1, %dma_wait3A, %dma_wait3A_92] : memref<16x160x128xi32, #tpu.memory_space<hbm>> -> memref<1x160x128xi32, #tpu.memory_space<hbm>>
      %dma_wait3A_94 = tpu.memref_squeeze %dma_wait3A_93 : memref<1x160x128xi32, #tpu.memory_space<hbm>> -> memref<160x128xi32, #tpu.memory_space<hbm>>
      %dma_wait3A_95 = arith.constant 0 : i32
      %dma_wait3A_96 = arith.constant 0 : i32
      %dma_wait3A_97 = tpu.memref_slice %arg3[%arg1, %dma_wait3A_95, %dma_wait3A_96] : memref<16x160x128xi32, #tpu.memory_space<hbm>> -> memref<1x160x128xi32, #tpu.memory_space<hbm>>
      %dma_wait3A_98 = tpu.memref_squeeze %dma_wait3A_97 : memref<1x160x128xi32, #tpu.memory_space<hbm>> -> memref<160x128xi32, #tpu.memory_space<hbm>>
      tpu.wait_dma2 semaphore(%run_scoped3A : memref<!tpu.dma_semaphore, #tpu.memory_space<semaphore_mem>>) src(%dma_wait3A_98 : memref<160x128xi32, #tpu.memory_space<hbm>>) dst(%arg6 : memref<160x128xi32, #tpu.memory_space<vmem>>)
      tpu.yield
    }) : () -> ()
    "tpu.region"() ({
      %run_scoped3A = tpu.sem_alloc : memref<!tpu.dma_semaphore, #tpu.memory_space<semaphore_mem>>
      %dma_start3A_84 = arith.constant 0 : i32
      %dma_start3A_85 = arith.constant 0 : i32
      %dma_start3A_86 = tpu.memref_slice %arg4[%arg1, %dma_start3A_84, %dma_start3A_85] : memref<16x160x128xi32, #tpu.memory_space<hbm>> -> memref<1x160x128xi32, #tpu.memory_space<hbm>>
      %dma_start3A_87 = tpu.memref_squeeze %dma_start3A_86 : memref<1x160x128xi32, #tpu.memory_space<hbm>> -> memref<160x128xi32, #tpu.memory_space<hbm>>
      %dma_start3A_88 = arith.constant 0 : i32
      %dma_start3A_89 = arith.constant 0 : i32
      %dma_start3A_90 = tpu.memref_slice %arg4[%arg1, %dma_start3A_88, %dma_start3A_89] : memref<16x160x128xi32, #tpu.memory_space<hbm>> -> memref<1x160x128xi32, #tpu.memory_space<hbm>>
      %dma_start3A_91 = tpu.memref_squeeze %dma_start3A_90 : memref<1x160x128xi32, #tpu.memory_space<hbm>> -> memref<160x128xi32, #tpu.memory_space<hbm>>
      tpu.enqueue_dma source(%dma_start3A_91 : memref<160x128xi32, #tpu.memory_space<hbm>>) target(%arg7 : memref<160x128xi32, #tpu.memory_space<vmem>>) target_semaphore(%run_scoped3A : memref<!tpu.dma_semaphore, #tpu.memory_space<semaphore_mem>>)
      %dma_wait3A = arith.constant 0 : i32
      %dma_wait3A_92 = arith.constant 0 : i32
      %dma_wait3A_93 = tpu.memref_slice %arg4[%arg1, %dma_wait3A, %dma_wait3A_92] : memref<16x160x128xi32, #tpu.memory_space<hbm>> -> memref<1x160x128xi32, #tpu.memory_space<hbm>>
      %dma_wait3A_94 = tpu.memref_squeeze %dma_wait3A_93 : memref<1x160x128xi32, #tpu.memory_space<hbm>> -> memref<160x128xi32, #tpu.memory_space<hbm>>
      %dma_wait3A_95 = arith.constant 0 : i32
      %dma_wait3A_96 = arith.constant 0 : i32
      %dma_wait3A_97 = tpu.memref_slice %arg4[%arg1, %dma_wait3A_95, %dma_wait3A_96] : memref<16x160x128xi32, #tpu.memory_space<hbm>> -> memref<1x160x128xi32, #tpu.memory_space<hbm>>
      %dma_wait3A_98 = tpu.memref_squeeze %dma_wait3A_97 : memref<1x160x128xi32, #tpu.memory_space<hbm>> -> memref<160x128xi32, #tpu.memory_space<hbm>>
      tpu.wait_dma2 semaphore(%run_scoped3A : memref<!tpu.dma_semaphore, #tpu.memory_space<semaphore_mem>>) src(%dma_wait3A_98 : memref<160x128xi32, #tpu.memory_space<hbm>>) dst(%arg7 : memref<160x128xi32, #tpu.memory_space<vmem>>)
      tpu.yield
    }) : () -> ()
    %barrier3A = arith.constant 0 : index
    tpu.barrier barrier_id(%barrier3A)
    %dma_start3A = arith.constant 0 : i32
    %dma_start3A_30 = arith.constant 0 : i32
    %dma_start3A_31 = tpu.memref_slice %arg6[%dma_start3A, %dma_start3A_30] : memref<160x128xi32, #tpu.memory_space<vmem>> -> memref<1x128xi32, #tpu.memory_space<vmem>>
    %dma_start3A_32 = tpu.memref_squeeze %dma_start3A_31 : memref<1x128xi32, #tpu.memory_space<vmem>> -> memref<128xi32, #tpu.memory_space<vmem>>
    %dma_start3A_33 = arith.constant 0 : i32
    %dma_start3A_34 = arith.constant 0 : i32
    %dma_start3A_35 = tpu.memref_slice %arg12[%dma_start3A_33, %dma_start3A_34] : memref<10000x48xf32, #tpu.memory_space<vmem_shared>> -> memref<10000x48xf32, #tpu.memory_space<vmem_shared>>
    tpu.enqueue_indirect_dma source(%dma_start3A_35 : memref<10000x48xf32, #tpu.memory_space<vmem_shared>>) target(%arg8 : memref<128x48xf32, #tpu.memory_space<vmem>>) offsets(%dma_start3A_32 : memref<128xi32, #tpu.memory_space<vmem>>) semaphore(%arg14 : memref<!tpu.dma_semaphore, #tpu.memory_space<semaphore_mem>>)
    %dma_start3A_36 = arith.constant 1 : i32
    %dma_start3A_37 = arith.constant 0 : i32
    %dma_start3A_38 = tpu.memref_slice %arg6[%dma_start3A_36, %dma_start3A_37] : memref<160x128xi32, #tpu.memory_space<vmem>> -> memref<1x128xi32, #tpu.memory_space<vmem>>
    %dma_start3A_39 = tpu.memref_squeeze %dma_start3A_38 : memref<1x128xi32, #tpu.memory_space<vmem>> -> memref<128xi32, #tpu.memory_space<vmem>>
    %dma_start3A_40 = arith.constant 0 : i32
    %dma_start3A_41 = arith.constant 0 : i32
    %dma_start3A_42 = tpu.memref_slice %arg12[%dma_start3A_40, %dma_start3A_41] : memref<10000x48xf32, #tpu.memory_space<vmem_shared>> -> memref<10000x48xf32, #tpu.memory_space<vmem_shared>>
    tpu.enqueue_indirect_dma source(%dma_start3A_42 : memref<10000x48xf32, #tpu.memory_space<vmem_shared>>) target(%arg9 : memref<128x48xf32, #tpu.memory_space<vmem>>) offsets(%dma_start3A_39 : memref<128xi32, #tpu.memory_space<vmem>>) semaphore(%arg15 : memref<!tpu.dma_semaphore, #tpu.memory_space<semaphore_mem>>)
    %dma_start3A_43 = arith.constant 2 : i32
    %dma_start3A_44 = arith.constant 0 : i32
    %dma_start3A_45 = tpu.memref_slice %arg6[%dma_start3A_43, %dma_start3A_44] : memref<160x128xi32, #tpu.memory_space<vmem>> -> memref<1x128xi32, #tpu.memory_space<vmem>>
    %dma_start3A_46 = tpu.memref_squeeze %dma_start3A_45 : memref<1x128xi32, #tpu.memory_space<vmem>> -> memref<128xi32, #tpu.memory_space<vmem>>
    %dma_start3A_47 = arith.constant 0 : i32
    %dma_start3A_48 = arith.constant 0 : i32
    %dma_start3A_49 = tpu.memref_slice %arg12[%dma_start3A_47, %dma_start3A_48] : memref<10000x48xf32, #tpu.memory_space<vmem_shared>> -> memref<10000x48xf32, #tpu.memory_space<vmem_shared>>
    tpu.enqueue_indirect_dma source(%dma_start3A_49 : memref<10000x48xf32, #tpu.memory_space<vmem_shared>>) target(%arg10 : memref<128x48xf32, #tpu.memory_space<vmem>>) offsets(%dma_start3A_46 : memref<128xi32, #tpu.memory_space<vmem>>) semaphore(%arg16 : memref<!tpu.dma_semaphore, #tpu.memory_space<semaphore_mem>>)
    %dma_start3A_50 = arith.constant 3 : i32
    %dma_start3A_51 = arith.constant 0 : i32
    %dma_start3A_52 = tpu.memref_slice %arg6[%dma_start3A_50, %dma_start3A_51] : memref<160x128xi32, #tpu.memory_space<vmem>> -> memref<1x128xi32, #tpu.memory_space<vmem>>
    %dma_start3A_53 = tpu.memref_squeeze %dma_start3A_52 : memref<1x128xi32, #tpu.memory_space<vmem>> -> memref<128xi32, #tpu.memory_space<vmem>>
    %dma_start3A_54 = arith.constant 0 : i32
    %dma_start3A_55 = arith.constant 0 : i32
    %dma_start3A_56 = tpu.memref_slice %arg12[%dma_start3A_54, %dma_start3A_55] : memref<10000x48xf32, #tpu.memory_space<vmem_shared>> -> memref<10000x48xf32, #tpu.memory_space<vmem_shared>>
    tpu.enqueue_indirect_dma source(%dma_start3A_56 : memref<10000x48xf32, #tpu.memory_space<vmem_shared>>) target(%arg11 : memref<128x48xf32, #tpu.memory_space<vmem>>) offsets(%dma_start3A_53 : memref<128xi32, #tpu.memory_space<vmem>>) semaphore(%arg17 : memref<!tpu.dma_semaphore, #tpu.memory_space<semaphore_mem>>)
    %scan3A_57 = arith.constant 0 : i32
    %scan3A_58 = arith.constant 0 : i32
    %scan3A_59 = arith.constant 40 : i32
    %scan3A_60 = arith.addi %scan3A_58, %scan3A_59 : i32
    %scan3A_61 = arith.constant 1 : i32
    scf.for %scan3A_84 = %scan3A_58 to %scan3A_60 step %scan3A_61  : i32 {
      %mul3A_85 = arith.constant 4 : i32
      %mul3A_86 = arith.muli %scan3A_84, %mul3A_85 : i32
      %add3A_87 = arith.constant 0 : i32
      %add3A_88 = arith.addi %mul3A_86, %add3A_87 : i32
      %dma_wait3A = arith.constant 0 : i32
      %dma_wait3A_89 = tpu.memref_slice %arg6[%add3A_88, %dma_wait3A] : memref<160x128xi32, #tpu.memory_space<vmem>> -> memref<1x128xi32, #tpu.memory_space<vmem>>
      %dma_wait3A_90 = tpu.memref_squeeze %dma_wait3A_89 : memref<1x128xi32, #tpu.memory_space<vmem>> -> memref<128xi32, #tpu.memory_space<vmem>>
      %dma_wait3A_91 = arith.constant 0 : i32
      %dma_wait3A_92 = arith.constant 0 : i32
      %dma_wait3A_93 = tpu.memref_slice %arg12[%dma_wait3A_91, %dma_wait3A_92] : memref<10000x48xf32, #tpu.memory_space<vmem_shared>> -> memref<10000x48xf32, #tpu.memory_space<vmem_shared>>
      tpu.wait_indirect_dma semaphore(%arg14 : memref<!tpu.dma_semaphore, #tpu.memory_space<semaphore_mem>>) src(%dma_wait3A_93 : memref<10000x48xf32, #tpu.memory_space<vmem_shared>>) dst(%arg8 : memref<128x48xf32, #tpu.memory_space<vmem>>)
      %dma_start3A_94 = arith.constant 0 : i32
      %dma_start3A_95 = tpu.memref_slice %arg7[%add3A_88, %dma_start3A_94] : memref<160x128xi32, #tpu.memory_space<vmem>> -> memref<1x128xi32, #tpu.memory_space<vmem>>
      %dma_start3A_96 = tpu.memref_squeeze %dma_start3A_95 : memref<1x128xi32, #tpu.memory_space<vmem>> -> memref<128xi32, #tpu.memory_space<vmem>>
      %dma_start3A_97 = arith.constant 0 : i32
      %dma_start3A_98 = arith.constant 0 : i32
      %dma_start3A_99 = tpu.memref_slice %arg13[%dma_start3A_97, %dma_start3A_98] : memref<10240x48xf32, #tpu.memory_space<vmem_shared>> -> memref<10240x48xf32, #tpu.memory_space<vmem_shared>>
      tpu.enqueue_indirect_dma source(%arg8 : memref<128x48xf32, #tpu.memory_space<vmem>>) target(%dma_start3A_99 : memref<10240x48xf32, #tpu.memory_space<vmem_shared>>) offsets(%dma_start3A_96 : memref<128xi32, #tpu.memory_space<vmem>>) semaphore(%arg18 : memref<!tpu.dma_semaphore, #tpu.memory_space<semaphore_mem>>) {add = true}
      %mul3A_100 = arith.constant 4 : i32
      %mul3A_101 = arith.muli %scan3A_84, %mul3A_100 : i32
      %add3A_102 = arith.constant 1 : i32
      %add3A_103 = arith.addi %mul3A_101, %add3A_102 : i32
      %dma_wait3A_104 = arith.constant 0 : i32
      %dma_wait3A_105 = tpu.memref_slice %arg6[%add3A_103, %dma_wait3A_104] : memref<160x128xi32, #tpu.memory_space<vmem>> -> memref<1x128xi32, #tpu.memory_space<vmem>>
      %dma_wait3A_106 = tpu.memref_squeeze %dma_wait3A_105 : memref<1x128xi32, #tpu.memory_space<vmem>> -> memref<128xi32, #tpu.memory_space<vmem>>
      %dma_wait3A_107 = arith.constant 0 : i32
      %dma_wait3A_108 = arith.constant 0 : i32
      %dma_wait3A_109 = tpu.memref_slice %arg12[%dma_wait3A_107, %dma_wait3A_108] : memref<10000x48xf32, #tpu.memory_space<vmem_shared>> -> memref<10000x48xf32, #tpu.memory_space<vmem_shared>>
      tpu.wait_indirect_dma semaphore(%arg15 : memref<!tpu.dma_semaphore, #tpu.memory_space<semaphore_mem>>) src(%dma_wait3A_109 : memref<10000x48xf32, #tpu.memory_space<vmem_shared>>) dst(%arg9 : memref<128x48xf32, #tpu.memory_space<vmem>>)
      %dma_start3A_110 = arith.constant 0 : i32
      %dma_start3A_111 = tpu.memref_slice %arg7[%add3A_103, %dma_start3A_110] : memref<160x128xi32, #tpu.memory_space<vmem>> -> memref<1x128xi32, #tpu.memory_space<vmem>>
      %dma_start3A_112 = tpu.memref_squeeze %dma_start3A_111 : memref<1x128xi32, #tpu.memory_space<vmem>> -> memref<128xi32, #tpu.memory_space<vmem>>
      %dma_start3A_113 = arith.constant 0 : i32
      %dma_start3A_114 = arith.constant 0 : i32
      %dma_start3A_115 = tpu.memref_slice %arg13[%dma_start3A_113, %dma_start3A_114] : memref<10240x48xf32, #tpu.memory_space<vmem_shared>> -> memref<10240x48xf32, #tpu.memory_space<vmem_shared>>
      tpu.enqueue_indirect_dma source(%arg9 : memref<128x48xf32, #tpu.memory_space<vmem>>) target(%dma_start3A_115 : memref<10240x48xf32, #tpu.memory_space<vmem_shared>>) offsets(%dma_start3A_112 : memref<128xi32, #tpu.memory_space<vmem>>) semaphore(%arg19 : memref<!tpu.dma_semaphore, #tpu.memory_space<semaphore_mem>>) {add = true}
      %mul3A_116 = arith.constant 4 : i32
      %mul3A_117 = arith.muli %scan3A_84, %mul3A_116 : i32
      %add3A_118 = arith.constant 2 : i32
      %add3A_119 = arith.addi %mul3A_117, %add3A_118 : i32
      %dma_wait3A_120 = arith.constant 0 : i32
      %dma_wait3A_121 = tpu.memref_slice %arg6[%add3A_119, %dma_wait3A_120] : memref<160x128xi32, #tpu.memory_space<vmem>> -> memref<1x128xi32, #tpu.memory_space<vmem>>
      %dma_wait3A_122 = tpu.memref_squeeze %dma_wait3A_121 : memref<1x128xi32, #tpu.memory_space<vmem>> -> memref<128xi32, #tpu.memory_space<vmem>>
      %dma_wait3A_123 = arith.constant 0 : i32
      %dma_wait3A_124 = arith.constant 0 : i32
      %dma_wait3A_125 = tpu.memref_slice %arg12[%dma_wait3A_123, %dma_wait3A_124] : memref<10000x48xf32, #tpu.memory_space<vmem_shared>> -> memref<10000x48xf32, #tpu.memory_space<vmem_shared>>
      tpu.wait_indirect_dma semaphore(%arg16 : memref<!tpu.dma_semaphore, #tpu.memory_space<semaphore_mem>>) src(%dma_wait3A_125 : memref<10000x48xf32, #tpu.memory_space<vmem_shared>>) dst(%arg10 : memref<128x48xf32, #tpu.memory_space<vmem>>)
      %dma_start3A_126 = arith.constant 0 : i32
      %dma_start3A_127 = tpu.memref_slice %arg7[%add3A_119, %dma_start3A_126] : memref<160x128xi32, #tpu.memory_space<vmem>> -> memref<1x128xi32, #tpu.memory_space<vmem>>
      %dma_start3A_128 = tpu.memref_squeeze %dma_start3A_127 : memref<1x128xi32, #tpu.memory_space<vmem>> -> memref<128xi32, #tpu.memory_space<vmem>>
      %dma_start3A_129 = arith.constant 0 : i32
      %dma_start3A_130 = arith.constant 0 : i32
      %dma_start3A_131 = tpu.memref_slice %arg13[%dma_start3A_129, %dma_start3A_130] : memref<10240x48xf32, #tpu.memory_space<vmem_shared>> -> memref<10240x48xf32, #tpu.memory_space<vmem_shared>>
      tpu.enqueue_indirect_dma source(%arg10 : memref<128x48xf32, #tpu.memory_space<vmem>>) target(%dma_start3A_131 : memref<10240x48xf32, #tpu.memory_space<vmem_shared>>) offsets(%dma_start3A_128 : memref<128xi32, #tpu.memory_space<vmem>>) semaphore(%arg20 : memref<!tpu.dma_semaphore, #tpu.memory_space<semaphore_mem>>) {add = true}
      %mul3A_132 = arith.constant 4 : i32
      %mul3A_133 = arith.muli %scan3A_84, %mul3A_132 : i32
      %add3A_134 = arith.constant 3 : i32
      %add3A_135 = arith.addi %mul3A_133, %add3A_134 : i32
      %dma_wait3A_136 = arith.constant 0 : i32
      %dma_wait3A_137 = tpu.memref_slice %arg6[%add3A_135, %dma_wait3A_136] : memref<160x128xi32, #tpu.memory_space<vmem>> -> memref<1x128xi32, #tpu.memory_space<vmem>>
      %dma_wait3A_138 = tpu.memref_squeeze %dma_wait3A_137 : memref<1x128xi32, #tpu.memory_space<vmem>> -> memref<128xi32, #tpu.memory_space<vmem>>
      %dma_wait3A_139 = arith.constant 0 : i32
      %dma_wait3A_140 = arith.constant 0 : i32
      %dma_wait3A_141 = tpu.memref_slice %arg12[%dma_wait3A_139, %dma_wait3A_140] : memref<10000x48xf32, #tpu.memory_space<vmem_shared>> -> memref<10000x48xf32, #tpu.memory_space<vmem_shared>>
      tpu.wait_indirect_dma semaphore(%arg17 : memref<!tpu.dma_semaphore, #tpu.memory_space<semaphore_mem>>) src(%dma_wait3A_141 : memref<10000x48xf32, #tpu.memory_space<vmem_shared>>) dst(%arg11 : memref<128x48xf32, #tpu.memory_space<vmem>>)
      %dma_start3A_142 = arith.constant 0 : i32
      %dma_start3A_143 = tpu.memref_slice %arg7[%add3A_135, %dma_start3A_142] : memref<160x128xi32, #tpu.memory_space<vmem>> -> memref<1x128xi32, #tpu.memory_space<vmem>>
      %dma_start3A_144 = tpu.memref_squeeze %dma_start3A_143 : memref<1x128xi32, #tpu.memory_space<vmem>> -> memref<128xi32, #tpu.memory_space<vmem>>
      %dma_start3A_145 = arith.constant 0 : i32
      %dma_start3A_146 = arith.constant 0 : i32
      %dma_start3A_147 = tpu.memref_slice %arg13[%dma_start3A_145, %dma_start3A_146] : memref<10240x48xf32, #tpu.memory_space<vmem_shared>> -> memref<10240x48xf32, #tpu.memory_space<vmem_shared>>
      tpu.enqueue_indirect_dma source(%arg11 : memref<128x48xf32, #tpu.memory_space<vmem>>) target(%dma_start3A_147 : memref<10240x48xf32, #tpu.memory_space<vmem_shared>>) offsets(%dma_start3A_144 : memref<128xi32, #tpu.memory_space<vmem>>) semaphore(%arg21 : memref<!tpu.dma_semaphore, #tpu.memory_space<semaphore_mem>>) {add = true}
      %mul3A_148 = arith.constant 4 : i32
      %mul3A_149 = arith.muli %scan3A_84, %mul3A_148 : i32
      %add3A_150 = arith.constant 0 : i32
      %add3A_151 = arith.addi %mul3A_149, %add3A_150 : i32
      %dma_wait3A_152 = arith.constant 0 : i32
      %dma_wait3A_153 = tpu.memref_slice %arg7[%add3A_151, %dma_wait3A_152] : memref<160x128xi32, #tpu.memory_space<vmem>> -> memref<1x128xi32, #tpu.memory_space<vmem>>
      %dma_wait3A_154 = tpu.memref_squeeze %dma_wait3A_153 : memref<1x128xi32, #tpu.memory_space<vmem>> -> memref<128xi32, #tpu.memory_space<vmem>>
      %dma_wait3A_155 = arith.constant 0 : i32
      %dma_wait3A_156 = arith.constant 0 : i32
      %dma_wait3A_157 = tpu.memref_slice %arg13[%dma_wait3A_155, %dma_wait3A_156] : memref<10240x48xf32, #tpu.memory_space<vmem_shared>> -> memref<10240x48xf32, #tpu.memory_space<vmem_shared>>
      tpu.wait_indirect_dma semaphore(%arg18 : memref<!tpu.dma_semaphore, #tpu.memory_space<semaphore_mem>>) src(%arg8 : memref<128x48xf32, #tpu.memory_space<vmem>>) dst(%dma_wait3A_157 : memref<10240x48xf32, #tpu.memory_space<vmem_shared>>)
      %lt3A = arith.constant 39 : i32
      %lt3A_158 = arith.cmpi slt, %scan3A_84, %lt3A : i32
      %convert_element_type3A = arith.extui %lt3A_158 : i1 to i32
      %cond3A = arith.constant 0 : i32
      %cond3A_159 = arith.cmpi ne, %convert_element_type3A, %cond3A : i32
      scf.if %cond3A_159 {
        %add3A_205 = arith.constant 1 : i32
        %add3A_206 = arith.addi %scan3A_84, %add3A_205 : i32
        %mul3A_207 = arith.constant 4 : i32
        %mul3A_208 = arith.muli %add3A_206, %mul3A_207 : i32
        %add3A_209 = arith.constant 0 : i32
        %add3A_210 = arith.addi %mul3A_208, %add3A_209 : i32
        %dma_start3A_211 = arith.constant 0 : i32
        %dma_start3A_212 = tpu.memref_slice %arg6[%add3A_210, %dma_start3A_211] : memref<160x128xi32, #tpu.memory_space<vmem>> -> memref<1x128xi32, #tpu.memory_space<vmem>>
        %dma_start3A_213 = tpu.memref_squeeze %dma_start3A_212 : memref<1x128xi32, #tpu.memory_space<vmem>> -> memref<128xi32, #tpu.memory_space<vmem>>
        %dma_start3A_214 = arith.constant 0 : i32
        %dma_start3A_215 = arith.constant 0 : i32
        %dma_start3A_216 = tpu.memref_slice %arg12[%dma_start3A_214, %dma_start3A_215] : memref<10000x48xf32, #tpu.memory_space<vmem_shared>> -> memref<10000x48xf32, #tpu.memory_space<vmem_shared>>
        tpu.enqueue_indirect_dma source(%dma_start3A_216 : memref<10000x48xf32, #tpu.memory_space<vmem_shared>>) target(%arg8 : memref<128x48xf32, #tpu.memory_space<vmem>>) offsets(%dma_start3A_213 : memref<128xi32, #tpu.memory_space<vmem>>) semaphore(%arg14 : memref<!tpu.dma_semaphore, #tpu.memory_space<semaphore_mem>>)
      } else {
      }
      %mul3A_160 = arith.constant 4 : i32
      %mul3A_161 = arith.muli %scan3A_84, %mul3A_160 : i32
      %add3A_162 = arith.constant 1 : i32
      %add3A_163 = arith.addi %mul3A_161, %add3A_162 : i32
      %dma_wait3A_164 = arith.constant 0 : i32
      %dma_wait3A_165 = tpu.memref_slice %arg7[%add3A_163, %dma_wait3A_164] : memref<160x128xi32, #tpu.memory_space<vmem>> -> memref<1x128xi32, #tpu.memory_space<vmem>>
      %dma_wait3A_166 = tpu.memref_squeeze %dma_wait3A_165 : memref<1x128xi32, #tpu.memory_space<vmem>> -> memref<128xi32, #tpu.memory_space<vmem>>
      %dma_wait3A_167 = arith.constant 0 : i32
      %dma_wait3A_168 = arith.constant 0 : i32
      %dma_wait3A_169 = tpu.memref_slice %arg13[%dma_wait3A_167, %dma_wait3A_168] : memref<10240x48xf32, #tpu.memory_space<vmem_shared>> -> memref<10240x48xf32, #tpu.memory_space<vmem_shared>>
      tpu.wait_indirect_dma semaphore(%arg19 : memref<!tpu.dma_semaphore, #tpu.memory_space<semaphore_mem>>) src(%arg9 : memref<128x48xf32, #tpu.memory_space<vmem>>) dst(%dma_wait3A_169 : memref<10240x48xf32, #tpu.memory_space<vmem_shared>>)
      %lt3A_170 = arith.constant 39 : i32
      %lt3A_171 = arith.cmpi slt, %scan3A_84, %lt3A_170 : i32
      %convert_element_type3A_172 = arith.extui %lt3A_171 : i1 to i32
      %cond3A_173 = arith.constant 0 : i32
      %cond3A_174 = arith.cmpi ne, %convert_element_type3A_172, %cond3A_173 : i32
      scf.if %cond3A_174 {
        %add3A_205 = arith.constant 1 : i32
        %add3A_206 = arith.addi %scan3A_84, %add3A_205 : i32
        %mul3A_207 = arith.constant 4 : i32
        %mul3A_208 = arith.muli %add3A_206, %mul3A_207 : i32
        %add3A_209 = arith.constant 1 : i32
        %add3A_210 = arith.addi %mul3A_208, %add3A_209 : i32
        %dma_start3A_211 = arith.constant 0 : i32
        %dma_start3A_212 = tpu.memref_slice %arg6[%add3A_210, %dma_start3A_211] : memref<160x128xi32, #tpu.memory_space<vmem>> -> memref<1x128xi32, #tpu.memory_space<vmem>>
        %dma_start3A_213 = tpu.memref_squeeze %dma_start3A_212 : memref<1x128xi32, #tpu.memory_space<vmem>> -> memref<128xi32, #tpu.memory_space<vmem>>
        %dma_start3A_214 = arith.constant 0 : i32
        %dma_start3A_215 = arith.constant 0 : i32
        %dma_start3A_216 = tpu.memref_slice %arg12[%dma_start3A_214, %dma_start3A_215] : memref<10000x48xf32, #tpu.memory_space<vmem_shared>> -> memref<10000x48xf32, #tpu.memory_space<vmem_shared>>
        tpu.enqueue_indirect_dma source(%dma_start3A_216 : memref<10000x48xf32, #tpu.memory_space<vmem_shared>>) target(%arg9 : memref<128x48xf32, #tpu.memory_space<vmem>>) offsets(%dma_start3A_213 : memref<128xi32, #tpu.memory_space<vmem>>) semaphore(%arg15 : memref<!tpu.dma_semaphore, #tpu.memory_space<semaphore_mem>>)
      } else {
      }
      %mul3A_175 = arith.constant 4 : i32
      %mul3A_176 = arith.muli %scan3A_84, %mul3A_175 : i32
      %add3A_177 = arith.constant 2 : i32
      %add3A_178 = arith.addi %mul3A_176, %add3A_177 : i32
      %dma_wait3A_179 = arith.constant 0 : i32
      %dma_wait3A_180 = tpu.memref_slice %arg7[%add3A_178, %dma_wait3A_179] : memref<160x128xi32, #tpu.memory_space<vmem>> -> memref<1x128xi32, #tpu.memory_space<vmem>>
      %dma_wait3A_181 = tpu.memref_squeeze %dma_wait3A_180 : memref<1x128xi32, #tpu.memory_space<vmem>> -> memref<128xi32, #tpu.memory_space<vmem>>
      %dma_wait3A_182 = arith.constant 0 : i32
      %dma_wait3A_183 = arith.constant 0 : i32
      %dma_wait3A_184 = tpu.memref_slice %arg13[%dma_wait3A_182, %dma_wait3A_183] : memref<10240x48xf32, #tpu.memory_space<vmem_shared>> -> memref<10240x48xf32, #tpu.memory_space<vmem_shared>>
      tpu.wait_indirect_dma semaphore(%arg20 : memref<!tpu.dma_semaphore, #tpu.memory_space<semaphore_mem>>) src(%arg10 : memref<128x48xf32, #tpu.memory_space<vmem>>) dst(%dma_wait3A_184 : memref<10240x48xf32, #tpu.memory_space<vmem_shared>>)
      %lt3A_185 = arith.constant 39 : i32
      %lt3A_186 = arith.cmpi slt, %scan3A_84, %lt3A_185 : i32
      %convert_element_type3A_187 = arith.extui %lt3A_186 : i1 to i32
      %cond3A_188 = arith.constant 0 : i32
      %cond3A_189 = arith.cmpi ne, %convert_element_type3A_187, %cond3A_188 : i32
      scf.if %cond3A_189 {
        %add3A_205 = arith.constant 1 : i32
        %add3A_206 = arith.addi %scan3A_84, %add3A_205 : i32
        %mul3A_207 = arith.constant 4 : i32
        %mul3A_208 = arith.muli %add3A_206, %mul3A_207 : i32
        %add3A_209 = arith.constant 2 : i32
        %add3A_210 = arith.addi %mul3A_208, %add3A_209 : i32
        %dma_start3A_211 = arith.constant 0 : i32
        %dma_start3A_212 = tpu.memref_slice %arg6[%add3A_210, %dma_start3A_211] : memref<160x128xi32, #tpu.memory_space<vmem>> -> memref<1x128xi32, #tpu.memory_space<vmem>>
        %dma_start3A_213 = tpu.memref_squeeze %dma_start3A_212 : memref<1x128xi32, #tpu.memory_space<vmem>> -> memref<128xi32, #tpu.memory_space<vmem>>
        %dma_start3A_214 = arith.constant 0 : i32
        %dma_start3A_215 = arith.constant 0 : i32
        %dma_start3A_216 = tpu.memref_slice %arg12[%dma_start3A_214, %dma_start3A_215] : memref<10000x48xf32, #tpu.memory_space<vmem_shared>> -> memref<10000x48xf32, #tpu.memory_space<vmem_shared>>
        tpu.enqueue_indirect_dma source(%dma_start3A_216 : memref<10000x48xf32, #tpu.memory_space<vmem_shared>>) target(%arg10 : memref<128x48xf32, #tpu.memory_space<vmem>>) offsets(%dma_start3A_213 : memref<128xi32, #tpu.memory_space<vmem>>) semaphore(%arg16 : memref<!tpu.dma_semaphore, #tpu.memory_space<semaphore_mem>>)
      } else {
      }
      %mul3A_190 = arith.constant 4 : i32
      %mul3A_191 = arith.muli %scan3A_84, %mul3A_190 : i32
      %add3A_192 = arith.constant 3 : i32
      %add3A_193 = arith.addi %mul3A_191, %add3A_192 : i32
      %dma_wait3A_194 = arith.constant 0 : i32
      %dma_wait3A_195 = tpu.memref_slice %arg7[%add3A_193, %dma_wait3A_194] : memref<160x128xi32, #tpu.memory_space<vmem>> -> memref<1x128xi32, #tpu.memory_space<vmem>>
      %dma_wait3A_196 = tpu.memref_squeeze %dma_wait3A_195 : memref<1x128xi32, #tpu.memory_space<vmem>> -> memref<128xi32, #tpu.memory_space<vmem>>
      %dma_wait3A_197 = arith.constant 0 : i32
      %dma_wait3A_198 = arith.constant 0 : i32
      %dma_wait3A_199 = tpu.memref_slice %arg13[%dma_wait3A_197, %dma_wait3A_198] : memref<10240x48xf32, #tpu.memory_space<vmem_shared>> -> memref<10240x48xf32, #tpu.memory_space<vmem_shared>>
      tpu.wait_indirect_dma semaphore(%arg21 : memref<!tpu.dma_semaphore, #tpu.memory_space<semaphore_mem>>) src(%arg11 : memref<128x48xf32, #tpu.memory_space<vmem>>) dst(%dma_wait3A_199 : memref<10240x48xf32, #tpu.memory_space<vmem_shared>>)
      %lt3A_200 = arith.constant 39 : i32
      %lt3A_201 = arith.cmpi slt, %scan3A_84, %lt3A_200 : i32
      %convert_element_type3A_202 = arith.extui %lt3A_201 : i1 to i32
      %cond3A_203 = arith.constant 0 : i32
      %cond3A_204 = arith.cmpi ne, %convert_element_type3A_202, %cond3A_203 : i32
      scf.if %cond3A_204 {
        %add3A_205 = arith.constant 1 : i32
        %add3A_206 = arith.addi %scan3A_84, %add3A_205 : i32
        %mul3A_207 = arith.constant 4 : i32
        %mul3A_208 = arith.muli %add3A_206, %mul3A_207 : i32
        %add3A_209 = arith.constant 3 : i32
        %add3A_210 = arith.addi %mul3A_208, %add3A_209 : i32
        %dma_start3A_211 = arith.constant 0 : i32
        %dma_start3A_212 = tpu.memref_slice %arg6[%add3A_210, %dma_start3A_211] : memref<160x128xi32, #tpu.memory_space<vmem>> -> memref<1x128xi32, #tpu.memory_space<vmem>>
        %dma_start3A_213 = tpu.memref_squeeze %dma_start3A_212 : memref<1x128xi32, #tpu.memory_space<vmem>> -> memref<128xi32, #tpu.memory_space<vmem>>
        %dma_start3A_214 = arith.constant 0 : i32
        %dma_start3A_215 = arith.constant 0 : i32
        %dma_start3A_216 = tpu.memref_slice %arg12[%dma_start3A_214, %dma_start3A_215] : memref<10000x48xf32, #tpu.memory_space<vmem_shared>> -> memref<10000x48xf32, #tpu.memory_space<vmem_shared>>
        tpu.enqueue_indirect_dma source(%dma_start3A_216 : memref<10000x48xf32, #tpu.memory_space<vmem_shared>>) target(%arg11 : memref<128x48xf32, #tpu.memory_space<vmem>>) offsets(%dma_start3A_213 : memref<128xi32, #tpu.memory_space<vmem>>) semaphore(%arg17 : memref<!tpu.dma_semaphore, #tpu.memory_space<semaphore_mem>>)
      } else {
      }
    }
    %scan3A_62 = arith.constant 40 : i32
    %barrier3A_63 = arith.constant 0 : index
    tpu.barrier barrier_id(%barrier3A_63)
    %mul3A_64 = arith.constant 640 : i32
    %mul3A_65 = arith.muli %arg1, %mul3A_64 : i32
    %add3A_66 = arith.constant 0 : i32
    %add3A_67 = arith.addi %mul3A_65, %add3A_66 : i32
    "tpu.region"() ({
      %run_scoped3A = tpu.sem_alloc : memref<!tpu.dma_semaphore, #tpu.memory_space<semaphore_mem>>
      %dma_start3A_84 = arith.constant 0 : i32
      %dma_start3A_85 = tpu.memref_slice %arg5[%arg0, %add3A_67, %dma_start3A_84] : memref<2x10240x48xf32, #tpu.memory_space<hbm>> -> memref<1x128x48xf32, #tpu.memory_space<hbm>>
      %dma_start3A_86 = tpu.memref_squeeze %dma_start3A_85 : memref<1x128x48xf32, #tpu.memory_space<hbm>> -> memref<128x48xf32, #tpu.memory_space<hbm>>
      %dma_start3A_87 = arith.constant 0 : i32
      %dma_start3A_88 = tpu.memref_slice %arg13[%add3A_67, %dma_start3A_87] : memref<10240x48xf32, #tpu.memory_space<vmem_shared>> -> memref<128x48xf32, #tpu.memory_space<vmem_shared>>
      tpu.enqueue_dma source(%dma_start3A_88 : memref<128x48xf32, #tpu.memory_space<vmem_shared>>) target(%dma_start3A_86 : memref<128x48xf32, #tpu.memory_space<hbm>>) target_semaphore(%run_scoped3A : memref<!tpu.dma_semaphore, #tpu.memory_space<semaphore_mem>>)
      %dma_wait3A = arith.constant 0 : i32
      %dma_wait3A_89 = tpu.memref_slice %arg5[%arg0, %add3A_67, %dma_wait3A] : memref<2x10240x48xf32, #tpu.memory_space<hbm>> -> memref<1x128x48xf32, #tpu.memory_space<hbm>>
      %dma_wait3A_90 = tpu.memref_squeeze %dma_wait3A_89 : memref<1x128x48xf32, #tpu.memory_space<hbm>> -> memref<128x48xf32, #tpu.memory_space<hbm>>
      %dma_wait3A_91 = arith.constant 0 : i32
      %dma_wait3A_92 = tpu.memref_slice %arg13[%add3A_67, %dma_wait3A_91] : memref<10240x48xf32, #tpu.memory_space<vmem_shared>> -> memref<128x48xf32, #tpu.memory_space<vmem_shared>>
      tpu.wait_dma2 semaphore(%run_scoped3A : memref<!tpu.dma_semaphore, #tpu.memory_space<semaphore_mem>>) src(%dma_wait3A_92 : memref<128x48xf32, #tpu.memory_space<vmem_shared>>) dst(%dma_wait3A_90 : memref<128x48xf32, #tpu.memory_space<hbm>>)
      tpu.yield
    }) : () -> ()
    %mul3A_68 = arith.constant 640 : i32
    %mul3A_69 = arith.muli %arg1, %mul3A_68 : i32
    %add3A_70 = arith.constant 128 : i32
    %add3A_71 = arith.addi %mul3A_69, %add3A_70 : i32
    "tpu.region"() ({
      %run_scoped3A = tpu.sem_alloc : memref<!tpu.dma_semaphore, #tpu.memory_space<semaphore_mem>>
      %dma_start3A_84 = arith.constant 0 : i32
      %dma_start3A_85 = tpu.memref_slice %arg5[%arg0, %add3A_71, %dma_start3A_84] : memref<2x10240x48xf32, #tpu.memory_space<hbm>> -> memref<1x128x48xf32, #tpu.memory_space<hbm>>
      %dma_start3A_86 = tpu.memref_squeeze %dma_start3A_85 : memref<1x128x48xf32, #tpu.memory_space<hbm>> -> memref<128x48xf32, #tpu.memory_space<hbm>>
      %dma_start3A_87 = arith.constant 0 : i32
      %dma_start3A_88 = tpu.memref_slice %arg13[%add3A_71, %dma_start3A_87] : memref<10240x48xf32, #tpu.memory_space<vmem_shared>> -> memref<128x48xf32, #tpu.memory_space<vmem_shared>>
      tpu.enqueue_dma source(%dma_start3A_88 : memref<128x48xf32, #tpu.memory_space<vmem_shared>>) target(%dma_start3A_86 : memref<128x48xf32, #tpu.memory_space<hbm>>) target_semaphore(%run_scoped3A : memref<!tpu.dma_semaphore, #tpu.memory_space<semaphore_mem>>)
      %dma_wait3A = arith.constant 0 : i32
      %dma_wait3A_89 = tpu.memref_slice %arg5[%arg0, %add3A_71, %dma_wait3A] : memref<2x10240x48xf32, #tpu.memory_space<hbm>> -> memref<1x128x48xf32, #tpu.memory_space<hbm>>
      %dma_wait3A_90 = tpu.memref_squeeze %dma_wait3A_89 : memref<1x128x48xf32, #tpu.memory_space<hbm>> -> memref<128x48xf32, #tpu.memory_space<hbm>>
      %dma_wait3A_91 = arith.constant 0 : i32
      %dma_wait3A_92 = tpu.memref_slice %arg13[%add3A_71, %dma_wait3A_91] : memref<10240x48xf32, #tpu.memory_space<vmem_shared>> -> memref<128x48xf32, #tpu.memory_space<vmem_shared>>
      tpu.wait_dma2 semaphore(%run_scoped3A : memref<!tpu.dma_semaphore, #tpu.memory_space<semaphore_mem>>) src(%dma_wait3A_92 : memref<128x48xf32, #tpu.memory_space<vmem_shared>>) dst(%dma_wait3A_90 : memref<128x48xf32, #tpu.memory_space<hbm>>)
      tpu.yield
    }) : () -> ()
    %mul3A_72 = arith.constant 640 : i32
    %mul3A_73 = arith.muli %arg1, %mul3A_72 : i32
    %add3A_74 = arith.constant 256 : i32
    %add3A_75 = arith.addi %mul3A_73, %add3A_74 : i32
    "tpu.region"() ({
      %run_scoped3A = tpu.sem_alloc : memref<!tpu.dma_semaphore, #tpu.memory_space<semaphore_mem>>
      %dma_start3A_84 = arith.constant 0 : i32
      %dma_start3A_85 = tpu.memref_slice %arg5[%arg0, %add3A_75, %dma_start3A_84] : memref<2x10240x48xf32, #tpu.memory_space<hbm>> -> memref<1x128x48xf32, #tpu.memory_space<hbm>>
      %dma_start3A_86 = tpu.memref_squeeze %dma_start3A_85 : memref<1x128x48xf32, #tpu.memory_space<hbm>> -> memref<128x48xf32, #tpu.memory_space<hbm>>
      %dma_start3A_87 = arith.constant 0 : i32
      %dma_start3A_88 = tpu.memref_slice %arg13[%add3A_75, %dma_start3A_87] : memref<10240x48xf32, #tpu.memory_space<vmem_shared>> -> memref<128x48xf32, #tpu.memory_space<vmem_shared>>
      tpu.enqueue_dma source(%dma_start3A_88 : memref<128x48xf32, #tpu.memory_space<vmem_shared>>) target(%dma_start3A_86 : memref<128x48xf32, #tpu.memory_space<hbm>>) target_semaphore(%run_scoped3A : memref<!tpu.dma_semaphore, #tpu.memory_space<semaphore_mem>>)
      %dma_wait3A = arith.constant 0 : i32
      %dma_wait3A_89 = tpu.memref_slice %arg5[%arg0, %add3A_75, %dma_wait3A] : memref<2x10240x48xf32, #tpu.memory_space<hbm>> -> memref<1x128x48xf32, #tpu.memory_space<hbm>>
      %dma_wait3A_90 = tpu.memref_squeeze %dma_wait3A_89 : memref<1x128x48xf32, #tpu.memory_space<hbm>> -> memref<128x48xf32, #tpu.memory_space<hbm>>
      %dma_wait3A_91 = arith.constant 0 : i32
      %dma_wait3A_92 = tpu.memref_slice %arg13[%add3A_75, %dma_wait3A_91] : memref<10240x48xf32, #tpu.memory_space<vmem_shared>> -> memref<128x48xf32, #tpu.memory_space<vmem_shared>>
      tpu.wait_dma2 semaphore(%run_scoped3A : memref<!tpu.dma_semaphore, #tpu.memory_space<semaphore_mem>>) src(%dma_wait3A_92 : memref<128x48xf32, #tpu.memory_space<vmem_shared>>) dst(%dma_wait3A_90 : memref<128x48xf32, #tpu.memory_space<hbm>>)
      tpu.yield
    }) : () -> ()
    %mul3A_76 = arith.constant 640 : i32
    %mul3A_77 = arith.muli %arg1, %mul3A_76 : i32
    %add3A_78 = arith.constant 384 : i32
    %add3A_79 = arith.addi %mul3A_77, %add3A_78 : i32
    "tpu.region"() ({
      %run_scoped3A = tpu.sem_alloc : memref<!tpu.dma_semaphore, #tpu.memory_space<semaphore_mem>>
      %dma_start3A_84 = arith.constant 0 : i32
      %dma_start3A_85 = tpu.memref_slice %arg5[%arg0, %add3A_79, %dma_start3A_84] : memref<2x10240x48xf32, #tpu.memory_space<hbm>> -> memref<1x128x48xf32, #tpu.memory_space<hbm>>
      %dma_start3A_86 = tpu.memref_squeeze %dma_start3A_85 : memref<1x128x48xf32, #tpu.memory_space<hbm>> -> memref<128x48xf32, #tpu.memory_space<hbm>>
      %dma_start3A_87 = arith.constant 0 : i32
      %dma_start3A_88 = tpu.memref_slice %arg13[%add3A_79, %dma_start3A_87] : memref<10240x48xf32, #tpu.memory_space<vmem_shared>> -> memref<128x48xf32, #tpu.memory_space<vmem_shared>>
      tpu.enqueue_dma source(%dma_start3A_88 : memref<128x48xf32, #tpu.memory_space<vmem_shared>>) target(%dma_start3A_86 : memref<128x48xf32, #tpu.memory_space<hbm>>) target_semaphore(%run_scoped3A : memref<!tpu.dma_semaphore, #tpu.memory_space<semaphore_mem>>)
      %dma_wait3A = arith.constant 0 : i32
      %dma_wait3A_89 = tpu.memref_slice %arg5[%arg0, %add3A_79, %dma_wait3A] : memref<2x10240x48xf32, #tpu.memory_space<hbm>> -> memref<1x128x48xf32, #tpu.memory_space<hbm>>
      %dma_wait3A_90 = tpu.memref_squeeze %dma_wait3A_89 : memref<1x128x48xf32, #tpu.memory_space<hbm>> -> memref<128x48xf32, #tpu.memory_space<hbm>>
      %dma_wait3A_91 = arith.constant 0 : i32
      %dma_wait3A_92 = tpu.memref_slice %arg13[%add3A_79, %dma_wait3A_91] : memref<10240x48xf32, #tpu.memory_space<vmem_shared>> -> memref<128x48xf32, #tpu.memory_space<vmem_shared>>
      tpu.wait_dma2 semaphore(%run_scoped3A : memref<!tpu.dma_semaphore, #tpu.memory_space<semaphore_mem>>) src(%dma_wait3A_92 : memref<128x48xf32, #tpu.memory_space<vmem_shared>>) dst(%dma_wait3A_90 : memref<128x48xf32, #tpu.memory_space<hbm>>)
      tpu.yield
    }) : () -> ()
    %mul3A_80 = arith.constant 640 : i32
    %mul3A_81 = arith.muli %arg1, %mul3A_80 : i32
    %add3A_82 = arith.constant 512 : i32
    %add3A_83 = arith.addi %mul3A_81, %add3A_82 : i32
    "tpu.region"() ({
      %run_scoped3A = tpu.sem_alloc : memref<!tpu.dma_semaphore, #tpu.memory_space<semaphore_mem>>
      %dma_start3A_84 = arith.constant 0 : i32
      %dma_start3A_85 = tpu.memref_slice %arg5[%arg0, %add3A_83, %dma_start3A_84] : memref<2x10240x48xf32, #tpu.memory_space<hbm>> -> memref<1x128x48xf32, #tpu.memory_space<hbm>>
      %dma_start3A_86 = tpu.memref_squeeze %dma_start3A_85 : memref<1x128x48xf32, #tpu.memory_space<hbm>> -> memref<128x48xf32, #tpu.memory_space<hbm>>
      %dma_start3A_87 = arith.constant 0 : i32
      %dma_start3A_88 = tpu.memref_slice %arg13[%add3A_83, %dma_start3A_87] : memref<10240x48xf32, #tpu.memory_space<vmem_shared>> -> memref<128x48xf32, #tpu.memory_space<vmem_shared>>
      tpu.enqueue_dma source(%dma_start3A_88 : memref<128x48xf32, #tpu.memory_space<vmem_shared>>) target(%dma_start3A_86 : memref<128x48xf32, #tpu.memory_space<hbm>>) target_semaphore(%run_scoped3A : memref<!tpu.dma_semaphore, #tpu.memory_space<semaphore_mem>>)
      %dma_wait3A = arith.constant 0 : i32
      %dma_wait3A_89 = tpu.memref_slice %arg5[%arg0, %add3A_83, %dma_wait3A] : memref<2x10240x48xf32, #tpu.memory_space<hbm>> -> memref<1x128x48xf32, #tpu.memory_space<hbm>>
      %dma_wait3A_90 = tpu.memref_squeeze %dma_wait3A_89 : memref<1x128x48xf32, #tpu.memory_space<hbm>> -> memref<128x48xf32, #tpu.memory_space<hbm>>
      %dma_wait3A_91 = arith.constant 0 : i32
      %dma_wait3A_92 = tpu.memref_slice %arg13[%add3A_83, %dma_wait3A_91] : memref<10240x48xf32, #tpu.memory_space<vmem_shared>> -> memref<128x48xf32, #tpu.memory_space<vmem_shared>>
      tpu.wait_dma2 semaphore(%run_scoped3A : memref<!tpu.dma_semaphore, #tpu.memory_space<semaphore_mem>>) src(%dma_wait3A_92 : memref<128x48xf32, #tpu.memory_space<vmem_shared>>) dst(%dma_wait3A_90 : memref<128x48xf32, #tpu.memory_space<hbm>>)
      tpu.yield
    }) : () -> ()
    return
  }
}

#map = affine_map<(d0, d1) -> (0, 0)>
#map1 = affine_map<(d0, d1) -> (0, 0, 0)>
module attributes {stable_mosaic.version = 14 : i64} {
  func.func @_edge(%arg0: i32, %arg1: i32, %arg2: memref<20000x48xf32, #tpu.memory_space<hbm>>, %arg3: memref<16x160x128xi32, #tpu.memory_space<hbm>>, %arg4: memref<16x160x128xi32, #tpu.memory_space<hbm>>, %arg5: memref<2x10240x48xf32, #tpu.memory_space<hbm>>, %arg6: memref<160x128xi32, #tpu.memory_space<vmem>>, %arg7: memref<160x128xi32, #tpu.memory_space<vmem>>, %arg8: memref<128x48xf32, #tpu.memory_space<vmem>>, %arg9: memref<128x48xf32, #tpu.memory_space<vmem>>, %arg10: memref<128x48xf32, #tpu.memory_space<vmem>>, %arg11: memref<128x48xf32, #tpu.memory_space<vmem>>, %arg12: memref<10000x48xf32, #tpu.memory_space<vmem_shared>>, %arg13: memref<10240x48xf32, #tpu.memory_space<vmem_shared>>, %arg14: memref<!tpu.dma_semaphore, #tpu.memory_space<semaphore_mem>>, %arg15: memref<!tpu.dma_semaphore, #tpu.memory_space<semaphore_mem>>, %arg16: memref<!tpu.dma_semaphore, #tpu.memory_space<semaphore_mem>>, %arg17: memref<!tpu.dma_semaphore, #tpu.memory_space<semaphore_mem>>, %arg18: memref<!tpu.dma_semaphore, #tpu.memory_space<semaphore_mem>>, %arg19: memref<!tpu.dma_semaphore, #tpu.memory_space<semaphore_mem>>, %arg20: memref<!tpu.dma_semaphore, #tpu.memory_space<semaphore_mem>>, %arg21: memref<!tpu.dma_semaphore, #tpu.memory_space<semaphore_mem>>) attributes {dimension_semantics = [#tpu.dimension_semantics<core_parallel>, #tpu.dimension_semantics<subcore_parallel>], iteration_bounds = array<i64: 2, 16>, scalar_prefetch = 0 : i64, scratch_operands = 16 : i64, tpu.core_type = #tpu.core_type<sc_vector_subcore>, window_params = [{transform_indices = #map}, {transform_indices = #map1}, {transform_indices = #map1}, {transform_indices = #map1}]} {
    %mul3A = arith.constant 10000 : i32
    %mul3A_0 = arith.muli %arg0, %mul3A : i32
    %mul3A_1 = arith.constant 625 : i32
    %mul3A_2 = arith.muli %arg1, %mul3A_1 : i32
    %add3A = arith.addi %mul3A_0, %mul3A_2 : i32
    %mul3A_3 = arith.constant 625 : i32
    %mul3A_4 = arith.muli %arg1, %mul3A_3 : i32
    "tpu.region"() ({
      %run_scoped3A = tpu.sem_alloc : memref<!tpu.dma_semaphore, #tpu.memory_space<semaphore_mem>>
      %dma_start3A_84 = arith.constant 0 : i32
      %dma_start3A_85 = tpu.memref_slice %arg12[%mul3A_4, %dma_start3A_84] : memref<10000x48xf32, #tpu.memory_space<vmem_shared>> -> memref<625x48xf32, #tpu.memory_space<vmem_shared>>
      %dma_start3A_86 = arith.constant 0 : i32
      %dma_start3A_87 = tpu.memref_slice %arg2[%add3A, %dma_start3A_86] : memref<20000x48xf32, #tpu.memory_space<hbm>> -> memref<625x48xf32, #tpu.memory_space<hbm>>
      tpu.enqueue_dma source(%dma_start3A_87 : memref<625x48xf32, #tpu.memory_space<hbm>>) target(%dma_start3A_85 : memref<625x48xf32, #tpu.memory_space<vmem_shared>>) target_semaphore(%run_scoped3A : memref<!tpu.dma_semaphore, #tpu.memory_space<semaphore_mem>>)
      %dma_wait3A = arith.constant 0 : i32
      %dma_wait3A_88 = tpu.memref_slice %arg12[%mul3A_4, %dma_wait3A] : memref<10000x48xf32, #tpu.memory_space<vmem_shared>> -> memref<625x48xf32, #tpu.memory_space<vmem_shared>>
      %dma_wait3A_89 = arith.constant 0 : i32
      %dma_wait3A_90 = tpu.memref_slice %arg2[%add3A, %dma_wait3A_89] : memref<20000x48xf32, #tpu.memory_space<hbm>> -> memref<625x48xf32, #tpu.memory_space<hbm>>
      tpu.wait_dma2 semaphore(%run_scoped3A : memref<!tpu.dma_semaphore, #tpu.memory_space<semaphore_mem>>) src(%dma_wait3A_90 : memref<625x48xf32, #tpu.memory_space<hbm>>) dst(%dma_wait3A_88 : memref<625x48xf32, #tpu.memory_space<vmem_shared>>)
      tpu.yield
    }) : () -> ()
    %scan3A = arith.constant 0 : i32
    %scan3A_5 = arith.constant 0 : i32
    %scan3A_6 = arith.constant 128 : i32
    %scan3A_7 = arith.addi %scan3A_5, %scan3A_6 : i32
    %scan3A_8 = arith.constant 1 : i32
    scf.for %scan3A_84 = %scan3A_5 to %scan3A_7 step %scan3A_8  : i32 {
      %broadcast_in_dim3A = arith.constant 0.000000e+00 : f32
      %broadcast_in_dim3A_85 = vector.broadcast %broadcast_in_dim3A : f32 to vector<16xf32>
      %swap3A = arith.index_cast %scan3A_84 : i32 to index
      %swap3A_86 = arith.constant 0 : index
      %swap3A_87 = tpu.vector_load %arg8[%swap3A, %swap3A_86] {strides = array<i32>} : memref<128x48xf32, #tpu.memory_space<vmem>>, vector<16xf32>,
      tpu.vector_store %arg8[%swap3A, %swap3A_86], %broadcast_in_dim3A_85 {strides = array<i32>} : memref<128x48xf32, #tpu.memory_space<vmem>>, vector<16xf32>,
      %broadcast_in_dim3A_88 = arith.constant 0.000000e+00 : f32
      %broadcast_in_dim3A_89 = vector.broadcast %broadcast_in_dim3A_88 : f32 to vector<16xf32>
      %swap3A_90 = arith.index_cast %scan3A_84 : i32 to index
      %swap3A_91 = arith.constant 16 : index
      %swap3A_92 = tpu.vector_load %arg8[%swap3A_90, %swap3A_91] {strides = array<i32>} : memref<128x48xf32, #tpu.memory_space<vmem>>, vector<16xf32>,
      tpu.vector_store %arg8[%swap3A_90, %swap3A_91], %broadcast_in_dim3A_89 {strides = array<i32>} : memref<128x48xf32, #tpu.memory_space<vmem>>, vector<16xf32>,
      %broadcast_in_dim3A_93 = arith.constant 0.000000e+00 : f32
      %broadcast_in_dim3A_94 = vector.broadcast %broadcast_in_dim3A_93 : f32 to vector<16xf32>
      %swap3A_95 = arith.index_cast %scan3A_84 : i32 to index
      %swap3A_96 = arith.constant 32 : index
      %swap3A_97 = tpu.vector_load %arg8[%swap3A_95, %swap3A_96] {strides = array<i32>} : memref<128x48xf32, #tpu.memory_space<vmem>>, vector<16xf32>,
      tpu.vector_store %arg8[%swap3A_95, %swap3A_96], %broadcast_in_dim3A_94 {strides = array<i32>} : memref<128x48xf32, #tpu.memory_space<vmem>>, vector<16xf32>,
    }
    %scan3A_9 = arith.constant 128 : i32
    %mul3A_10 = arith.constant 640 : i32
    %mul3A_11 = arith.muli %arg1, %mul3A_10 : i32
    %add3A_12 = arith.constant 0 : i32
    %add3A_13 = arith.addi %mul3A_11, %add3A_12 : i32
    "tpu.region"() ({
      %run_scoped3A = tpu.sem_alloc : memref<!tpu.dma_semaphore, #tpu.memory_space<semaphore_mem>>
      %dma_start3A_84 = arith.constant 0 : i32
      %dma_start3A_85 = tpu.memref_slice %arg13[%add3A_13, %dma_start3A_84] : memref<10240x48xf32, #tpu.memory_space<vmem_shared>> -> memref<128x48xf32, #tpu.memory_space<vmem_shared>>
      %dma_start3A_86 = arith.constant 0 : i32
      %dma_start3A_87 = tpu.memref_slice %arg13[%add3A_13, %dma_start3A_86] : memref<10240x48xf32, #tpu.memory_space<vmem_shared>> -> memref<128x48xf32, #tpu.memory_space<vmem_shared>>
      tpu.enqueue_dma source(%arg8 : memref<128x48xf32, #tpu.memory_space<vmem>>) target(%dma_start3A_87 : memref<128x48xf32, #tpu.memory_space<vmem_shared>>) target_semaphore(%run_scoped3A : memref<!tpu.dma_semaphore, #tpu.memory_space<semaphore_mem>>)
      %dma_wait3A = arith.constant 0 : i32
      %dma_wait3A_88 = tpu.memref_slice %arg13[%add3A_13, %dma_wait3A] : memref<10240x48xf32, #tpu.memory_space<vmem_shared>> -> memref<128x48xf32, #tpu.memory_space<vmem_shared>>
      %dma_wait3A_89 = arith.constant 0 : i32
      %dma_wait3A_90 = tpu.memref_slice %arg13[%add3A_13, %dma_wait3A_89] : memref<10240x48xf32, #tpu.memory_space<vmem_shared>> -> memref<128x48xf32, #tpu.memory_space<vmem_shared>>
      tpu.wait_dma2 semaphore(%run_scoped3A : memref<!tpu.dma_semaphore, #tpu.memory_space<semaphore_mem>>) src(%arg8 : memref<128x48xf32, #tpu.memory_space<vmem>>) dst(%dma_wait3A_90 : memref<128x48xf32, #tpu.memory_space<vmem_shared>>)
      tpu.yield
    }) : () -> ()
    %mul3A_14 = arith.constant 640 : i32
    %mul3A_15 = arith.muli %arg1, %mul3A_14 : i32
    %add3A_16 = arith.constant 128 : i32
    %add3A_17 = arith.addi %mul3A_15, %add3A_16 : i32
    "tpu.region"() ({
      %run_scoped3A = tpu.sem_alloc : memref<!tpu.dma_semaphore, #tpu.memory_space<semaphore_mem>>
      %dma_start3A_84 = arith.constant 0 : i32
      %dma_start3A_85 = tpu.memref_slice %arg13[%add3A_17, %dma_start3A_84] : memref<10240x48xf32, #tpu.memory_space<vmem_shared>> -> memref<128x48xf32, #tpu.memory_space<vmem_shared>>
      %dma_start3A_86 = arith.constant 0 : i32
      %dma_start3A_87 = tpu.memref_slice %arg13[%add3A_17, %dma_start3A_86] : memref<10240x48xf32, #tpu.memory_space<vmem_shared>> -> memref<128x48xf32, #tpu.memory_space<vmem_shared>>
      tpu.enqueue_dma source(%arg8 : memref<128x48xf32, #tpu.memory_space<vmem>>) target(%dma_start3A_87 : memref<128x48xf32, #tpu.memory_space<vmem_shared>>) target_semaphore(%run_scoped3A : memref<!tpu.dma_semaphore, #tpu.memory_space<semaphore_mem>>)
      %dma_wait3A = arith.constant 0 : i32
      %dma_wait3A_88 = tpu.memref_slice %arg13[%add3A_17, %dma_wait3A] : memref<10240x48xf32, #tpu.memory_space<vmem_shared>> -> memref<128x48xf32, #tpu.memory_space<vmem_shared>>
      %dma_wait3A_89 = arith.constant 0 : i32
      %dma_wait3A_90 = tpu.memref_slice %arg13[%add3A_17, %dma_wait3A_89] : memref<10240x48xf32, #tpu.memory_space<vmem_shared>> -> memref<128x48xf32, #tpu.memory_space<vmem_shared>>
      tpu.wait_dma2 semaphore(%run_scoped3A : memref<!tpu.dma_semaphore, #tpu.memory_space<semaphore_mem>>) src(%arg8 : memref<128x48xf32, #tpu.memory_space<vmem>>) dst(%dma_wait3A_90 : memref<128x48xf32, #tpu.memory_space<vmem_shared>>)
      tpu.yield
    }) : () -> ()
    %mul3A_18 = arith.constant 640 : i32
    %mul3A_19 = arith.muli %arg1, %mul3A_18 : i32
    %add3A_20 = arith.constant 256 : i32
    %add3A_21 = arith.addi %mul3A_19, %add3A_20 : i32
    "tpu.region"() ({
      %run_scoped3A = tpu.sem_alloc : memref<!tpu.dma_semaphore, #tpu.memory_space<semaphore_mem>>
      %dma_start3A_84 = arith.constant 0 : i32
      %dma_start3A_85 = tpu.memref_slice %arg13[%add3A_21, %dma_start3A_84] : memref<10240x48xf32, #tpu.memory_space<vmem_shared>> -> memref<128x48xf32, #tpu.memory_space<vmem_shared>>
      %dma_start3A_86 = arith.constant 0 : i32
      %dma_start3A_87 = tpu.memref_slice %arg13[%add3A_21, %dma_start3A_86] : memref<10240x48xf32, #tpu.memory_space<vmem_shared>> -> memref<128x48xf32, #tpu.memory_space<vmem_shared>>
      tpu.enqueue_dma source(%arg8 : memref<128x48xf32, #tpu.memory_space<vmem>>) target(%dma_start3A_87 : memref<128x48xf32, #tpu.memory_space<vmem_shared>>) target_semaphore(%run_scoped3A : memref<!tpu.dma_semaphore, #tpu.memory_space<semaphore_mem>>)
      %dma_wait3A = arith.constant 0 : i32
      %dma_wait3A_88 = tpu.memref_slice %arg13[%add3A_21, %dma_wait3A] : memref<10240x48xf32, #tpu.memory_space<vmem_shared>> -> memref<128x48xf32, #tpu.memory_space<vmem_shared>>
      %dma_wait3A_89 = arith.constant 0 : i32
      %dma_wait3A_90 = tpu.memref_slice %arg13[%add3A_21, %dma_wait3A_89] : memref<10240x48xf32, #tpu.memory_space<vmem_shared>> -> memref<128x48xf32, #tpu.memory_space<vmem_shared>>
      tpu.wait_dma2 semaphore(%run_scoped3A : memref<!tpu.dma_semaphore, #tpu.memory_space<semaphore_mem>>) src(%arg8 : memref<128x48xf32, #tpu.memory_space<vmem>>) dst(%dma_wait3A_90 : memref<128x48xf32, #tpu.memory_space<vmem_shared>>)
      tpu.yield
    }) : () -> ()
    %mul3A_22 = arith.constant 640 : i32
    %mul3A_23 = arith.muli %arg1, %mul3A_22 : i32
    %add3A_24 = arith.constant 384 : i32
    %add3A_25 = arith.addi %mul3A_23, %add3A_24 : i32
    "tpu.region"() ({
      %run_scoped3A = tpu.sem_alloc : memref<!tpu.dma_semaphore, #tpu.memory_space<semaphore_mem>>
      %dma_start3A_84 = arith.constant 0 : i32
      %dma_start3A_85 = tpu.memref_slice %arg13[%add3A_25, %dma_start3A_84] : memref<10240x48xf32, #tpu.memory_space<vmem_shared>> -> memref<128x48xf32, #tpu.memory_space<vmem_shared>>
      %dma_start3A_86 = arith.constant 0 : i32
      %dma_start3A_87 = tpu.memref_slice %arg13[%add3A_25, %dma_start3A_86] : memref<10240x48xf32, #tpu.memory_space<vmem_shared>> -> memref<128x48xf32, #tpu.memory_space<vmem_shared>>
      tpu.enqueue_dma source(%arg8 : memref<128x48xf32, #tpu.memory_space<vmem>>) target(%dma_start3A_87 : memref<128x48xf32, #tpu.memory_space<vmem_shared>>) target_semaphore(%run_scoped3A : memref<!tpu.dma_semaphore, #tpu.memory_space<semaphore_mem>>)
      %dma_wait3A = arith.constant 0 : i32
      %dma_wait3A_88 = tpu.memref_slice %arg13[%add3A_25, %dma_wait3A] : memref<10240x48xf32, #tpu.memory_space<vmem_shared>> -> memref<128x48xf32, #tpu.memory_space<vmem_shared>>
      %dma_wait3A_89 = arith.constant 0 : i32
      %dma_wait3A_90 = tpu.memref_slice %arg13[%add3A_25, %dma_wait3A_89] : memref<10240x48xf32, #tpu.memory_space<vmem_shared>> -> memref<128x48xf32, #tpu.memory_space<vmem_shared>>
      tpu.wait_dma2 semaphore(%run_scoped3A : memref<!tpu.dma_semaphore, #tpu.memory_space<semaphore_mem>>) src(%arg8 : memref<128x48xf32, #tpu.memory_space<vmem>>) dst(%dma_wait3A_90 : memref<128x48xf32, #tpu.memory_space<vmem_shared>>)
      tpu.yield
    }) : () -> ()
    %mul3A_26 = arith.constant 640 : i32
    %mul3A_27 = arith.muli %arg1, %mul3A_26 : i32
    %add3A_28 = arith.constant 512 : i32
    %add3A_29 = arith.addi %mul3A_27, %add3A_28 : i32
    "tpu.region"() ({
      %run_scoped3A = tpu.sem_alloc : memref<!tpu.dma_semaphore, #tpu.memory_space<semaphore_mem>>
      %dma_start3A_84 = arith.constant 0 : i32
      %dma_start3A_85 = tpu.memref_slice %arg13[%add3A_29, %dma_start3A_84] : memref<10240x48xf32, #tpu.memory_space<vmem_shared>> -> memref<128x48xf32, #tpu.memory_space<vmem_shared>>
      %dma_start3A_86 = arith.constant 0 : i32
      %dma_start3A_87 = tpu.memref_slice %arg13[%add3A_29, %dma_start3A_86] : memref<10240x48xf32, #tpu.memory_space<vmem_shared>> -> memref<128x48xf32, #tpu.memory_space<vmem_shared>>
      tpu.enqueue_dma source(%arg8 : memref<128x48xf32, #tpu.memory_space<vmem>>) target(%dma_start3A_87 : memref<128x48xf32, #tpu.memory_space<vmem_shared>>) target_semaphore(%run_scoped3A : memref<!tpu.dma_semaphore, #tpu.memory_space<semaphore_mem>>)
      %dma_wait3A = arith.constant 0 : i32
      %dma_wait3A_88 = tpu.memref_slice %arg13[%add3A_29, %dma_wait3A] : memref<10240x48xf32, #tpu.memory_space<vmem_shared>> -> memref<128x48xf32, #tpu.memory_space<vmem_shared>>
      %dma_wait3A_89 = arith.constant 0 : i32
      %dma_wait3A_90 = tpu.memref_slice %arg13[%add3A_29, %dma_wait3A_89] : memref<10240x48xf32, #tpu.memory_space<vmem_shared>> -> memref<128x48xf32, #tpu.memory_space<vmem_shared>>
      tpu.wait_dma2 semaphore(%run_scoped3A : memref<!tpu.dma_semaphore, #tpu.memory_space<semaphore_mem>>) src(%arg8 : memref<128x48xf32, #tpu.memory_space<vmem>>) dst(%dma_wait3A_90 : memref<128x48xf32, #tpu.memory_space<vmem_shared>>)
      tpu.yield
    }) : () -> ()
    "tpu.region"() ({
      %run_scoped3A = tpu.sem_alloc : memref<!tpu.dma_semaphore, #tpu.memory_space<semaphore_mem>>
      %dma_start3A_84 = arith.constant 0 : i32
      %dma_start3A_85 = arith.constant 0 : i32
      %dma_start3A_86 = tpu.memref_slice %arg3[%arg1, %dma_start3A_84, %dma_start3A_85] : memref<16x160x128xi32, #tpu.memory_space<hbm>> -> memref<1x160x128xi32, #tpu.memory_space<hbm>>
      %dma_start3A_87 = tpu.memref_squeeze %dma_start3A_86 : memref<1x160x128xi32, #tpu.memory_space<hbm>> -> memref<160x128xi32, #tpu.memory_space<hbm>>
      %dma_start3A_88 = arith.constant 0 : i32
      %dma_start3A_89 = arith.constant 0 : i32
      %dma_start3A_90 = tpu.memref_slice %arg3[%arg1, %dma_start3A_88, %dma_start3A_89] : memref<16x160x128xi32, #tpu.memory_space<hbm>> -> memref<1x160x128xi32, #tpu.memory_space<hbm>>
      %dma_start3A_91 = tpu.memref_squeeze %dma_start3A_90 : memref<1x160x128xi32, #tpu.memory_space<hbm>> -> memref<160x128xi32, #tpu.memory_space<hbm>>
      tpu.enqueue_dma source(%dma_start3A_91 : memref<160x128xi32, #tpu.memory_space<hbm>>) target(%arg6 : memref<160x128xi32, #tpu.memory_space<vmem>>) target_semaphore(%run_scoped3A : memref<!tpu.dma_semaphore, #tpu.memory_space<semaphore_mem>>)
      %dma_wait3A = arith.constant 0 : i32
      %dma_wait3A_92 = arith.constant 0 : i32
      %dma_wait3A_93 = tpu.memref_slice %arg3[%arg1, %dma_wait3A, %dma_wait3A_92] : memref<16x160x128xi32, #tpu.memory_space<hbm>> -> memref<1x160x128xi32, #tpu.memory_space<hbm>>
      %dma_wait3A_94 = tpu.memref_squeeze %dma_wait3A_93 : memref<1x160x128xi32, #tpu.memory_space<hbm>> -> memref<160x128xi32, #tpu.memory_space<hbm>>
      %dma_wait3A_95 = arith.constant 0 : i32
      %dma_wait3A_96 = arith.constant 0 : i32
      %dma_wait3A_97 = tpu.memref_slice %arg3[%arg1, %dma_wait3A_95, %dma_wait3A_96] : memref<16x160x128xi32, #tpu.memory_space<hbm>> -> memref<1x160x128xi32, #tpu.memory_space<hbm>>
      %dma_wait3A_98 = tpu.memref_squeeze %dma_wait3A_97 : memref<1x160x128xi32, #tpu.memory_space<hbm>> -> memref<160x128xi32, #tpu.memory_space<hbm>>
      tpu.wait_dma2 semaphore(%run_scoped3A : memref<!tpu.dma_semaphore, #tpu.memory_space<semaphore_mem>>) src(%dma_wait3A_98 : memref<160x128xi32, #tpu.memory_space<hbm>>) dst(%arg6 : memref<160x128xi32, #tpu.memory_space<vmem>>)
      tpu.yield
    }) : () -> ()
    "tpu.region"() ({
      %run_scoped3A = tpu.sem_alloc : memref<!tpu.dma_semaphore, #tpu.memory_space<semaphore_mem>>
      %dma_start3A_84 = arith.constant 0 : i32
      %dma_start3A_85 = arith.constant 0 : i32
      %dma_start3A_86 = tpu.memref_slice %arg4[%arg1, %dma_start3A_84, %dma_start3A_85] : memref<16x160x128xi32, #tpu.memory_space<hbm>> -> memref<1x160x128xi32, #tpu.memory_space<hbm>>
      %dma_start3A_87 = tpu.memref_squeeze %dma_start3A_86 : memref<1x160x128xi32, #tpu.memory_space<hbm>> -> memref<160x128xi32, #tpu.memory_space<hbm>>
      %dma_start3A_88 = arith.constant 0 : i32
      %dma_start3A_89 = arith.constant 0 : i32
      %dma_start3A_90 = tpu.memref_slice %arg4[%arg1, %dma_start3A_88, %dma_start3A_89] : memref<16x160x128xi32, #tpu.memory_space<hbm>> -> memref<1x160x128xi32, #tpu.memory_space<hbm>>
      %dma_start3A_91 = tpu.memref_squeeze %dma_start3A_90 : memref<1x160x128xi32, #tpu.memory_space<hbm>> -> memref<160x128xi32, #tpu.memory_space<hbm>>
      tpu.enqueue_dma source(%dma_start3A_91 : memref<160x128xi32, #tpu.memory_space<hbm>>) target(%arg7 : memref<160x128xi32, #tpu.memory_space<vmem>>) target_semaphore(%run_scoped3A : memref<!tpu.dma_semaphore, #tpu.memory_space<semaphore_mem>>)
      %dma_wait3A = arith.constant 0 : i32
      %dma_wait3A_92 = arith.constant 0 : i32
      %dma_wait3A_93 = tpu.memref_slice %arg4[%arg1, %dma_wait3A, %dma_wait3A_92] : memref<16x160x128xi32, #tpu.memory_space<hbm>> -> memref<1x160x128xi32, #tpu.memory_space<hbm>>
      %dma_wait3A_94 = tpu.memref_squeeze %dma_wait3A_93 : memref<1x160x128xi32, #tpu.memory_space<hbm>> -> memref<160x128xi32, #tpu.memory_space<hbm>>
      %dma_wait3A_95 = arith.constant 0 : i32
      %dma_wait3A_96 = arith.constant 0 : i32
      %dma_wait3A_97 = tpu.memref_slice %arg4[%arg1, %dma_wait3A_95, %dma_wait3A_96] : memref<16x160x128xi32, #tpu.memory_space<hbm>> -> memref<1x160x128xi32, #tpu.memory_space<hbm>>
      %dma_wait3A_98 = tpu.memref_squeeze %dma_wait3A_97 : memref<1x160x128xi32, #tpu.memory_space<hbm>> -> memref<160x128xi32, #tpu.memory_space<hbm>>
      tpu.wait_dma2 semaphore(%run_scoped3A : memref<!tpu.dma_semaphore, #tpu.memory_space<semaphore_mem>>) src(%dma_wait3A_98 : memref<160x128xi32, #tpu.memory_space<hbm>>) dst(%arg7 : memref<160x128xi32, #tpu.memory_space<vmem>>)
      tpu.yield
    }) : () -> ()
    %barrier3A = arith.constant 0 : index
    tpu.barrier barrier_id(%barrier3A)
    %dma_start3A = arith.constant 0 : i32
    %dma_start3A_30 = arith.constant 0 : i32
    %dma_start3A_31 = tpu.memref_slice %arg6[%dma_start3A, %dma_start3A_30] : memref<160x128xi32, #tpu.memory_space<vmem>> -> memref<1x128xi32, #tpu.memory_space<vmem>>
    %dma_start3A_32 = tpu.memref_squeeze %dma_start3A_31 : memref<1x128xi32, #tpu.memory_space<vmem>> -> memref<128xi32, #tpu.memory_space<vmem>>
    %dma_start3A_33 = arith.constant 0 : i32
    %dma_start3A_34 = arith.constant 0 : i32
    %dma_start3A_35 = tpu.memref_slice %arg12[%dma_start3A_33, %dma_start3A_34] : memref<10000x48xf32, #tpu.memory_space<vmem_shared>> -> memref<10000x48xf32, #tpu.memory_space<vmem_shared>>
    tpu.enqueue_indirect_dma source(%dma_start3A_35 : memref<10000x48xf32, #tpu.memory_space<vmem_shared>>) target(%arg8 : memref<128x48xf32, #tpu.memory_space<vmem>>) offsets(%dma_start3A_32 : memref<128xi32, #tpu.memory_space<vmem>>) semaphore(%arg14 : memref<!tpu.dma_semaphore, #tpu.memory_space<semaphore_mem>>)
    %dma_start3A_36 = arith.constant 1 : i32
    %dma_start3A_37 = arith.constant 0 : i32
    %dma_start3A_38 = tpu.memref_slice %arg6[%dma_start3A_36, %dma_start3A_37] : memref<160x128xi32, #tpu.memory_space<vmem>> -> memref<1x128xi32, #tpu.memory_space<vmem>>
    %dma_start3A_39 = tpu.memref_squeeze %dma_start3A_38 : memref<1x128xi32, #tpu.memory_space<vmem>> -> memref<128xi32, #tpu.memory_space<vmem>>
    %dma_start3A_40 = arith.constant 0 : i32
    %dma_start3A_41 = arith.constant 0 : i32
    %dma_start3A_42 = tpu.memref_slice %arg12[%dma_start3A_40, %dma_start3A_41] : memref<10000x48xf32, #tpu.memory_space<vmem_shared>> -> memref<10000x48xf32, #tpu.memory_space<vmem_shared>>
    tpu.enqueue_indirect_dma source(%dma_start3A_42 : memref<10000x48xf32, #tpu.memory_space<vmem_shared>>) target(%arg9 : memref<128x48xf32, #tpu.memory_space<vmem>>) offsets(%dma_start3A_39 : memref<128xi32, #tpu.memory_space<vmem>>) semaphore(%arg15 : memref<!tpu.dma_semaphore, #tpu.memory_space<semaphore_mem>>)
    %dma_start3A_43 = arith.constant 2 : i32
    %dma_start3A_44 = arith.constant 0 : i32
    %dma_start3A_45 = tpu.memref_slice %arg6[%dma_start3A_43, %dma_start3A_44] : memref<160x128xi32, #tpu.memory_space<vmem>> -> memref<1x128xi32, #tpu.memory_space<vmem>>
    %dma_start3A_46 = tpu.memref_squeeze %dma_start3A_45 : memref<1x128xi32, #tpu.memory_space<vmem>> -> memref<128xi32, #tpu.memory_space<vmem>>
    %dma_start3A_47 = arith.constant 0 : i32
    %dma_start3A_48 = arith.constant 0 : i32
    %dma_start3A_49 = tpu.memref_slice %arg12[%dma_start3A_47, %dma_start3A_48] : memref<10000x48xf32, #tpu.memory_space<vmem_shared>> -> memref<10000x48xf32, #tpu.memory_space<vmem_shared>>
    tpu.enqueue_indirect_dma source(%dma_start3A_49 : memref<10000x48xf32, #tpu.memory_space<vmem_shared>>) target(%arg10 : memref<128x48xf32, #tpu.memory_space<vmem>>) offsets(%dma_start3A_46 : memref<128xi32, #tpu.memory_space<vmem>>) semaphore(%arg16 : memref<!tpu.dma_semaphore, #tpu.memory_space<semaphore_mem>>)
    %dma_start3A_50 = arith.constant 3 : i32
    %dma_start3A_51 = arith.constant 0 : i32
    %dma_start3A_52 = tpu.memref_slice %arg6[%dma_start3A_50, %dma_start3A_51] : memref<160x128xi32, #tpu.memory_space<vmem>> -> memref<1x128xi32, #tpu.memory_space<vmem>>
    %dma_start3A_53 = tpu.memref_squeeze %dma_start3A_52 : memref<1x128xi32, #tpu.memory_space<vmem>> -> memref<128xi32, #tpu.memory_space<vmem>>
    %dma_start3A_54 = arith.constant 0 : i32
    %dma_start3A_55 = arith.constant 0 : i32
    %dma_start3A_56 = tpu.memref_slice %arg12[%dma_start3A_54, %dma_start3A_55] : memref<10000x48xf32, #tpu.memory_space<vmem_shared>> -> memref<10000x48xf32, #tpu.memory_space<vmem_shared>>
    tpu.enqueue_indirect_dma source(%dma_start3A_56 : memref<10000x48xf32, #tpu.memory_space<vmem_shared>>) target(%arg11 : memref<128x48xf32, #tpu.memory_space<vmem>>) offsets(%dma_start3A_53 : memref<128xi32, #tpu.memory_space<vmem>>) semaphore(%arg17 : memref<!tpu.dma_semaphore, #tpu.memory_space<semaphore_mem>>)
    %scan3A_57 = arith.constant 0 : i32
    %scan3A_58 = arith.constant 0 : i32
    %scan3A_59 = arith.constant 40 : i32
    %scan3A_60 = arith.addi %scan3A_58, %scan3A_59 : i32
    %scan3A_61 = arith.constant 1 : i32
    scf.for %scan3A_84 = %scan3A_58 to %scan3A_60 step %scan3A_61  : i32 {
      %mul3A_85 = arith.constant 4 : i32
      %mul3A_86 = arith.muli %scan3A_84, %mul3A_85 : i32
      %add3A_87 = arith.constant 0 : i32
      %add3A_88 = arith.addi %mul3A_86, %add3A_87 : i32
      %dma_wait3A = arith.constant 0 : i32
      %dma_wait3A_89 = tpu.memref_slice %arg6[%add3A_88, %dma_wait3A] : memref<160x128xi32, #tpu.memory_space<vmem>> -> memref<1x128xi32, #tpu.memory_space<vmem>>
      %dma_wait3A_90 = tpu.memref_squeeze %dma_wait3A_89 : memref<1x128xi32, #tpu.memory_space<vmem>> -> memref<128xi32, #tpu.memory_space<vmem>>
      %dma_wait3A_91 = arith.constant 0 : i32
      %dma_wait3A_92 = arith.constant 0 : i32
      %dma_wait3A_93 = tpu.memref_slice %arg12[%dma_wait3A_91, %dma_wait3A_92] : memref<10000x48xf32, #tpu.memory_space<vmem_shared>> -> memref<10000x48xf32, #tpu.memory_space<vmem_shared>>
      tpu.wait_indirect_dma semaphore(%arg14 : memref<!tpu.dma_semaphore, #tpu.memory_space<semaphore_mem>>) src(%dma_wait3A_93 : memref<10000x48xf32, #tpu.memory_space<vmem_shared>>) dst(%arg8 : memref<128x48xf32, #tpu.memory_space<vmem>>)
      %dma_start3A_94 = arith.constant 0 : i32
      %dma_start3A_95 = tpu.memref_slice %arg7[%add3A_88, %dma_start3A_94] : memref<160x128xi32, #tpu.memory_space<vmem>> -> memref<1x128xi32, #tpu.memory_space<vmem>>
      %dma_start3A_96 = tpu.memref_squeeze %dma_start3A_95 : memref<1x128xi32, #tpu.memory_space<vmem>> -> memref<128xi32, #tpu.memory_space<vmem>>
      %dma_start3A_97 = arith.constant 0 : i32
      %dma_start3A_98 = arith.constant 0 : i32
      %dma_start3A_99 = tpu.memref_slice %arg13[%dma_start3A_97, %dma_start3A_98] : memref<10240x48xf32, #tpu.memory_space<vmem_shared>> -> memref<10240x48xf32, #tpu.memory_space<vmem_shared>>
      tpu.enqueue_indirect_dma source(%arg8 : memref<128x48xf32, #tpu.memory_space<vmem>>) target(%dma_start3A_99 : memref<10240x48xf32, #tpu.memory_space<vmem_shared>>) offsets(%dma_start3A_96 : memref<128xi32, #tpu.memory_space<vmem>>) semaphore(%arg18 : memref<!tpu.dma_semaphore, #tpu.memory_space<semaphore_mem>>) {add = true}
      %mul3A_100 = arith.constant 4 : i32
      %mul3A_101 = arith.muli %scan3A_84, %mul3A_100 : i32
      %add3A_102 = arith.constant 1 : i32
      %add3A_103 = arith.addi %mul3A_101, %add3A_102 : i32
      %dma_wait3A_104 = arith.constant 0 : i32
      %dma_wait3A_105 = tpu.memref_slice %arg6[%add3A_103, %dma_wait3A_104] : memref<160x128xi32, #tpu.memory_space<vmem>> -> memref<1x128xi32, #tpu.memory_space<vmem>>
      %dma_wait3A_106 = tpu.memref_squeeze %dma_wait3A_105 : memref<1x128xi32, #tpu.memory_space<vmem>> -> memref<128xi32, #tpu.memory_space<vmem>>
      %dma_wait3A_107 = arith.constant 0 : i32
      %dma_wait3A_108 = arith.constant 0 : i32
      %dma_wait3A_109 = tpu.memref_slice %arg12[%dma_wait3A_107, %dma_wait3A_108] : memref<10000x48xf32, #tpu.memory_space<vmem_shared>> -> memref<10000x48xf32, #tpu.memory_space<vmem_shared>>
      tpu.wait_indirect_dma semaphore(%arg15 : memref<!tpu.dma_semaphore, #tpu.memory_space<semaphore_mem>>) src(%dma_wait3A_109 : memref<10000x48xf32, #tpu.memory_space<vmem_shared>>) dst(%arg9 : memref<128x48xf32, #tpu.memory_space<vmem>>)
      %dma_start3A_110 = arith.constant 0 : i32
      %dma_start3A_111 = tpu.memref_slice %arg7[%add3A_103, %dma_start3A_110] : memref<160x128xi32, #tpu.memory_space<vmem>> -> memref<1x128xi32, #tpu.memory_space<vmem>>
      %dma_start3A_112 = tpu.memref_squeeze %dma_start3A_111 : memref<1x128xi32, #tpu.memory_space<vmem>> -> memref<128xi32, #tpu.memory_space<vmem>>
      %dma_start3A_113 = arith.constant 0 : i32
      %dma_start3A_114 = arith.constant 0 : i32
      %dma_start3A_115 = tpu.memref_slice %arg13[%dma_start3A_113, %dma_start3A_114] : memref<10240x48xf32, #tpu.memory_space<vmem_shared>> -> memref<10240x48xf32, #tpu.memory_space<vmem_shared>>
      tpu.enqueue_indirect_dma source(%arg9 : memref<128x48xf32, #tpu.memory_space<vmem>>) target(%dma_start3A_115 : memref<10240x48xf32, #tpu.memory_space<vmem_shared>>) offsets(%dma_start3A_112 : memref<128xi32, #tpu.memory_space<vmem>>) semaphore(%arg19 : memref<!tpu.dma_semaphore, #tpu.memory_space<semaphore_mem>>) {add = true}
      %mul3A_116 = arith.constant 4 : i32
      %mul3A_117 = arith.muli %scan3A_84, %mul3A_116 : i32
      %add3A_118 = arith.constant 2 : i32
      %add3A_119 = arith.addi %mul3A_117, %add3A_118 : i32
      %dma_wait3A_120 = arith.constant 0 : i32
      %dma_wait3A_121 = tpu.memref_slice %arg6[%add3A_119, %dma_wait3A_120] : memref<160x128xi32, #tpu.memory_space<vmem>> -> memref<1x128xi32, #tpu.memory_space<vmem>>
      %dma_wait3A_122 = tpu.memref_squeeze %dma_wait3A_121 : memref<1x128xi32, #tpu.memory_space<vmem>> -> memref<128xi32, #tpu.memory_space<vmem>>
      %dma_wait3A_123 = arith.constant 0 : i32
      %dma_wait3A_124 = arith.constant 0 : i32
      %dma_wait3A_125 = tpu.memref_slice %arg12[%dma_wait3A_123, %dma_wait3A_124] : memref<10000x48xf32, #tpu.memory_space<vmem_shared>> -> memref<10000x48xf32, #tpu.memory_space<vmem_shared>>
      tpu.wait_indirect_dma semaphore(%arg16 : memref<!tpu.dma_semaphore, #tpu.memory_space<semaphore_mem>>) src(%dma_wait3A_125 : memref<10000x48xf32, #tpu.memory_space<vmem_shared>>) dst(%arg10 : memref<128x48xf32, #tpu.memory_space<vmem>>)
      %dma_start3A_126 = arith.constant 0 : i32
      %dma_start3A_127 = tpu.memref_slice %arg7[%add3A_119, %dma_start3A_126] : memref<160x128xi32, #tpu.memory_space<vmem>> -> memref<1x128xi32, #tpu.memory_space<vmem>>
      %dma_start3A_128 = tpu.memref_squeeze %dma_start3A_127 : memref<1x128xi32, #tpu.memory_space<vmem>> -> memref<128xi32, #tpu.memory_space<vmem>>
      %dma_start3A_129 = arith.constant 0 : i32
      %dma_start3A_130 = arith.constant 0 : i32
      %dma_start3A_131 = tpu.memref_slice %arg13[%dma_start3A_129, %dma_start3A_130] : memref<10240x48xf32, #tpu.memory_space<vmem_shared>> -> memref<10240x48xf32, #tpu.memory_space<vmem_shared>>
      tpu.enqueue_indirect_dma source(%arg10 : memref<128x48xf32, #tpu.memory_space<vmem>>) target(%dma_start3A_131 : memref<10240x48xf32, #tpu.memory_space<vmem_shared>>) offsets(%dma_start3A_128 : memref<128xi32, #tpu.memory_space<vmem>>) semaphore(%arg20 : memref<!tpu.dma_semaphore, #tpu.memory_space<semaphore_mem>>) {add = true}
      %mul3A_132 = arith.constant 4 : i32
      %mul3A_133 = arith.muli %scan3A_84, %mul3A_132 : i32
      %add3A_134 = arith.constant 3 : i32
      %add3A_135 = arith.addi %mul3A_133, %add3A_134 : i32
      %dma_wait3A_136 = arith.constant 0 : i32
      %dma_wait3A_137 = tpu.memref_slice %arg6[%add3A_135, %dma_wait3A_136] : memref<160x128xi32, #tpu.memory_space<vmem>> -> memref<1x128xi32, #tpu.memory_space<vmem>>
      %dma_wait3A_138 = tpu.memref_squeeze %dma_wait3A_137 : memref<1x128xi32, #tpu.memory_space<vmem>> -> memref<128xi32, #tpu.memory_space<vmem>>
      %dma_wait3A_139 = arith.constant 0 : i32
      %dma_wait3A_140 = arith.constant 0 : i32
      %dma_wait3A_141 = tpu.memref_slice %arg12[%dma_wait3A_139, %dma_wait3A_140] : memref<10000x48xf32, #tpu.memory_space<vmem_shared>> -> memref<10000x48xf32, #tpu.memory_space<vmem_shared>>
      tpu.wait_indirect_dma semaphore(%arg17 : memref<!tpu.dma_semaphore, #tpu.memory_space<semaphore_mem>>) src(%dma_wait3A_141 : memref<10000x48xf32, #tpu.memory_space<vmem_shared>>) dst(%arg11 : memref<128x48xf32, #tpu.memory_space<vmem>>)
      %dma_start3A_142 = arith.constant 0 : i32
      %dma_start3A_143 = tpu.memref_slice %arg7[%add3A_135, %dma_start3A_142] : memref<160x128xi32, #tpu.memory_space<vmem>> -> memref<1x128xi32, #tpu.memory_space<vmem>>
      %dma_start3A_144 = tpu.memref_squeeze %dma_start3A_143 : memref<1x128xi32, #tpu.memory_space<vmem>> -> memref<128xi32, #tpu.memory_space<vmem>>
      %dma_start3A_145 = arith.constant 0 : i32
      %dma_start3A_146 = arith.constant 0 : i32
      %dma_start3A_147 = tpu.memref_slice %arg13[%dma_start3A_145, %dma_start3A_146] : memref<10240x48xf32, #tpu.memory_space<vmem_shared>> -> memref<10240x48xf32, #tpu.memory_space<vmem_shared>>
      tpu.enqueue_indirect_dma source(%arg11 : memref<128x48xf32, #tpu.memory_space<vmem>>) target(%dma_start3A_147 : memref<10240x48xf32, #tpu.memory_space<vmem_shared>>) offsets(%dma_start3A_144 : memref<128xi32, #tpu.memory_space<vmem>>) semaphore(%arg21 : memref<!tpu.dma_semaphore, #tpu.memory_space<semaphore_mem>>) {add = true}
      %mul3A_148 = arith.constant 4 : i32
      %mul3A_149 = arith.muli %scan3A_84, %mul3A_148 : i32
      %add3A_150 = arith.constant 0 : i32
      %add3A_151 = arith.addi %mul3A_149, %add3A_150 : i32
      %dma_wait3A_152 = arith.constant 0 : i32
      %dma_wait3A_153 = tpu.memref_slice %arg7[%add3A_151, %dma_wait3A_152] : memref<160x128xi32, #tpu.memory_space<vmem>> -> memref<1x128xi32, #tpu.memory_space<vmem>>
      %dma_wait3A_154 = tpu.memref_squeeze %dma_wait3A_153 : memref<1x128xi32, #tpu.memory_space<vmem>> -> memref<128xi32, #tpu.memory_space<vmem>>
      %dma_wait3A_155 = arith.constant 0 : i32
      %dma_wait3A_156 = arith.constant 0 : i32
      %dma_wait3A_157 = tpu.memref_slice %arg13[%dma_wait3A_155, %dma_wait3A_156] : memref<10240x48xf32, #tpu.memory_space<vmem_shared>> -> memref<10240x48xf32, #tpu.memory_space<vmem_shared>>
      tpu.wait_indirect_dma semaphore(%arg18 : memref<!tpu.dma_semaphore, #tpu.memory_space<semaphore_mem>>) src(%arg8 : memref<128x48xf32, #tpu.memory_space<vmem>>) dst(%dma_wait3A_157 : memref<10240x48xf32, #tpu.memory_space<vmem_shared>>)
      %lt3A = arith.constant 39 : i32
      %lt3A_158 = arith.cmpi slt, %scan3A_84, %lt3A : i32
      %convert_element_type3A = arith.extui %lt3A_158 : i1 to i32
      %cond3A = arith.constant 0 : i32
      %cond3A_159 = arith.cmpi ne, %convert_element_type3A, %cond3A : i32
      scf.if %cond3A_159 {
        %add3A_205 = arith.constant 1 : i32
        %add3A_206 = arith.addi %scan3A_84, %add3A_205 : i32
        %mul3A_207 = arith.constant 4 : i32
        %mul3A_208 = arith.muli %add3A_206, %mul3A_207 : i32
        %add3A_209 = arith.constant 0 : i32
        %add3A_210 = arith.addi %mul3A_208, %add3A_209 : i32
        %dma_start3A_211 = arith.constant 0 : i32
        %dma_start3A_212 = tpu.memref_slice %arg6[%add3A_210, %dma_start3A_211] : memref<160x128xi32, #tpu.memory_space<vmem>> -> memref<1x128xi32, #tpu.memory_space<vmem>>
        %dma_start3A_213 = tpu.memref_squeeze %dma_start3A_212 : memref<1x128xi32, #tpu.memory_space<vmem>> -> memref<128xi32, #tpu.memory_space<vmem>>
        %dma_start3A_214 = arith.constant 0 : i32
        %dma_start3A_215 = arith.constant 0 : i32
        %dma_start3A_216 = tpu.memref_slice %arg12[%dma_start3A_214, %dma_start3A_215] : memref<10000x48xf32, #tpu.memory_space<vmem_shared>> -> memref<10000x48xf32, #tpu.memory_space<vmem_shared>>
        tpu.enqueue_indirect_dma source(%dma_start3A_216 : memref<10000x48xf32, #tpu.memory_space<vmem_shared>>) target(%arg8 : memref<128x48xf32, #tpu.memory_space<vmem>>) offsets(%dma_start3A_213 : memref<128xi32, #tpu.memory_space<vmem>>) semaphore(%arg14 : memref<!tpu.dma_semaphore, #tpu.memory_space<semaphore_mem>>)
      } else {
      }
      %mul3A_160 = arith.constant 4 : i32
      %mul3A_161 = arith.muli %scan3A_84, %mul3A_160 : i32
      %add3A_162 = arith.constant 1 : i32
      %add3A_163 = arith.addi %mul3A_161, %add3A_162 : i32
      %dma_wait3A_164 = arith.constant 0 : i32
      %dma_wait3A_165 = tpu.memref_slice %arg7[%add3A_163, %dma_wait3A_164] : memref<160x128xi32, #tpu.memory_space<vmem>> -> memref<1x128xi32, #tpu.memory_space<vmem>>
      %dma_wait3A_166 = tpu.memref_squeeze %dma_wait3A_165 : memref<1x128xi32, #tpu.memory_space<vmem>> -> memref<128xi32, #tpu.memory_space<vmem>>
      %dma_wait3A_167 = arith.constant 0 : i32
      %dma_wait3A_168 = arith.constant 0 : i32
      %dma_wait3A_169 = tpu.memref_slice %arg13[%dma_wait3A_167, %dma_wait3A_168] : memref<10240x48xf32, #tpu.memory_space<vmem_shared>> -> memref<10240x48xf32, #tpu.memory_space<vmem_shared>>
      tpu.wait_indirect_dma semaphore(%arg19 : memref<!tpu.dma_semaphore, #tpu.memory_space<semaphore_mem>>) src(%arg9 : memref<128x48xf32, #tpu.memory_space<vmem>>) dst(%dma_wait3A_169 : memref<10240x48xf32, #tpu.memory_space<vmem_shared>>)
      %lt3A_170 = arith.constant 39 : i32
      %lt3A_171 = arith.cmpi slt, %scan3A_84, %lt3A_170 : i32
      %convert_element_type3A_172 = arith.extui %lt3A_171 : i1 to i32
      %cond3A_173 = arith.constant 0 : i32
      %cond3A_174 = arith.cmpi ne, %convert_element_type3A_172, %cond3A_173 : i32
      scf.if %cond3A_174 {
        %add3A_205 = arith.constant 1 : i32
        %add3A_206 = arith.addi %scan3A_84, %add3A_205 : i32
        %mul3A_207 = arith.constant 4 : i32
        %mul3A_208 = arith.muli %add3A_206, %mul3A_207 : i32
        %add3A_209 = arith.constant 1 : i32
        %add3A_210 = arith.addi %mul3A_208, %add3A_209 : i32
        %dma_start3A_211 = arith.constant 0 : i32
        %dma_start3A_212 = tpu.memref_slice %arg6[%add3A_210, %dma_start3A_211] : memref<160x128xi32, #tpu.memory_space<vmem>> -> memref<1x128xi32, #tpu.memory_space<vmem>>
        %dma_start3A_213 = tpu.memref_squeeze %dma_start3A_212 : memref<1x128xi32, #tpu.memory_space<vmem>> -> memref<128xi32, #tpu.memory_space<vmem>>
        %dma_start3A_214 = arith.constant 0 : i32
        %dma_start3A_215 = arith.constant 0 : i32
        %dma_start3A_216 = tpu.memref_slice %arg12[%dma_start3A_214, %dma_start3A_215] : memref<10000x48xf32, #tpu.memory_space<vmem_shared>> -> memref<10000x48xf32, #tpu.memory_space<vmem_shared>>
        tpu.enqueue_indirect_dma source(%dma_start3A_216 : memref<10000x48xf32, #tpu.memory_space<vmem_shared>>) target(%arg9 : memref<128x48xf32, #tpu.memory_space<vmem>>) offsets(%dma_start3A_213 : memref<128xi32, #tpu.memory_space<vmem>>) semaphore(%arg15 : memref<!tpu.dma_semaphore, #tpu.memory_space<semaphore_mem>>)
      } else {
      }
      %mul3A_175 = arith.constant 4 : i32
      %mul3A_176 = arith.muli %scan3A_84, %mul3A_175 : i32
      %add3A_177 = arith.constant 2 : i32
      %add3A_178 = arith.addi %mul3A_176, %add3A_177 : i32
      %dma_wait3A_179 = arith.constant 0 : i32
      %dma_wait3A_180 = tpu.memref_slice %arg7[%add3A_178, %dma_wait3A_179] : memref<160x128xi32, #tpu.memory_space<vmem>> -> memref<1x128xi32, #tpu.memory_space<vmem>>
      %dma_wait3A_181 = tpu.memref_squeeze %dma_wait3A_180 : memref<1x128xi32, #tpu.memory_space<vmem>> -> memref<128xi32, #tpu.memory_space<vmem>>
      %dma_wait3A_182 = arith.constant 0 : i32
      %dma_wait3A_183 = arith.constant 0 : i32
      %dma_wait3A_184 = tpu.memref_slice %arg13[%dma_wait3A_182, %dma_wait3A_183] : memref<10240x48xf32, #tpu.memory_space<vmem_shared>> -> memref<10240x48xf32, #tpu.memory_space<vmem_shared>>
      tpu.wait_indirect_dma semaphore(%arg20 : memref<!tpu.dma_semaphore, #tpu.memory_space<semaphore_mem>>) src(%arg10 : memref<128x48xf32, #tpu.memory_space<vmem>>) dst(%dma_wait3A_184 : memref<10240x48xf32, #tpu.memory_space<vmem_shared>>)
      %lt3A_185 = arith.constant 39 : i32
      %lt3A_186 = arith.cmpi slt, %scan3A_84, %lt3A_185 : i32
      %convert_element_type3A_187 = arith.extui %lt3A_186 : i1 to i32
      %cond3A_188 = arith.constant 0 : i32
      %cond3A_189 = arith.cmpi ne, %convert_element_type3A_187, %cond3A_188 : i32
      scf.if %cond3A_189 {
        %add3A_205 = arith.constant 1 : i32
        %add3A_206 = arith.addi %scan3A_84, %add3A_205 : i32
        %mul3A_207 = arith.constant 4 : i32
        %mul3A_208 = arith.muli %add3A_206, %mul3A_207 : i32
        %add3A_209 = arith.constant 2 : i32
        %add3A_210 = arith.addi %mul3A_208, %add3A_209 : i32
        %dma_start3A_211 = arith.constant 0 : i32
        %dma_start3A_212 = tpu.memref_slice %arg6[%add3A_210, %dma_start3A_211] : memref<160x128xi32, #tpu.memory_space<vmem>> -> memref<1x128xi32, #tpu.memory_space<vmem>>
        %dma_start3A_213 = tpu.memref_squeeze %dma_start3A_212 : memref<1x128xi32, #tpu.memory_space<vmem>> -> memref<128xi32, #tpu.memory_space<vmem>>
        %dma_start3A_214 = arith.constant 0 : i32
        %dma_start3A_215 = arith.constant 0 : i32
        %dma_start3A_216 = tpu.memref_slice %arg12[%dma_start3A_214, %dma_start3A_215] : memref<10000x48xf32, #tpu.memory_space<vmem_shared>> -> memref<10000x48xf32, #tpu.memory_space<vmem_shared>>
        tpu.enqueue_indirect_dma source(%dma_start3A_216 : memref<10000x48xf32, #tpu.memory_space<vmem_shared>>) target(%arg10 : memref<128x48xf32, #tpu.memory_space<vmem>>) offsets(%dma_start3A_213 : memref<128xi32, #tpu.memory_space<vmem>>) semaphore(%arg16 : memref<!tpu.dma_semaphore, #tpu.memory_space<semaphore_mem>>)
      } else {
      }
      %mul3A_190 = arith.constant 4 : i32
      %mul3A_191 = arith.muli %scan3A_84, %mul3A_190 : i32
      %add3A_192 = arith.constant 3 : i32
      %add3A_193 = arith.addi %mul3A_191, %add3A_192 : i32
      %dma_wait3A_194 = arith.constant 0 : i32
      %dma_wait3A_195 = tpu.memref_slice %arg7[%add3A_193, %dma_wait3A_194] : memref<160x128xi32, #tpu.memory_space<vmem>> -> memref<1x128xi32, #tpu.memory_space<vmem>>
      %dma_wait3A_196 = tpu.memref_squeeze %dma_wait3A_195 : memref<1x128xi32, #tpu.memory_space<vmem>> -> memref<128xi32, #tpu.memory_space<vmem>>
      %dma_wait3A_197 = arith.constant 0 : i32
      %dma_wait3A_198 = arith.constant 0 : i32
      %dma_wait3A_199 = tpu.memref_slice %arg13[%dma_wait3A_197, %dma_wait3A_198] : memref<10240x48xf32, #tpu.memory_space<vmem_shared>> -> memref<10240x48xf32, #tpu.memory_space<vmem_shared>>
      tpu.wait_indirect_dma semaphore(%arg21 : memref<!tpu.dma_semaphore, #tpu.memory_space<semaphore_mem>>) src(%arg11 : memref<128x48xf32, #tpu.memory_space<vmem>>) dst(%dma_wait3A_199 : memref<10240x48xf32, #tpu.memory_space<vmem_shared>>)
      %lt3A_200 = arith.constant 39 : i32
      %lt3A_201 = arith.cmpi slt, %scan3A_84, %lt3A_200 : i32
      %convert_element_type3A_202 = arith.extui %lt3A_201 : i1 to i32
      %cond3A_203 = arith.constant 0 : i32
      %cond3A_204 = arith.cmpi ne, %convert_element_type3A_202, %cond3A_203 : i32
      scf.if %cond3A_204 {
        %add3A_205 = arith.constant 1 : i32
        %add3A_206 = arith.addi %scan3A_84, %add3A_205 : i32
        %mul3A_207 = arith.constant 4 : i32
        %mul3A_208 = arith.muli %add3A_206, %mul3A_207 : i32
        %add3A_209 = arith.constant 3 : i32
        %add3A_210 = arith.addi %mul3A_208, %add3A_209 : i32
        %dma_start3A_211 = arith.constant 0 : i32
        %dma_start3A_212 = tpu.memref_slice %arg6[%add3A_210, %dma_start3A_211] : memref<160x128xi32, #tpu.memory_space<vmem>> -> memref<1x128xi32, #tpu.memory_space<vmem>>
        %dma_start3A_213 = tpu.memref_squeeze %dma_start3A_212 : memref<1x128xi32, #tpu.memory_space<vmem>> -> memref<128xi32, #tpu.memory_space<vmem>>
        %dma_start3A_214 = arith.constant 0 : i32
        %dma_start3A_215 = arith.constant 0 : i32
        %dma_start3A_216 = tpu.memref_slice %arg12[%dma_start3A_214, %dma_start3A_215] : memref<10000x48xf32, #tpu.memory_space<vmem_shared>> -> memref<10000x48xf32, #tpu.memory_space<vmem_shared>>
        tpu.enqueue_indirect_dma source(%dma_start3A_216 : memref<10000x48xf32, #tpu.memory_space<vmem_shared>>) target(%arg11 : memref<128x48xf32, #tpu.memory_space<vmem>>) offsets(%dma_start3A_213 : memref<128xi32, #tpu.memory_space<vmem>>) semaphore(%arg17 : memref<!tpu.dma_semaphore, #tpu.memory_space<semaphore_mem>>)
      } else {
      }
    }
    %scan3A_62 = arith.constant 40 : i32
    %barrier3A_63 = arith.constant 0 : index
    tpu.barrier barrier_id(%barrier3A_63)
    %mul3A_64 = arith.constant 640 : i32
    %mul3A_65 = arith.muli %arg1, %mul3A_64 : i32
    %add3A_66 = arith.constant 0 : i32
    %add3A_67 = arith.addi %mul3A_65, %add3A_66 : i32
    "tpu.region"() ({
      %run_scoped3A = tpu.sem_alloc : memref<!tpu.dma_semaphore, #tpu.memory_space<semaphore_mem>>
      %dma_start3A_84 = arith.constant 0 : i32
      %dma_start3A_85 = tpu.memref_slice %arg5[%arg0, %add3A_67, %dma_start3A_84] : memref<2x10240x48xf32, #tpu.memory_space<hbm>> -> memref<1x128x48xf32, #tpu.memory_space<hbm>>
      %dma_start3A_86 = tpu.memref_squeeze %dma_start3A_85 : memref<1x128x48xf32, #tpu.memory_space<hbm>> -> memref<128x48xf32, #tpu.memory_space<hbm>>
      %dma_start3A_87 = arith.constant 0 : i32
      %dma_start3A_88 = tpu.memref_slice %arg13[%add3A_67, %dma_start3A_87] : memref<10240x48xf32, #tpu.memory_space<vmem_shared>> -> memref<128x48xf32, #tpu.memory_space<vmem_shared>>
      tpu.enqueue_dma source(%dma_start3A_88 : memref<128x48xf32, #tpu.memory_space<vmem_shared>>) target(%dma_start3A_86 : memref<128x48xf32, #tpu.memory_space<hbm>>) target_semaphore(%run_scoped3A : memref<!tpu.dma_semaphore, #tpu.memory_space<semaphore_mem>>)
      %dma_wait3A = arith.constant 0 : i32
      %dma_wait3A_89 = tpu.memref_slice %arg5[%arg0, %add3A_67, %dma_wait3A] : memref<2x10240x48xf32, #tpu.memory_space<hbm>> -> memref<1x128x48xf32, #tpu.memory_space<hbm>>
      %dma_wait3A_90 = tpu.memref_squeeze %dma_wait3A_89 : memref<1x128x48xf32, #tpu.memory_space<hbm>> -> memref<128x48xf32, #tpu.memory_space<hbm>>
      %dma_wait3A_91 = arith.constant 0 : i32
      %dma_wait3A_92 = tpu.memref_slice %arg13[%add3A_67, %dma_wait3A_91] : memref<10240x48xf32, #tpu.memory_space<vmem_shared>> -> memref<128x48xf32, #tpu.memory_space<vmem_shared>>
      tpu.wait_dma2 semaphore(%run_scoped3A : memref<!tpu.dma_semaphore, #tpu.memory_space<semaphore_mem>>) src(%dma_wait3A_92 : memref<128x48xf32, #tpu.memory_space<vmem_shared>>) dst(%dma_wait3A_90 : memref<128x48xf32, #tpu.memory_space<hbm>>)
      tpu.yield
    }) : () -> ()
    %mul3A_68 = arith.constant 640 : i32
    %mul3A_69 = arith.muli %arg1, %mul3A_68 : i32
    %add3A_70 = arith.constant 128 : i32
    %add3A_71 = arith.addi %mul3A_69, %add3A_70 : i32
    "tpu.region"() ({
      %run_scoped3A = tpu.sem_alloc : memref<!tpu.dma_semaphore, #tpu.memory_space<semaphore_mem>>
      %dma_start3A_84 = arith.constant 0 : i32
      %dma_start3A_85 = tpu.memref_slice %arg5[%arg0, %add3A_71, %dma_start3A_84] : memref<2x10240x48xf32, #tpu.memory_space<hbm>> -> memref<1x128x48xf32, #tpu.memory_space<hbm>>
      %dma_start3A_86 = tpu.memref_squeeze %dma_start3A_85 : memref<1x128x48xf32, #tpu.memory_space<hbm>> -> memref<128x48xf32, #tpu.memory_space<hbm>>
      %dma_start3A_87 = arith.constant 0 : i32
      %dma_start3A_88 = tpu.memref_slice %arg13[%add3A_71, %dma_start3A_87] : memref<10240x48xf32, #tpu.memory_space<vmem_shared>> -> memref<128x48xf32, #tpu.memory_space<vmem_shared>>
      tpu.enqueue_dma source(%dma_start3A_88 : memref<128x48xf32, #tpu.memory_space<vmem_shared>>) target(%dma_start3A_86 : memref<128x48xf32, #tpu.memory_space<hbm>>) target_semaphore(%run_scoped3A : memref<!tpu.dma_semaphore, #tpu.memory_space<semaphore_mem>>)
      %dma_wait3A = arith.constant 0 : i32
      %dma_wait3A_89 = tpu.memref_slice %arg5[%arg0, %add3A_71, %dma_wait3A] : memref<2x10240x48xf32, #tpu.memory_space<hbm>> -> memref<1x128x48xf32, #tpu.memory_space<hbm>>
      %dma_wait3A_90 = tpu.memref_squeeze %dma_wait3A_89 : memref<1x128x48xf32, #tpu.memory_space<hbm>> -> memref<128x48xf32, #tpu.memory_space<hbm>>
      %dma_wait3A_91 = arith.constant 0 : i32
      %dma_wait3A_92 = tpu.memref_slice %arg13[%add3A_71, %dma_wait3A_91] : memref<10240x48xf32, #tpu.memory_space<vmem_shared>> -> memref<128x48xf32, #tpu.memory_space<vmem_shared>>
      tpu.wait_dma2 semaphore(%run_scoped3A : memref<!tpu.dma_semaphore, #tpu.memory_space<semaphore_mem>>) src(%dma_wait3A_92 : memref<128x48xf32, #tpu.memory_space<vmem_shared>>) dst(%dma_wait3A_90 : memref<128x48xf32, #tpu.memory_space<hbm>>)
      tpu.yield
    }) : () -> ()
    %mul3A_72 = arith.constant 640 : i32
    %mul3A_73 = arith.muli %arg1, %mul3A_72 : i32
    %add3A_74 = arith.constant 256 : i32
    %add3A_75 = arith.addi %mul3A_73, %add3A_74 : i32
    "tpu.region"() ({
      %run_scoped3A = tpu.sem_alloc : memref<!tpu.dma_semaphore, #tpu.memory_space<semaphore_mem>>
      %dma_start3A_84 = arith.constant 0 : i32
      %dma_start3A_85 = tpu.memref_slice %arg5[%arg0, %add3A_75, %dma_start3A_84] : memref<2x10240x48xf32, #tpu.memory_space<hbm>> -> memref<1x128x48xf32, #tpu.memory_space<hbm>>
      %dma_start3A_86 = tpu.memref_squeeze %dma_start3A_85 : memref<1x128x48xf32, #tpu.memory_space<hbm>> -> memref<128x48xf32, #tpu.memory_space<hbm>>
      %dma_start3A_87 = arith.constant 0 : i32
      %dma_start3A_88 = tpu.memref_slice %arg13[%add3A_75, %dma_start3A_87] : memref<10240x48xf32, #tpu.memory_space<vmem_shared>> -> memref<128x48xf32, #tpu.memory_space<vmem_shared>>
      tpu.enqueue_dma source(%dma_start3A_88 : memref<128x48xf32, #tpu.memory_space<vmem_shared>>) target(%dma_start3A_86 : memref<128x48xf32, #tpu.memory_space<hbm>>) target_semaphore(%run_scoped3A : memref<!tpu.dma_semaphore, #tpu.memory_space<semaphore_mem>>)
      %dma_wait3A = arith.constant 0 : i32
      %dma_wait3A_89 = tpu.memref_slice %arg5[%arg0, %add3A_75, %dma_wait3A] : memref<2x10240x48xf32, #tpu.memory_space<hbm>> -> memref<1x128x48xf32, #tpu.memory_space<hbm>>
      %dma_wait3A_90 = tpu.memref_squeeze %dma_wait3A_89 : memref<1x128x48xf32, #tpu.memory_space<hbm>> -> memref<128x48xf32, #tpu.memory_space<hbm>>
      %dma_wait3A_91 = arith.constant 0 : i32
      %dma_wait3A_92 = tpu.memref_slice %arg13[%add3A_75, %dma_wait3A_91] : memref<10240x48xf32, #tpu.memory_space<vmem_shared>> -> memref<128x48xf32, #tpu.memory_space<vmem_shared>>
      tpu.wait_dma2 semaphore(%run_scoped3A : memref<!tpu.dma_semaphore, #tpu.memory_space<semaphore_mem>>) src(%dma_wait3A_92 : memref<128x48xf32, #tpu.memory_space<vmem_shared>>) dst(%dma_wait3A_90 : memref<128x48xf32, #tpu.memory_space<hbm>>)
      tpu.yield
    }) : () -> ()
    %mul3A_76 = arith.constant 640 : i32
    %mul3A_77 = arith.muli %arg1, %mul3A_76 : i32
    %add3A_78 = arith.constant 384 : i32
    %add3A_79 = arith.addi %mul3A_77, %add3A_78 : i32
    "tpu.region"() ({
      %run_scoped3A = tpu.sem_alloc : memref<!tpu.dma_semaphore, #tpu.memory_space<semaphore_mem>>
      %dma_start3A_84 = arith.constant 0 : i32
      %dma_start3A_85 = tpu.memref_slice %arg5[%arg0, %add3A_79, %dma_start3A_84] : memref<2x10240x48xf32, #tpu.memory_space<hbm>> -> memref<1x128x48xf32, #tpu.memory_space<hbm>>
      %dma_start3A_86 = tpu.memref_squeeze %dma_start3A_85 : memref<1x128x48xf32, #tpu.memory_space<hbm>> -> memref<128x48xf32, #tpu.memory_space<hbm>>
      %dma_start3A_87 = arith.constant 0 : i32
      %dma_start3A_88 = tpu.memref_slice %arg13[%add3A_79, %dma_start3A_87] : memref<10240x48xf32, #tpu.memory_space<vmem_shared>> -> memref<128x48xf32, #tpu.memory_space<vmem_shared>>
      tpu.enqueue_dma source(%dma_start3A_88 : memref<128x48xf32, #tpu.memory_space<vmem_shared>>) target(%dma_start3A_86 : memref<128x48xf32, #tpu.memory_space<hbm>>) target_semaphore(%run_scoped3A : memref<!tpu.dma_semaphore, #tpu.memory_space<semaphore_mem>>)
      %dma_wait3A = arith.constant 0 : i32
      %dma_wait3A_89 = tpu.memref_slice %arg5[%arg0, %add3A_79, %dma_wait3A] : memref<2x10240x48xf32, #tpu.memory_space<hbm>> -> memref<1x128x48xf32, #tpu.memory_space<hbm>>
      %dma_wait3A_90 = tpu.memref_squeeze %dma_wait3A_89 : memref<1x128x48xf32, #tpu.memory_space<hbm>> -> memref<128x48xf32, #tpu.memory_space<hbm>>
      %dma_wait3A_91 = arith.constant 0 : i32
      %dma_wait3A_92 = tpu.memref_slice %arg13[%add3A_79, %dma_wait3A_91] : memref<10240x48xf32, #tpu.memory_space<vmem_shared>> -> memref<128x48xf32, #tpu.memory_space<vmem_shared>>
      tpu.wait_dma2 semaphore(%run_scoped3A : memref<!tpu.dma_semaphore, #tpu.memory_space<semaphore_mem>>) src(%dma_wait3A_92 : memref<128x48xf32, #tpu.memory_space<vmem_shared>>) dst(%dma_wait3A_90 : memref<128x48xf32, #tpu.memory_space<hbm>>)
      tpu.yield
    }) : () -> ()
    %mul3A_80 = arith.constant 640 : i32
    %mul3A_81 = arith.muli %arg1, %mul3A_80 : i32
    %add3A_82 = arith.constant 512 : i32
    %add3A_83 = arith.addi %mul3A_81, %add3A_82 : i32
    "tpu.region"() ({
      %run_scoped3A = tpu.sem_alloc : memref<!tpu.dma_semaphore, #tpu.memory_space<semaphore_mem>>
      %dma_start3A_84 = arith.constant 0 : i32
      %dma_start3A_85 = tpu.memref_slice %arg5[%arg0, %add3A_83, %dma_start3A_84] : memref<2x10240x48xf32, #tpu.memory_space<hbm>> -> memref<1x128x48xf32, #tpu.memory_space<hbm>>
      %dma_start3A_86 = tpu.memref_squeeze %dma_start3A_85 : memref<1x128x48xf32, #tpu.memory_space<hbm>> -> memref<128x48xf32, #tpu.memory_space<hbm>>
      %dma_start3A_87 = arith.constant 0 : i32
      %dma_start3A_88 = tpu.memref_slice %arg13[%add3A_83, %dma_start3A_87] : memref<10240x48xf32, #tpu.memory_space<vmem_shared>> -> memref<128x48xf32, #tpu.memory_space<vmem_shared>>
      tpu.enqueue_dma source(%dma_start3A_88 : memref<128x48xf32, #tpu.memory_space<vmem_shared>>) target(%dma_start3A_86 : memref<128x48xf32, #tpu.memory_space<hbm>>) target_semaphore(%run_scoped3A : memref<!tpu.dma_semaphore, #tpu.memory_space<semaphore_mem>>)
      %dma_wait3A = arith.constant 0 : i32
      %dma_wait3A_89 = tpu.memref_slice %arg5[%arg0, %add3A_83, %dma_wait3A] : memref<2x10240x48xf32, #tpu.memory_space<hbm>> -> memref<1x128x48xf32, #tpu.memory_space<hbm>>
      %dma_wait3A_90 = tpu.memref_squeeze %dma_wait3A_89 : memref<1x128x48xf32, #tpu.memory_space<hbm>> -> memref<128x48xf32, #tpu.memory_space<hbm>>
      %dma_wait3A_91 = arith.constant 0 : i32
      %dma_wait3A_92 = tpu.memref_slice %arg13[%add3A_83, %dma_wait3A_91] : memref<10240x48xf32, #tpu.memory_space<vmem_shared>> -> memref<128x48xf32, #tpu.memory_space<vmem_shared>>
      tpu.wait_dma2 semaphore(%run_scoped3A : memref<!tpu.dma_semaphore, #tpu.memory_space<semaphore_mem>>) src(%dma_wait3A_92 : memref<128x48xf32, #tpu.memory_space<vmem_shared>>) dst(%dma_wait3A_90 : memref<128x48xf32, #tpu.memory_space<hbm>>)
      tpu.yield
    }) : () -> ()
    return
  }
}

#map = affine_map<(d0, d1) -> (0, 0)>
#map1 = affine_map<(d0, d1) -> (0, 0, 0)>
module attributes {stable_mosaic.version = 14 : i64} {
  func.func @_edge(%arg0: i32, %arg1: i32, %arg2: memref<20000x48xf32, #tpu.memory_space<hbm>>, %arg3: memref<16x160x128xi32, #tpu.memory_space<hbm>>, %arg4: memref<16x160x128xi32, #tpu.memory_space<hbm>>, %arg5: memref<2x10240x48xf32, #tpu.memory_space<hbm>>, %arg6: memref<160x128xi32, #tpu.memory_space<vmem>>, %arg7: memref<160x128xi32, #tpu.memory_space<vmem>>, %arg8: memref<128x48xf32, #tpu.memory_space<vmem>>, %arg9: memref<128x48xf32, #tpu.memory_space<vmem>>, %arg10: memref<128x48xf32, #tpu.memory_space<vmem>>, %arg11: memref<128x48xf32, #tpu.memory_space<vmem>>, %arg12: memref<10000x48xf32, #tpu.memory_space<vmem_shared>>, %arg13: memref<10240x48xf32, #tpu.memory_space<vmem_shared>>, %arg14: memref<!tpu.dma_semaphore, #tpu.memory_space<semaphore_mem>>, %arg15: memref<!tpu.dma_semaphore, #tpu.memory_space<semaphore_mem>>, %arg16: memref<!tpu.dma_semaphore, #tpu.memory_space<semaphore_mem>>, %arg17: memref<!tpu.dma_semaphore, #tpu.memory_space<semaphore_mem>>, %arg18: memref<!tpu.dma_semaphore, #tpu.memory_space<semaphore_mem>>, %arg19: memref<!tpu.dma_semaphore, #tpu.memory_space<semaphore_mem>>, %arg20: memref<!tpu.dma_semaphore, #tpu.memory_space<semaphore_mem>>, %arg21: memref<!tpu.dma_semaphore, #tpu.memory_space<semaphore_mem>>) attributes {dimension_semantics = [#tpu.dimension_semantics<core_parallel>, #tpu.dimension_semantics<subcore_parallel>], iteration_bounds = array<i64: 2, 16>, scalar_prefetch = 0 : i64, scratch_operands = 16 : i64, tpu.core_type = #tpu.core_type<sc_vector_subcore>, window_params = [{transform_indices = #map}, {transform_indices = #map1}, {transform_indices = #map1}, {transform_indices = #map1}]} {
    %mul3A = arith.constant 10000 : i32
    %mul3A_0 = arith.muli %arg0, %mul3A : i32
    %mul3A_1 = arith.constant 625 : i32
    %mul3A_2 = arith.muli %arg1, %mul3A_1 : i32
    %add3A = arith.addi %mul3A_0, %mul3A_2 : i32
    %mul3A_3 = arith.constant 625 : i32
    %mul3A_4 = arith.muli %arg1, %mul3A_3 : i32
    "tpu.region"() ({
      %run_scoped3A = tpu.sem_alloc : memref<!tpu.dma_semaphore, #tpu.memory_space<semaphore_mem>>
      %dma_start3A_84 = arith.constant 0 : i32
      %dma_start3A_85 = tpu.memref_slice %arg12[%mul3A_4, %dma_start3A_84] : memref<10000x48xf32, #tpu.memory_space<vmem_shared>> -> memref<625x48xf32, #tpu.memory_space<vmem_shared>>
      %dma_start3A_86 = arith.constant 0 : i32
      %dma_start3A_87 = tpu.memref_slice %arg2[%add3A, %dma_start3A_86] : memref<20000x48xf32, #tpu.memory_space<hbm>> -> memref<625x48xf32, #tpu.memory_space<hbm>>
      tpu.enqueue_dma source(%dma_start3A_87 : memref<625x48xf32, #tpu.memory_space<hbm>>) target(%dma_start3A_85 : memref<625x48xf32, #tpu.memory_space<vmem_shared>>) target_semaphore(%run_scoped3A : memref<!tpu.dma_semaphore, #tpu.memory_space<semaphore_mem>>)
      %dma_wait3A = arith.constant 0 : i32
      %dma_wait3A_88 = tpu.memref_slice %arg12[%mul3A_4, %dma_wait3A] : memref<10000x48xf32, #tpu.memory_space<vmem_shared>> -> memref<625x48xf32, #tpu.memory_space<vmem_shared>>
      %dma_wait3A_89 = arith.constant 0 : i32
      %dma_wait3A_90 = tpu.memref_slice %arg2[%add3A, %dma_wait3A_89] : memref<20000x48xf32, #tpu.memory_space<hbm>> -> memref<625x48xf32, #tpu.memory_space<hbm>>
      tpu.wait_dma2 semaphore(%run_scoped3A : memref<!tpu.dma_semaphore, #tpu.memory_space<semaphore_mem>>) src(%dma_wait3A_90 : memref<625x48xf32, #tpu.memory_space<hbm>>) dst(%dma_wait3A_88 : memref<625x48xf32, #tpu.memory_space<vmem_shared>>)
      tpu.yield
    }) : () -> ()
    %scan3A = arith.constant 0 : i32
    %scan3A_5 = arith.constant 0 : i32
    %scan3A_6 = arith.constant 128 : i32
    %scan3A_7 = arith.addi %scan3A_5, %scan3A_6 : i32
    %scan3A_8 = arith.constant 1 : i32
    scf.for %scan3A_84 = %scan3A_5 to %scan3A_7 step %scan3A_8  : i32 {
      %broadcast_in_dim3A = arith.constant 0.000000e+00 : f32
      %broadcast_in_dim3A_85 = vector.broadcast %broadcast_in_dim3A : f32 to vector<16xf32>
      %swap3A = arith.index_cast %scan3A_84 : i32 to index
      %swap3A_86 = arith.constant 0 : index
      %swap3A_87 = tpu.vector_load %arg8[%swap3A, %swap3A_86] {strides = array<i32>} : memref<128x48xf32, #tpu.memory_space<vmem>>, vector<16xf32>,
      tpu.vector_store %arg8[%swap3A, %swap3A_86], %broadcast_in_dim3A_85 {strides = array<i32>} : memref<128x48xf32, #tpu.memory_space<vmem>>, vector<16xf32>,
      %broadcast_in_dim3A_88 = arith.constant 0.000000e+00 : f32
      %broadcast_in_dim3A_89 = vector.broadcast %broadcast_in_dim3A_88 : f32 to vector<16xf32>
      %swap3A_90 = arith.index_cast %scan3A_84 : i32 to index
      %swap3A_91 = arith.constant 16 : index
      %swap3A_92 = tpu.vector_load %arg8[%swap3A_90, %swap3A_91] {strides = array<i32>} : memref<128x48xf32, #tpu.memory_space<vmem>>, vector<16xf32>,
      tpu.vector_store %arg8[%swap3A_90, %swap3A_91], %broadcast_in_dim3A_89 {strides = array<i32>} : memref<128x48xf32, #tpu.memory_space<vmem>>, vector<16xf32>,
      %broadcast_in_dim3A_93 = arith.constant 0.000000e+00 : f32
      %broadcast_in_dim3A_94 = vector.broadcast %broadcast_in_dim3A_93 : f32 to vector<16xf32>
      %swap3A_95 = arith.index_cast %scan3A_84 : i32 to index
      %swap3A_96 = arith.constant 32 : index
      %swap3A_97 = tpu.vector_load %arg8[%swap3A_95, %swap3A_96] {strides = array<i32>} : memref<128x48xf32, #tpu.memory_space<vmem>>, vector<16xf32>,
      tpu.vector_store %arg8[%swap3A_95, %swap3A_96], %broadcast_in_dim3A_94 {strides = array<i32>} : memref<128x48xf32, #tpu.memory_space<vmem>>, vector<16xf32>,
    }
    %scan3A_9 = arith.constant 128 : i32
    %mul3A_10 = arith.constant 640 : i32
    %mul3A_11 = arith.muli %arg1, %mul3A_10 : i32
    %add3A_12 = arith.constant 0 : i32
    %add3A_13 = arith.addi %mul3A_11, %add3A_12 : i32
    "tpu.region"() ({
      %run_scoped3A = tpu.sem_alloc : memref<!tpu.dma_semaphore, #tpu.memory_space<semaphore_mem>>
      %dma_start3A_84 = arith.constant 0 : i32
      %dma_start3A_85 = tpu.memref_slice %arg13[%add3A_13, %dma_start3A_84] : memref<10240x48xf32, #tpu.memory_space<vmem_shared>> -> memref<128x48xf32, #tpu.memory_space<vmem_shared>>
      %dma_start3A_86 = arith.constant 0 : i32
      %dma_start3A_87 = tpu.memref_slice %arg13[%add3A_13, %dma_start3A_86] : memref<10240x48xf32, #tpu.memory_space<vmem_shared>> -> memref<128x48xf32, #tpu.memory_space<vmem_shared>>
      tpu.enqueue_dma source(%arg8 : memref<128x48xf32, #tpu.memory_space<vmem>>) target(%dma_start3A_87 : memref<128x48xf32, #tpu.memory_space<vmem_shared>>) target_semaphore(%run_scoped3A : memref<!tpu.dma_semaphore, #tpu.memory_space<semaphore_mem>>)
      %dma_wait3A = arith.constant 0 : i32
      %dma_wait3A_88 = tpu.memref_slice %arg13[%add3A_13, %dma_wait3A] : memref<10240x48xf32, #tpu.memory_space<vmem_shared>> -> memref<128x48xf32, #tpu.memory_space<vmem_shared>>
      %dma_wait3A_89 = arith.constant 0 : i32
      %dma_wait3A_90 = tpu.memref_slice %arg13[%add3A_13, %dma_wait3A_89] : memref<10240x48xf32, #tpu.memory_space<vmem_shared>> -> memref<128x48xf32, #tpu.memory_space<vmem_shared>>
      tpu.wait_dma2 semaphore(%run_scoped3A : memref<!tpu.dma_semaphore, #tpu.memory_space<semaphore_mem>>) src(%arg8 : memref<128x48xf32, #tpu.memory_space<vmem>>) dst(%dma_wait3A_90 : memref<128x48xf32, #tpu.memory_space<vmem_shared>>)
      tpu.yield
    }) : () -> ()
    %mul3A_14 = arith.constant 640 : i32
    %mul3A_15 = arith.muli %arg1, %mul3A_14 : i32
    %add3A_16 = arith.constant 128 : i32
    %add3A_17 = arith.addi %mul3A_15, %add3A_16 : i32
    "tpu.region"() ({
      %run_scoped3A = tpu.sem_alloc : memref<!tpu.dma_semaphore, #tpu.memory_space<semaphore_mem>>
      %dma_start3A_84 = arith.constant 0 : i32
      %dma_start3A_85 = tpu.memref_slice %arg13[%add3A_17, %dma_start3A_84] : memref<10240x48xf32, #tpu.memory_space<vmem_shared>> -> memref<128x48xf32, #tpu.memory_space<vmem_shared>>
      %dma_start3A_86 = arith.constant 0 : i32
      %dma_start3A_87 = tpu.memref_slice %arg13[%add3A_17, %dma_start3A_86] : memref<10240x48xf32, #tpu.memory_space<vmem_shared>> -> memref<128x48xf32, #tpu.memory_space<vmem_shared>>
      tpu.enqueue_dma source(%arg8 : memref<128x48xf32, #tpu.memory_space<vmem>>) target(%dma_start3A_87 : memref<128x48xf32, #tpu.memory_space<vmem_shared>>) target_semaphore(%run_scoped3A : memref<!tpu.dma_semaphore, #tpu.memory_space<semaphore_mem>>)
      %dma_wait3A = arith.constant 0 : i32
      %dma_wait3A_88 = tpu.memref_slice %arg13[%add3A_17, %dma_wait3A] : memref<10240x48xf32, #tpu.memory_space<vmem_shared>> -> memref<128x48xf32, #tpu.memory_space<vmem_shared>>
      %dma_wait3A_89 = arith.constant 0 : i32
      %dma_wait3A_90 = tpu.memref_slice %arg13[%add3A_17, %dma_wait3A_89] : memref<10240x48xf32, #tpu.memory_space<vmem_shared>> -> memref<128x48xf32, #tpu.memory_space<vmem_shared>>
      tpu.wait_dma2 semaphore(%run_scoped3A : memref<!tpu.dma_semaphore, #tpu.memory_space<semaphore_mem>>) src(%arg8 : memref<128x48xf32, #tpu.memory_space<vmem>>) dst(%dma_wait3A_90 : memref<128x48xf32, #tpu.memory_space<vmem_shared>>)
      tpu.yield
    }) : () -> ()
    %mul3A_18 = arith.constant 640 : i32
    %mul3A_19 = arith.muli %arg1, %mul3A_18 : i32
    %add3A_20 = arith.constant 256 : i32
    %add3A_21 = arith.addi %mul3A_19, %add3A_20 : i32
    "tpu.region"() ({
      %run_scoped3A = tpu.sem_alloc : memref<!tpu.dma_semaphore, #tpu.memory_space<semaphore_mem>>
      %dma_start3A_84 = arith.constant 0 : i32
      %dma_start3A_85 = tpu.memref_slice %arg13[%add3A_21, %dma_start3A_84] : memref<10240x48xf32, #tpu.memory_space<vmem_shared>> -> memref<128x48xf32, #tpu.memory_space<vmem_shared>>
      %dma_start3A_86 = arith.constant 0 : i32
      %dma_start3A_87 = tpu.memref_slice %arg13[%add3A_21, %dma_start3A_86] : memref<10240x48xf32, #tpu.memory_space<vmem_shared>> -> memref<128x48xf32, #tpu.memory_space<vmem_shared>>
      tpu.enqueue_dma source(%arg8 : memref<128x48xf32, #tpu.memory_space<vmem>>) target(%dma_start3A_87 : memref<128x48xf32, #tpu.memory_space<vmem_shared>>) target_semaphore(%run_scoped3A : memref<!tpu.dma_semaphore, #tpu.memory_space<semaphore_mem>>)
      %dma_wait3A = arith.constant 0 : i32
      %dma_wait3A_88 = tpu.memref_slice %arg13[%add3A_21, %dma_wait3A] : memref<10240x48xf32, #tpu.memory_space<vmem_shared>> -> memref<128x48xf32, #tpu.memory_space<vmem_shared>>
      %dma_wait3A_89 = arith.constant 0 : i32
      %dma_wait3A_90 = tpu.memref_slice %arg13[%add3A_21, %dma_wait3A_89] : memref<10240x48xf32, #tpu.memory_space<vmem_shared>> -> memref<128x48xf32, #tpu.memory_space<vmem_shared>>
      tpu.wait_dma2 semaphore(%run_scoped3A : memref<!tpu.dma_semaphore, #tpu.memory_space<semaphore_mem>>) src(%arg8 : memref<128x48xf32, #tpu.memory_space<vmem>>) dst(%dma_wait3A_90 : memref<128x48xf32, #tpu.memory_space<vmem_shared>>)
      tpu.yield
    }) : () -> ()
    %mul3A_22 = arith.constant 640 : i32
    %mul3A_23 = arith.muli %arg1, %mul3A_22 : i32
    %add3A_24 = arith.constant 384 : i32
    %add3A_25 = arith.addi %mul3A_23, %add3A_24 : i32
    "tpu.region"() ({
      %run_scoped3A = tpu.sem_alloc : memref<!tpu.dma_semaphore, #tpu.memory_space<semaphore_mem>>
      %dma_start3A_84 = arith.constant 0 : i32
      %dma_start3A_85 = tpu.memref_slice %arg13[%add3A_25, %dma_start3A_84] : memref<10240x48xf32, #tpu.memory_space<vmem_shared>> -> memref<128x48xf32, #tpu.memory_space<vmem_shared>>
      %dma_start3A_86 = arith.constant 0 : i32
      %dma_start3A_87 = tpu.memref_slice %arg13[%add3A_25, %dma_start3A_86] : memref<10240x48xf32, #tpu.memory_space<vmem_shared>> -> memref<128x48xf32, #tpu.memory_space<vmem_shared>>
      tpu.enqueue_dma source(%arg8 : memref<128x48xf32, #tpu.memory_space<vmem>>) target(%dma_start3A_87 : memref<128x48xf32, #tpu.memory_space<vmem_shared>>) target_semaphore(%run_scoped3A : memref<!tpu.dma_semaphore, #tpu.memory_space<semaphore_mem>>)
      %dma_wait3A = arith.constant 0 : i32
      %dma_wait3A_88 = tpu.memref_slice %arg13[%add3A_25, %dma_wait3A] : memref<10240x48xf32, #tpu.memory_space<vmem_shared>> -> memref<128x48xf32, #tpu.memory_space<vmem_shared>>
      %dma_wait3A_89 = arith.constant 0 : i32
      %dma_wait3A_90 = tpu.memref_slice %arg13[%add3A_25, %dma_wait3A_89] : memref<10240x48xf32, #tpu.memory_space<vmem_shared>> -> memref<128x48xf32, #tpu.memory_space<vmem_shared>>
      tpu.wait_dma2 semaphore(%run_scoped3A : memref<!tpu.dma_semaphore, #tpu.memory_space<semaphore_mem>>) src(%arg8 : memref<128x48xf32, #tpu.memory_space<vmem>>) dst(%dma_wait3A_90 : memref<128x48xf32, #tpu.memory_space<vmem_shared>>)
      tpu.yield
    }) : () -> ()
    %mul3A_26 = arith.constant 640 : i32
    %mul3A_27 = arith.muli %arg1, %mul3A_26 : i32
    %add3A_28 = arith.constant 512 : i32
    %add3A_29 = arith.addi %mul3A_27, %add3A_28 : i32
    "tpu.region"() ({
      %run_scoped3A = tpu.sem_alloc : memref<!tpu.dma_semaphore, #tpu.memory_space<semaphore_mem>>
      %dma_start3A_84 = arith.constant 0 : i32
      %dma_start3A_85 = tpu.memref_slice %arg13[%add3A_29, %dma_start3A_84] : memref<10240x48xf32, #tpu.memory_space<vmem_shared>> -> memref<128x48xf32, #tpu.memory_space<vmem_shared>>
      %dma_start3A_86 = arith.constant 0 : i32
      %dma_start3A_87 = tpu.memref_slice %arg13[%add3A_29, %dma_start3A_86] : memref<10240x48xf32, #tpu.memory_space<vmem_shared>> -> memref<128x48xf32, #tpu.memory_space<vmem_shared>>
      tpu.enqueue_dma source(%arg8 : memref<128x48xf32, #tpu.memory_space<vmem>>) target(%dma_start3A_87 : memref<128x48xf32, #tpu.memory_space<vmem_shared>>) target_semaphore(%run_scoped3A : memref<!tpu.dma_semaphore, #tpu.memory_space<semaphore_mem>>)
      %dma_wait3A = arith.constant 0 : i32
      %dma_wait3A_88 = tpu.memref_slice %arg13[%add3A_29, %dma_wait3A] : memref<10240x48xf32, #tpu.memory_space<vmem_shared>> -> memref<128x48xf32, #tpu.memory_space<vmem_shared>>
      %dma_wait3A_89 = arith.constant 0 : i32
      %dma_wait3A_90 = tpu.memref_slice %arg13[%add3A_29, %dma_wait3A_89] : memref<10240x48xf32, #tpu.memory_space<vmem_shared>> -> memref<128x48xf32, #tpu.memory_space<vmem_shared>>
      tpu.wait_dma2 semaphore(%run_scoped3A : memref<!tpu.dma_semaphore, #tpu.memory_space<semaphore_mem>>) src(%arg8 : memref<128x48xf32, #tpu.memory_space<vmem>>) dst(%dma_wait3A_90 : memref<128x48xf32, #tpu.memory_space<vmem_shared>>)
      tpu.yield
    }) : () -> ()
    "tpu.region"() ({
      %run_scoped3A = tpu.sem_alloc : memref<!tpu.dma_semaphore, #tpu.memory_space<semaphore_mem>>
      %dma_start3A_84 = arith.constant 0 : i32
      %dma_start3A_85 = arith.constant 0 : i32
      %dma_start3A_86 = tpu.memref_slice %arg3[%arg1, %dma_start3A_84, %dma_start3A_85] : memref<16x160x128xi32, #tpu.memory_space<hbm>> -> memref<1x160x128xi32, #tpu.memory_space<hbm>>
      %dma_start3A_87 = tpu.memref_squeeze %dma_start3A_86 : memref<1x160x128xi32, #tpu.memory_space<hbm>> -> memref<160x128xi32, #tpu.memory_space<hbm>>
      %dma_start3A_88 = arith.constant 0 : i32
      %dma_start3A_89 = arith.constant 0 : i32
      %dma_start3A_90 = tpu.memref_slice %arg3[%arg1, %dma_start3A_88, %dma_start3A_89] : memref<16x160x128xi32, #tpu.memory_space<hbm>> -> memref<1x160x128xi32, #tpu.memory_space<hbm>>
      %dma_start3A_91 = tpu.memref_squeeze %dma_start3A_90 : memref<1x160x128xi32, #tpu.memory_space<hbm>> -> memref<160x128xi32, #tpu.memory_space<hbm>>
      tpu.enqueue_dma source(%dma_start3A_91 : memref<160x128xi32, #tpu.memory_space<hbm>>) target(%arg6 : memref<160x128xi32, #tpu.memory_space<vmem>>) target_semaphore(%run_scoped3A : memref<!tpu.dma_semaphore, #tpu.memory_space<semaphore_mem>>)
      %dma_wait3A = arith.constant 0 : i32
      %dma_wait3A_92 = arith.constant 0 : i32
      %dma_wait3A_93 = tpu.memref_slice %arg3[%arg1, %dma_wait3A, %dma_wait3A_92] : memref<16x160x128xi32, #tpu.memory_space<hbm>> -> memref<1x160x128xi32, #tpu.memory_space<hbm>>
      %dma_wait3A_94 = tpu.memref_squeeze %dma_wait3A_93 : memref<1x160x128xi32, #tpu.memory_space<hbm>> -> memref<160x128xi32, #tpu.memory_space<hbm>>
      %dma_wait3A_95 = arith.constant 0 : i32
      %dma_wait3A_96 = arith.constant 0 : i32
      %dma_wait3A_97 = tpu.memref_slice %arg3[%arg1, %dma_wait3A_95, %dma_wait3A_96] : memref<16x160x128xi32, #tpu.memory_space<hbm>> -> memref<1x160x128xi32, #tpu.memory_space<hbm>>
      %dma_wait3A_98 = tpu.memref_squeeze %dma_wait3A_97 : memref<1x160x128xi32, #tpu.memory_space<hbm>> -> memref<160x128xi32, #tpu.memory_space<hbm>>
      tpu.wait_dma2 semaphore(%run_scoped3A : memref<!tpu.dma_semaphore, #tpu.memory_space<semaphore_mem>>) src(%dma_wait3A_98 : memref<160x128xi32, #tpu.memory_space<hbm>>) dst(%arg6 : memref<160x128xi32, #tpu.memory_space<vmem>>)
      tpu.yield
    }) : () -> ()
    "tpu.region"() ({
      %run_scoped3A = tpu.sem_alloc : memref<!tpu.dma_semaphore, #tpu.memory_space<semaphore_mem>>
      %dma_start3A_84 = arith.constant 0 : i32
      %dma_start3A_85 = arith.constant 0 : i32
      %dma_start3A_86 = tpu.memref_slice %arg4[%arg1, %dma_start3A_84, %dma_start3A_85] : memref<16x160x128xi32, #tpu.memory_space<hbm>> -> memref<1x160x128xi32, #tpu.memory_space<hbm>>
      %dma_start3A_87 = tpu.memref_squeeze %dma_start3A_86 : memref<1x160x128xi32, #tpu.memory_space<hbm>> -> memref<160x128xi32, #tpu.memory_space<hbm>>
      %dma_start3A_88 = arith.constant 0 : i32
      %dma_start3A_89 = arith.constant 0 : i32
      %dma_start3A_90 = tpu.memref_slice %arg4[%arg1, %dma_start3A_88, %dma_start3A_89] : memref<16x160x128xi32, #tpu.memory_space<hbm>> -> memref<1x160x128xi32, #tpu.memory_space<hbm>>
      %dma_start3A_91 = tpu.memref_squeeze %dma_start3A_90 : memref<1x160x128xi32, #tpu.memory_space<hbm>> -> memref<160x128xi32, #tpu.memory_space<hbm>>
      tpu.enqueue_dma source(%dma_start3A_91 : memref<160x128xi32, #tpu.memory_space<hbm>>) target(%arg7 : memref<160x128xi32, #tpu.memory_space<vmem>>) target_semaphore(%run_scoped3A : memref<!tpu.dma_semaphore, #tpu.memory_space<semaphore_mem>>)
      %dma_wait3A = arith.constant 0 : i32
      %dma_wait3A_92 = arith.constant 0 : i32
      %dma_wait3A_93 = tpu.memref_slice %arg4[%arg1, %dma_wait3A, %dma_wait3A_92] : memref<16x160x128xi32, #tpu.memory_space<hbm>> -> memref<1x160x128xi32, #tpu.memory_space<hbm>>
      %dma_wait3A_94 = tpu.memref_squeeze %dma_wait3A_93 : memref<1x160x128xi32, #tpu.memory_space<hbm>> -> memref<160x128xi32, #tpu.memory_space<hbm>>
      %dma_wait3A_95 = arith.constant 0 : i32
      %dma_wait3A_96 = arith.constant 0 : i32
      %dma_wait3A_97 = tpu.memref_slice %arg4[%arg1, %dma_wait3A_95, %dma_wait3A_96] : memref<16x160x128xi32, #tpu.memory_space<hbm>> -> memref<1x160x128xi32, #tpu.memory_space<hbm>>
      %dma_wait3A_98 = tpu.memref_squeeze %dma_wait3A_97 : memref<1x160x128xi32, #tpu.memory_space<hbm>> -> memref<160x128xi32, #tpu.memory_space<hbm>>
      tpu.wait_dma2 semaphore(%run_scoped3A : memref<!tpu.dma_semaphore, #tpu.memory_space<semaphore_mem>>) src(%dma_wait3A_98 : memref<160x128xi32, #tpu.memory_space<hbm>>) dst(%arg7 : memref<160x128xi32, #tpu.memory_space<vmem>>)
      tpu.yield
    }) : () -> ()
    %barrier3A = arith.constant 0 : index
    tpu.barrier barrier_id(%barrier3A)
    %dma_start3A = arith.constant 0 : i32
    %dma_start3A_30 = arith.constant 0 : i32
    %dma_start3A_31 = tpu.memref_slice %arg6[%dma_start3A, %dma_start3A_30] : memref<160x128xi32, #tpu.memory_space<vmem>> -> memref<1x128xi32, #tpu.memory_space<vmem>>
    %dma_start3A_32 = tpu.memref_squeeze %dma_start3A_31 : memref<1x128xi32, #tpu.memory_space<vmem>> -> memref<128xi32, #tpu.memory_space<vmem>>
    %dma_start3A_33 = arith.constant 0 : i32
    %dma_start3A_34 = arith.constant 0 : i32
    %dma_start3A_35 = tpu.memref_slice %arg12[%dma_start3A_33, %dma_start3A_34] : memref<10000x48xf32, #tpu.memory_space<vmem_shared>> -> memref<10000x48xf32, #tpu.memory_space<vmem_shared>>
    tpu.enqueue_indirect_dma source(%dma_start3A_35 : memref<10000x48xf32, #tpu.memory_space<vmem_shared>>) target(%arg8 : memref<128x48xf32, #tpu.memory_space<vmem>>) offsets(%dma_start3A_32 : memref<128xi32, #tpu.memory_space<vmem>>) semaphore(%arg14 : memref<!tpu.dma_semaphore, #tpu.memory_space<semaphore_mem>>)
    %dma_start3A_36 = arith.constant 1 : i32
    %dma_start3A_37 = arith.constant 0 : i32
    %dma_start3A_38 = tpu.memref_slice %arg6[%dma_start3A_36, %dma_start3A_37] : memref<160x128xi32, #tpu.memory_space<vmem>> -> memref<1x128xi32, #tpu.memory_space<vmem>>
    %dma_start3A_39 = tpu.memref_squeeze %dma_start3A_38 : memref<1x128xi32, #tpu.memory_space<vmem>> -> memref<128xi32, #tpu.memory_space<vmem>>
    %dma_start3A_40 = arith.constant 0 : i32
    %dma_start3A_41 = arith.constant 0 : i32
    %dma_start3A_42 = tpu.memref_slice %arg12[%dma_start3A_40, %dma_start3A_41] : memref<10000x48xf32, #tpu.memory_space<vmem_shared>> -> memref<10000x48xf32, #tpu.memory_space<vmem_shared>>
    tpu.enqueue_indirect_dma source(%dma_start3A_42 : memref<10000x48xf32, #tpu.memory_space<vmem_shared>>) target(%arg9 : memref<128x48xf32, #tpu.memory_space<vmem>>) offsets(%dma_start3A_39 : memref<128xi32, #tpu.memory_space<vmem>>) semaphore(%arg15 : memref<!tpu.dma_semaphore, #tpu.memory_space<semaphore_mem>>)
    %dma_start3A_43 = arith.constant 2 : i32
    %dma_start3A_44 = arith.constant 0 : i32
    %dma_start3A_45 = tpu.memref_slice %arg6[%dma_start3A_43, %dma_start3A_44] : memref<160x128xi32, #tpu.memory_space<vmem>> -> memref<1x128xi32, #tpu.memory_space<vmem>>
    %dma_start3A_46 = tpu.memref_squeeze %dma_start3A_45 : memref<1x128xi32, #tpu.memory_space<vmem>> -> memref<128xi32, #tpu.memory_space<vmem>>
    %dma_start3A_47 = arith.constant 0 : i32
    %dma_start3A_48 = arith.constant 0 : i32
    %dma_start3A_49 = tpu.memref_slice %arg12[%dma_start3A_47, %dma_start3A_48] : memref<10000x48xf32, #tpu.memory_space<vmem_shared>> -> memref<10000x48xf32, #tpu.memory_space<vmem_shared>>
    tpu.enqueue_indirect_dma source(%dma_start3A_49 : memref<10000x48xf32, #tpu.memory_space<vmem_shared>>) target(%arg10 : memref<128x48xf32, #tpu.memory_space<vmem>>) offsets(%dma_start3A_46 : memref<128xi32, #tpu.memory_space<vmem>>) semaphore(%arg16 : memref<!tpu.dma_semaphore, #tpu.memory_space<semaphore_mem>>)
    %dma_start3A_50 = arith.constant 3 : i32
    %dma_start3A_51 = arith.constant 0 : i32
    %dma_start3A_52 = tpu.memref_slice %arg6[%dma_start3A_50, %dma_start3A_51] : memref<160x128xi32, #tpu.memory_space<vmem>> -> memref<1x128xi32, #tpu.memory_space<vmem>>
    %dma_start3A_53 = tpu.memref_squeeze %dma_start3A_52 : memref<1x128xi32, #tpu.memory_space<vmem>> -> memref<128xi32, #tpu.memory_space<vmem>>
    %dma_start3A_54 = arith.constant 0 : i32
    %dma_start3A_55 = arith.constant 0 : i32
    %dma_start3A_56 = tpu.memref_slice %arg12[%dma_start3A_54, %dma_start3A_55] : memref<10000x48xf32, #tpu.memory_space<vmem_shared>> -> memref<10000x48xf32, #tpu.memory_space<vmem_shared>>
    tpu.enqueue_indirect_dma source(%dma_start3A_56 : memref<10000x48xf32, #tpu.memory_space<vmem_shared>>) target(%arg11 : memref<128x48xf32, #tpu.memory_space<vmem>>) offsets(%dma_start3A_53 : memref<128xi32, #tpu.memory_space<vmem>>) semaphore(%arg17 : memref<!tpu.dma_semaphore, #tpu.memory_space<semaphore_mem>>)
    %scan3A_57 = arith.constant 0 : i32
    %scan3A_58 = arith.constant 0 : i32
    %scan3A_59 = arith.constant 40 : i32
    %scan3A_60 = arith.addi %scan3A_58, %scan3A_59 : i32
    %scan3A_61 = arith.constant 1 : i32
    scf.for %scan3A_84 = %scan3A_58 to %scan3A_60 step %scan3A_61  : i32 {
      %mul3A_85 = arith.constant 4 : i32
      %mul3A_86 = arith.muli %scan3A_84, %mul3A_85 : i32
      %add3A_87 = arith.constant 0 : i32
      %add3A_88 = arith.addi %mul3A_86, %add3A_87 : i32
      %dma_wait3A = arith.constant 0 : i32
      %dma_wait3A_89 = tpu.memref_slice %arg6[%add3A_88, %dma_wait3A] : memref<160x128xi32, #tpu.memory_space<vmem>> -> memref<1x128xi32, #tpu.memory_space<vmem>>
      %dma_wait3A_90 = tpu.memref_squeeze %dma_wait3A_89 : memref<1x128xi32, #tpu.memory_space<vmem>> -> memref<128xi32, #tpu.memory_space<vmem>>
      %dma_wait3A_91 = arith.constant 0 : i32
      %dma_wait3A_92 = arith.constant 0 : i32
      %dma_wait3A_93 = tpu.memref_slice %arg12[%dma_wait3A_91, %dma_wait3A_92] : memref<10000x48xf32, #tpu.memory_space<vmem_shared>> -> memref<10000x48xf32, #tpu.memory_space<vmem_shared>>
      tpu.wait_indirect_dma semaphore(%arg14 : memref<!tpu.dma_semaphore, #tpu.memory_space<semaphore_mem>>) src(%dma_wait3A_93 : memref<10000x48xf32, #tpu.memory_space<vmem_shared>>) dst(%arg8 : memref<128x48xf32, #tpu.memory_space<vmem>>)
      %dma_start3A_94 = arith.constant 0 : i32
      %dma_start3A_95 = tpu.memref_slice %arg7[%add3A_88, %dma_start3A_94] : memref<160x128xi32, #tpu.memory_space<vmem>> -> memref<1x128xi32, #tpu.memory_space<vmem>>
      %dma_start3A_96 = tpu.memref_squeeze %dma_start3A_95 : memref<1x128xi32, #tpu.memory_space<vmem>> -> memref<128xi32, #tpu.memory_space<vmem>>
      %dma_start3A_97 = arith.constant 0 : i32
      %dma_start3A_98 = arith.constant 0 : i32
      %dma_start3A_99 = tpu.memref_slice %arg13[%dma_start3A_97, %dma_start3A_98] : memref<10240x48xf32, #tpu.memory_space<vmem_shared>> -> memref<10240x48xf32, #tpu.memory_space<vmem_shared>>
      tpu.enqueue_indirect_dma source(%arg8 : memref<128x48xf32, #tpu.memory_space<vmem>>) target(%dma_start3A_99 : memref<10240x48xf32, #tpu.memory_space<vmem_shared>>) offsets(%dma_start3A_96 : memref<128xi32, #tpu.memory_space<vmem>>) semaphore(%arg18 : memref<!tpu.dma_semaphore, #tpu.memory_space<semaphore_mem>>) {add = true}
      %mul3A_100 = arith.constant 4 : i32
      %mul3A_101 = arith.muli %scan3A_84, %mul3A_100 : i32
      %add3A_102 = arith.constant 1 : i32
      %add3A_103 = arith.addi %mul3A_101, %add3A_102 : i32
      %dma_wait3A_104 = arith.constant 0 : i32
      %dma_wait3A_105 = tpu.memref_slice %arg6[%add3A_103, %dma_wait3A_104] : memref<160x128xi32, #tpu.memory_space<vmem>> -> memref<1x128xi32, #tpu.memory_space<vmem>>
      %dma_wait3A_106 = tpu.memref_squeeze %dma_wait3A_105 : memref<1x128xi32, #tpu.memory_space<vmem>> -> memref<128xi32, #tpu.memory_space<vmem>>
      %dma_wait3A_107 = arith.constant 0 : i32
      %dma_wait3A_108 = arith.constant 0 : i32
      %dma_wait3A_109 = tpu.memref_slice %arg12[%dma_wait3A_107, %dma_wait3A_108] : memref<10000x48xf32, #tpu.memory_space<vmem_shared>> -> memref<10000x48xf32, #tpu.memory_space<vmem_shared>>
      tpu.wait_indirect_dma semaphore(%arg15 : memref<!tpu.dma_semaphore, #tpu.memory_space<semaphore_mem>>) src(%dma_wait3A_109 : memref<10000x48xf32, #tpu.memory_space<vmem_shared>>) dst(%arg9 : memref<128x48xf32, #tpu.memory_space<vmem>>)
      %dma_start3A_110 = arith.constant 0 : i32
      %dma_start3A_111 = tpu.memref_slice %arg7[%add3A_103, %dma_start3A_110] : memref<160x128xi32, #tpu.memory_space<vmem>> -> memref<1x128xi32, #tpu.memory_space<vmem>>
      %dma_start3A_112 = tpu.memref_squeeze %dma_start3A_111 : memref<1x128xi32, #tpu.memory_space<vmem>> -> memref<128xi32, #tpu.memory_space<vmem>>
      %dma_start3A_113 = arith.constant 0 : i32
      %dma_start3A_114 = arith.constant 0 : i32
      %dma_start3A_115 = tpu.memref_slice %arg13[%dma_start3A_113, %dma_start3A_114] : memref<10240x48xf32, #tpu.memory_space<vmem_shared>> -> memref<10240x48xf32, #tpu.memory_space<vmem_shared>>
      tpu.enqueue_indirect_dma source(%arg9 : memref<128x48xf32, #tpu.memory_space<vmem>>) target(%dma_start3A_115 : memref<10240x48xf32, #tpu.memory_space<vmem_shared>>) offsets(%dma_start3A_112 : memref<128xi32, #tpu.memory_space<vmem>>) semaphore(%arg19 : memref<!tpu.dma_semaphore, #tpu.memory_space<semaphore_mem>>) {add = true}
      %mul3A_116 = arith.constant 4 : i32
      %mul3A_117 = arith.muli %scan3A_84, %mul3A_116 : i32
      %add3A_118 = arith.constant 2 : i32
      %add3A_119 = arith.addi %mul3A_117, %add3A_118 : i32
      %dma_wait3A_120 = arith.constant 0 : i32
      %dma_wait3A_121 = tpu.memref_slice %arg6[%add3A_119, %dma_wait3A_120] : memref<160x128xi32, #tpu.memory_space<vmem>> -> memref<1x128xi32, #tpu.memory_space<vmem>>
      %dma_wait3A_122 = tpu.memref_squeeze %dma_wait3A_121 : memref<1x128xi32, #tpu.memory_space<vmem>> -> memref<128xi32, #tpu.memory_space<vmem>>
      %dma_wait3A_123 = arith.constant 0 : i32
      %dma_wait3A_124 = arith.constant 0 : i32
      %dma_wait3A_125 = tpu.memref_slice %arg12[%dma_wait3A_123, %dma_wait3A_124] : memref<10000x48xf32, #tpu.memory_space<vmem_shared>> -> memref<10000x48xf32, #tpu.memory_space<vmem_shared>>
      tpu.wait_indirect_dma semaphore(%arg16 : memref<!tpu.dma_semaphore, #tpu.memory_space<semaphore_mem>>) src(%dma_wait3A_125 : memref<10000x48xf32, #tpu.memory_space<vmem_shared>>) dst(%arg10 : memref<128x48xf32, #tpu.memory_space<vmem>>)
      %dma_start3A_126 = arith.constant 0 : i32
      %dma_start3A_127 = tpu.memref_slice %arg7[%add3A_119, %dma_start3A_126] : memref<160x128xi32, #tpu.memory_space<vmem>> -> memref<1x128xi32, #tpu.memory_space<vmem>>
      %dma_start3A_128 = tpu.memref_squeeze %dma_start3A_127 : memref<1x128xi32, #tpu.memory_space<vmem>> -> memref<128xi32, #tpu.memory_space<vmem>>
      %dma_start3A_129 = arith.constant 0 : i32
      %dma_start3A_130 = arith.constant 0 : i32
      %dma_start3A_131 = tpu.memref_slice %arg13[%dma_start3A_129, %dma_start3A_130] : memref<10240x48xf32, #tpu.memory_space<vmem_shared>> -> memref<10240x48xf32, #tpu.memory_space<vmem_shared>>
      tpu.enqueue_indirect_dma source(%arg10 : memref<128x48xf32, #tpu.memory_space<vmem>>) target(%dma_start3A_131 : memref<10240x48xf32, #tpu.memory_space<vmem_shared>>) offsets(%dma_start3A_128 : memref<128xi32, #tpu.memory_space<vmem>>) semaphore(%arg20 : memref<!tpu.dma_semaphore, #tpu.memory_space<semaphore_mem>>) {add = true}
      %mul3A_132 = arith.constant 4 : i32
      %mul3A_133 = arith.muli %scan3A_84, %mul3A_132 : i32
      %add3A_134 = arith.constant 3 : i32
      %add3A_135 = arith.addi %mul3A_133, %add3A_134 : i32
      %dma_wait3A_136 = arith.constant 0 : i32
      %dma_wait3A_137 = tpu.memref_slice %arg6[%add3A_135, %dma_wait3A_136] : memref<160x128xi32, #tpu.memory_space<vmem>> -> memref<1x128xi32, #tpu.memory_space<vmem>>
      %dma_wait3A_138 = tpu.memref_squeeze %dma_wait3A_137 : memref<1x128xi32, #tpu.memory_space<vmem>> -> memref<128xi32, #tpu.memory_space<vmem>>
      %dma_wait3A_139 = arith.constant 0 : i32
      %dma_wait3A_140 = arith.constant 0 : i32
      %dma_wait3A_141 = tpu.memref_slice %arg12[%dma_wait3A_139, %dma_wait3A_140] : memref<10000x48xf32, #tpu.memory_space<vmem_shared>> -> memref<10000x48xf32, #tpu.memory_space<vmem_shared>>
      tpu.wait_indirect_dma semaphore(%arg17 : memref<!tpu.dma_semaphore, #tpu.memory_space<semaphore_mem>>) src(%dma_wait3A_141 : memref<10000x48xf32, #tpu.memory_space<vmem_shared>>) dst(%arg11 : memref<128x48xf32, #tpu.memory_space<vmem>>)
      %dma_start3A_142 = arith.constant 0 : i32
      %dma_start3A_143 = tpu.memref_slice %arg7[%add3A_135, %dma_start3A_142] : memref<160x128xi32, #tpu.memory_space<vmem>> -> memref<1x128xi32, #tpu.memory_space<vmem>>
      %dma_start3A_144 = tpu.memref_squeeze %dma_start3A_143 : memref<1x128xi32, #tpu.memory_space<vmem>> -> memref<128xi32, #tpu.memory_space<vmem>>
      %dma_start3A_145 = arith.constant 0 : i32
      %dma_start3A_146 = arith.constant 0 : i32
      %dma_start3A_147 = tpu.memref_slice %arg13[%dma_start3A_145, %dma_start3A_146] : memref<10240x48xf32, #tpu.memory_space<vmem_shared>> -> memref<10240x48xf32, #tpu.memory_space<vmem_shared>>
      tpu.enqueue_indirect_dma source(%arg11 : memref<128x48xf32, #tpu.memory_space<vmem>>) target(%dma_start3A_147 : memref<10240x48xf32, #tpu.memory_space<vmem_shared>>) offsets(%dma_start3A_144 : memref<128xi32, #tpu.memory_space<vmem>>) semaphore(%arg21 : memref<!tpu.dma_semaphore, #tpu.memory_space<semaphore_mem>>) {add = true}
      %mul3A_148 = arith.constant 4 : i32
      %mul3A_149 = arith.muli %scan3A_84, %mul3A_148 : i32
      %add3A_150 = arith.constant 0 : i32
      %add3A_151 = arith.addi %mul3A_149, %add3A_150 : i32
      %dma_wait3A_152 = arith.constant 0 : i32
      %dma_wait3A_153 = tpu.memref_slice %arg7[%add3A_151, %dma_wait3A_152] : memref<160x128xi32, #tpu.memory_space<vmem>> -> memref<1x128xi32, #tpu.memory_space<vmem>>
      %dma_wait3A_154 = tpu.memref_squeeze %dma_wait3A_153 : memref<1x128xi32, #tpu.memory_space<vmem>> -> memref<128xi32, #tpu.memory_space<vmem>>
      %dma_wait3A_155 = arith.constant 0 : i32
      %dma_wait3A_156 = arith.constant 0 : i32
      %dma_wait3A_157 = tpu.memref_slice %arg13[%dma_wait3A_155, %dma_wait3A_156] : memref<10240x48xf32, #tpu.memory_space<vmem_shared>> -> memref<10240x48xf32, #tpu.memory_space<vmem_shared>>
      tpu.wait_indirect_dma semaphore(%arg18 : memref<!tpu.dma_semaphore, #tpu.memory_space<semaphore_mem>>) src(%arg8 : memref<128x48xf32, #tpu.memory_space<vmem>>) dst(%dma_wait3A_157 : memref<10240x48xf32, #tpu.memory_space<vmem_shared>>)
      %lt3A = arith.constant 39 : i32
      %lt3A_158 = arith.cmpi slt, %scan3A_84, %lt3A : i32
      %convert_element_type3A = arith.extui %lt3A_158 : i1 to i32
      %cond3A = arith.constant 0 : i32
      %cond3A_159 = arith.cmpi ne, %convert_element_type3A, %cond3A : i32
      scf.if %cond3A_159 {
        %add3A_205 = arith.constant 1 : i32
        %add3A_206 = arith.addi %scan3A_84, %add3A_205 : i32
        %mul3A_207 = arith.constant 4 : i32
        %mul3A_208 = arith.muli %add3A_206, %mul3A_207 : i32
        %add3A_209 = arith.constant 0 : i32
        %add3A_210 = arith.addi %mul3A_208, %add3A_209 : i32
        %dma_start3A_211 = arith.constant 0 : i32
        %dma_start3A_212 = tpu.memref_slice %arg6[%add3A_210, %dma_start3A_211] : memref<160x128xi32, #tpu.memory_space<vmem>> -> memref<1x128xi32, #tpu.memory_space<vmem>>
        %dma_start3A_213 = tpu.memref_squeeze %dma_start3A_212 : memref<1x128xi32, #tpu.memory_space<vmem>> -> memref<128xi32, #tpu.memory_space<vmem>>
        %dma_start3A_214 = arith.constant 0 : i32
        %dma_start3A_215 = arith.constant 0 : i32
        %dma_start3A_216 = tpu.memref_slice %arg12[%dma_start3A_214, %dma_start3A_215] : memref<10000x48xf32, #tpu.memory_space<vmem_shared>> -> memref<10000x48xf32, #tpu.memory_space<vmem_shared>>
        tpu.enqueue_indirect_dma source(%dma_start3A_216 : memref<10000x48xf32, #tpu.memory_space<vmem_shared>>) target(%arg8 : memref<128x48xf32, #tpu.memory_space<vmem>>) offsets(%dma_start3A_213 : memref<128xi32, #tpu.memory_space<vmem>>) semaphore(%arg14 : memref<!tpu.dma_semaphore, #tpu.memory_space<semaphore_mem>>)
      } else {
      }
      %mul3A_160 = arith.constant 4 : i32
      %mul3A_161 = arith.muli %scan3A_84, %mul3A_160 : i32
      %add3A_162 = arith.constant 1 : i32
      %add3A_163 = arith.addi %mul3A_161, %add3A_162 : i32
      %dma_wait3A_164 = arith.constant 0 : i32
      %dma_wait3A_165 = tpu.memref_slice %arg7[%add3A_163, %dma_wait3A_164] : memref<160x128xi32, #tpu.memory_space<vmem>> -> memref<1x128xi32, #tpu.memory_space<vmem>>
      %dma_wait3A_166 = tpu.memref_squeeze %dma_wait3A_165 : memref<1x128xi32, #tpu.memory_space<vmem>> -> memref<128xi32, #tpu.memory_space<vmem>>
      %dma_wait3A_167 = arith.constant 0 : i32
      %dma_wait3A_168 = arith.constant 0 : i32
      %dma_wait3A_169 = tpu.memref_slice %arg13[%dma_wait3A_167, %dma_wait3A_168] : memref<10240x48xf32, #tpu.memory_space<vmem_shared>> -> memref<10240x48xf32, #tpu.memory_space<vmem_shared>>
      tpu.wait_indirect_dma semaphore(%arg19 : memref<!tpu.dma_semaphore, #tpu.memory_space<semaphore_mem>>) src(%arg9 : memref<128x48xf32, #tpu.memory_space<vmem>>) dst(%dma_wait3A_169 : memref<10240x48xf32, #tpu.memory_space<vmem_shared>>)
      %lt3A_170 = arith.constant 39 : i32
      %lt3A_171 = arith.cmpi slt, %scan3A_84, %lt3A_170 : i32
      %convert_element_type3A_172 = arith.extui %lt3A_171 : i1 to i32
      %cond3A_173 = arith.constant 0 : i32
      %cond3A_174 = arith.cmpi ne, %convert_element_type3A_172, %cond3A_173 : i32
      scf.if %cond3A_174 {
        %add3A_205 = arith.constant 1 : i32
        %add3A_206 = arith.addi %scan3A_84, %add3A_205 : i32
        %mul3A_207 = arith.constant 4 : i32
        %mul3A_208 = arith.muli %add3A_206, %mul3A_207 : i32
        %add3A_209 = arith.constant 1 : i32
        %add3A_210 = arith.addi %mul3A_208, %add3A_209 : i32
        %dma_start3A_211 = arith.constant 0 : i32
        %dma_start3A_212 = tpu.memref_slice %arg6[%add3A_210, %dma_start3A_211] : memref<160x128xi32, #tpu.memory_space<vmem>> -> memref<1x128xi32, #tpu.memory_space<vmem>>
        %dma_start3A_213 = tpu.memref_squeeze %dma_start3A_212 : memref<1x128xi32, #tpu.memory_space<vmem>> -> memref<128xi32, #tpu.memory_space<vmem>>
        %dma_start3A_214 = arith.constant 0 : i32
        %dma_start3A_215 = arith.constant 0 : i32
        %dma_start3A_216 = tpu.memref_slice %arg12[%dma_start3A_214, %dma_start3A_215] : memref<10000x48xf32, #tpu.memory_space<vmem_shared>> -> memref<10000x48xf32, #tpu.memory_space<vmem_shared>>
        tpu.enqueue_indirect_dma source(%dma_start3A_216 : memref<10000x48xf32, #tpu.memory_space<vmem_shared>>) target(%arg9 : memref<128x48xf32, #tpu.memory_space<vmem>>) offsets(%dma_start3A_213 : memref<128xi32, #tpu.memory_space<vmem>>) semaphore(%arg15 : memref<!tpu.dma_semaphore, #tpu.memory_space<semaphore_mem>>)
      } else {
      }
      %mul3A_175 = arith.constant 4 : i32
      %mul3A_176 = arith.muli %scan3A_84, %mul3A_175 : i32
      %add3A_177 = arith.constant 2 : i32
      %add3A_178 = arith.addi %mul3A_176, %add3A_177 : i32
      %dma_wait3A_179 = arith.constant 0 : i32
      %dma_wait3A_180 = tpu.memref_slice %arg7[%add3A_178, %dma_wait3A_179] : memref<160x128xi32, #tpu.memory_space<vmem>> -> memref<1x128xi32, #tpu.memory_space<vmem>>
      %dma_wait3A_181 = tpu.memref_squeeze %dma_wait3A_180 : memref<1x128xi32, #tpu.memory_space<vmem>> -> memref<128xi32, #tpu.memory_space<vmem>>
      %dma_wait3A_182 = arith.constant 0 : i32
      %dma_wait3A_183 = arith.constant 0 : i32
      %dma_wait3A_184 = tpu.memref_slice %arg13[%dma_wait3A_182, %dma_wait3A_183] : memref<10240x48xf32, #tpu.memory_space<vmem_shared>> -> memref<10240x48xf32, #tpu.memory_space<vmem_shared>>
      tpu.wait_indirect_dma semaphore(%arg20 : memref<!tpu.dma_semaphore, #tpu.memory_space<semaphore_mem>>) src(%arg10 : memref<128x48xf32, #tpu.memory_space<vmem>>) dst(%dma_wait3A_184 : memref<10240x48xf32, #tpu.memory_space<vmem_shared>>)
      %lt3A_185 = arith.constant 39 : i32
      %lt3A_186 = arith.cmpi slt, %scan3A_84, %lt3A_185 : i32
      %convert_element_type3A_187 = arith.extui %lt3A_186 : i1 to i32
      %cond3A_188 = arith.constant 0 : i32
      %cond3A_189 = arith.cmpi ne, %convert_element_type3A_187, %cond3A_188 : i32
      scf.if %cond3A_189 {
        %add3A_205 = arith.constant 1 : i32
        %add3A_206 = arith.addi %scan3A_84, %add3A_205 : i32
        %mul3A_207 = arith.constant 4 : i32
        %mul3A_208 = arith.muli %add3A_206, %mul3A_207 : i32
        %add3A_209 = arith.constant 2 : i32
        %add3A_210 = arith.addi %mul3A_208, %add3A_209 : i32
        %dma_start3A_211 = arith.constant 0 : i32
        %dma_start3A_212 = tpu.memref_slice %arg6[%add3A_210, %dma_start3A_211] : memref<160x128xi32, #tpu.memory_space<vmem>> -> memref<1x128xi32, #tpu.memory_space<vmem>>
        %dma_start3A_213 = tpu.memref_squeeze %dma_start3A_212 : memref<1x128xi32, #tpu.memory_space<vmem>> -> memref<128xi32, #tpu.memory_space<vmem>>
        %dma_start3A_214 = arith.constant 0 : i32
        %dma_start3A_215 = arith.constant 0 : i32
        %dma_start3A_216 = tpu.memref_slice %arg12[%dma_start3A_214, %dma_start3A_215] : memref<10000x48xf32, #tpu.memory_space<vmem_shared>> -> memref<10000x48xf32, #tpu.memory_space<vmem_shared>>
        tpu.enqueue_indirect_dma source(%dma_start3A_216 : memref<10000x48xf32, #tpu.memory_space<vmem_shared>>) target(%arg10 : memref<128x48xf32, #tpu.memory_space<vmem>>) offsets(%dma_start3A_213 : memref<128xi32, #tpu.memory_space<vmem>>) semaphore(%arg16 : memref<!tpu.dma_semaphore, #tpu.memory_space<semaphore_mem>>)
      } else {
      }
      %mul3A_190 = arith.constant 4 : i32
      %mul3A_191 = arith.muli %scan3A_84, %mul3A_190 : i32
      %add3A_192 = arith.constant 3 : i32
      %add3A_193 = arith.addi %mul3A_191, %add3A_192 : i32
      %dma_wait3A_194 = arith.constant 0 : i32
      %dma_wait3A_195 = tpu.memref_slice %arg7[%add3A_193, %dma_wait3A_194] : memref<160x128xi32, #tpu.memory_space<vmem>> -> memref<1x128xi32, #tpu.memory_space<vmem>>
      %dma_wait3A_196 = tpu.memref_squeeze %dma_wait3A_195 : memref<1x128xi32, #tpu.memory_space<vmem>> -> memref<128xi32, #tpu.memory_space<vmem>>
      %dma_wait3A_197 = arith.constant 0 : i32
      %dma_wait3A_198 = arith.constant 0 : i32
      %dma_wait3A_199 = tpu.memref_slice %arg13[%dma_wait3A_197, %dma_wait3A_198] : memref<10240x48xf32, #tpu.memory_space<vmem_shared>> -> memref<10240x48xf32, #tpu.memory_space<vmem_shared>>
      tpu.wait_indirect_dma semaphore(%arg21 : memref<!tpu.dma_semaphore, #tpu.memory_space<semaphore_mem>>) src(%arg11 : memref<128x48xf32, #tpu.memory_space<vmem>>) dst(%dma_wait3A_199 : memref<10240x48xf32, #tpu.memory_space<vmem_shared>>)
      %lt3A_200 = arith.constant 39 : i32
      %lt3A_201 = arith.cmpi slt, %scan3A_84, %lt3A_200 : i32
      %convert_element_type3A_202 = arith.extui %lt3A_201 : i1 to i32
      %cond3A_203 = arith.constant 0 : i32
      %cond3A_204 = arith.cmpi ne, %convert_element_type3A_202, %cond3A_203 : i32
      scf.if %cond3A_204 {
        %add3A_205 = arith.constant 1 : i32
        %add3A_206 = arith.addi %scan3A_84, %add3A_205 : i32
        %mul3A_207 = arith.constant 4 : i32
        %mul3A_208 = arith.muli %add3A_206, %mul3A_207 : i32
        %add3A_209 = arith.constant 3 : i32
        %add3A_210 = arith.addi %mul3A_208, %add3A_209 : i32
        %dma_start3A_211 = arith.constant 0 : i32
        %dma_start3A_212 = tpu.memref_slice %arg6[%add3A_210, %dma_start3A_211] : memref<160x128xi32, #tpu.memory_space<vmem>> -> memref<1x128xi32, #tpu.memory_space<vmem>>
        %dma_start3A_213 = tpu.memref_squeeze %dma_start3A_212 : memref<1x128xi32, #tpu.memory_space<vmem>> -> memref<128xi32, #tpu.memory_space<vmem>>
        %dma_start3A_214 = arith.constant 0 : i32
        %dma_start3A_215 = arith.constant 0 : i32
        %dma_start3A_216 = tpu.memref_slice %arg12[%dma_start3A_214, %dma_start3A_215] : memref<10000x48xf32, #tpu.memory_space<vmem_shared>> -> memref<10000x48xf32, #tpu.memory_space<vmem_shared>>
        tpu.enqueue_indirect_dma source(%dma_start3A_216 : memref<10000x48xf32, #tpu.memory_space<vmem_shared>>) target(%arg11 : memref<128x48xf32, #tpu.memory_space<vmem>>) offsets(%dma_start3A_213 : memref<128xi32, #tpu.memory_space<vmem>>) semaphore(%arg17 : memref<!tpu.dma_semaphore, #tpu.memory_space<semaphore_mem>>)
      } else {
      }
    }
    %scan3A_62 = arith.constant 40 : i32
    %barrier3A_63 = arith.constant 0 : index
    tpu.barrier barrier_id(%barrier3A_63)
    %mul3A_64 = arith.constant 640 : i32
    %mul3A_65 = arith.muli %arg1, %mul3A_64 : i32
    %add3A_66 = arith.constant 0 : i32
    %add3A_67 = arith.addi %mul3A_65, %add3A_66 : i32
    "tpu.region"() ({
      %run_scoped3A = tpu.sem_alloc : memref<!tpu.dma_semaphore, #tpu.memory_space<semaphore_mem>>
      %dma_start3A_84 = arith.constant 0 : i32
      %dma_start3A_85 = tpu.memref_slice %arg5[%arg0, %add3A_67, %dma_start3A_84] : memref<2x10240x48xf32, #tpu.memory_space<hbm>> -> memref<1x128x48xf32, #tpu.memory_space<hbm>>
      %dma_start3A_86 = tpu.memref_squeeze %dma_start3A_85 : memref<1x128x48xf32, #tpu.memory_space<hbm>> -> memref<128x48xf32, #tpu.memory_space<hbm>>
      %dma_start3A_87 = arith.constant 0 : i32
      %dma_start3A_88 = tpu.memref_slice %arg13[%add3A_67, %dma_start3A_87] : memref<10240x48xf32, #tpu.memory_space<vmem_shared>> -> memref<128x48xf32, #tpu.memory_space<vmem_shared>>
      tpu.enqueue_dma source(%dma_start3A_88 : memref<128x48xf32, #tpu.memory_space<vmem_shared>>) target(%dma_start3A_86 : memref<128x48xf32, #tpu.memory_space<hbm>>) target_semaphore(%run_scoped3A : memref<!tpu.dma_semaphore, #tpu.memory_space<semaphore_mem>>)
      %dma_wait3A = arith.constant 0 : i32
      %dma_wait3A_89 = tpu.memref_slice %arg5[%arg0, %add3A_67, %dma_wait3A] : memref<2x10240x48xf32, #tpu.memory_space<hbm>> -> memref<1x128x48xf32, #tpu.memory_space<hbm>>
      %dma_wait3A_90 = tpu.memref_squeeze %dma_wait3A_89 : memref<1x128x48xf32, #tpu.memory_space<hbm>> -> memref<128x48xf32, #tpu.memory_space<hbm>>
      %dma_wait3A_91 = arith.constant 0 : i32
      %dma_wait3A_92 = tpu.memref_slice %arg13[%add3A_67, %dma_wait3A_91] : memref<10240x48xf32, #tpu.memory_space<vmem_shared>> -> memref<128x48xf32, #tpu.memory_space<vmem_shared>>
      tpu.wait_dma2 semaphore(%run_scoped3A : memref<!tpu.dma_semaphore, #tpu.memory_space<semaphore_mem>>) src(%dma_wait3A_92 : memref<128x48xf32, #tpu.memory_space<vmem_shared>>) dst(%dma_wait3A_90 : memref<128x48xf32, #tpu.memory_space<hbm>>)
      tpu.yield
    }) : () -> ()
    %mul3A_68 = arith.constant 640 : i32
    %mul3A_69 = arith.muli %arg1, %mul3A_68 : i32
    %add3A_70 = arith.constant 128 : i32
    %add3A_71 = arith.addi %mul3A_69, %add3A_70 : i32
    "tpu.region"() ({
      %run_scoped3A = tpu.sem_alloc : memref<!tpu.dma_semaphore, #tpu.memory_space<semaphore_mem>>
      %dma_start3A_84 = arith.constant 0 : i32
      %dma_start3A_85 = tpu.memref_slice %arg5[%arg0, %add3A_71, %dma_start3A_84] : memref<2x10240x48xf32, #tpu.memory_space<hbm>> -> memref<1x128x48xf32, #tpu.memory_space<hbm>>
      %dma_start3A_86 = tpu.memref_squeeze %dma_start3A_85 : memref<1x128x48xf32, #tpu.memory_space<hbm>> -> memref<128x48xf32, #tpu.memory_space<hbm>>
      %dma_start3A_87 = arith.constant 0 : i32
      %dma_start3A_88 = tpu.memref_slice %arg13[%add3A_71, %dma_start3A_87] : memref<10240x48xf32, #tpu.memory_space<vmem_shared>> -> memref<128x48xf32, #tpu.memory_space<vmem_shared>>
      tpu.enqueue_dma source(%dma_start3A_88 : memref<128x48xf32, #tpu.memory_space<vmem_shared>>) target(%dma_start3A_86 : memref<128x48xf32, #tpu.memory_space<hbm>>) target_semaphore(%run_scoped3A : memref<!tpu.dma_semaphore, #tpu.memory_space<semaphore_mem>>)
      %dma_wait3A = arith.constant 0 : i32
      %dma_wait3A_89 = tpu.memref_slice %arg5[%arg0, %add3A_71, %dma_wait3A] : memref<2x10240x48xf32, #tpu.memory_space<hbm>> -> memref<1x128x48xf32, #tpu.memory_space<hbm>>
      %dma_wait3A_90 = tpu.memref_squeeze %dma_wait3A_89 : memref<1x128x48xf32, #tpu.memory_space<hbm>> -> memref<128x48xf32, #tpu.memory_space<hbm>>
      %dma_wait3A_91 = arith.constant 0 : i32
      %dma_wait3A_92 = tpu.memref_slice %arg13[%add3A_71, %dma_wait3A_91] : memref<10240x48xf32, #tpu.memory_space<vmem_shared>> -> memref<128x48xf32, #tpu.memory_space<vmem_shared>>
      tpu.wait_dma2 semaphore(%run_scoped3A : memref<!tpu.dma_semaphore, #tpu.memory_space<semaphore_mem>>) src(%dma_wait3A_92 : memref<128x48xf32, #tpu.memory_space<vmem_shared>>) dst(%dma_wait3A_90 : memref<128x48xf32, #tpu.memory_space<hbm>>)
      tpu.yield
    }) : () -> ()
    %mul3A_72 = arith.constant 640 : i32
    %mul3A_73 = arith.muli %arg1, %mul3A_72 : i32
    %add3A_74 = arith.constant 256 : i32
    %add3A_75 = arith.addi %mul3A_73, %add3A_74 : i32
    "tpu.region"() ({
      %run_scoped3A = tpu.sem_alloc : memref<!tpu.dma_semaphore, #tpu.memory_space<semaphore_mem>>
      %dma_start3A_84 = arith.constant 0 : i32
      %dma_start3A_85 = tpu.memref_slice %arg5[%arg0, %add3A_75, %dma_start3A_84] : memref<2x10240x48xf32, #tpu.memory_space<hbm>> -> memref<1x128x48xf32, #tpu.memory_space<hbm>>
      %dma_start3A_86 = tpu.memref_squeeze %dma_start3A_85 : memref<1x128x48xf32, #tpu.memory_space<hbm>> -> memref<128x48xf32, #tpu.memory_space<hbm>>
      %dma_start3A_87 = arith.constant 0 : i32
      %dma_start3A_88 = tpu.memref_slice %arg13[%add3A_75, %dma_start3A_87] : memref<10240x48xf32, #tpu.memory_space<vmem_shared>> -> memref<128x48xf32, #tpu.memory_space<vmem_shared>>
      tpu.enqueue_dma source(%dma_start3A_88 : memref<128x48xf32, #tpu.memory_space<vmem_shared>>) target(%dma_start3A_86 : memref<128x48xf32, #tpu.memory_space<hbm>>) target_semaphore(%run_scoped3A : memref<!tpu.dma_semaphore, #tpu.memory_space<semaphore_mem>>)
      %dma_wait3A = arith.constant 0 : i32
      %dma_wait3A_89 = tpu.memref_slice %arg5[%arg0, %add3A_75, %dma_wait3A] : memref<2x10240x48xf32, #tpu.memory_space<hbm>> -> memref<1x128x48xf32, #tpu.memory_space<hbm>>
      %dma_wait3A_90 = tpu.memref_squeeze %dma_wait3A_89 : memref<1x128x48xf32, #tpu.memory_space<hbm>> -> memref<128x48xf32, #tpu.memory_space<hbm>>
      %dma_wait3A_91 = arith.constant 0 : i32
      %dma_wait3A_92 = tpu.memref_slice %arg13[%add3A_75, %dma_wait3A_91] : memref<10240x48xf32, #tpu.memory_space<vmem_shared>> -> memref<128x48xf32, #tpu.memory_space<vmem_shared>>
      tpu.wait_dma2 semaphore(%run_scoped3A : memref<!tpu.dma_semaphore, #tpu.memory_space<semaphore_mem>>) src(%dma_wait3A_92 : memref<128x48xf32, #tpu.memory_space<vmem_shared>>) dst(%dma_wait3A_90 : memref<128x48xf32, #tpu.memory_space<hbm>>)
      tpu.yield
    }) : () -> ()
    %mul3A_76 = arith.constant 640 : i32
    %mul3A_77 = arith.muli %arg1, %mul3A_76 : i32
    %add3A_78 = arith.constant 384 : i32
    %add3A_79 = arith.addi %mul3A_77, %add3A_78 : i32
    "tpu.region"() ({
      %run_scoped3A = tpu.sem_alloc : memref<!tpu.dma_semaphore, #tpu.memory_space<semaphore_mem>>
      %dma_start3A_84 = arith.constant 0 : i32
      %dma_start3A_85 = tpu.memref_slice %arg5[%arg0, %add3A_79, %dma_start3A_84] : memref<2x10240x48xf32, #tpu.memory_space<hbm>> -> memref<1x128x48xf32, #tpu.memory_space<hbm>>
      %dma_start3A_86 = tpu.memref_squeeze %dma_start3A_85 : memref<1x128x48xf32, #tpu.memory_space<hbm>> -> memref<128x48xf32, #tpu.memory_space<hbm>>
      %dma_start3A_87 = arith.constant 0 : i32
      %dma_start3A_88 = tpu.memref_slice %arg13[%add3A_79, %dma_start3A_87] : memref<10240x48xf32, #tpu.memory_space<vmem_shared>> -> memref<128x48xf32, #tpu.memory_space<vmem_shared>>
      tpu.enqueue_dma source(%dma_start3A_88 : memref<128x48xf32, #tpu.memory_space<vmem_shared>>) target(%dma_start3A_86 : memref<128x48xf32, #tpu.memory_space<hbm>>) target_semaphore(%run_scoped3A : memref<!tpu.dma_semaphore, #tpu.memory_space<semaphore_mem>>)
      %dma_wait3A = arith.constant 0 : i32
      %dma_wait3A_89 = tpu.memref_slice %arg5[%arg0, %add3A_79, %dma_wait3A] : memref<2x10240x48xf32, #tpu.memory_space<hbm>> -> memref<1x128x48xf32, #tpu.memory_space<hbm>>
      %dma_wait3A_90 = tpu.memref_squeeze %dma_wait3A_89 : memref<1x128x48xf32, #tpu.memory_space<hbm>> -> memref<128x48xf32, #tpu.memory_space<hbm>>
      %dma_wait3A_91 = arith.constant 0 : i32
      %dma_wait3A_92 = tpu.memref_slice %arg13[%add3A_79, %dma_wait3A_91] : memref<10240x48xf32, #tpu.memory_space<vmem_shared>> -> memref<128x48xf32, #tpu.memory_space<vmem_shared>>
      tpu.wait_dma2 semaphore(%run_scoped3A : memref<!tpu.dma_semaphore, #tpu.memory_space<semaphore_mem>>) src(%dma_wait3A_92 : memref<128x48xf32, #tpu.memory_space<vmem_shared>>) dst(%dma_wait3A_90 : memref<128x48xf32, #tpu.memory_space<hbm>>)
      tpu.yield
    }) : () -> ()
    %mul3A_80 = arith.constant 640 : i32
    %mul3A_81 = arith.muli %arg1, %mul3A_80 : i32
    %add3A_82 = arith.constant 512 : i32
    %add3A_83 = arith.addi %mul3A_81, %add3A_82 : i32
    "tpu.region"() ({
      %run_scoped3A = tpu.sem_alloc : memref<!tpu.dma_semaphore, #tpu.memory_space<semaphore_mem>>
      %dma_start3A_84 = arith.constant 0 : i32
      %dma_start3A_85 = tpu.memref_slice %arg5[%arg0, %add3A_83, %dma_start3A_84] : memref<2x10240x48xf32, #tpu.memory_space<hbm>> -> memref<1x128x48xf32, #tpu.memory_space<hbm>>
      %dma_start3A_86 = tpu.memref_squeeze %dma_start3A_85 : memref<1x128x48xf32, #tpu.memory_space<hbm>> -> memref<128x48xf32, #tpu.memory_space<hbm>>
      %dma_start3A_87 = arith.constant 0 : i32
      %dma_start3A_88 = tpu.memref_slice %arg13[%add3A_83, %dma_start3A_87] : memref<10240x48xf32, #tpu.memory_space<vmem_shared>> -> memref<128x48xf32, #tpu.memory_space<vmem_shared>>
      tpu.enqueue_dma source(%dma_start3A_88 : memref<128x48xf32, #tpu.memory_space<vmem_shared>>) target(%dma_start3A_86 : memref<128x48xf32, #tpu.memory_space<hbm>>) target_semaphore(%run_scoped3A : memref<!tpu.dma_semaphore, #tpu.memory_space<semaphore_mem>>)
      %dma_wait3A = arith.constant 0 : i32
      %dma_wait3A_89 = tpu.memref_slice %arg5[%arg0, %add3A_83, %dma_wait3A] : memref<2x10240x48xf32, #tpu.memory_space<hbm>> -> memref<1x128x48xf32, #tpu.memory_space<hbm>>
      %dma_wait3A_90 = tpu.memref_squeeze %dma_wait3A_89 : memref<1x128x48xf32, #tpu.memory_space<hbm>> -> memref<128x48xf32, #tpu.memory_space<hbm>>
      %dma_wait3A_91 = arith.constant 0 : i32
      %dma_wait3A_92 = tpu.memref_slice %arg13[%add3A_83, %dma_wait3A_91] : memref<10240x48xf32, #tpu.memory_space<vmem_shared>> -> memref<128x48xf32, #tpu.memory_space<vmem_shared>>
      tpu.wait_dma2 semaphore(%run_scoped3A : memref<!tpu.dma_semaphore, #tpu.memory_space<semaphore_mem>>) src(%dma_wait3A_92 : memref<128x48xf32, #tpu.memory_space<vmem_shared>>) dst(%dma_wait3A_90 : memref<128x48xf32, #tpu.memory_space<hbm>>)
      tpu.yield
    }) : () -> ()
    return
  }
}

#map = affine_map<(d0, d1) -> (0, 0)>
#map1 = affine_map<(d0, d1) -> (0, 0, 0)>
module attributes {stable_mosaic.version = 14 : i64} {
  func.func @_edge(%arg0: i32, %arg1: i32, %arg2: memref<20000x48xf32, #tpu.memory_space<hbm>>, %arg3: memref<16x160x128xi32, #tpu.memory_space<hbm>>, %arg4: memref<16x160x128xi32, #tpu.memory_space<hbm>>, %arg5: memref<2x10240x48xf32, #tpu.memory_space<hbm>>, %arg6: memref<160x128xi32, #tpu.memory_space<vmem>>, %arg7: memref<160x128xi32, #tpu.memory_space<vmem>>, %arg8: memref<128x48xf32, #tpu.memory_space<vmem>>, %arg9: memref<128x48xf32, #tpu.memory_space<vmem>>, %arg10: memref<128x48xf32, #tpu.memory_space<vmem>>, %arg11: memref<128x48xf32, #tpu.memory_space<vmem>>, %arg12: memref<10000x48xf32, #tpu.memory_space<vmem_shared>>, %arg13: memref<10240x48xf32, #tpu.memory_space<vmem_shared>>, %arg14: memref<!tpu.dma_semaphore, #tpu.memory_space<semaphore_mem>>, %arg15: memref<!tpu.dma_semaphore, #tpu.memory_space<semaphore_mem>>, %arg16: memref<!tpu.dma_semaphore, #tpu.memory_space<semaphore_mem>>, %arg17: memref<!tpu.dma_semaphore, #tpu.memory_space<semaphore_mem>>, %arg18: memref<!tpu.dma_semaphore, #tpu.memory_space<semaphore_mem>>, %arg19: memref<!tpu.dma_semaphore, #tpu.memory_space<semaphore_mem>>, %arg20: memref<!tpu.dma_semaphore, #tpu.memory_space<semaphore_mem>>, %arg21: memref<!tpu.dma_semaphore, #tpu.memory_space<semaphore_mem>>) attributes {dimension_semantics = [#tpu.dimension_semantics<core_parallel>, #tpu.dimension_semantics<subcore_parallel>], iteration_bounds = array<i64: 2, 16>, scalar_prefetch = 0 : i64, scratch_operands = 16 : i64, tpu.core_type = #tpu.core_type<sc_vector_subcore>, window_params = [{transform_indices = #map}, {transform_indices = #map1}, {transform_indices = #map1}, {transform_indices = #map1}]} {
    %mul3A = arith.constant 10000 : i32
    %mul3A_0 = arith.muli %arg0, %mul3A : i32
    %mul3A_1 = arith.constant 625 : i32
    %mul3A_2 = arith.muli %arg1, %mul3A_1 : i32
    %add3A = arith.addi %mul3A_0, %mul3A_2 : i32
    %mul3A_3 = arith.constant 625 : i32
    %mul3A_4 = arith.muli %arg1, %mul3A_3 : i32
    "tpu.region"() ({
      %run_scoped3A = tpu.sem_alloc : memref<!tpu.dma_semaphore, #tpu.memory_space<semaphore_mem>>
      %dma_start3A_84 = arith.constant 0 : i32
      %dma_start3A_85 = tpu.memref_slice %arg12[%mul3A_4, %dma_start3A_84] : memref<10000x48xf32, #tpu.memory_space<vmem_shared>> -> memref<625x48xf32, #tpu.memory_space<vmem_shared>>
      %dma_start3A_86 = arith.constant 0 : i32
      %dma_start3A_87 = tpu.memref_slice %arg2[%add3A, %dma_start3A_86] : memref<20000x48xf32, #tpu.memory_space<hbm>> -> memref<625x48xf32, #tpu.memory_space<hbm>>
      tpu.enqueue_dma source(%dma_start3A_87 : memref<625x48xf32, #tpu.memory_space<hbm>>) target(%dma_start3A_85 : memref<625x48xf32, #tpu.memory_space<vmem_shared>>) target_semaphore(%run_scoped3A : memref<!tpu.dma_semaphore, #tpu.memory_space<semaphore_mem>>)
      %dma_wait3A = arith.constant 0 : i32
      %dma_wait3A_88 = tpu.memref_slice %arg12[%mul3A_4, %dma_wait3A] : memref<10000x48xf32, #tpu.memory_space<vmem_shared>> -> memref<625x48xf32, #tpu.memory_space<vmem_shared>>
      %dma_wait3A_89 = arith.constant 0 : i32
      %dma_wait3A_90 = tpu.memref_slice %arg2[%add3A, %dma_wait3A_89] : memref<20000x48xf32, #tpu.memory_space<hbm>> -> memref<625x48xf32, #tpu.memory_space<hbm>>
      tpu.wait_dma2 semaphore(%run_scoped3A : memref<!tpu.dma_semaphore, #tpu.memory_space<semaphore_mem>>) src(%dma_wait3A_90 : memref<625x48xf32, #tpu.memory_space<hbm>>) dst(%dma_wait3A_88 : memref<625x48xf32, #tpu.memory_space<vmem_shared>>)
      tpu.yield
    }) : () -> ()
    %scan3A = arith.constant 0 : i32
    %scan3A_5 = arith.constant 0 : i32
    %scan3A_6 = arith.constant 128 : i32
    %scan3A_7 = arith.addi %scan3A_5, %scan3A_6 : i32
    %scan3A_8 = arith.constant 1 : i32
    scf.for %scan3A_84 = %scan3A_5 to %scan3A_7 step %scan3A_8  : i32 {
      %broadcast_in_dim3A = arith.constant 0.000000e+00 : f32
      %broadcast_in_dim3A_85 = vector.broadcast %broadcast_in_dim3A : f32 to vector<16xf32>
      %swap3A = arith.index_cast %scan3A_84 : i32 to index
      %swap3A_86 = arith.constant 0 : index
      %swap3A_87 = tpu.vector_load %arg8[%swap3A, %swap3A_86] {strides = array<i32>} : memref<128x48xf32, #tpu.memory_space<vmem>>, vector<16xf32>,
      tpu.vector_store %arg8[%swap3A, %swap3A_86], %broadcast_in_dim3A_85 {strides = array<i32>} : memref<128x48xf32, #tpu.memory_space<vmem>>, vector<16xf32>,
      %broadcast_in_dim3A_88 = arith.constant 0.000000e+00 : f32
      %broadcast_in_dim3A_89 = vector.broadcast %broadcast_in_dim3A_88 : f32 to vector<16xf32>
      %swap3A_90 = arith.index_cast %scan3A_84 : i32 to index
      %swap3A_91 = arith.constant 16 : index
      %swap3A_92 = tpu.vector_load %arg8[%swap3A_90, %swap3A_91] {strides = array<i32>} : memref<128x48xf32, #tpu.memory_space<vmem>>, vector<16xf32>,
      tpu.vector_store %arg8[%swap3A_90, %swap3A_91], %broadcast_in_dim3A_89 {strides = array<i32>} : memref<128x48xf32, #tpu.memory_space<vmem>>, vector<16xf32>,
      %broadcast_in_dim3A_93 = arith.constant 0.000000e+00 : f32
      %broadcast_in_dim3A_94 = vector.broadcast %broadcast_in_dim3A_93 : f32 to vector<16xf32>
      %swap3A_95 = arith.index_cast %scan3A_84 : i32 to index
      %swap3A_96 = arith.constant 32 : index
      %swap3A_97 = tpu.vector_load %arg8[%swap3A_95, %swap3A_96] {strides = array<i32>} : memref<128x48xf32, #tpu.memory_space<vmem>>, vector<16xf32>,
      tpu.vector_store %arg8[%swap3A_95, %swap3A_96], %broadcast_in_dim3A_94 {strides = array<i32>} : memref<128x48xf32, #tpu.memory_space<vmem>>, vector<16xf32>,
    }
    %scan3A_9 = arith.constant 128 : i32
    %mul3A_10 = arith.constant 640 : i32
    %mul3A_11 = arith.muli %arg1, %mul3A_10 : i32
    %add3A_12 = arith.constant 0 : i32
    %add3A_13 = arith.addi %mul3A_11, %add3A_12 : i32
    "tpu.region"() ({
      %run_scoped3A = tpu.sem_alloc : memref<!tpu.dma_semaphore, #tpu.memory_space<semaphore_mem>>
      %dma_start3A_84 = arith.constant 0 : i32
      %dma_start3A_85 = tpu.memref_slice %arg13[%add3A_13, %dma_start3A_84] : memref<10240x48xf32, #tpu.memory_space<vmem_shared>> -> memref<128x48xf32, #tpu.memory_space<vmem_shared>>
      %dma_start3A_86 = arith.constant 0 : i32
      %dma_start3A_87 = tpu.memref_slice %arg13[%add3A_13, %dma_start3A_86] : memref<10240x48xf32, #tpu.memory_space<vmem_shared>> -> memref<128x48xf32, #tpu.memory_space<vmem_shared>>
      tpu.enqueue_dma source(%arg8 : memref<128x48xf32, #tpu.memory_space<vmem>>) target(%dma_start3A_87 : memref<128x48xf32, #tpu.memory_space<vmem_shared>>) target_semaphore(%run_scoped3A : memref<!tpu.dma_semaphore, #tpu.memory_space<semaphore_mem>>)
      %dma_wait3A = arith.constant 0 : i32
      %dma_wait3A_88 = tpu.memref_slice %arg13[%add3A_13, %dma_wait3A] : memref<10240x48xf32, #tpu.memory_space<vmem_shared>> -> memref<128x48xf32, #tpu.memory_space<vmem_shared>>
      %dma_wait3A_89 = arith.constant 0 : i32
      %dma_wait3A_90 = tpu.memref_slice %arg13[%add3A_13, %dma_wait3A_89] : memref<10240x48xf32, #tpu.memory_space<vmem_shared>> -> memref<128x48xf32, #tpu.memory_space<vmem_shared>>
      tpu.wait_dma2 semaphore(%run_scoped3A : memref<!tpu.dma_semaphore, #tpu.memory_space<semaphore_mem>>) src(%arg8 : memref<128x48xf32, #tpu.memory_space<vmem>>) dst(%dma_wait3A_90 : memref<128x48xf32, #tpu.memory_space<vmem_shared>>)
      tpu.yield
    }) : () -> ()
    %mul3A_14 = arith.constant 640 : i32
    %mul3A_15 = arith.muli %arg1, %mul3A_14 : i32
    %add3A_16 = arith.constant 128 : i32
    %add3A_17 = arith.addi %mul3A_15, %add3A_16 : i32
    "tpu.region"() ({
      %run_scoped3A = tpu.sem_alloc : memref<!tpu.dma_semaphore, #tpu.memory_space<semaphore_mem>>
      %dma_start3A_84 = arith.constant 0 : i32
      %dma_start3A_85 = tpu.memref_slice %arg13[%add3A_17, %dma_start3A_84] : memref<10240x48xf32, #tpu.memory_space<vmem_shared>> -> memref<128x48xf32, #tpu.memory_space<vmem_shared>>
      %dma_start3A_86 = arith.constant 0 : i32
      %dma_start3A_87 = tpu.memref_slice %arg13[%add3A_17, %dma_start3A_86] : memref<10240x48xf32, #tpu.memory_space<vmem_shared>> -> memref<128x48xf32, #tpu.memory_space<vmem_shared>>
      tpu.enqueue_dma source(%arg8 : memref<128x48xf32, #tpu.memory_space<vmem>>) target(%dma_start3A_87 : memref<128x48xf32, #tpu.memory_space<vmem_shared>>) target_semaphore(%run_scoped3A : memref<!tpu.dma_semaphore, #tpu.memory_space<semaphore_mem>>)
      %dma_wait3A = arith.constant 0 : i32
      %dma_wait3A_88 = tpu.memref_slice %arg13[%add3A_17, %dma_wait3A] : memref<10240x48xf32, #tpu.memory_space<vmem_shared>> -> memref<128x48xf32, #tpu.memory_space<vmem_shared>>
      %dma_wait3A_89 = arith.constant 0 : i32
      %dma_wait3A_90 = tpu.memref_slice %arg13[%add3A_17, %dma_wait3A_89] : memref<10240x48xf32, #tpu.memory_space<vmem_shared>> -> memref<128x48xf32, #tpu.memory_space<vmem_shared>>
      tpu.wait_dma2 semaphore(%run_scoped3A : memref<!tpu.dma_semaphore, #tpu.memory_space<semaphore_mem>>) src(%arg8 : memref<128x48xf32, #tpu.memory_space<vmem>>) dst(%dma_wait3A_90 : memref<128x48xf32, #tpu.memory_space<vmem_shared>>)
      tpu.yield
    }) : () -> ()
    %mul3A_18 = arith.constant 640 : i32
    %mul3A_19 = arith.muli %arg1, %mul3A_18 : i32
    %add3A_20 = arith.constant 256 : i32
    %add3A_21 = arith.addi %mul3A_19, %add3A_20 : i32
    "tpu.region"() ({
      %run_scoped3A = tpu.sem_alloc : memref<!tpu.dma_semaphore, #tpu.memory_space<semaphore_mem>>
      %dma_start3A_84 = arith.constant 0 : i32
      %dma_start3A_85 = tpu.memref_slice %arg13[%add3A_21, %dma_start3A_84] : memref<10240x48xf32, #tpu.memory_space<vmem_shared>> -> memref<128x48xf32, #tpu.memory_space<vmem_shared>>
      %dma_start3A_86 = arith.constant 0 : i32
      %dma_start3A_87 = tpu.memref_slice %arg13[%add3A_21, %dma_start3A_86] : memref<10240x48xf32, #tpu.memory_space<vmem_shared>> -> memref<128x48xf32, #tpu.memory_space<vmem_shared>>
      tpu.enqueue_dma source(%arg8 : memref<128x48xf32, #tpu.memory_space<vmem>>) target(%dma_start3A_87 : memref<128x48xf32, #tpu.memory_space<vmem_shared>>) target_semaphore(%run_scoped3A : memref<!tpu.dma_semaphore, #tpu.memory_space<semaphore_mem>>)
      %dma_wait3A = arith.constant 0 : i32
      %dma_wait3A_88 = tpu.memref_slice %arg13[%add3A_21, %dma_wait3A] : memref<10240x48xf32, #tpu.memory_space<vmem_shared>> -> memref<128x48xf32, #tpu.memory_space<vmem_shared>>
      %dma_wait3A_89 = arith.constant 0 : i32
      %dma_wait3A_90 = tpu.memref_slice %arg13[%add3A_21, %dma_wait3A_89] : memref<10240x48xf32, #tpu.memory_space<vmem_shared>> -> memref<128x48xf32, #tpu.memory_space<vmem_shared>>
      tpu.wait_dma2 semaphore(%run_scoped3A : memref<!tpu.dma_semaphore, #tpu.memory_space<semaphore_mem>>) src(%arg8 : memref<128x48xf32, #tpu.memory_space<vmem>>) dst(%dma_wait3A_90 : memref<128x48xf32, #tpu.memory_space<vmem_shared>>)
      tpu.yield
    }) : () -> ()
    %mul3A_22 = arith.constant 640 : i32
    %mul3A_23 = arith.muli %arg1, %mul3A_22 : i32
    %add3A_24 = arith.constant 384 : i32
    %add3A_25 = arith.addi %mul3A_23, %add3A_24 : i32
    "tpu.region"() ({
      %run_scoped3A = tpu.sem_alloc : memref<!tpu.dma_semaphore, #tpu.memory_space<semaphore_mem>>
      %dma_start3A_84 = arith.constant 0 : i32
      %dma_start3A_85 = tpu.memref_slice %arg13[%add3A_25, %dma_start3A_84] : memref<10240x48xf32, #tpu.memory_space<vmem_shared>> -> memref<128x48xf32, #tpu.memory_space<vmem_shared>>
      %dma_start3A_86 = arith.constant 0 : i32
      %dma_start3A_87 = tpu.memref_slice %arg13[%add3A_25, %dma_start3A_86] : memref<10240x48xf32, #tpu.memory_space<vmem_shared>> -> memref<128x48xf32, #tpu.memory_space<vmem_shared>>
      tpu.enqueue_dma source(%arg8 : memref<128x48xf32, #tpu.memory_space<vmem>>) target(%dma_start3A_87 : memref<128x48xf32, #tpu.memory_space<vmem_shared>>) target_semaphore(%run_scoped3A : memref<!tpu.dma_semaphore, #tpu.memory_space<semaphore_mem>>)
      %dma_wait3A = arith.constant 0 : i32
      %dma_wait3A_88 = tpu.memref_slice %arg13[%add3A_25, %dma_wait3A] : memref<10240x48xf32, #tpu.memory_space<vmem_shared>> -> memref<128x48xf32, #tpu.memory_space<vmem_shared>>
      %dma_wait3A_89 = arith.constant 0 : i32
      %dma_wait3A_90 = tpu.memref_slice %arg13[%add3A_25, %dma_wait3A_89] : memref<10240x48xf32, #tpu.memory_space<vmem_shared>> -> memref<128x48xf32, #tpu.memory_space<vmem_shared>>
      tpu.wait_dma2 semaphore(%run_scoped3A : memref<!tpu.dma_semaphore, #tpu.memory_space<semaphore_mem>>) src(%arg8 : memref<128x48xf32, #tpu.memory_space<vmem>>) dst(%dma_wait3A_90 : memref<128x48xf32, #tpu.memory_space<vmem_shared>>)
      tpu.yield
    }) : () -> ()
    %mul3A_26 = arith.constant 640 : i32
    %mul3A_27 = arith.muli %arg1, %mul3A_26 : i32
    %add3A_28 = arith.constant 512 : i32
    %add3A_29 = arith.addi %mul3A_27, %add3A_28 : i32
    "tpu.region"() ({
      %run_scoped3A = tpu.sem_alloc : memref<!tpu.dma_semaphore, #tpu.memory_space<semaphore_mem>>
      %dma_start3A_84 = arith.constant 0 : i32
      %dma_start3A_85 = tpu.memref_slice %arg13[%add3A_29, %dma_start3A_84] : memref<10240x48xf32, #tpu.memory_space<vmem_shared>> -> memref<128x48xf32, #tpu.memory_space<vmem_shared>>
      %dma_start3A_86 = arith.constant 0 : i32
      %dma_start3A_87 = tpu.memref_slice %arg13[%add3A_29, %dma_start3A_86] : memref<10240x48xf32, #tpu.memory_space<vmem_shared>> -> memref<128x48xf32, #tpu.memory_space<vmem_shared>>
      tpu.enqueue_dma source(%arg8 : memref<128x48xf32, #tpu.memory_space<vmem>>) target(%dma_start3A_87 : memref<128x48xf32, #tpu.memory_space<vmem_shared>>) target_semaphore(%run_scoped3A : memref<!tpu.dma_semaphore, #tpu.memory_space<semaphore_mem>>)
      %dma_wait3A = arith.constant 0 : i32
      %dma_wait3A_88 = tpu.memref_slice %arg13[%add3A_29, %dma_wait3A] : memref<10240x48xf32, #tpu.memory_space<vmem_shared>> -> memref<128x48xf32, #tpu.memory_space<vmem_shared>>
      %dma_wait3A_89 = arith.constant 0 : i32
      %dma_wait3A_90 = tpu.memref_slice %arg13[%add3A_29, %dma_wait3A_89] : memref<10240x48xf32, #tpu.memory_space<vmem_shared>> -> memref<128x48xf32, #tpu.memory_space<vmem_shared>>
      tpu.wait_dma2 semaphore(%run_scoped3A : memref<!tpu.dma_semaphore, #tpu.memory_space<semaphore_mem>>) src(%arg8 : memref<128x48xf32, #tpu.memory_space<vmem>>) dst(%dma_wait3A_90 : memref<128x48xf32, #tpu.memory_space<vmem_shared>>)
      tpu.yield
    }) : () -> ()
    "tpu.region"() ({
      %run_scoped3A = tpu.sem_alloc : memref<!tpu.dma_semaphore, #tpu.memory_space<semaphore_mem>>
      %dma_start3A_84 = arith.constant 0 : i32
      %dma_start3A_85 = arith.constant 0 : i32
      %dma_start3A_86 = tpu.memref_slice %arg3[%arg1, %dma_start3A_84, %dma_start3A_85] : memref<16x160x128xi32, #tpu.memory_space<hbm>> -> memref<1x160x128xi32, #tpu.memory_space<hbm>>
      %dma_start3A_87 = tpu.memref_squeeze %dma_start3A_86 : memref<1x160x128xi32, #tpu.memory_space<hbm>> -> memref<160x128xi32, #tpu.memory_space<hbm>>
      %dma_start3A_88 = arith.constant 0 : i32
      %dma_start3A_89 = arith.constant 0 : i32
      %dma_start3A_90 = tpu.memref_slice %arg3[%arg1, %dma_start3A_88, %dma_start3A_89] : memref<16x160x128xi32, #tpu.memory_space<hbm>> -> memref<1x160x128xi32, #tpu.memory_space<hbm>>
      %dma_start3A_91 = tpu.memref_squeeze %dma_start3A_90 : memref<1x160x128xi32, #tpu.memory_space<hbm>> -> memref<160x128xi32, #tpu.memory_space<hbm>>
      tpu.enqueue_dma source(%dma_start3A_91 : memref<160x128xi32, #tpu.memory_space<hbm>>) target(%arg6 : memref<160x128xi32, #tpu.memory_space<vmem>>) target_semaphore(%run_scoped3A : memref<!tpu.dma_semaphore, #tpu.memory_space<semaphore_mem>>)
      %dma_wait3A = arith.constant 0 : i32
      %dma_wait3A_92 = arith.constant 0 : i32
      %dma_wait3A_93 = tpu.memref_slice %arg3[%arg1, %dma_wait3A, %dma_wait3A_92] : memref<16x160x128xi32, #tpu.memory_space<hbm>> -> memref<1x160x128xi32, #tpu.memory_space<hbm>>
      %dma_wait3A_94 = tpu.memref_squeeze %dma_wait3A_93 : memref<1x160x128xi32, #tpu.memory_space<hbm>> -> memref<160x128xi32, #tpu.memory_space<hbm>>
      %dma_wait3A_95 = arith.constant 0 : i32
      %dma_wait3A_96 = arith.constant 0 : i32
      %dma_wait3A_97 = tpu.memref_slice %arg3[%arg1, %dma_wait3A_95, %dma_wait3A_96] : memref<16x160x128xi32, #tpu.memory_space<hbm>> -> memref<1x160x128xi32, #tpu.memory_space<hbm>>
      %dma_wait3A_98 = tpu.memref_squeeze %dma_wait3A_97 : memref<1x160x128xi32, #tpu.memory_space<hbm>> -> memref<160x128xi32, #tpu.memory_space<hbm>>
      tpu.wait_dma2 semaphore(%run_scoped3A : memref<!tpu.dma_semaphore, #tpu.memory_space<semaphore_mem>>) src(%dma_wait3A_98 : memref<160x128xi32, #tpu.memory_space<hbm>>) dst(%arg6 : memref<160x128xi32, #tpu.memory_space<vmem>>)
      tpu.yield
    }) : () -> ()
    "tpu.region"() ({
      %run_scoped3A = tpu.sem_alloc : memref<!tpu.dma_semaphore, #tpu.memory_space<semaphore_mem>>
      %dma_start3A_84 = arith.constant 0 : i32
      %dma_start3A_85 = arith.constant 0 : i32
      %dma_start3A_86 = tpu.memref_slice %arg4[%arg1, %dma_start3A_84, %dma_start3A_85] : memref<16x160x128xi32, #tpu.memory_space<hbm>> -> memref<1x160x128xi32, #tpu.memory_space<hbm>>
      %dma_start3A_87 = tpu.memref_squeeze %dma_start3A_86 : memref<1x160x128xi32, #tpu.memory_space<hbm>> -> memref<160x128xi32, #tpu.memory_space<hbm>>
      %dma_start3A_88 = arith.constant 0 : i32
      %dma_start3A_89 = arith.constant 0 : i32
      %dma_start3A_90 = tpu.memref_slice %arg4[%arg1, %dma_start3A_88, %dma_start3A_89] : memref<16x160x128xi32, #tpu.memory_space<hbm>> -> memref<1x160x128xi32, #tpu.memory_space<hbm>>
      %dma_start3A_91 = tpu.memref_squeeze %dma_start3A_90 : memref<1x160x128xi32, #tpu.memory_space<hbm>> -> memref<160x128xi32, #tpu.memory_space<hbm>>
      tpu.enqueue_dma source(%dma_start3A_91 : memref<160x128xi32, #tpu.memory_space<hbm>>) target(%arg7 : memref<160x128xi32, #tpu.memory_space<vmem>>) target_semaphore(%run_scoped3A : memref<!tpu.dma_semaphore, #tpu.memory_space<semaphore_mem>>)
      %dma_wait3A = arith.constant 0 : i32
      %dma_wait3A_92 = arith.constant 0 : i32
      %dma_wait3A_93 = tpu.memref_slice %arg4[%arg1, %dma_wait3A, %dma_wait3A_92] : memref<16x160x128xi32, #tpu.memory_space<hbm>> -> memref<1x160x128xi32, #tpu.memory_space<hbm>>
      %dma_wait3A_94 = tpu.memref_squeeze %dma_wait3A_93 : memref<1x160x128xi32, #tpu.memory_space<hbm>> -> memref<160x128xi32, #tpu.memory_space<hbm>>
      %dma_wait3A_95 = arith.constant 0 : i32
      %dma_wait3A_96 = arith.constant 0 : i32
      %dma_wait3A_97 = tpu.memref_slice %arg4[%arg1, %dma_wait3A_95, %dma_wait3A_96] : memref<16x160x128xi32, #tpu.memory_space<hbm>> -> memref<1x160x128xi32, #tpu.memory_space<hbm>>
      %dma_wait3A_98 = tpu.memref_squeeze %dma_wait3A_97 : memref<1x160x128xi32, #tpu.memory_space<hbm>> -> memref<160x128xi32, #tpu.memory_space<hbm>>
      tpu.wait_dma2 semaphore(%run_scoped3A : memref<!tpu.dma_semaphore, #tpu.memory_space<semaphore_mem>>) src(%dma_wait3A_98 : memref<160x128xi32, #tpu.memory_space<hbm>>) dst(%arg7 : memref<160x128xi32, #tpu.memory_space<vmem>>)
      tpu.yield
    }) : () -> ()
    %barrier3A = arith.constant 0 : index
    tpu.barrier barrier_id(%barrier3A)
    %dma_start3A = arith.constant 0 : i32
    %dma_start3A_30 = arith.constant 0 : i32
    %dma_start3A_31 = tpu.memref_slice %arg6[%dma_start3A, %dma_start3A_30] : memref<160x128xi32, #tpu.memory_space<vmem>> -> memref<1x128xi32, #tpu.memory_space<vmem>>
    %dma_start3A_32 = tpu.memref_squeeze %dma_start3A_31 : memref<1x128xi32, #tpu.memory_space<vmem>> -> memref<128xi32, #tpu.memory_space<vmem>>
    %dma_start3A_33 = arith.constant 0 : i32
    %dma_start3A_34 = arith.constant 0 : i32
    %dma_start3A_35 = tpu.memref_slice %arg12[%dma_start3A_33, %dma_start3A_34] : memref<10000x48xf32, #tpu.memory_space<vmem_shared>> -> memref<10000x48xf32, #tpu.memory_space<vmem_shared>>
    tpu.enqueue_indirect_dma source(%dma_start3A_35 : memref<10000x48xf32, #tpu.memory_space<vmem_shared>>) target(%arg8 : memref<128x48xf32, #tpu.memory_space<vmem>>) offsets(%dma_start3A_32 : memref<128xi32, #tpu.memory_space<vmem>>) semaphore(%arg14 : memref<!tpu.dma_semaphore, #tpu.memory_space<semaphore_mem>>)
    %dma_start3A_36 = arith.constant 1 : i32
    %dma_start3A_37 = arith.constant 0 : i32
    %dma_start3A_38 = tpu.memref_slice %arg6[%dma_start3A_36, %dma_start3A_37] : memref<160x128xi32, #tpu.memory_space<vmem>> -> memref<1x128xi32, #tpu.memory_space<vmem>>
    %dma_start3A_39 = tpu.memref_squeeze %dma_start3A_38 : memref<1x128xi32, #tpu.memory_space<vmem>> -> memref<128xi32, #tpu.memory_space<vmem>>
    %dma_start3A_40 = arith.constant 0 : i32
    %dma_start3A_41 = arith.constant 0 : i32
    %dma_start3A_42 = tpu.memref_slice %arg12[%dma_start3A_40, %dma_start3A_41] : memref<10000x48xf32, #tpu.memory_space<vmem_shared>> -> memref<10000x48xf32, #tpu.memory_space<vmem_shared>>
    tpu.enqueue_indirect_dma source(%dma_start3A_42 : memref<10000x48xf32, #tpu.memory_space<vmem_shared>>) target(%arg9 : memref<128x48xf32, #tpu.memory_space<vmem>>) offsets(%dma_start3A_39 : memref<128xi32, #tpu.memory_space<vmem>>) semaphore(%arg15 : memref<!tpu.dma_semaphore, #tpu.memory_space<semaphore_mem>>)
    %dma_start3A_43 = arith.constant 2 : i32
    %dma_start3A_44 = arith.constant 0 : i32
    %dma_start3A_45 = tpu.memref_slice %arg6[%dma_start3A_43, %dma_start3A_44] : memref<160x128xi32, #tpu.memory_space<vmem>> -> memref<1x128xi32, #tpu.memory_space<vmem>>
    %dma_start3A_46 = tpu.memref_squeeze %dma_start3A_45 : memref<1x128xi32, #tpu.memory_space<vmem>> -> memref<128xi32, #tpu.memory_space<vmem>>
    %dma_start3A_47 = arith.constant 0 : i32
    %dma_start3A_48 = arith.constant 0 : i32
    %dma_start3A_49 = tpu.memref_slice %arg12[%dma_start3A_47, %dma_start3A_48] : memref<10000x48xf32, #tpu.memory_space<vmem_shared>> -> memref<10000x48xf32, #tpu.memory_space<vmem_shared>>
    tpu.enqueue_indirect_dma source(%dma_start3A_49 : memref<10000x48xf32, #tpu.memory_space<vmem_shared>>) target(%arg10 : memref<128x48xf32, #tpu.memory_space<vmem>>) offsets(%dma_start3A_46 : memref<128xi32, #tpu.memory_space<vmem>>) semaphore(%arg16 : memref<!tpu.dma_semaphore, #tpu.memory_space<semaphore_mem>>)
    %dma_start3A_50 = arith.constant 3 : i32
    %dma_start3A_51 = arith.constant 0 : i32
    %dma_start3A_52 = tpu.memref_slice %arg6[%dma_start3A_50, %dma_start3A_51] : memref<160x128xi32, #tpu.memory_space<vmem>> -> memref<1x128xi32, #tpu.memory_space<vmem>>
    %dma_start3A_53 = tpu.memref_squeeze %dma_start3A_52 : memref<1x128xi32, #tpu.memory_space<vmem>> -> memref<128xi32, #tpu.memory_space<vmem>>
    %dma_start3A_54 = arith.constant 0 : i32
    %dma_start3A_55 = arith.constant 0 : i32
    %dma_start3A_56 = tpu.memref_slice %arg12[%dma_start3A_54, %dma_start3A_55] : memref<10000x48xf32, #tpu.memory_space<vmem_shared>> -> memref<10000x48xf32, #tpu.memory_space<vmem_shared>>
    tpu.enqueue_indirect_dma source(%dma_start3A_56 : memref<10000x48xf32, #tpu.memory_space<vmem_shared>>) target(%arg11 : memref<128x48xf32, #tpu.memory_space<vmem>>) offsets(%dma_start3A_53 : memref<128xi32, #tpu.memory_space<vmem>>) semaphore(%arg17 : memref<!tpu.dma_semaphore, #tpu.memory_space<semaphore_mem>>)
    %scan3A_57 = arith.constant 0 : i32
    %scan3A_58 = arith.constant 0 : i32
    %scan3A_59 = arith.constant 40 : i32
    %scan3A_60 = arith.addi %scan3A_58, %scan3A_59 : i32
    %scan3A_61 = arith.constant 1 : i32
    scf.for %scan3A_84 = %scan3A_58 to %scan3A_60 step %scan3A_61  : i32 {
      %mul3A_85 = arith.constant 4 : i32
      %mul3A_86 = arith.muli %scan3A_84, %mul3A_85 : i32
      %add3A_87 = arith.constant 0 : i32
      %add3A_88 = arith.addi %mul3A_86, %add3A_87 : i32
      %dma_wait3A = arith.constant 0 : i32
      %dma_wait3A_89 = tpu.memref_slice %arg6[%add3A_88, %dma_wait3A] : memref<160x128xi32, #tpu.memory_space<vmem>> -> memref<1x128xi32, #tpu.memory_space<vmem>>
      %dma_wait3A_90 = tpu.memref_squeeze %dma_wait3A_89 : memref<1x128xi32, #tpu.memory_space<vmem>> -> memref<128xi32, #tpu.memory_space<vmem>>
      %dma_wait3A_91 = arith.constant 0 : i32
      %dma_wait3A_92 = arith.constant 0 : i32
      %dma_wait3A_93 = tpu.memref_slice %arg12[%dma_wait3A_91, %dma_wait3A_92] : memref<10000x48xf32, #tpu.memory_space<vmem_shared>> -> memref<10000x48xf32, #tpu.memory_space<vmem_shared>>
      tpu.wait_indirect_dma semaphore(%arg14 : memref<!tpu.dma_semaphore, #tpu.memory_space<semaphore_mem>>) src(%dma_wait3A_93 : memref<10000x48xf32, #tpu.memory_space<vmem_shared>>) dst(%arg8 : memref<128x48xf32, #tpu.memory_space<vmem>>)
      %dma_start3A_94 = arith.constant 0 : i32
      %dma_start3A_95 = tpu.memref_slice %arg7[%add3A_88, %dma_start3A_94] : memref<160x128xi32, #tpu.memory_space<vmem>> -> memref<1x128xi32, #tpu.memory_space<vmem>>
      %dma_start3A_96 = tpu.memref_squeeze %dma_start3A_95 : memref<1x128xi32, #tpu.memory_space<vmem>> -> memref<128xi32, #tpu.memory_space<vmem>>
      %dma_start3A_97 = arith.constant 0 : i32
      %dma_start3A_98 = arith.constant 0 : i32
      %dma_start3A_99 = tpu.memref_slice %arg13[%dma_start3A_97, %dma_start3A_98] : memref<10240x48xf32, #tpu.memory_space<vmem_shared>> -> memref<10240x48xf32, #tpu.memory_space<vmem_shared>>
      tpu.enqueue_indirect_dma source(%arg8 : memref<128x48xf32, #tpu.memory_space<vmem>>) target(%dma_start3A_99 : memref<10240x48xf32, #tpu.memory_space<vmem_shared>>) offsets(%dma_start3A_96 : memref<128xi32, #tpu.memory_space<vmem>>) semaphore(%arg18 : memref<!tpu.dma_semaphore, #tpu.memory_space<semaphore_mem>>) {add = true}
      %mul3A_100 = arith.constant 4 : i32
      %mul3A_101 = arith.muli %scan3A_84, %mul3A_100 : i32
      %add3A_102 = arith.constant 1 : i32
      %add3A_103 = arith.addi %mul3A_101, %add3A_102 : i32
      %dma_wait3A_104 = arith.constant 0 : i32
      %dma_wait3A_105 = tpu.memref_slice %arg6[%add3A_103, %dma_wait3A_104] : memref<160x128xi32, #tpu.memory_space<vmem>> -> memref<1x128xi32, #tpu.memory_space<vmem>>
      %dma_wait3A_106 = tpu.memref_squeeze %dma_wait3A_105 : memref<1x128xi32, #tpu.memory_space<vmem>> -> memref<128xi32, #tpu.memory_space<vmem>>
      %dma_wait3A_107 = arith.constant 0 : i32
      %dma_wait3A_108 = arith.constant 0 : i32
      %dma_wait3A_109 = tpu.memref_slice %arg12[%dma_wait3A_107, %dma_wait3A_108] : memref<10000x48xf32, #tpu.memory_space<vmem_shared>> -> memref<10000x48xf32, #tpu.memory_space<vmem_shared>>
      tpu.wait_indirect_dma semaphore(%arg15 : memref<!tpu.dma_semaphore, #tpu.memory_space<semaphore_mem>>) src(%dma_wait3A_109 : memref<10000x48xf32, #tpu.memory_space<vmem_shared>>) dst(%arg9 : memref<128x48xf32, #tpu.memory_space<vmem>>)
      %dma_start3A_110 = arith.constant 0 : i32
      %dma_start3A_111 = tpu.memref_slice %arg7[%add3A_103, %dma_start3A_110] : memref<160x128xi32, #tpu.memory_space<vmem>> -> memref<1x128xi32, #tpu.memory_space<vmem>>
      %dma_start3A_112 = tpu.memref_squeeze %dma_start3A_111 : memref<1x128xi32, #tpu.memory_space<vmem>> -> memref<128xi32, #tpu.memory_space<vmem>>
      %dma_start3A_113 = arith.constant 0 : i32
      %dma_start3A_114 = arith.constant 0 : i32
      %dma_start3A_115 = tpu.memref_slice %arg13[%dma_start3A_113, %dma_start3A_114] : memref<10240x48xf32, #tpu.memory_space<vmem_shared>> -> memref<10240x48xf32, #tpu.memory_space<vmem_shared>>
      tpu.enqueue_indirect_dma source(%arg9 : memref<128x48xf32, #tpu.memory_space<vmem>>) target(%dma_start3A_115 : memref<10240x48xf32, #tpu.memory_space<vmem_shared>>) offsets(%dma_start3A_112 : memref<128xi32, #tpu.memory_space<vmem>>) semaphore(%arg19 : memref<!tpu.dma_semaphore, #tpu.memory_space<semaphore_mem>>) {add = true}
      %mul3A_116 = arith.constant 4 : i32
      %mul3A_117 = arith.muli %scan3A_84, %mul3A_116 : i32
      %add3A_118 = arith.constant 2 : i32
      %add3A_119 = arith.addi %mul3A_117, %add3A_118 : i32
      %dma_wait3A_120 = arith.constant 0 : i32
      %dma_wait3A_121 = tpu.memref_slice %arg6[%add3A_119, %dma_wait3A_120] : memref<160x128xi32, #tpu.memory_space<vmem>> -> memref<1x128xi32, #tpu.memory_space<vmem>>
      %dma_wait3A_122 = tpu.memref_squeeze %dma_wait3A_121 : memref<1x128xi32, #tpu.memory_space<vmem>> -> memref<128xi32, #tpu.memory_space<vmem>>
      %dma_wait3A_123 = arith.constant 0 : i32
      %dma_wait3A_124 = arith.constant 0 : i32
      %dma_wait3A_125 = tpu.memref_slice %arg12[%dma_wait3A_123, %dma_wait3A_124] : memref<10000x48xf32, #tpu.memory_space<vmem_shared>> -> memref<10000x48xf32, #tpu.memory_space<vmem_shared>>
      tpu.wait_indirect_dma semaphore(%arg16 : memref<!tpu.dma_semaphore, #tpu.memory_space<semaphore_mem>>) src(%dma_wait3A_125 : memref<10000x48xf32, #tpu.memory_space<vmem_shared>>) dst(%arg10 : memref<128x48xf32, #tpu.memory_space<vmem>>)
      %dma_start3A_126 = arith.constant 0 : i32
      %dma_start3A_127 = tpu.memref_slice %arg7[%add3A_119, %dma_start3A_126] : memref<160x128xi32, #tpu.memory_space<vmem>> -> memref<1x128xi32, #tpu.memory_space<vmem>>
      %dma_start3A_128 = tpu.memref_squeeze %dma_start3A_127 : memref<1x128xi32, #tpu.memory_space<vmem>> -> memref<128xi32, #tpu.memory_space<vmem>>
      %dma_start3A_129 = arith.constant 0 : i32
      %dma_start3A_130 = arith.constant 0 : i32
      %dma_start3A_131 = tpu.memref_slice %arg13[%dma_start3A_129, %dma_start3A_130] : memref<10240x48xf32, #tpu.memory_space<vmem_shared>> -> memref<10240x48xf32, #tpu.memory_space<vmem_shared>>
      tpu.enqueue_indirect_dma source(%arg10 : memref<128x48xf32, #tpu.memory_space<vmem>>) target(%dma_start3A_131 : memref<10240x48xf32, #tpu.memory_space<vmem_shared>>) offsets(%dma_start3A_128 : memref<128xi32, #tpu.memory_space<vmem>>) semaphore(%arg20 : memref<!tpu.dma_semaphore, #tpu.memory_space<semaphore_mem>>) {add = true}
      %mul3A_132 = arith.constant 4 : i32
      %mul3A_133 = arith.muli %scan3A_84, %mul3A_132 : i32
      %add3A_134 = arith.constant 3 : i32
      %add3A_135 = arith.addi %mul3A_133, %add3A_134 : i32
      %dma_wait3A_136 = arith.constant 0 : i32
      %dma_wait3A_137 = tpu.memref_slice %arg6[%add3A_135, %dma_wait3A_136] : memref<160x128xi32, #tpu.memory_space<vmem>> -> memref<1x128xi32, #tpu.memory_space<vmem>>
      %dma_wait3A_138 = tpu.memref_squeeze %dma_wait3A_137 : memref<1x128xi32, #tpu.memory_space<vmem>> -> memref<128xi32, #tpu.memory_space<vmem>>
      %dma_wait3A_139 = arith.constant 0 : i32
      %dma_wait3A_140 = arith.constant 0 : i32
      %dma_wait3A_141 = tpu.memref_slice %arg12[%dma_wait3A_139, %dma_wait3A_140] : memref<10000x48xf32, #tpu.memory_space<vmem_shared>> -> memref<10000x48xf32, #tpu.memory_space<vmem_shared>>
      tpu.wait_indirect_dma semaphore(%arg17 : memref<!tpu.dma_semaphore, #tpu.memory_space<semaphore_mem>>) src(%dma_wait3A_141 : memref<10000x48xf32, #tpu.memory_space<vmem_shared>>) dst(%arg11 : memref<128x48xf32, #tpu.memory_space<vmem>>)
      %dma_start3A_142 = arith.constant 0 : i32
      %dma_start3A_143 = tpu.memref_slice %arg7[%add3A_135, %dma_start3A_142] : memref<160x128xi32, #tpu.memory_space<vmem>> -> memref<1x128xi32, #tpu.memory_space<vmem>>
      %dma_start3A_144 = tpu.memref_squeeze %dma_start3A_143 : memref<1x128xi32, #tpu.memory_space<vmem>> -> memref<128xi32, #tpu.memory_space<vmem>>
      %dma_start3A_145 = arith.constant 0 : i32
      %dma_start3A_146 = arith.constant 0 : i32
      %dma_start3A_147 = tpu.memref_slice %arg13[%dma_start3A_145, %dma_start3A_146] : memref<10240x48xf32, #tpu.memory_space<vmem_shared>> -> memref<10240x48xf32, #tpu.memory_space<vmem_shared>>
      tpu.enqueue_indirect_dma source(%arg11 : memref<128x48xf32, #tpu.memory_space<vmem>>) target(%dma_start3A_147 : memref<10240x48xf32, #tpu.memory_space<vmem_shared>>) offsets(%dma_start3A_144 : memref<128xi32, #tpu.memory_space<vmem>>) semaphore(%arg21 : memref<!tpu.dma_semaphore, #tpu.memory_space<semaphore_mem>>) {add = true}
      %mul3A_148 = arith.constant 4 : i32
      %mul3A_149 = arith.muli %scan3A_84, %mul3A_148 : i32
      %add3A_150 = arith.constant 0 : i32
      %add3A_151 = arith.addi %mul3A_149, %add3A_150 : i32
      %dma_wait3A_152 = arith.constant 0 : i32
      %dma_wait3A_153 = tpu.memref_slice %arg7[%add3A_151, %dma_wait3A_152] : memref<160x128xi32, #tpu.memory_space<vmem>> -> memref<1x128xi32, #tpu.memory_space<vmem>>
      %dma_wait3A_154 = tpu.memref_squeeze %dma_wait3A_153 : memref<1x128xi32, #tpu.memory_space<vmem>> -> memref<128xi32, #tpu.memory_space<vmem>>
      %dma_wait3A_155 = arith.constant 0 : i32
      %dma_wait3A_156 = arith.constant 0 : i32
      %dma_wait3A_157 = tpu.memref_slice %arg13[%dma_wait3A_155, %dma_wait3A_156] : memref<10240x48xf32, #tpu.memory_space<vmem_shared>> -> memref<10240x48xf32, #tpu.memory_space<vmem_shared>>
      tpu.wait_indirect_dma semaphore(%arg18 : memref<!tpu.dma_semaphore, #tpu.memory_space<semaphore_mem>>) src(%arg8 : memref<128x48xf32, #tpu.memory_space<vmem>>) dst(%dma_wait3A_157 : memref<10240x48xf32, #tpu.memory_space<vmem_shared>>)
      %lt3A = arith.constant 39 : i32
      %lt3A_158 = arith.cmpi slt, %scan3A_84, %lt3A : i32
      %convert_element_type3A = arith.extui %lt3A_158 : i1 to i32
      %cond3A = arith.constant 0 : i32
      %cond3A_159 = arith.cmpi ne, %convert_element_type3A, %cond3A : i32
      scf.if %cond3A_159 {
        %add3A_205 = arith.constant 1 : i32
        %add3A_206 = arith.addi %scan3A_84, %add3A_205 : i32
        %mul3A_207 = arith.constant 4 : i32
        %mul3A_208 = arith.muli %add3A_206, %mul3A_207 : i32
        %add3A_209 = arith.constant 0 : i32
        %add3A_210 = arith.addi %mul3A_208, %add3A_209 : i32
        %dma_start3A_211 = arith.constant 0 : i32
        %dma_start3A_212 = tpu.memref_slice %arg6[%add3A_210, %dma_start3A_211] : memref<160x128xi32, #tpu.memory_space<vmem>> -> memref<1x128xi32, #tpu.memory_space<vmem>>
        %dma_start3A_213 = tpu.memref_squeeze %dma_start3A_212 : memref<1x128xi32, #tpu.memory_space<vmem>> -> memref<128xi32, #tpu.memory_space<vmem>>
        %dma_start3A_214 = arith.constant 0 : i32
        %dma_start3A_215 = arith.constant 0 : i32
        %dma_start3A_216 = tpu.memref_slice %arg12[%dma_start3A_214, %dma_start3A_215] : memref<10000x48xf32, #tpu.memory_space<vmem_shared>> -> memref<10000x48xf32, #tpu.memory_space<vmem_shared>>
        tpu.enqueue_indirect_dma source(%dma_start3A_216 : memref<10000x48xf32, #tpu.memory_space<vmem_shared>>) target(%arg8 : memref<128x48xf32, #tpu.memory_space<vmem>>) offsets(%dma_start3A_213 : memref<128xi32, #tpu.memory_space<vmem>>) semaphore(%arg14 : memref<!tpu.dma_semaphore, #tpu.memory_space<semaphore_mem>>)
      } else {
      }
      %mul3A_160 = arith.constant 4 : i32
      %mul3A_161 = arith.muli %scan3A_84, %mul3A_160 : i32
      %add3A_162 = arith.constant 1 : i32
      %add3A_163 = arith.addi %mul3A_161, %add3A_162 : i32
      %dma_wait3A_164 = arith.constant 0 : i32
      %dma_wait3A_165 = tpu.memref_slice %arg7[%add3A_163, %dma_wait3A_164] : memref<160x128xi32, #tpu.memory_space<vmem>> -> memref<1x128xi32, #tpu.memory_space<vmem>>
      %dma_wait3A_166 = tpu.memref_squeeze %dma_wait3A_165 : memref<1x128xi32, #tpu.memory_space<vmem>> -> memref<128xi32, #tpu.memory_space<vmem>>
      %dma_wait3A_167 = arith.constant 0 : i32
      %dma_wait3A_168 = arith.constant 0 : i32
      %dma_wait3A_169 = tpu.memref_slice %arg13[%dma_wait3A_167, %dma_wait3A_168] : memref<10240x48xf32, #tpu.memory_space<vmem_shared>> -> memref<10240x48xf32, #tpu.memory_space<vmem_shared>>
      tpu.wait_indirect_dma semaphore(%arg19 : memref<!tpu.dma_semaphore, #tpu.memory_space<semaphore_mem>>) src(%arg9 : memref<128x48xf32, #tpu.memory_space<vmem>>) dst(%dma_wait3A_169 : memref<10240x48xf32, #tpu.memory_space<vmem_shared>>)
      %lt3A_170 = arith.constant 39 : i32
      %lt3A_171 = arith.cmpi slt, %scan3A_84, %lt3A_170 : i32
      %convert_element_type3A_172 = arith.extui %lt3A_171 : i1 to i32
      %cond3A_173 = arith.constant 0 : i32
      %cond3A_174 = arith.cmpi ne, %convert_element_type3A_172, %cond3A_173 : i32
      scf.if %cond3A_174 {
        %add3A_205 = arith.constant 1 : i32
        %add3A_206 = arith.addi %scan3A_84, %add3A_205 : i32
        %mul3A_207 = arith.constant 4 : i32
        %mul3A_208 = arith.muli %add3A_206, %mul3A_207 : i32
        %add3A_209 = arith.constant 1 : i32
        %add3A_210 = arith.addi %mul3A_208, %add3A_209 : i32
        %dma_start3A_211 = arith.constant 0 : i32
        %dma_start3A_212 = tpu.memref_slice %arg6[%add3A_210, %dma_start3A_211] : memref<160x128xi32, #tpu.memory_space<vmem>> -> memref<1x128xi32, #tpu.memory_space<vmem>>
        %dma_start3A_213 = tpu.memref_squeeze %dma_start3A_212 : memref<1x128xi32, #tpu.memory_space<vmem>> -> memref<128xi32, #tpu.memory_space<vmem>>
        %dma_start3A_214 = arith.constant 0 : i32
        %dma_start3A_215 = arith.constant 0 : i32
        %dma_start3A_216 = tpu.memref_slice %arg12[%dma_start3A_214, %dma_start3A_215] : memref<10000x48xf32, #tpu.memory_space<vmem_shared>> -> memref<10000x48xf32, #tpu.memory_space<vmem_shared>>
        tpu.enqueue_indirect_dma source(%dma_start3A_216 : memref<10000x48xf32, #tpu.memory_space<vmem_shared>>) target(%arg9 : memref<128x48xf32, #tpu.memory_space<vmem>>) offsets(%dma_start3A_213 : memref<128xi32, #tpu.memory_space<vmem>>) semaphore(%arg15 : memref<!tpu.dma_semaphore, #tpu.memory_space<semaphore_mem>>)
      } else {
      }
      %mul3A_175 = arith.constant 4 : i32
      %mul3A_176 = arith.muli %scan3A_84, %mul3A_175 : i32
      %add3A_177 = arith.constant 2 : i32
      %add3A_178 = arith.addi %mul3A_176, %add3A_177 : i32
      %dma_wait3A_179 = arith.constant 0 : i32
      %dma_wait3A_180 = tpu.memref_slice %arg7[%add3A_178, %dma_wait3A_179] : memref<160x128xi32, #tpu.memory_space<vmem>> -> memref<1x128xi32, #tpu.memory_space<vmem>>
      %dma_wait3A_181 = tpu.memref_squeeze %dma_wait3A_180 : memref<1x128xi32, #tpu.memory_space<vmem>> -> memref<128xi32, #tpu.memory_space<vmem>>
      %dma_wait3A_182 = arith.constant 0 : i32
      %dma_wait3A_183 = arith.constant 0 : i32
      %dma_wait3A_184 = tpu.memref_slice %arg13[%dma_wait3A_182, %dma_wait3A_183] : memref<10240x48xf32, #tpu.memory_space<vmem_shared>> -> memref<10240x48xf32, #tpu.memory_space<vmem_shared>>
      tpu.wait_indirect_dma semaphore(%arg20 : memref<!tpu.dma_semaphore, #tpu.memory_space<semaphore_mem>>) src(%arg10 : memref<128x48xf32, #tpu.memory_space<vmem>>) dst(%dma_wait3A_184 : memref<10240x48xf32, #tpu.memory_space<vmem_shared>>)
      %lt3A_185 = arith.constant 39 : i32
      %lt3A_186 = arith.cmpi slt, %scan3A_84, %lt3A_185 : i32
      %convert_element_type3A_187 = arith.extui %lt3A_186 : i1 to i32
      %cond3A_188 = arith.constant 0 : i32
      %cond3A_189 = arith.cmpi ne, %convert_element_type3A_187, %cond3A_188 : i32
      scf.if %cond3A_189 {
        %add3A_205 = arith.constant 1 : i32
        %add3A_206 = arith.addi %scan3A_84, %add3A_205 : i32
        %mul3A_207 = arith.constant 4 : i32
        %mul3A_208 = arith.muli %add3A_206, %mul3A_207 : i32
        %add3A_209 = arith.constant 2 : i32
        %add3A_210 = arith.addi %mul3A_208, %add3A_209 : i32
        %dma_start3A_211 = arith.constant 0 : i32
        %dma_start3A_212 = tpu.memref_slice %arg6[%add3A_210, %dma_start3A_211] : memref<160x128xi32, #tpu.memory_space<vmem>> -> memref<1x128xi32, #tpu.memory_space<vmem>>
        %dma_start3A_213 = tpu.memref_squeeze %dma_start3A_212 : memref<1x128xi32, #tpu.memory_space<vmem>> -> memref<128xi32, #tpu.memory_space<vmem>>
        %dma_start3A_214 = arith.constant 0 : i32
        %dma_start3A_215 = arith.constant 0 : i32
        %dma_start3A_216 = tpu.memref_slice %arg12[%dma_start3A_214, %dma_start3A_215] : memref<10000x48xf32, #tpu.memory_space<vmem_shared>> -> memref<10000x48xf32, #tpu.memory_space<vmem_shared>>
        tpu.enqueue_indirect_dma source(%dma_start3A_216 : memref<10000x48xf32, #tpu.memory_space<vmem_shared>>) target(%arg10 : memref<128x48xf32, #tpu.memory_space<vmem>>) offsets(%dma_start3A_213 : memref<128xi32, #tpu.memory_space<vmem>>) semaphore(%arg16 : memref<!tpu.dma_semaphore, #tpu.memory_space<semaphore_mem>>)
      } else {
      }
      %mul3A_190 = arith.constant 4 : i32
      %mul3A_191 = arith.muli %scan3A_84, %mul3A_190 : i32
      %add3A_192 = arith.constant 3 : i32
      %add3A_193 = arith.addi %mul3A_191, %add3A_192 : i32
      %dma_wait3A_194 = arith.constant 0 : i32
      %dma_wait3A_195 = tpu.memref_slice %arg7[%add3A_193, %dma_wait3A_194] : memref<160x128xi32, #tpu.memory_space<vmem>> -> memref<1x128xi32, #tpu.memory_space<vmem>>
      %dma_wait3A_196 = tpu.memref_squeeze %dma_wait3A_195 : memref<1x128xi32, #tpu.memory_space<vmem>> -> memref<128xi32, #tpu.memory_space<vmem>>
      %dma_wait3A_197 = arith.constant 0 : i32
      %dma_wait3A_198 = arith.constant 0 : i32
      %dma_wait3A_199 = tpu.memref_slice %arg13[%dma_wait3A_197, %dma_wait3A_198] : memref<10240x48xf32, #tpu.memory_space<vmem_shared>> -> memref<10240x48xf32, #tpu.memory_space<vmem_shared>>
      tpu.wait_indirect_dma semaphore(%arg21 : memref<!tpu.dma_semaphore, #tpu.memory_space<semaphore_mem>>) src(%arg11 : memref<128x48xf32, #tpu.memory_space<vmem>>) dst(%dma_wait3A_199 : memref<10240x48xf32, #tpu.memory_space<vmem_shared>>)
      %lt3A_200 = arith.constant 39 : i32
      %lt3A_201 = arith.cmpi slt, %scan3A_84, %lt3A_200 : i32
      %convert_element_type3A_202 = arith.extui %lt3A_201 : i1 to i32
      %cond3A_203 = arith.constant 0 : i32
      %cond3A_204 = arith.cmpi ne, %convert_element_type3A_202, %cond3A_203 : i32
      scf.if %cond3A_204 {
        %add3A_205 = arith.constant 1 : i32
        %add3A_206 = arith.addi %scan3A_84, %add3A_205 : i32
        %mul3A_207 = arith.constant 4 : i32
        %mul3A_208 = arith.muli %add3A_206, %mul3A_207 : i32
        %add3A_209 = arith.constant 3 : i32
        %add3A_210 = arith.addi %mul3A_208, %add3A_209 : i32
        %dma_start3A_211 = arith.constant 0 : i32
        %dma_start3A_212 = tpu.memref_slice %arg6[%add3A_210, %dma_start3A_211] : memref<160x128xi32, #tpu.memory_space<vmem>> -> memref<1x128xi32, #tpu.memory_space<vmem>>
        %dma_start3A_213 = tpu.memref_squeeze %dma_start3A_212 : memref<1x128xi32, #tpu.memory_space<vmem>> -> memref<128xi32, #tpu.memory_space<vmem>>
        %dma_start3A_214 = arith.constant 0 : i32
        %dma_start3A_215 = arith.constant 0 : i32
        %dma_start3A_216 = tpu.memref_slice %arg12[%dma_start3A_214, %dma_start3A_215] : memref<10000x48xf32, #tpu.memory_space<vmem_shared>> -> memref<10000x48xf32, #tpu.memory_space<vmem_shared>>
        tpu.enqueue_indirect_dma source(%dma_start3A_216 : memref<10000x48xf32, #tpu.memory_space<vmem_shared>>) target(%arg11 : memref<128x48xf32, #tpu.memory_space<vmem>>) offsets(%dma_start3A_213 : memref<128xi32, #tpu.memory_space<vmem>>) semaphore(%arg17 : memref<!tpu.dma_semaphore, #tpu.memory_space<semaphore_mem>>)
      } else {
      }
    }
    %scan3A_62 = arith.constant 40 : i32
    %barrier3A_63 = arith.constant 0 : index
    tpu.barrier barrier_id(%barrier3A_63)
    %mul3A_64 = arith.constant 640 : i32
    %mul3A_65 = arith.muli %arg1, %mul3A_64 : i32
    %add3A_66 = arith.constant 0 : i32
    %add3A_67 = arith.addi %mul3A_65, %add3A_66 : i32
    "tpu.region"() ({
      %run_scoped3A = tpu.sem_alloc : memref<!tpu.dma_semaphore, #tpu.memory_space<semaphore_mem>>
      %dma_start3A_84 = arith.constant 0 : i32
      %dma_start3A_85 = tpu.memref_slice %arg5[%arg0, %add3A_67, %dma_start3A_84] : memref<2x10240x48xf32, #tpu.memory_space<hbm>> -> memref<1x128x48xf32, #tpu.memory_space<hbm>>
      %dma_start3A_86 = tpu.memref_squeeze %dma_start3A_85 : memref<1x128x48xf32, #tpu.memory_space<hbm>> -> memref<128x48xf32, #tpu.memory_space<hbm>>
      %dma_start3A_87 = arith.constant 0 : i32
      %dma_start3A_88 = tpu.memref_slice %arg13[%add3A_67, %dma_start3A_87] : memref<10240x48xf32, #tpu.memory_space<vmem_shared>> -> memref<128x48xf32, #tpu.memory_space<vmem_shared>>
      tpu.enqueue_dma source(%dma_start3A_88 : memref<128x48xf32, #tpu.memory_space<vmem_shared>>) target(%dma_start3A_86 : memref<128x48xf32, #tpu.memory_space<hbm>>) target_semaphore(%run_scoped3A : memref<!tpu.dma_semaphore, #tpu.memory_space<semaphore_mem>>)
      %dma_wait3A = arith.constant 0 : i32
      %dma_wait3A_89 = tpu.memref_slice %arg5[%arg0, %add3A_67, %dma_wait3A] : memref<2x10240x48xf32, #tpu.memory_space<hbm>> -> memref<1x128x48xf32, #tpu.memory_space<hbm>>
      %dma_wait3A_90 = tpu.memref_squeeze %dma_wait3A_89 : memref<1x128x48xf32, #tpu.memory_space<hbm>> -> memref<128x48xf32, #tpu.memory_space<hbm>>
      %dma_wait3A_91 = arith.constant 0 : i32
      %dma_wait3A_92 = tpu.memref_slice %arg13[%add3A_67, %dma_wait3A_91] : memref<10240x48xf32, #tpu.memory_space<vmem_shared>> -> memref<128x48xf32, #tpu.memory_space<vmem_shared>>
      tpu.wait_dma2 semaphore(%run_scoped3A : memref<!tpu.dma_semaphore, #tpu.memory_space<semaphore_mem>>) src(%dma_wait3A_92 : memref<128x48xf32, #tpu.memory_space<vmem_shared>>) dst(%dma_wait3A_90 : memref<128x48xf32, #tpu.memory_space<hbm>>)
      tpu.yield
    }) : () -> ()
    %mul3A_68 = arith.constant 640 : i32
    %mul3A_69 = arith.muli %arg1, %mul3A_68 : i32
    %add3A_70 = arith.constant 128 : i32
    %add3A_71 = arith.addi %mul3A_69, %add3A_70 : i32
    "tpu.region"() ({
      %run_scoped3A = tpu.sem_alloc : memref<!tpu.dma_semaphore, #tpu.memory_space<semaphore_mem>>
      %dma_start3A_84 = arith.constant 0 : i32
      %dma_start3A_85 = tpu.memref_slice %arg5[%arg0, %add3A_71, %dma_start3A_84] : memref<2x10240x48xf32, #tpu.memory_space<hbm>> -> memref<1x128x48xf32, #tpu.memory_space<hbm>>
      %dma_start3A_86 = tpu.memref_squeeze %dma_start3A_85 : memref<1x128x48xf32, #tpu.memory_space<hbm>> -> memref<128x48xf32, #tpu.memory_space<hbm>>
      %dma_start3A_87 = arith.constant 0 : i32
      %dma_start3A_88 = tpu.memref_slice %arg13[%add3A_71, %dma_start3A_87] : memref<10240x48xf32, #tpu.memory_space<vmem_shared>> -> memref<128x48xf32, #tpu.memory_space<vmem_shared>>
      tpu.enqueue_dma source(%dma_start3A_88 : memref<128x48xf32, #tpu.memory_space<vmem_shared>>) target(%dma_start3A_86 : memref<128x48xf32, #tpu.memory_space<hbm>>) target_semaphore(%run_scoped3A : memref<!tpu.dma_semaphore, #tpu.memory_space<semaphore_mem>>)
      %dma_wait3A = arith.constant 0 : i32
      %dma_wait3A_89 = tpu.memref_slice %arg5[%arg0, %add3A_71, %dma_wait3A] : memref<2x10240x48xf32, #tpu.memory_space<hbm>> -> memref<1x128x48xf32, #tpu.memory_space<hbm>>
      %dma_wait3A_90 = tpu.memref_squeeze %dma_wait3A_89 : memref<1x128x48xf32, #tpu.memory_space<hbm>> -> memref<128x48xf32, #tpu.memory_space<hbm>>
      %dma_wait3A_91 = arith.constant 0 : i32
      %dma_wait3A_92 = tpu.memref_slice %arg13[%add3A_71, %dma_wait3A_91] : memref<10240x48xf32, #tpu.memory_space<vmem_shared>> -> memref<128x48xf32, #tpu.memory_space<vmem_shared>>
      tpu.wait_dma2 semaphore(%run_scoped3A : memref<!tpu.dma_semaphore, #tpu.memory_space<semaphore_mem>>) src(%dma_wait3A_92 : memref<128x48xf32, #tpu.memory_space<vmem_shared>>) dst(%dma_wait3A_90 : memref<128x48xf32, #tpu.memory_space<hbm>>)
      tpu.yield
    }) : () -> ()
    %mul3A_72 = arith.constant 640 : i32
    %mul3A_73 = arith.muli %arg1, %mul3A_72 : i32
    %add3A_74 = arith.constant 256 : i32
    %add3A_75 = arith.addi %mul3A_73, %add3A_74 : i32
    "tpu.region"() ({
      %run_scoped3A = tpu.sem_alloc : memref<!tpu.dma_semaphore, #tpu.memory_space<semaphore_mem>>
      %dma_start3A_84 = arith.constant 0 : i32
      %dma_start3A_85 = tpu.memref_slice %arg5[%arg0, %add3A_75, %dma_start3A_84] : memref<2x10240x48xf32, #tpu.memory_space<hbm>> -> memref<1x128x48xf32, #tpu.memory_space<hbm>>
      %dma_start3A_86 = tpu.memref_squeeze %dma_start3A_85 : memref<1x128x48xf32, #tpu.memory_space<hbm>> -> memref<128x48xf32, #tpu.memory_space<hbm>>
      %dma_start3A_87 = arith.constant 0 : i32
      %dma_start3A_88 = tpu.memref_slice %arg13[%add3A_75, %dma_start3A_87] : memref<10240x48xf32, #tpu.memory_space<vmem_shared>> -> memref<128x48xf32, #tpu.memory_space<vmem_shared>>
      tpu.enqueue_dma source(%dma_start3A_88 : memref<128x48xf32, #tpu.memory_space<vmem_shared>>) target(%dma_start3A_86 : memref<128x48xf32, #tpu.memory_space<hbm>>) target_semaphore(%run_scoped3A : memref<!tpu.dma_semaphore, #tpu.memory_space<semaphore_mem>>)
      %dma_wait3A = arith.constant 0 : i32
      %dma_wait3A_89 = tpu.memref_slice %arg5[%arg0, %add3A_75, %dma_wait3A] : memref<2x10240x48xf32, #tpu.memory_space<hbm>> -> memref<1x128x48xf32, #tpu.memory_space<hbm>>
      %dma_wait3A_90 = tpu.memref_squeeze %dma_wait3A_89 : memref<1x128x48xf32, #tpu.memory_space<hbm>> -> memref<128x48xf32, #tpu.memory_space<hbm>>
      %dma_wait3A_91 = arith.constant 0 : i32
      %dma_wait3A_92 = tpu.memref_slice %arg13[%add3A_75, %dma_wait3A_91] : memref<10240x48xf32, #tpu.memory_space<vmem_shared>> -> memref<128x48xf32, #tpu.memory_space<vmem_shared>>
      tpu.wait_dma2 semaphore(%run_scoped3A : memref<!tpu.dma_semaphore, #tpu.memory_space<semaphore_mem>>) src(%dma_wait3A_92 : memref<128x48xf32, #tpu.memory_space<vmem_shared>>) dst(%dma_wait3A_90 : memref<128x48xf32, #tpu.memory_space<hbm>>)
      tpu.yield
    }) : () -> ()
    %mul3A_76 = arith.constant 640 : i32
    %mul3A_77 = arith.muli %arg1, %mul3A_76 : i32
    %add3A_78 = arith.constant 384 : i32
    %add3A_79 = arith.addi %mul3A_77, %add3A_78 : i32
    "tpu.region"() ({
      %run_scoped3A = tpu.sem_alloc : memref<!tpu.dma_semaphore, #tpu.memory_space<semaphore_mem>>
      %dma_start3A_84 = arith.constant 0 : i32
      %dma_start3A_85 = tpu.memref_slice %arg5[%arg0, %add3A_79, %dma_start3A_84] : memref<2x10240x48xf32, #tpu.memory_space<hbm>> -> memref<1x128x48xf32, #tpu.memory_space<hbm>>
      %dma_start3A_86 = tpu.memref_squeeze %dma_start3A_85 : memref<1x128x48xf32, #tpu.memory_space<hbm>> -> memref<128x48xf32, #tpu.memory_space<hbm>>
      %dma_start3A_87 = arith.constant 0 : i32
      %dma_start3A_88 = tpu.memref_slice %arg13[%add3A_79, %dma_start3A_87] : memref<10240x48xf32, #tpu.memory_space<vmem_shared>> -> memref<128x48xf32, #tpu.memory_space<vmem_shared>>
      tpu.enqueue_dma source(%dma_start3A_88 : memref<128x48xf32, #tpu.memory_space<vmem_shared>>) target(%dma_start3A_86 : memref<128x48xf32, #tpu.memory_space<hbm>>) target_semaphore(%run_scoped3A : memref<!tpu.dma_semaphore, #tpu.memory_space<semaphore_mem>>)
      %dma_wait3A = arith.constant 0 : i32
      %dma_wait3A_89 = tpu.memref_slice %arg5[%arg0, %add3A_79, %dma_wait3A] : memref<2x10240x48xf32, #tpu.memory_space<hbm>> -> memref<1x128x48xf32, #tpu.memory_space<hbm>>
      %dma_wait3A_90 = tpu.memref_squeeze %dma_wait3A_89 : memref<1x128x48xf32, #tpu.memory_space<hbm>> -> memref<128x48xf32, #tpu.memory_space<hbm>>
      %dma_wait3A_91 = arith.constant 0 : i32
      %dma_wait3A_92 = tpu.memref_slice %arg13[%add3A_79, %dma_wait3A_91] : memref<10240x48xf32, #tpu.memory_space<vmem_shared>> -> memref<128x48xf32, #tpu.memory_space<vmem_shared>>
      tpu.wait_dma2 semaphore(%run_scoped3A : memref<!tpu.dma_semaphore, #tpu.memory_space<semaphore_mem>>) src(%dma_wait3A_92 : memref<128x48xf32, #tpu.memory_space<vmem_shared>>) dst(%dma_wait3A_90 : memref<128x48xf32, #tpu.memory_space<hbm>>)
      tpu.yield
    }) : () -> ()
    %mul3A_80 = arith.constant 640 : i32
    %mul3A_81 = arith.muli %arg1, %mul3A_80 : i32
    %add3A_82 = arith.constant 512 : i32
    %add3A_83 = arith.addi %mul3A_81, %add3A_82 : i32
    "tpu.region"() ({
      %run_scoped3A = tpu.sem_alloc : memref<!tpu.dma_semaphore, #tpu.memory_space<semaphore_mem>>
      %dma_start3A_84 = arith.constant 0 : i32
      %dma_start3A_85 = tpu.memref_slice %arg5[%arg0, %add3A_83, %dma_start3A_84] : memref<2x10240x48xf32, #tpu.memory_space<hbm>> -> memref<1x128x48xf32, #tpu.memory_space<hbm>>
      %dma_start3A_86 = tpu.memref_squeeze %dma_start3A_85 : memref<1x128x48xf32, #tpu.memory_space<hbm>> -> memref<128x48xf32, #tpu.memory_space<hbm>>
      %dma_start3A_87 = arith.constant 0 : i32
      %dma_start3A_88 = tpu.memref_slice %arg13[%add3A_83, %dma_start3A_87] : memref<10240x48xf32, #tpu.memory_space<vmem_shared>> -> memref<128x48xf32, #tpu.memory_space<vmem_shared>>
      tpu.enqueue_dma source(%dma_start3A_88 : memref<128x48xf32, #tpu.memory_space<vmem_shared>>) target(%dma_start3A_86 : memref<128x48xf32, #tpu.memory_space<hbm>>) target_semaphore(%run_scoped3A : memref<!tpu.dma_semaphore, #tpu.memory_space<semaphore_mem>>)
      %dma_wait3A = arith.constant 0 : i32
      %dma_wait3A_89 = tpu.memref_slice %arg5[%arg0, %add3A_83, %dma_wait3A] : memref<2x10240x48xf32, #tpu.memory_space<hbm>> -> memref<1x128x48xf32, #tpu.memory_space<hbm>>
      %dma_wait3A_90 = tpu.memref_squeeze %dma_wait3A_89 : memref<1x128x48xf32, #tpu.memory_space<hbm>> -> memref<128x48xf32, #tpu.memory_space<hbm>>
      %dma_wait3A_91 = arith.constant 0 : i32
      %dma_wait3A_92 = tpu.memref_slice %arg13[%add3A_83, %dma_wait3A_91] : memref<10240x48xf32, #tpu.memory_space<vmem_shared>> -> memref<128x48xf32, #tpu.memory_space<vmem_shared>>
      tpu.wait_dma2 semaphore(%run_scoped3A : memref<!tpu.dma_semaphore, #tpu.memory_space<semaphore_mem>>) src(%dma_wait3A_92 : memref<128x48xf32, #tpu.memory_space<vmem_shared>>) dst(%dma_wait3A_90 : memref<128x48xf32, #tpu.memory_space<hbm>>)
      tpu.yield
    }) : () -> ()
    return
  }
}

module attributes {stable_mosaic.version = 14 : i64} {
  func.func @_k1_body(%arg0: i32, %arg1: memref<1000x128xf32, #tpu.memory_space<vmem>>, %arg2: memref<128x96xf32, #tpu.memory_space<vmem>>, %arg3: memref<1000x1xf32, #tpu.memory_space<vmem>>, %arg4: memref<2x1000x48xf32, #tpu.memory_space<vmem>>) attributes {dimension_semantics = [#tpu.dimension_semantics<arbitrary>], iteration_bounds = array<i64: 10>, scalar_prefetch = 0 : i64, scratch_operands = 0 : i64, tpu.core_type = #tpu.core_type<tc>, window_params = [{transform_indices = @transform_0, window_bounds = array<i64: 1000, 128>}, {pipeline_mode = #tpu.pipeline_mode<synchronous>, transform_indices = @transform_1, window_bounds = array<i64: 128, 96>}, {transform_indices = @transform_2, window_bounds = array<i64: 1000, 1>}, {transform_indices = @transform_3, window_bounds = array<i64: 2, 1000, 48>}]} {
    %get3A = arith.constant 0 : index
    %get3A_0 = arith.constant 0 : index
    %get3A_1 = vector.load %arg3[%get3A, %get3A_0] : memref<1000x1xf32, #tpu.memory_space<vmem>>, vector<1000x1xf32>
    %get3A_2 = arith.constant 0 : index
    %get3A_3 = arith.constant 0 : index
    %get3A_4 = vector.load %arg1[%get3A_2, %get3A_3] : memref<1000x128xf32, #tpu.memory_space<vmem>>, vector<1000x128xf32>
    %get3A_5 = arith.constant 0 : index
    %get3A_6 = arith.constant 0 : index
    %get3A_7 = vector.load %arg2[%get3A_5, %get3A_6] : memref<128x96xf32, #tpu.memory_space<vmem>>, vector<128x96xf32>
    %convert_element_type3A = arith.truncf %get3A_4 : vector<1000x128xf32> to vector<1000x128xbf16>
    %convert_element_type3A_8 = arith.truncf %get3A_7 : vector<128x96xf32> to vector<128x96xbf16>
    %dot_general3A = arith.constant dense<0.000000e+00> : vector<1000x96xf32>
    %dot_general3A_9 = tpu.matmul %convert_element_type3A, %convert_element_type3A_8, %dot_general3A {dimension_numbers = #tpu.dot_dimension_numbers<[1], [0], [0], [1], [0, 0, 1, 1], [], []>, transpose_lhs_hint = false} : vector<1000x128xbf16>, vector<128x96xbf16>, vector<1000x96xf32> -> vector<1000x96xf32>
    %mul3A = vector.broadcast %get3A_1 : vector<1000x1xf32> to vector<1000x96xf32>
    %mul3A_10 = arith.mulf %dot_general3A_9, %mul3A : vector<1000x96xf32>
    %slice3A = vector.extract_strided_slice %mul3A_10 {offsets = [0, 0], sizes = [1000, 48], strides = [1, 1]} : vector<1000x96xf32> to vector<1000x48xf32>
    %swap3A = arith.constant 0 : index
    %swap3A_11 = arith.constant 0 : index
    %swap3A_12 = arith.constant 0 : index
    %swap3A_13 = vector.load %arg4[%swap3A, %swap3A_11, %swap3A_12] : memref<2x1000x48xf32, #tpu.memory_space<vmem>>, vector<1x1000x48xf32>
    %swap3A_14 = vector.shape_cast %swap3A_13 : vector<1x1000x48xf32> to vector<1000x48xf32>
    %swap3A_15 = vector.shape_cast %slice3A : vector<1000x48xf32> to vector<1x1000x48xf32>
    tpu.vector_store %arg4[%swap3A, %swap3A_11, %swap3A_12], %swap3A_15 {strides = array<i32>} : memref<2x1000x48xf32, #tpu.memory_space<vmem>>, vector<1x1000x48xf32>,
    %slice3A_16 = vector.extract_strided_slice %mul3A_10 {offsets = [0, 48], sizes = [1000, 48], strides = [1, 1]} : vector<1000x96xf32> to vector<1000x48xf32>
    %swap3A_17 = arith.constant 1 : index
    %swap3A_18 = arith.constant 0 : index
    %swap3A_19 = arith.constant 0 : index
    %swap3A_20 = vector.load %arg4[%swap3A_17, %swap3A_18, %swap3A_19] : memref<2x1000x48xf32, #tpu.memory_space<vmem>>, vector<1x1000x48xf32>
    %swap3A_21 = vector.shape_cast %swap3A_20 : vector<1x1000x48xf32> to vector<1000x48xf32>
    %swap3A_22 = vector.shape_cast %slice3A_16 : vector<1000x48xf32> to vector<1x1000x48xf32>
    tpu.vector_store %arg4[%swap3A_17, %swap3A_18, %swap3A_19], %swap3A_22 {strides = array<i32>} : memref<2x1000x48xf32, #tpu.memory_space<vmem>>, vector<1x1000x48xf32>,
    return
  }
  func.func @transform_0(%arg0: i32) -> (i32, i32) {
    %c0_i32 = arith.constant 0 : i32
    %c0_i32_0 = arith.constant 0 : i32
    return %arg0, %c0_i32 : i32, i32
  }
  func.func @transform_1(%arg0: i32) -> (i32, i32) {
    %c0_i32 = arith.constant 0 : i32
    %c0_i32_0 = arith.constant 0 : i32
    %c0_i32_1 = arith.constant 0 : i32
    return %c0_i32, %c0_i32_0 : i32, i32
  }
  func.func @transform_2(%arg0: i32) -> (i32, i32) {
    %c0_i32 = arith.constant 0 : i32
    %c0_i32_0 = arith.constant 0 : i32
    return %arg0, %c0_i32 : i32, i32
  }
  func.func @transform_3(%arg0: i32) -> (i32, i32, i32) {
    %c0_i32 = arith.constant 0 : i32
    %c0_i32_0 = arith.constant 0 : i32
    %c0_i32_1 = arith.constant 0 : i32
    return %c0_i32, %arg0, %c0_i32_0 : i32, i32, i32
  }
}

module attributes {stable_mosaic.version = 14 : i64} {
  func.func @_mid_body(%arg0: i32, %arg1: memref<2x1000x48xf32, #tpu.memory_space<vmem>>, %arg2: memref<2x1000x48xf32, #tpu.memory_space<vmem>>, %arg3: memref<1000x1xf32, #tpu.memory_space<vmem>>, %arg4: memref<1x96xf32, #tpu.memory_space<vmem>>, %arg5: memref<96x96xf32, #tpu.memory_space<vmem>>, %arg6: memref<2x1000x48xf32, #tpu.memory_space<vmem>>) attributes {dimension_semantics = [#tpu.dimension_semantics<arbitrary>], iteration_bounds = array<i64: 10>, scalar_prefetch = 0 : i64, scratch_operands = 0 : i64, tpu.core_type = #tpu.core_type<tc>, window_params = [{transform_indices = @transform_0, window_bounds = array<i64: 2, 1000, 48>}, {transform_indices = @transform_1, window_bounds = array<i64: 2, 1000, 48>}, {transform_indices = @transform_2, window_bounds = array<i64: 1000, 1>}, {pipeline_mode = #tpu.pipeline_mode<synchronous>, transform_indices = @transform_3, window_bounds = array<i64: 1, 96>}, {pipeline_mode = #tpu.pipeline_mode<synchronous>, transform_indices = @transform_4, window_bounds = array<i64: 96, 96>}, {transform_indices = @transform_5, window_bounds = array<i64: 2, 1000, 48>}]} {
    %get3A = arith.constant 0 : index
    %get3A_0 = arith.constant 0 : index
    %get3A_1 = arith.constant 0 : index
    %get3A_2 = vector.load %arg1[%get3A, %get3A_0, %get3A_1] : memref<2x1000x48xf32, #tpu.memory_space<vmem>>, vector<1x1000x48xf32>
    %get3A_3 = vector.shape_cast %get3A_2 : vector<1x1000x48xf32> to vector<1000x48xf32>
    %get3A_4 = arith.constant 0 : index
    %get3A_5 = arith.constant 0 : index
    %get3A_6 = arith.constant 0 : index
    %get3A_7 = vector.load %arg2[%get3A_4, %get3A_5, %get3A_6] : memref<2x1000x48xf32, #tpu.memory_space<vmem>>, vector<1x1000x48xf32>
    %get3A_8 = vector.shape_cast %get3A_7 : vector<1x1000x48xf32> to vector<1000x48xf32>
    %add3A = arith.addf %get3A_3, %get3A_8 : vector<1000x48xf32>
    %get3A_9 = arith.constant 1 : index
    %get3A_10 = arith.constant 0 : index
    %get3A_11 = arith.constant 0 : index
    %get3A_12 = vector.load %arg1[%get3A_9, %get3A_10, %get3A_11] : memref<2x1000x48xf32, #tpu.memory_space<vmem>>, vector<1x1000x48xf32>
    %get3A_13 = vector.shape_cast %get3A_12 : vector<1x1000x48xf32> to vector<1000x48xf32>
    %get3A_14 = arith.constant 1 : index
    %get3A_15 = arith.constant 0 : index
    %get3A_16 = arith.constant 0 : index
    %get3A_17 = vector.load %arg2[%get3A_14, %get3A_15, %get3A_16] : memref<2x1000x48xf32, #tpu.memory_space<vmem>>, vector<1x1000x48xf32>
    %get3A_18 = vector.shape_cast %get3A_17 : vector<1x1000x48xf32> to vector<1000x48xf32>
    %add3A_19 = arith.addf %get3A_13, %get3A_18 : vector<1000x48xf32>
    %concatenate3A = tpu.concatenate %add3A, %add3A_19 in 1 : vector<1000x48xf32>, vector<1000x48xf32> -> vector<1000x96xf32>
    %get3A_20 = arith.constant 0 : index
    %get3A_21 = arith.constant 0 : index
    %get3A_22 = vector.load %arg3[%get3A_20, %get3A_21] : memref<1000x1xf32, #tpu.memory_space<vmem>>, vector<1000x1xf32>
    %mul3A = vector.broadcast %get3A_22 : vector<1000x1xf32> to vector<1000x96xf32>
    %mul3A_23 = arith.mulf %mul3A, %concatenate3A : vector<1000x96xf32>
    %get3A_24 = arith.constant 0 : index
    %get3A_25 = arith.constant 0 : index
    %get3A_26 = vector.load %arg4[%get3A_24, %get3A_25] : memref<1x96xf32, #tpu.memory_space<vmem>>, vector<1x96xf32>
    %add3A_27 = vector.broadcast %get3A_26 : vector<1x96xf32> to vector<1000x96xf32>
    %add3A_28 = arith.addf %mul3A_23, %add3A_27 : vector<1000x96xf32>
    %max3A = arith.constant 0.000000e+00 : f32
    %max3A_29 = vector.broadcast %max3A : f32 to vector<1000x96xf32>
    %max3A_30 = arith.maximumf %add3A_28, %max3A_29 : vector<1000x96xf32>
    %get3A_31 = arith.constant 0 : index
    %get3A_32 = arith.constant 0 : index
    %get3A_33 = vector.load %arg5[%get3A_31, %get3A_32] : memref<96x96xf32, #tpu.memory_space<vmem>>, vector<96x96xf32>
    %convert_element_type3A = arith.truncf %max3A_30 : vector<1000x96xf32> to vector<1000x96xbf16>
    %convert_element_type3A_34 = arith.truncf %get3A_33 : vector<96x96xf32> to vector<96x96xbf16>
    %dot_general3A = arith.constant dense<0.000000e+00> : vector<1000x96xf32>
    %dot_general3A_35 = tpu.matmul %convert_element_type3A, %convert_element_type3A_34, %dot_general3A {dimension_numbers = #tpu.dot_dimension_numbers<[1], [0], [0], [1], [0, 0, 1, 1], [], []>, transpose_lhs_hint = false} : vector<1000x96xbf16>, vector<96x96xbf16>, vector<1000x96xf32> -> vector<1000x96xf32>
    %mul3A_36 = vector.broadcast %get3A_22 : vector<1000x1xf32> to vector<1000x96xf32>
    %mul3A_37 = arith.mulf %mul3A_36, %dot_general3A_35 : vector<1000x96xf32>
    %slice3A = vector.extract_strided_slice %mul3A_37 {offsets = [0, 0], sizes = [1000, 48], strides = [1, 1]} : vector<1000x96xf32> to vector<1000x48xf32>
    %swap3A = arith.constant 0 : index
    %swap3A_38 = arith.constant 0 : index
    %swap3A_39 = arith.constant 0 : index
    %swap3A_40 = vector.load %arg6[%swap3A, %swap3A_38, %swap3A_39] : memref<2x1000x48xf32, #tpu.memory_space<vmem>>, vector<1x1000x48xf32>
    %swap3A_41 = vector.shape_cast %swap3A_40 : vector<1x1000x48xf32> to vector<1000x48xf32>
    %swap3A_42 = vector.shape_cast %slice3A : vector<1000x48xf32> to vector<1x1000x48xf32>
    tpu.vector_store %arg6[%swap3A, %swap3A_38, %swap3A_39], %swap3A_42 {strides = array<i32>} : memref<2x1000x48xf32, #tpu.memory_space<vmem>>, vector<1x1000x48xf32>,
    %slice3A_43 = vector.extract_strided_slice %mul3A_37 {offsets = [0, 48], sizes = [1000, 48], strides = [1, 1]} : vector<1000x96xf32> to vector<1000x48xf32>
    %swap3A_44 = arith.constant 1 : index
    %swap3A_45 = arith.constant 0 : index
    %swap3A_46 = arith.constant 0 : index
    %swap3A_47 = vector.load %arg6[%swap3A_44, %swap3A_45, %swap3A_46] : memref<2x1000x48xf32, #tpu.memory_space<vmem>>, vector<1x1000x48xf32>
    %swap3A_48 = vector.shape_cast %swap3A_47 : vector<1x1000x48xf32> to vector<1000x48xf32>
    %swap3A_49 = vector.shape_cast %slice3A_43 : vector<1000x48xf32> to vector<1x1000x48xf32>
    tpu.vector_store %arg6[%swap3A_44, %swap3A_45, %swap3A_46], %swap3A_49 {strides = array<i32>} : memref<2x1000x48xf32, #tpu.memory_space<vmem>>, vector<1x1000x48xf32>,
    return
  }
  func.func @transform_0(%arg0: i32) -> (i32, i32, i32) {
    %c0_i32 = arith.constant 0 : i32
    %c0_i32_0 = arith.constant 0 : i32
    %c0_i32_1 = arith.constant 0 : i32
    return %c0_i32, %arg0, %c0_i32_0 : i32, i32, i32
  }
  func.func @transform_1(%arg0: i32) -> (i32, i32, i32) {
    %c0_i32 = arith.constant 0 : i32
    %c0_i32_0 = arith.constant 0 : i32
    %c0_i32_1 = arith.constant 0 : i32
    return %c0_i32, %arg0, %c0_i32_0 : i32, i32, i32
  }
  func.func @transform_2(%arg0: i32) -> (i32, i32) {
    %c0_i32 = arith.constant 0 : i32
    %c0_i32_0 = arith.constant 0 : i32
    return %arg0, %c0_i32 : i32, i32
  }
  func.func @transform_3(%arg0: i32) -> (i32, i32) {
    %c0_i32 = arith.constant 0 : i32
    %c0_i32_0 = arith.constant 0 : i32
    %c0_i32_1 = arith.constant 0 : i32
    return %c0_i32, %c0_i32_0 : i32, i32
  }
  func.func @transform_4(%arg0: i32) -> (i32, i32) {
    %c0_i32 = arith.constant 0 : i32
    %c0_i32_0 = arith.constant 0 : i32
    %c0_i32_1 = arith.constant 0 : i32
    return %c0_i32, %c0_i32_0 : i32, i32
  }
  func.func @transform_5(%arg0: i32) -> (i32, i32, i32) {
    %c0_i32 = arith.constant 0 : i32
    %c0_i32_0 = arith.constant 0 : i32
    %c0_i32_1 = arith.constant 0 : i32
    return %c0_i32, %arg0, %c0_i32_0 : i32, i32, i32
  }
}

module attributes {stable_mosaic.version = 14 : i64} {
  func.func @_fin_body(%arg0: i32, %arg1: memref<2x1000x48xf32, #tpu.memory_space<vmem>>, %arg2: memref<2x1000x48xf32, #tpu.memory_space<vmem>>, %arg3: memref<1000x1xf32, #tpu.memory_space<vmem>>, %arg4: memref<1x96xf32, #tpu.memory_space<vmem>>, %arg5: memref<1x1x1000xi32, #tpu.memory_space<vmem>>, %arg6: memref<96x32xf32, #tpu.memory_space<vmem>>, %arg7: memref<1x32xf32, #tpu.memory_space<vmem>>, %arg8: memref<32x1xf32, #tpu.memory_space<vmem>>, %arg9: memref<1x1xf32, #tpu.memory_space<vmem>>, %arg10: memref<64x1xf32, #tpu.memory_space<vmem>>, %arg11: memref<64x96xf32, #tpu.memory_space<vmem>>) attributes {dimension_semantics = [#tpu.dimension_semantics<arbitrary>], iteration_bounds = array<i64: 10>, scalar_prefetch = 0 : i64, scratch_operands = 1 : i64, tpu.core_type = #tpu.core_type<tc>, window_params = [{transform_indices = @transform_0, window_bounds = array<i64: 2, 1000, 48>}, {transform_indices = @transform_1, window_bounds = array<i64: 2, 1000, 48>}, {transform_indices = @transform_2, window_bounds = array<i64: 1000, 1>}, {pipeline_mode = #tpu.pipeline_mode<synchronous>, transform_indices = @transform_3, window_bounds = array<i64: 1, 96>}, {transform_indices = @transform_4, window_bounds = array<i64: 1, 1, 1000>}, {pipeline_mode = #tpu.pipeline_mode<synchronous>, transform_indices = @transform_5, window_bounds = array<i64: 96, 32>}, {pipeline_mode = #tpu.pipeline_mode<synchronous>, transform_indices = @transform_6, window_bounds = array<i64: 1, 32>}, {pipeline_mode = #tpu.pipeline_mode<synchronous>, transform_indices = @transform_7, window_bounds = array<i64: 32, 1>}, {pipeline_mode = #tpu.pipeline_mode<synchronous>, transform_indices = @transform_8, window_bounds = array<i64: 1, 1>}, {pipeline_mode = #tpu.pipeline_mode<synchronous>, transform_indices = @transform_9, window_bounds = array<i64: 64, 1>}]} {
    %eq3A = arith.constant 0 : i32
    %eq3A_0 = arith.cmpi eq, %arg0, %eq3A : i32
    %convert_element_type3A = arith.extui %eq3A_0 : i1 to i32
    %cond3A = arith.constant 0 : i32
    %cond3A_1 = arith.cmpi ne, %convert_element_type3A, %cond3A : i32
    scf.if %cond3A_1 {
      %broadcast_in_dim3A = arith.constant 0.000000e+00 : f32
      %broadcast_in_dim3A_54 = vector.broadcast %broadcast_in_dim3A : f32 to vector<64x96xf32>
      %swap3A_55 = arith.constant 0 : index
      %swap3A_56 = arith.constant 0 : index
      %swap3A_57 = vector.load %arg11[%swap3A_55, %swap3A_56] : memref<64x96xf32, #tpu.memory_space<vmem>>, vector<64x96xf32>
      tpu.vector_store %arg11[%swap3A_55, %swap3A_56], %broadcast_in_dim3A_54 {strides = array<i32>} : memref<64x96xf32, #tpu.memory_space<vmem>>, vector<64x96xf32>,
    } else {
    }
    %get3A = arith.constant 0 : index
    %get3A_2 = arith.constant 0 : index
    %get3A_3 = arith.constant 0 : index
    %get3A_4 = vector.load %arg1[%get3A, %get3A_2, %get3A_3] : memref<2x1000x48xf32, #tpu.memory_space<vmem>>, vector<1x1000x48xf32>
    %get3A_5 = vector.shape_cast %get3A_4 : vector<1x1000x48xf32> to vector<1000x48xf32>
    %get3A_6 = arith.constant 0 : index
    %get3A_7 = arith.constant 0 : index
    %get3A_8 = arith.constant 0 : index
    %get3A_9 = vector.load %arg2[%get3A_6, %get3A_7, %get3A_8] : memref<2x1000x48xf32, #tpu.memory_space<vmem>>, vector<1x1000x48xf32>
    %get3A_10 = vector.shape_cast %get3A_9 : vector<1x1000x48xf32> to vector<1000x48xf32>
    %add3A = arith.addf %get3A_5, %get3A_10 : vector<1000x48xf32>
    %get3A_11 = arith.constant 1 : index
    %get3A_12 = arith.constant 0 : index
    %get3A_13 = arith.constant 0 : index
    %get3A_14 = vector.load %arg1[%get3A_11, %get3A_12, %get3A_13] : memref<2x1000x48xf32, #tpu.memory_space<vmem>>, vector<1x1000x48xf32>
    %get3A_15 = vector.shape_cast %get3A_14 : vector<1x1000x48xf32> to vector<1000x48xf32>
    %get3A_16 = arith.constant 1 : index
    %get3A_17 = arith.constant 0 : index
    %get3A_18 = arith.constant 0 : index
    %get3A_19 = vector.load %arg2[%get3A_16, %get3A_17, %get3A_18] : memref<2x1000x48xf32, #tpu.memory_space<vmem>>, vector<1x1000x48xf32>
    %get3A_20 = vector.shape_cast %get3A_19 : vector<1x1000x48xf32> to vector<1000x48xf32>
    %add3A_21 = arith.addf %get3A_15, %get3A_20 : vector<1000x48xf32>
    %concatenate3A = tpu.concatenate %add3A, %add3A_21 in 1 : vector<1000x48xf32>, vector<1000x48xf32> -> vector<1000x96xf32>
    %get3A_22 = arith.constant 0 : index
    %get3A_23 = arith.constant 0 : index
    %get3A_24 = vector.load %arg3[%get3A_22, %get3A_23] : memref<1000x1xf32, #tpu.memory_space<vmem>>, vector<1000x1xf32>
    %mul3A = vector.broadcast %get3A_24 : vector<1000x1xf32> to vector<1000x96xf32>
    %mul3A_25 = arith.mulf %mul3A, %concatenate3A : vector<1000x96xf32>
    %get3A_26 = arith.constant 0 : index
    %get3A_27 = arith.constant 0 : index
    %get3A_28 = vector.load %arg4[%get3A_26, %get3A_27] : memref<1x96xf32, #tpu.memory_space<vmem>>, vector<1x96xf32>
    %add3A_29 = vector.broadcast %get3A_28 : vector<1x96xf32> to vector<1000x96xf32>
    %add3A_30 = arith.addf %mul3A_25, %add3A_29 : vector<1000x96xf32>
    %max3A = arith.constant 0.000000e+00 : f32
    %max3A_31 = vector.broadcast %max3A : f32 to vector<1000x96xf32>
    %max3A_32 = arith.maximumf %add3A_30, %max3A_31 : vector<1000x96xf32>
    %get3A_33 = arith.constant 0 : index
    %get3A_34 = arith.constant 0 : index
    %get3A_35 = arith.constant 0 : index
    %get3A_36 = vector.load %arg5[%get3A_33, %get3A_34, %get3A_35] : memref<1x1x1000xi32, #tpu.memory_space<vmem>>, vector<1x1x1000xi32>
    %get3A_37 = vector.shape_cast %get3A_36 : vector<1x1x1000xi32> to vector<1x1000xi32>
    %iota3A = tpu.iota {dimensions = array<i32: 0>} : vector<64x1000xi32>
    %eq3A_38 = vector.broadcast %get3A_37 : vector<1x1000xi32> to vector<64x1000xi32>
    %eq3A_39 = arith.cmpi eq, %iota3A, %eq3A_38 : vector<64x1000xi32>
    %get3A_40 = arith.constant 0 : index
    %get3A_41 = arith.constant 0 : index
    %get3A_42 = vector.load %arg11[%get3A_40, %get3A_41] : memref<64x96xf32, #tpu.memory_space<vmem>>, vector<64x96xf32>
    %convert_element_type3A_43 = arith.extui %eq3A_39 : vector<64x1000xi1> to vector<64x1000xi32>
    %convert_element_type3A_44 = arith.sitofp %convert_element_type3A_43 : vector<64x1000xi32> to vector<64x1000xf32>
    %dot_general3A = arith.constant dense<0.000000e+00> : vector<64x96xf32>
    %dot_general3A_45 = tpu.matmul %convert_element_type3A_44, %max3A_32, %dot_general3A {dimension_numbers = #tpu.dot_dimension_numbers<[1], [0], [0], [1], [0, 0, 1, 1], [], []>, precision = #tpu.contract_precision<fp32>, transpose_lhs_hint = false} : vector<64x1000xf32>, vector<1000x96xf32>, vector<64x96xf32> -> vector<64x96xf32>
    %add3A_46 = arith.addf %get3A_42, %dot_general3A_45 : vector<64x96xf32>
    %swap3A = arith.constant 0 : index
    %swap3A_47 = arith.constant 0 : index
    %swap3A_48 = vector.load %arg11[%swap3A, %swap3A_47] : memref<64x96xf32, #tpu.memory_space<vmem>>, vector<64x96xf32>
    tpu.vector_store %arg11[%swap3A, %swap3A_47], %add3A_46 {strides = array<i32>} : memref<64x96xf32, #tpu.memory_space<vmem>>, vector<64x96xf32>,
    %eq3A_49 = arith.constant 9 : i32
    %eq3A_50 = arith.cmpi eq, %arg0, %eq3A_49 : i32
    %convert_element_type3A_51 = arith.extui %eq3A_50 : i1 to i32
    %cond3A_52 = arith.constant 0 : i32
    %cond3A_53 = arith.cmpi ne, %convert_element_type3A_51, %cond3A_52 : i32
    scf.if %cond3A_53 {
      %get3A_54 = arith.constant 0 : index
      %get3A_55 = arith.constant 0 : index
      %get3A_56 = vector.load %arg11[%get3A_54, %get3A_55] : memref<64x96xf32, #tpu.memory_space<vmem>>, vector<64x96xf32>
      %get3A_57 = arith.constant 0 : index
      %get3A_58 = arith.constant 0 : index
      %get3A_59 = vector.load %arg6[%get3A_57, %get3A_58] : memref<96x32xf32, #tpu.memory_space<vmem>>, vector<96x32xf32>
      %convert_element_type3A_60 = arith.truncf %get3A_56 : vector<64x96xf32> to vector<64x96xbf16>
      %convert_element_type3A_61 = arith.truncf %get3A_59 : vector<96x32xf32> to vector<96x32xbf16>
      %dot_general3A_62 = arith.constant dense<0.000000e+00> : vector<64x32xf32>
      %dot_general3A_63 = tpu.matmul %convert_element_type3A_60, %convert_element_type3A_61, %dot_general3A_62 {dimension_numbers = #tpu.dot_dimension_numbers<[1], [0], [0], [1], [0, 0, 1, 1], [], []>, transpose_lhs_hint = false} : vector<64x96xbf16>, vector<96x32xbf16>, vector<64x32xf32> -> vector<64x32xf32>
      %get3A_64 = arith.constant 0 : index
      %get3A_65 = arith.constant 0 : index
      %get3A_66 = vector.load %arg7[%get3A_64, %get3A_65] : memref<1x32xf32, #tpu.memory_space<vmem>>, vector<1x32xf32>
      %add3A_67 = vector.broadcast %get3A_66 : vector<1x32xf32> to vector<64x32xf32>
      %add3A_68 = arith.addf %dot_general3A_63, %add3A_67 : vector<64x32xf32>
      %max3A_69 = arith.constant 0.000000e+00 : f32
      %max3A_70 = vector.broadcast %max3A_69 : f32 to vector<64x32xf32>
      %max3A_71 = arith.maximumf %add3A_68, %max3A_70 : vector<64x32xf32>
      %get3A_72 = arith.constant 0 : index
      %get3A_73 = arith.constant 0 : index
      %get3A_74 = vector.load %arg8[%get3A_72, %get3A_73] : memref<32x1xf32, #tpu.memory_space<vmem>>, vector<32x1xf32>
      %convert_element_type3A_75 = arith.truncf %max3A_71 : vector<64x32xf32> to vector<64x32xbf16>
      %convert_element_type3A_76 = arith.truncf %get3A_74 : vector<32x1xf32> to vector<32x1xbf16>
      %dot_general3A_77 = arith.constant dense<0.000000e+00> : vector<64x1xf32>
      %dot_general3A_78 = tpu.matmul %convert_element_type3A_75, %convert_element_type3A_76, %dot_general3A_77 {dimension_numbers = #tpu.dot_dimension_numbers<[1], [0], [0], [1], [0, 0, 1, 1], [], []>, transpose_lhs_hint = false} : vector<64x32xbf16>, vector<32x1xbf16>, vector<64x1xf32> -> vector<64x1xf32>
      %get3A_79 = arith.constant 0 : index
      %get3A_80 = arith.constant 0 : index
      %get3A_81 = vector.load %arg9[%get3A_79, %get3A_80] : memref<1x1xf32, #tpu.memory_space<vmem>>, vector<1x1xf32>
      %add3A_82 = vector.broadcast %get3A_81 : vector<1x1xf32> to vector<64x1xf32>
      %add3A_83 = arith.addf %dot_general3A_78, %add3A_82 : vector<64x1xf32>
      %swap3A_84 = arith.constant 0 : index
      %swap3A_85 = arith.constant 0 : index
      %swap3A_86 = vector.load %arg10[%swap3A_84, %swap3A_85] : memref<64x1xf32, #tpu.memory_space<vmem>>, vector<64x1xf32>
      tpu.vector_store %arg10[%swap3A_84, %swap3A_85], %add3A_83 {strides = array<i32>} : memref<64x1xf32, #tpu.memory_space<vmem>>, vector<64x1xf32>,
    } else {
    }
    return
  }
  func.func @transform_0(%arg0: i32) -> (i32, i32, i32) {
    %c0_i32 = arith.constant 0 : i32
    %c0_i32_0 = arith.constant 0 : i32
    %c0_i32_1 = arith.constant 0 : i32
    return %c0_i32, %arg0, %c0_i32_0 : i32, i32, i32
  }
  func.func @transform_1(%arg0: i32) -> (i32, i32, i32) {
    %c0_i32 = arith.constant 0 : i32
    %c0_i32_0 = arith.constant 0 : i32
    %c0_i32_1 = arith.constant 0 : i32
    return %c0_i32, %arg0, %c0_i32_0 : i32, i32, i32
  }
  func.func @transform_2(%arg0: i32) -> (i32, i32) {
    %c0_i32 = arith.constant 0 : i32
    %c0_i32_0 = arith.constant 0 : i32
    return %arg0, %c0_i32 : i32, i32
  }
  func.func @transform_3(%arg0: i32) -> (i32, i32) {
    %c0_i32 = arith.constant 0 : i32
    %c0_i32_0 = arith.constant 0 : i32
    %c0_i32_1 = arith.constant 0 : i32
    return %c0_i32, %c0_i32_0 : i32, i32
  }
  func.func @transform_4(%arg0: i32) -> (i32, i32, i32) {
    %c0_i32 = arith.constant 0 : i32
    %c0_i32_0 = arith.constant 0 : i32
    %c0_i32_1 = arith.constant 0 : i32
    return %arg0, %c0_i32, %c0_i32_0 : i32, i32, i32
  }
  func.func @transform_5(%arg0: i32) -> (i32, i32) {
    %c0_i32 = arith.constant 0 : i32
    %c0_i32_0 = arith.constant 0 : i32
    %c0_i32_1 = arith.constant 0 : i32
    return %c0_i32, %c0_i32_0 : i32, i32
  }
  func.func @transform_6(%arg0: i32) -> (i32, i32) {
    %c0_i32 = arith.constant 0 : i32
    %c0_i32_0 = arith.constant 0 : i32
    %c0_i32_1 = arith.constant 0 : i32
    return %c0_i32, %c0_i32_0 : i32, i32
  }
  func.func @transform_7(%arg0: i32) -> (i32, i32) {
    %c0_i32 = arith.constant 0 : i32
    %c0_i32_0 = arith.constant 0 : i32
    %c0_i32_1 = arith.constant 0 : i32
    return %c0_i32, %c0_i32_0 : i32, i32
  }
  func.func @transform_8(%arg0: i32) -> (i32, i32) {
    %c0_i32 = arith.constant 0 : i32
    %c0_i32_0 = arith.constant 0 : i32
    %c0_i32_1 = arith.constant 0 : i32
    return %c0_i32, %c0_i32_0 : i32, i32
  }
  func.func @transform_9(%arg0: i32) -> (i32, i32) {
    %c0_i32 = arith.constant 0 : i32
    %c0_i32_0 = arith.constant 0 : i32
    %c0_i32_1 = arith.constant 0 : i32
    return %c0_i32, %c0_i32_0 : i32, i32
  }
}

</mosaic_0001>

<sc_bundles>
// kernel: kernel.12.cloned.1.call-start
scs
__scs_entry_jumppad:
0x0: {  	(pc) =	sbr.rel $0x88, $3  }
0x1: {  	(tag) =	ssettag $0x0;
	lr =	simm.s32 $0x1  }
0x2: {  	[smem:$0x3F92] =	sst lr;
	_ =	strace $0xD0000000  }
0x3: {  	_ = 	snop  }
0x4: {  	_ = 	snop  }
0x5: {  	_ = 	snop  }
0x6: {  	_ = 	snop  }
0x7: {  	_ = 	snop  }
__scs_overlays_trampoline_lowered:
0x8: {  	[smem:$0x3FA1] =	sst s0  }
0x9: {  	[smem:$0x3FA2] =	sst s1  }
0xa: {  	[smem:$0x3FA3] =	sst s2  }
0xb: {  	[smem:$0x3FA4] =	sst s3  }
0xc: {  	[smem:$0x3FA5] =	sst s4  }
0xd: {  	[smem:$0x3FA6] =	sst s5  }
0xe: {  	[smem:$0x3FA7] =	sst s6  }
0xf: {  	[smem:$0x3FA8] =	sst s7  }
0x10: {  	[smem:$0x3FA9] =	sst s8  }
0x11: {  	[smem:$0x3FAA] =	sst s9;
	s0 =	simm.s32 @!p0 $0x0  }
0x12: {  	s1 =	sld [smem:$0x3F90];
	s0 =	simm.s32 @p0 $0x1  }
0x13: {  	[smem:$0x3FAB] =	sst s0;
	s0 =	simm.s32 @!p1 $0x0  }
0x14: {  	s2 =	sld [smem:$0x3F8F];
	s0 =	simm.s32 @p1 $0x1  }
0x15: {  	[smem:$0x3FAC] =	sst s0;
	s0 =	simm.s32 @!p2 $0x0  }
0x16: {  	s3 =	sld [smem:$0x3FDB];
	s0 =	simm.s32 @p2 $0x1  }
0x17: {  	s4 =	simm.s32 $0x1BF5;
	[smem:$0x3FAE] =	sst s0  }
0x18: {  	s0 =	sld [smem:$0x3F91];
	_ =	swait.ge [sflag:s4], $0x0  }
0x19: {  	s7 =	sld [smem:$0x3F92]  }
0x1a: {  	s8 =	sadd.s32 $0xFFFFE003, lr  }
0x1b: {  	s9 =	sadd.s32 $0xFFFFFEF7, lr;
	s5 =	simm.s32 $0xFFFFFFFF;
	p2 =	slt.u32 s8, $0xFFFFF086  }
0x1c: {  	p1 =	slt.u32 s9, $0xF7A;
	s5 =	simm.s32 @!p2 $0x0  }
0x1d: {  	s5 =	simm.s32 @p1 $0x1;
	p0 =	seq.s32 s7, s2  }
0x1e: {  	s7 =	smul.u32 @!p0 $0xF7A, s2;
	p2 =	seq.s32 @!p0 s5, $0x0  }
0x1f: {  	s9 =	smul.u32 $0xF7A, s1;
	s8 =	simm.s32 @!p0 $0x1BF5;
	p2 =	por !p2, p0  }
0x20: {  	[sflag:s8] =	ssyncset.s32 @!p0 $0xFFFFF086;
	s6 =	sadd.s32 @!p0 s3, s7;
	s7 =	simm.s32 @!p0 $0x108  }
0x21: {  	s3 =	sadd.s32 s3, s9;
	s6 =	sadd.s32 @!p0 $0x88, s6;
	s7 =	simm.s32 @p2 $0x1082  }
0x22: {  	[simem:s7], [sflag:s8] =	dma.local @!p0 [hbm:s6], $0xF7A  }
0x23: {  	s9 =	sor.u32 $0xD0000000, s2;
	s6 =	simm.s32 $0x108;
	_ =	swait.ge @!p0 [sflag:s8], $0x0  }
0x24: {  	s3 =	sadd.s32 $0x88, s3;
	s6 =	simm.s32 @!p1 $0x1082;
	[sflag:s4] =	ssyncset.s32 $0xFFFFF086  }
0x25: {  	[simem:s6], [sflag:s4] =	dma.local [hbm:s3], $0xF7A  }
0x26: {  	[smem:$0x3F92] =	sst s1;
	(tag) =	ssettag s2;
	_ =	strace s9  }
0x27: {  	s1 =	sld [smem:$0x3FA2]  }
0x28: {  	s2 =	sld [smem:$0x3FA3]  }
0x29: {  	s4 =	sld [smem:$0x3FA5]  }
0x2a: {  	p0 =	seq.s32 s5, $0x0;
	s5 =	sld [smem:$0x3FA6]  }
0x2b: {  	s6 =	sld [smem:$0x3FA7]  }
0x2c: {  	s7 =	sld [smem:$0x3FA8]  }
0x2d: {  	s3 =	simm.s32 $0x108;
	s8 =	sld [smem:$0x3FA9]  }
0x2e: {  	s3 =	simm.s32 @!p0 $0x1082;
	s9 =	sld [smem:$0x3FAA]  }
0x2f: {  	lr =	sadd.s32 s0, s3;
	s0 =	sld [smem:$0x3FA1]  }
0x30: {  	s3 =	sld [smem:$0x3FA4]  }
0x31: {  	[smem:$0x3FAD] =	sst s10  }
0x32: {  	s10 =	sld [smem:$0x3FAB];
	_ =	sdelay $0x3  }
0x33: {  	p0 =	seq.s32 s10, $0x1;
	s10 =	sld [smem:$0x3FAD];
	_ =	sdelay $0x3  }
0x34: {  	[smem:$0x3FAD] =	sst s10  }
0x35: {  	s10 =	sld [smem:$0x3FAC];
	_ =	sdelay $0x3  }
0x36: {  	p1 =	seq.s32 s10, $0x1;
	s10 =	sld [smem:$0x3FAD];
	_ =	sdelay $0x3  }
0x37: {  	[smem:$0x3FAD] =	sst s10  }
0x38: {  	s10 =	sld [smem:$0x3FAE]  }
0x39: {  	_ = 	snop;
	(pc) =	sbr.ind lr, $3  }
0x3a: {  	_ = 	snop  }
0x3b: {  	_ = 	snop  }
0x3c: {  	p2 =	seq.s32 s10, $0x1;
	s10 =	sld [smem:$0x3FAD]  }
0x3d: {  	_ =	shalt  }
0x3e: {  	_ =	shalt  }
0x3f: {  	_ =	shalt  }
0x40: {  	_ =	shalt  }
0x41: {  	_ =	shalt  }
0x42: {  	_ =	shalt  }
0x43: {  	_ =	shalt  }
0x44: {  	_ =	shalt  }
0x45: {  	_ =	shalt  }
0x46: {  	_ =	shalt  }
0x47: {  	_ =	shalt  }
0x48: {  	_ =	shalt  }
0x49: {  	_ =	shalt  }
0x4a: {  	_ =	shalt  }
0x4b: {  	_ =	shalt  }
0x4c: {  	_ =	shalt  }
0x4d: {  	_ =	shalt  }
0x4e: {  	_ =	shalt  }
0x4f: {  	_ =	shalt  }
0x50: {  	_ =	shalt  }
0x51: {  	_ =	shalt  }
0x52: {  	_ =	shalt  }
0x53: {  	_ =	shalt  }
0x54: {  	_ =	shalt  }
0x55: {  	_ =	shalt  }
0x56: {  	_ =	shalt  }
0x57: {  	_ =	shalt  }
0x58: {  	_ =	shalt  }
0x59: {  	_ =	shalt  }
0x5a: {  	_ =	shalt  }
0x5b: {  	_ =	shalt  }
0x5c: {  	_ =	shalt  }
0x5d: {  	_ =	shalt  }
0x5e: {  	_ =	shalt  }
0x5f: {  	_ =	shalt  }
0x60: {  	_ =	shalt  }
0x61: {  	_ =	shalt  }
0x62: {  	_ =	shalt  }
0x63: {  	_ =	shalt  }
0x64: {  	_ =	shalt  }
0x65: {  	_ =	shalt  }
0x66: {  	_ =	shalt  }
0x67: {  	_ =	shalt  }
0x68: {  	_ =	shalt  }
0x69: {  	_ =	shalt  }
0x6a: {  	_ =	shalt  }
0x6b: {  	_ =	shalt  }
0x6c: {  	_ =	shalt  }
0x6d: {  	_ =	shalt  }
0x6e: {  	_ =	shalt  }
0x6f: {  	_ =	shalt  }
0x70: {  	_ =	shalt  }
0x71: {  	_ =	shalt  }
0x72: {  	_ =	shalt  }
0x73: {  	_ =	shalt  }
0x74: {  	_ =	shalt  }
0x75: {  	_ =	shalt  }
0x76: {  	_ =	shalt  }
0x77: {  	_ =	shalt  }
0x78: {  	_ =	shalt  }
0x79: {  	_ =	shalt  }
0x7a: {  	_ =	shalt  }
0x7b: {  	_ =	shalt  }
0x7c: {  	_ =	shalt  }
0x7d: {  	_ =	shalt  }
0x7e: {  	_ =	shalt  }
0x7f: {  	_ =	shalt  }
0x80: {  	_ =	shalt  }
0x81: {  	_ =	shalt  }
0x82: {  	_ =	shalt  }
0x83: {  	_ =	shalt  }
0x84: {  	_ =	shalt  }
0x85: {  	_ =	shalt  }
0x86: {  	_ =	shalt  }
0x87: {  	_ =	shalt  }
.Lfunc_end0:
.L_simem_size_0:
called_computation_lowered:
.L_overlay_start_0:
0x88: {  	s2 =	sld [smem:$0x3FD9]  }
0x89: {  	s3 =	sld [smem:$0x3FFE];
	_ =	sdelay $0x1  }
0x8a: {  	s1 =	srdreg.scid  }
0x8b: {  	s0 =	sand.u32 $0x1, s1  }
0x8c: {  	s16 =	sshll.u32 s0, $0xA;
	s2 =	sadd.s32 s3, s2  }
0x8d: {  	s2 =	sadd.s32 s2, s16  }
0x8e: {  	[smem:$0x3FB9] =	sst s2  }
0x8f: {  	_ = 	snop  }
0x90: {  	(tm) =	ssettm $0x1  }
0x91: {  	s17 =	sld [smem:$0x3FFB];
	_ =	sdelay $0x3  }
0x92: {  	_ =	strace s17  }
0x93: {  	s2 =	sld [smem:$0x3FFC];
	_ =	sdelay $0x3  }
0x94: {  	_ =	strace s2  }
0x95: {  	s2 =	sld [smem:$0x3FFD];
	_ =	sdelay $0x3  }
0x96: {  	_ =	strace s2  }
0x97: {  	_ =	strace $0x8FFFFFFF  }
0x98: {  	s18 =	sld [smem:$0x3FDB];
	_ =	sdelay $0x1  }
0x99: {  	s19 =	simm.s32 $_scs_section_size  }
0x9a: {  	s4 =	simm.s32 $_size__tile_overlayer_lowered;
	s5 =	simm.s32 $_tile_overlayer_lowered  }
0x9b: {  	s22 =	simm.s32 $0x1BFF;
	s21 =	sshll.u32 s5, $0x1;
	s2 =	sadd.s32 s19, s18  }
0x9c: {  	s6 =	simm.s32 $0x0;
	s20 =	sshll.u32 s4, $0x1;
	s4 =	sadd.s32 s21, s2  }
0x9d: {  	[timem:s6], [sflag:s22] =	dma.local [hbm:s4], s20  }
0x9e: {  	_ =	swait.ge [sflag:s22], s20  }
0x9f: {  	s3 =	ssub.s32 $0x0, s20;
	[sflag:s22] =	ssyncset.done $0x0  }
0xa0: {  	[sflag:s22] =	ssyncadd.s32 s3;
	_ =	sdelay $0x1  }
0xa1: {  	s23 =	simm.s32 $0x1B8B  }
0xa2: {  	_ =	swait.ge [sflag:s23], $0x1  }
0xa3: {  	[sflag:s23] =	ssyncset.done $0x0  }
0xa4: {  	s25 =	simm.s32 $0x1B8E;
	s24 =	sld [smem:$0x3FFE];
	[sflag:s23] =	ssyncadd.s32 $0xFFFFFFFF  }
0xa5: {  	s26 =	simm.s32 $execute0_lowered;
	[smem:$0x3FD2] =	sst s25  }
0xa6: {  	s4 =	sshll.u32 s26, $0x1;
	_ =	strace $0x80000046;
	[dreg:$0x1] =	wrdreg $0xFFFFFFFF  }
0xa7: {  	s28 =	simm.s32 $_size_execute0_lowered;
	s2 =	sadd.s32 s2, s4;
	[dreg:$0x0] =	wrdreg $0x0  }
0xa8: {  	s4 =	sshll.u32 s28, $0x1;
	[dreg:$0x2] =	wrdreg s2  }
0xa9: {  	[dreg:$0x3] =	wrdreg s4  }
0xaa: {  	[dreg:$0x4] =	wrdreg $0xC0  }
0xab: {  	_ =	task [dreg:s6], $0x5FFFF  }
0xac: {  	[dreg:$0x1] =	wrdreg $0xFFFFFFFF  }
0xad: {  	[dreg:$0x0] =	wrdreg $0x60  }
0xae: {  	[dreg:$0x2] =	wrdreg s24  }
0xaf: {  	[dreg:$0x3] =	wrdreg $0x9  }
0xb0: {  	_ =	task.clear_ibuf [dreg:s6], $0x4FFFF;
	_ =	strace $0x90000046  }
0xb1: {  	s29 =	simm.s32 $0x9;
	_ =	strace $0x80000048  }
0xb2: {  	_ =	swait.ge [sflag:s29], $0x1  }
0xb3: {  	[sflag:s29] =	ssyncadd.s32 $0xFFFFFFFF  }
0xb4: {  	_ =	strace $0x90000048  }
0xb5: {  	_ =	sfence  }
0xb6: {  	s30 =	sld [smem:$0x0];
	_ =	sdelay $0x2  }
0xb7: {  	s31 =	sshll.u32 s1, $0xD;
	s1 =	sshrl.u32 s1, $0x2  }
0xb8: {  	s3 =	sand.u32 $0x4000, s31;
	s1 =	sadd.s32 s1, s30  }
0xb9: {  	s0 =	sor.u32 s3, s0;
	s1 =	sshll.u32 s1, $0x11  }
0xba: {  	s0 =	sor.u32 s1, s0  }
0xbb: {  	s0 =	sadd.s32 $0x8F2B, s0  }
0xbc: {  	[sflag:s0] =	ssyncadd.remote.s32 $0x1  }
0xbd: {  	_ =	sfence.sel $0xFFFF  }
0xbe: {  	[dreg:$0x0] =	wrdreg $0xFFFFFFFF;
	(pc) =	sbr.abs _section_cstart, $3  }
0xbf: {  	[dreg:$0x1] =	wrdreg $0xFFFFFFFF  }
0xc0: {  	_ =	task.clear_ibuf [dreg:s6], $0x2FFFF;
	_ =	strace $0x9FFFFFFF  }
0xc1: {  	(tm) =	ssettm $0x7FFFFFFF  }
tec
execute0_lowered:
.L_overlay_start_1:
0x0: {  	(tag) =	ssettag $0x1  }
0x1: {  	s0 =	srdreg.scid  }
0x2: {  	s3 =	sand.u32 $0x1, s0  }
0x3: {  	s4 =	rddreg [dreg:$0x0];
	s0 =	stileid.u32;
	s1 =	sshll.u32 s3, $0x4  }
0x4: {  	s2 =	simm.s32 $0x0;
	s8 =	simm.s32 $0x80;
	s5 =	sor.u32 s0, s1  }
0x5: {  	s9 =	simm.s32 $0x400;
	[smem:$0x7FF] =	sst s2;
	s6 =	sshrl.u32 s5, $0x3  }
0x6: {  	s7 =	sshll.u32 s0, $0x7;
	s3 =	ssub.s32 $0x2, s3;
	s6 =	smul.u32 $0x13C00, s6  }
0x7: {  	s1 =	rddreg [dreg:$0x1];
	s7 =	sand.u32 $0x380, s7;
	s5 =	smul.u32 $0x4E2, s5  }
0x8: {  	_ =	strace $0x80000047;
	s30 =	sshrl.u32 s3, $0x1;
	s6 =	sor.u32 s7, s6  }
0x9: {  	s31 =	ssub.s32 s3, s30;
	s5 =	sadd.s32 s5, s4;
	s6 =	sshrl.u32 s6, $0x3  }
0xa: {  	s3 =	sadd.s32 $0x3200, s5;
	s5 =	smax.u32 s31, $0x1;
	s4 =	sadd.s32 s6, s4  }
0xb: {  	v0 =	vimm.f32 $0.0e+00;
	v1 =	vimm.f32 $1.000000000e+00;
	s7 =	simm.s32 $0x2780;
	s6 =	simm.s32 $0x1;
	s4 =	sadd.s32 $0xD000, s4  }
.LBB2_1:
0xc: {  	s10 =	simm.s32 $0x40;
	s11 =	simm.s32 $0x0  }
.LBB2_2:
0xd: {  	p0 =	sne.s32 s10, $0x9C00;
	[tilespmem:s11+$0x2780] =	vst v0;
	s11 =	smov.u32 s10;
	s10 =	sadd.s32 $0x40, s10  }
.Ltmp0:
0xe: {  	(pc) =	sbr.rel @p0 .LBB2_2-.Ltmp0, $2  }
0xf: {  	_ =	sdelay $0x2  }
0x10: {  	s11 =	sshra.s32 s11, $0x2  }
0x11: {  	[tilespmem:s11+$0x2780] =	vst v0;
	s10 =	simm.s32 $0x0  }
0x12: {  	[tilespmem:s10], [sflag:$0x1] =	stream.linear.gather [hbm4b:s3+s10], $0x2710, $0x38;
	[tilespmem:$0x4F00] =	vst v63  }
0x13: {  	_ =	swait.ge [sflag:s6], $0x2710  }
0x14: {  	[sflag:s6] =	ssyncset.done $0x0  }
0x15: {  	s11 =	simm.s32 $0x0;
	s10 =	simm.s32 $0x40;
	[sflag:s6] =	ssyncadd.s32 $0xFFFFD8F0  }
.LBB2_4:
0x16: {  	p0 =	sne.s32 s10, $0x9C00;
	v2 =	vld [tilespmem:s11+$0x0];
	_ =	sdelay $0x3  }
.Ltmp1:
0x17: {  	(pc) =	sbr.rel @p0 .LBB2_4-.Ltmp1, $2  }
0x18: {  	_ =	sdelay $0x2  }
0x19: {  	s11 =	sshra.s32 s10, $0x2;
	s10 =	sadd.s32 $0x40, s10;
	[tilespmem:v2+s7+$0x0] =	vst.idx.add.f32.msk $0xffff, v1  }
0x1a: {  	v2 =	vld [tilespmem:s11+$0x0];
	_ =	sdelay $0x5  }
0x1b: {  	s2 =	sadd.s32 $0x1, s2  }
0x1c: {  	p0 =	sne.s32 s2, s5  }
.Ltmp2:
0x1d: {  	[tilespmem:v2+s7+$0x0] =	vst.idx.add.f32.msk $0xffff, v1;
	(pc) =	sbr.rel @p0 .LBB2_1-.Ltmp2, $4  }
0x1e: {  	[hbm4b:s4+s8] =	stream.strided.scatter [tilespmem:s7], [sflag:$0x1], $0x2780, s9, s8, $0x38;
	[tilespmem:$0x4F00] =	vst v63  }
0x1f: {  	_ =	swait.ge [sflag:s6], $0x2780  }
0x20: {  	[sflag:s6] =	ssyncset.done $0x0  }
0x21: {  	[sflag:s6] =	ssyncadd.s32 $0xFFFFD880  }
0x22: {  	_ =	sfence.sel $0x180000  }
0x23: {  	[bflag:$0x0] =	sbarrier.arrive $0xFFFF  }
0x24: {  	p0 =	sne.s32 s0, $0x0;
	_ =	strace $0x90000047  }
0x25: {  	s0 =	sadd.s32 @!p0 $0x100000, s1;
	[bflag:$0x2] =	sbarrier.arrive $0xFFFF  }
0x26: {  	[sflag:s0] =	ssyncadd.tile.s32 @!p0 $0x1;
	_ =	shalt  }
.Lfunc_end2:
_tile_overlayer_lowered:
.L_overlay_start_2:
0x27: {  	(tag) =	ssettag $0x2  }
0x28: {  	s0 =	rddreg [dreg:$0x0];
	s2 =	stileid.u32  }
0x29: {  	s1 =	rddreg [dreg:$0x1];
	p0 =	sne.s32 s2, $0x0  }
0x2a: {  	s3 =	rddreg [dreg:$0x2];
	[bflag:$0x3] =	sbarrier.arrive $0xFFFF;
	s2 =	simm.s32 @!p0 $0x1C01  }
0x2b: {  	[timem:s3], [sflag:s2] =	dma.local @!p0 [hbm:s0], s1  }
0x2c: {  	s0 =	simm.s32 @!p0 $0x1  }
0x2d: {  	_ =	swait.ge @!p0 [sflag:s0], s1  }
0x2e: {  	s1 =	ssub.s32 @!p0 $0x0, s1;
	[sflag:s0] =	ssyncset.done @!p0 $0x0  }
0x2f: {  	[sflag:s0] =	ssyncadd.s32 @!p0 s1  }
0x30: {  	[bflag:$0x3] =	sbarrier.arrive $0xFFFF  }
0x31: {  	_ =	shalt  }

// kernel: kernel.15.cloned.1.call-start
scs
__scs_entry_jumppad:
0x0: {  	(pc) =	sbr.rel $0x88, $3  }
0x1: {  	(tag) =	ssettag $0x0;
	lr =	simm.s32 $0x1  }
0x2: {  	[smem:$0x3F92] =	sst lr;
	_ =	strace $0xD0000000  }
0x3: {  	_ = 	snop  }
0x4: {  	_ = 	snop  }
0x5: {  	_ = 	snop  }
0x6: {  	_ = 	snop  }
0x7: {  	_ = 	snop  }
__scs_overlays_trampoline_lowered:
0x8: {  	[smem:$0x3FA1] =	sst s0  }
0x9: {  	[smem:$0x3FA2] =	sst s1  }
0xa: {  	[smem:$0x3FA3] =	sst s2  }
0xb: {  	[smem:$0x3FA4] =	sst s3  }
0xc: {  	[smem:$0x3FA5] =	sst s4  }
0xd: {  	[smem:$0x3FA6] =	sst s5  }
0xe: {  	[smem:$0x3FA7] =	sst s6  }
0xf: {  	[smem:$0x3FA8] =	sst s7  }
0x10: {  	[smem:$0x3FA9] =	sst s8  }
0x11: {  	[smem:$0x3FAA] =	sst s9;
	s0 =	simm.s32 @!p0 $0x0  }
0x12: {  	s1 =	sld [smem:$0x3F90];
	s0 =	simm.s32 @p0 $0x1  }
0x13: {  	[smem:$0x3FAB] =	sst s0;
	s0 =	simm.s32 @!p1 $0x0  }
0x14: {  	s2 =	sld [smem:$0x3F8F];
	s0 =	simm.s32 @p1 $0x1  }
0x15: {  	[smem:$0x3FAC] =	sst s0;
	s0 =	simm.s32 @!p2 $0x0  }
0x16: {  	s3 =	sld [smem:$0x3FDB];
	s0 =	simm.s32 @p2 $0x1  }
0x17: {  	s4 =	simm.s32 $0x1BF5;
	[smem:$0x3FAE] =	sst s0  }
0x18: {  	s0 =	sld [smem:$0x3F91];
	_ =	swait.ge [sflag:s4], $0x0  }
0x19: {  	s7 =	sld [smem:$0x3F92]  }
0x1a: {  	s8 =	sadd.s32 $0xFFFFE003, lr  }
0x1b: {  	s9 =	sadd.s32 $0xFFFFFEF7, lr;
	s5 =	simm.s32 $0xFFFFFFFF;
	p2 =	slt.u32 s8, $0xFFFFF086  }
0x1c: {  	p1 =	slt.u32 s9, $0xF7A;
	s5 =	simm.s32 @!p2 $0x0  }
0x1d: {  	s5 =	simm.s32 @p1 $0x1;
	p0 =	seq.s32 s7, s2  }
0x1e: {  	s7 =	smul.u32 @!p0 $0xF7A, s2;
	p2 =	seq.s32 @!p0 s5, $0x0  }
0x1f: {  	s9 =	smul.u32 $0xF7A, s1;
	s8 =	simm.s32 @!p0 $0x1BF5;
	p2 =	por !p2, p0  }
0x20: {  	[sflag:s8] =	ssyncset.s32 @!p0 $0xFFFFF086;
	s6 =	sadd.s32 @!p0 s3, s7;
	s7 =	simm.s32 @!p0 $0x108  }
0x21: {  	s3 =	sadd.s32 s3, s9;
	s6 =	sadd.s32 @!p0 $0x88, s6;
	s7 =	simm.s32 @p2 $0x1082  }
0x22: {  	[simem:s7], [sflag:s8] =	dma.local @!p0 [hbm:s6], $0xF7A  }
0x23: {  	s9 =	sor.u32 $0xD0000000, s2;
	s6 =	simm.s32 $0x108;
	_ =	swait.ge @!p0 [sflag:s8], $0x0  }
0x24: {  	s3 =	sadd.s32 $0x88, s3;
	s6 =	simm.s32 @!p1 $0x1082;
	[sflag:s4] =	ssyncset.s32 $0xFFFFF086  }
0x25: {  	[simem:s6], [sflag:s4] =	dma.local [hbm:s3], $0xF7A  }
0x26: {  	[smem:$0x3F92] =	sst s1;
	(tag) =	ssettag s2;
	_ =	strace s9  }
0x27: {  	s1 =	sld [smem:$0x3FA2]  }
0x28: {  	s2 =	sld [smem:$0x3FA3]  }
0x29: {  	s4 =	sld [smem:$0x3FA5]  }
0x2a: {  	p0 =	seq.s32 s5, $0x0;
	s5 =	sld [smem:$0x3FA6]  }
0x2b: {  	s6 =	sld [smem:$0x3FA7]  }
0x2c: {  	s7 =	sld [smem:$0x3FA8]  }
0x2d: {  	s3 =	simm.s32 $0x108;
	s8 =	sld [smem:$0x3FA9]  }
0x2e: {  	s3 =	simm.s32 @!p0 $0x1082;
	s9 =	sld [smem:$0x3FAA]  }
0x2f: {  	lr =	sadd.s32 s0, s3;
	s0 =	sld [smem:$0x3FA1]  }
0x30: {  	s3 =	sld [smem:$0x3FA4]  }
0x31: {  	[smem:$0x3FAD] =	sst s10  }
0x32: {  	s10 =	sld [smem:$0x3FAB];
	_ =	sdelay $0x3  }
0x33: {  	p0 =	seq.s32 s10, $0x1;
	s10 =	sld [smem:$0x3FAD];
	_ =	sdelay $0x3  }
0x34: {  	[smem:$0x3FAD] =	sst s10  }
0x35: {  	s10 =	sld [smem:$0x3FAC];
	_ =	sdelay $0x3  }
0x36: {  	p1 =	seq.s32 s10, $0x1;
	s10 =	sld [smem:$0x3FAD];
	_ =	sdelay $0x3  }
0x37: {  	[smem:$0x3FAD] =	sst s10  }
0x38: {  	s10 =	sld [smem:$0x3FAE]  }
0x39: {  	_ = 	snop;
	(pc) =	sbr.ind lr, $3  }
0x3a: {  	_ = 	snop  }
0x3b: {  	_ = 	snop  }
0x3c: {  	p2 =	seq.s32 s10, $0x1;
	s10 =	sld [smem:$0x3FAD]  }
0x3d: {  	_ =	shalt  }
0x3e: {  	_ =	shalt  }
0x3f: {  	_ =	shalt  }
0x40: {  	_ =	shalt  }
0x41: {  	_ =	shalt  }
0x42: {  	_ =	shalt  }
0x43: {  	_ =	shalt  }
0x44: {  	_ =	shalt  }
0x45: {  	_ =	shalt  }
0x46: {  	_ =	shalt  }
0x47: {  	_ =	shalt  }
0x48: {  	_ =	shalt  }
0x49: {  	_ =	shalt  }
0x4a: {  	_ =	shalt  }
0x4b: {  	_ =	shalt  }
0x4c: {  	_ =	shalt  }
0x4d: {  	_ =	shalt  }
0x4e: {  	_ =	shalt  }
0x4f: {  	_ =	shalt  }
0x50: {  	_ =	shalt  }
0x51: {  	_ =	shalt  }
0x52: {  	_ =	shalt  }
0x53: {  	_ =	shalt  }
0x54: {  	_ =	shalt  }
0x55: {  	_ =	shalt  }
0x56: {  	_ =	shalt  }
0x57: {  	_ =	shalt  }
0x58: {  	_ =	shalt  }
0x59: {  	_ =	shalt  }
0x5a: {  	_ =	shalt  }
0x5b: {  	_ =	shalt  }
0x5c: {  	_ =	shalt  }
0x5d: {  	_ =	shalt  }
0x5e: {  	_ =	shalt  }
0x5f: {  	_ =	shalt  }
0x60: {  	_ =	shalt  }
0x61: {  	_ =	shalt  }
0x62: {  	_ =	shalt  }
0x63: {  	_ =	shalt  }
0x64: {  	_ =	shalt  }
0x65: {  	_ =	shalt  }
0x66: {  	_ =	shalt  }
0x67: {  	_ =	shalt  }
0x68: {  	_ =	shalt  }
0x69: {  	_ =	shalt  }
0x6a: {  	_ =	shalt  }
0x6b: {  	_ =	shalt  }
0x6c: {  	_ =	shalt  }
0x6d: {  	_ =	shalt  }
0x6e: {  	_ =	shalt  }
0x6f: {  	_ =	shalt  }
0x70: {  	_ =	shalt  }
0x71: {  	_ =	shalt  }
0x72: {  	_ =	shalt  }
0x73: {  	_ =	shalt  }
0x74: {  	_ =	shalt  }
0x75: {  	_ =	shalt  }
0x76: {  	_ =	shalt  }
0x77: {  	_ =	shalt  }
0x78: {  	_ =	shalt  }
0x79: {  	_ =	shalt  }
0x7a: {  	_ =	shalt  }
0x7b: {  	_ =	shalt  }
0x7c: {  	_ =	shalt  }
0x7d: {  	_ =	shalt  }
0x7e: {  	_ =	shalt  }
0x7f: {  	_ =	shalt  }
0x80: {  	_ =	shalt  }
0x81: {  	_ =	shalt  }
0x82: {  	_ =	shalt  }
0x83: {  	_ =	shalt  }
0x84: {  	_ =	shalt  }
0x85: {  	_ =	shalt  }
0x86: {  	_ =	shalt  }
0x87: {  	_ =	shalt  }
.Lfunc_end0:
.L_simem_size_0:
called_computation.1_lowered:
.L_overlay_start_0:
0x88: {  	s2 =	sld [smem:$0x3FD9]  }
0x89: {  	s3 =	sld [smem:$0x3FFE];
	_ =	sdelay $0x1  }
0x8a: {  	s1 =	srdreg.scid  }
0x8b: {  	s0 =	sand.u32 $0x1, s1  }
0x8c: {  	s16 =	sshll.u32 s0, $0xA;
	s2 =	sadd.s32 s3, s2  }
0x8d: {  	s2 =	sadd.s32 s2, s16  }
0x8e: {  	[smem:$0x3FB9] =	sst s2  }
0x8f: {  	_ = 	snop  }
0x90: {  	(tm) =	ssettm $0x1  }
0x91: {  	s17 =	sld [smem:$0x3FFB];
	_ =	sdelay $0x3  }
0x92: {  	_ =	strace s17  }
0x93: {  	s2 =	sld [smem:$0x3FFC];
	_ =	sdelay $0x3  }
0x94: {  	_ =	strace s2  }
0x95: {  	s2 =	sld [smem:$0x3FFD];
	_ =	sdelay $0x3  }
0x96: {  	_ =	strace s2  }
0x97: {  	_ =	strace $0x8FFFFFFF  }
0x98: {  	s18 =	sld [smem:$0x3FDB];
	_ =	sdelay $0x1  }
0x99: {  	s19 =	simm.s32 $_scs_section_size  }
0x9a: {  	s4 =	simm.s32 $_size__tile_overlayer_lowered;
	s5 =	simm.s32 $_tile_overlayer_lowered  }
0x9b: {  	s22 =	simm.s32 $0x1BFF;
	s21 =	sshll.u32 s5, $0x1;
	s2 =	sadd.s32 s19, s18  }
0x9c: {  	s6 =	simm.s32 $0x0;
	s20 =	sshll.u32 s4, $0x1;
	s4 =	sadd.s32 s21, s2  }
0x9d: {  	[timem:s6], [sflag:s22] =	dma.local [hbm:s4], s20  }
0x9e: {  	_ =	swait.ge [sflag:s22], s20  }
0x9f: {  	s3 =	ssub.s32 $0x0, s20;
	[sflag:s22] =	ssyncset.done $0x0  }
0xa0: {  	[sflag:s22] =	ssyncadd.s32 s3;
	_ =	sdelay $0x1  }
0xa1: {  	s23 =	simm.s32 $0x1B8B  }
0xa2: {  	_ =	swait.ge [sflag:s23], $0x1  }
0xa3: {  	[sflag:s23] =	ssyncset.done $0x0  }
0xa4: {  	s25 =	simm.s32 $0x1B8E;
	s24 =	sld [smem:$0x3FFE];
	[sflag:s23] =	ssyncadd.s32 $0xFFFFFFFF  }
0xa5: {  	s26 =	simm.s32 $execute0_lowered;
	[smem:$0x3FD2] =	sst s25  }
0xa6: {  	s4 =	sshll.u32 s26, $0x1;
	_ =	strace $0x80000049;
	[dreg:$0x1] =	wrdreg $0xFFFFFFFF  }
0xa7: {  	s28 =	simm.s32 $_size_execute0_lowered;
	s2 =	sadd.s32 s2, s4;
	[dreg:$0x0] =	wrdreg $0x0  }
0xa8: {  	s4 =	sshll.u32 s28, $0x1;
	[dreg:$0x2] =	wrdreg s2  }
0xa9: {  	[dreg:$0x3] =	wrdreg s4  }
0xaa: {  	[dreg:$0x4] =	wrdreg $0xC0  }
0xab: {  	_ =	task [dreg:s6], $0x5FFFF  }
0xac: {  	[dreg:$0x1] =	wrdreg $0xFFFFFFFF  }
0xad: {  	[dreg:$0x0] =	wrdreg $0x60  }
0xae: {  	[dreg:$0x2] =	wrdreg s24  }
0xaf: {  	[dreg:$0x3] =	wrdreg $0x100000  }
0xb0: {  	[dreg:$0x4] =	wrdreg $0x175300  }
0xb1: {  	[dreg:$0x5] =	wrdreg $0x9  }
0xb2: {  	_ =	task.clear_ibuf [dreg:s6], $0x6FFFF;
	_ =	strace $0x90000049  }
0xb3: {  	s29 =	simm.s32 $0x9;
	_ =	strace $0x8000004B  }
0xb4: {  	_ =	swait.ge [sflag:s29], $0x1  }
0xb5: {  	[sflag:s29] =	ssyncadd.s32 $0xFFFFFFFF  }
0xb6: {  	_ =	strace $0x9000004B  }
0xb7: {  	_ =	sfence  }
0xb8: {  	s30 =	sld [smem:$0x0];
	_ =	sdelay $0x2  }
0xb9: {  	s31 =	sshll.u32 s1, $0xD;
	s1 =	sshrl.u32 s1, $0x2  }
0xba: {  	s3 =	sand.u32 $0x4000, s31;
	s1 =	sadd.s32 s1, s30  }
0xbb: {  	s0 =	sor.u32 s3, s0;
	s1 =	sshll.u32 s1, $0x11  }
0xbc: {  	s0 =	sor.u32 s1, s0  }
0xbd: {  	s0 =	sadd.s32 $0x8F2B, s0  }
0xbe: {  	[sflag:s0] =	ssyncadd.remote.s32 $0x1  }
0xbf: {  	_ =	sfence.sel $0xFFFF  }
0xc0: {  	[dreg:$0x0] =	wrdreg $0xFFFFFFFF;
	(pc) =	sbr.abs _section_cstart, $3  }
0xc1: {  	[dreg:$0x1] =	wrdreg $0xFFFFFFFF  }
0xc2: {  	_ =	task.clear_ibuf [dreg:s6], $0x2FFFF;
	_ =	strace $0x9FFFFFFF  }
0xc3: {  	(tm) =	ssettm $0x7FFFFFFF  }
tec
execute0_lowered:
.L_overlay_start_1:
0x0: {  	(tag) =	ssettag $0x1  }
0x1: {  	s0 =	rddreg [dreg:$0x0]  }
0x2: {  	s2 =	rddreg [dreg:$0x1];
	s1 =	srdreg.scid  }
0x3: {  	s3 =	rddreg [dreg:$0x2];
	s9 =	stileid.u32  }
0x4: {  	s4 =	simm.s32 $0x0;
	s28 =	simm.s32 $0xD000;
	s6 =	smul.u32 $0xEA6, s9  }
0x5: {  	s30 =	simm.s32 $0xE800;
	s31 =	simm.s32 $0x1;
	s19 =	smul.u32 $0xA00, s9  }
0x6: {  	s29 =	simm.s32 $0x6;
	s1 =	sand.u32 $0x1, s1;
	s8 =	smul.u32 $0x1D4C0, s9  }
0x7: {  	[smem:$0x7FF] =	sst s4;
	s14 =	smul.u32 $0x7800, s9;
	s22 =	sshll.u32 s9, $0x6  }
0x8: {  	s5 =	smul.u32 $0xEA60, s1;
	_ =	strace $0x8000004A;
	s7 =	ssub.s32 $0x2, s1  }
0x9: {  	s1 =	smul.u32 $0x78000, s1;
	s12 =	sadd.s32 s19, s0;
	s20 =	sshrl.u32 s7, $0x1  }
0xa: {  	s21 =	sshrl.u32 s8, $0x2;
	s23 =	sadd.s32 $0x1800, s14;
	s16 =	sadd.s32 $0x3000, s14  }
0xb: {  	s17 =	sadd.s32 $0x4800, s14;
	s18 =	sadd.s32 $0x6000, s14;
	s5 =	sadd.s32 s6, s5  }
0xc: {  	s13 =	ssub.s32 s7, s20;
	s20 =	sadd.s32 s21, s2;
	s6 =	sor.u32 $0x1C09, s22  }
0xd: {  	s7 =	sadd.s32 s14, s3;
	s8 =	sadd.s32 s23, s3;
	s9 =	sadd.s32 s16, s3  }
0xe: {  	s10 =	sadd.s32 s17, s3;
	s11 =	sadd.s32 s18, s3;
	s14 =	sadd.s32 s14, s1  }
0xf: {  	s15 =	sadd.s32 $0x20E00, s12;
	s12 =	sadd.s32 $0x16E00, s12;
	s25 =	sadd.s32 s1, s16  }
0x10: {  	s26 =	sadd.s32 s1, s17;
	s21 =	simm.s32 $0x9;
	s22 =	simm.s32 $0xA000  }
0x11: {  	s5 =	sadd.s32 s5, s0;
	s0 =	sadd.s32 $0x96600, s0;
	[dreg:$0x5] =	wrdreg s15  }
0x12: {  	s14 =	sshrl.u32 s14, $0x3;
	[dreg:$0x6] =	wrdreg s12;
	s12 =	sshrl.u32 s26, $0x3  }
0x13: {  	s19 =	smax.u32 s13, $0x1;
	s20 =	sshrl.u32 s20, $0x3;
	s26 =	simm.s32 $0x5  }
0x14: {  	s5 =	sadd.s32 $0x79000, s5;
	s24 =	sadd.s32 s0, s14;
	s17 =	sadd.s32 s0, s12  }
0x15: {  	s12 =	simm.s32 $0x8;
	[dreg:$0x4] =	wrdreg s5;
	s5 =	sadd.s32 s1, s23  }
0x16: {  	[dreg:$0x7] =	wrdreg s24;
	s1 =	sadd.s32 s1, s18;
	s24 =	simm.s32 $0x80  }
0x17: {  	s23 =	simm.s32 $0x4;
	s5 =	sshrl.u32 s5, $0x3;
	s1 =	sshrl.u32 s1, $0x3  }
0x18: {  	s5 =	sadd.s32 s0, s5;
	s18 =	sadd.s32 s0, s1;
	s1 =	simm.s32 $0x3  }
0x19: {  	[dreg:$0x8] =	wrdreg s5;
	s5 =	sshrl.u32 s25, $0x3;
	s25 =	simm.s32 $0xB800  }
0x1a: {  	v0 =	vimm.f32 $0.0e+00;
	s16 =	sadd.s32 s0, s5;
	s0 =	simm.s32 $0x2;
	s5 =	simm.s32 $0x7  }
.LBB2_1:
0x1b: {  	s13 =	rddreg [dreg:$0x4]  }
0x1c: {  	[spmem:s20], [sflag:s6] =	dma.local [hbm:s13], $0xEA6  }
0x1d: {  	_ =	swait.ge [sflag:s21], $0xEA6  }
0x1e: {  	[sflag:s21] =	ssyncset.done $0x0  }
0x1f: {  	s14 =	simm.s32 $0x0;
	s13 =	simm.s32 $0xC0;
	[sflag:s21] =	ssyncadd.s32 $0xFFFFF15A  }
.LBB2_2:
0x20: {  	p0 =	sne.s32 s13, $0x5F40;
	[tilespmem:s14+$0xA020] =	vst v0;
	s15 =	smov.u32 s13;
	s13 =	sadd.s32 $0xC0, s13  }
.Ltmp0:
0x21: {  	[tilespmem:s14+$0xA000] =	vst v0;
	(pc) =	sbr.rel @p0 .LBB2_2-.Ltmp0, $2  }
0x22: {  	[tilespmem:s14+$0xA010] =	vst v0;
	_ =	sdelay $0x2  }
0x23: {  	s14 =	sshra.s32 s15, $0x2  }
0x24: {  	[tilespmem:s14+$0xA020] =	vst v0  }
0x25: {  	[tilespmem:s14+$0xA000] =	vst v0  }
0x26: {  	[tilespmem:s14+$0xA010] =	vst v0  }
0x27: {  	[spmem:s7] =	stream.linear.scatter [tilespmem:s22], [sflag:$0x9], $0x1800, $0x38;
	[tilespmem:$0x1ED30] =	vst v63  }
0x28: {  	_ =	swait.ge [sflag:s21], $0x1800  }
0x29: {  	[sflag:s21] =	ssyncset.done $0x0  }
0x2a: {  	[sflag:s21] =	ssyncadd.s32 $0xFFFFE800  }
0x2b: {  	[spmem:s8] =	stream.linear.scatter [tilespmem:s22], [sflag:$0x9], $0x1800, $0x38;
	[tilespmem:$0x1ED30] =	vst v63  }
0x2c: {  	_ =	swait.ge [sflag:s21], $0x1800  }
0x2d: {  	[sflag:s21] =	ssyncset.done $0x0  }
0x2e: {  	[sflag:s21] =	ssyncadd.s32 $0xFFFFE800  }
0x2f: {  	[spmem:s9] =	stream.linear.scatter [tilespmem:s22], [sflag:$0x9], $0x1800, $0x38;
	[tilespmem:$0x1ED30] =	vst v63  }
0x30: {  	_ =	swait.ge [sflag:s21], $0x1800  }
0x31: {  	[sflag:s21] =	ssyncset.done $0x0  }
0x32: {  	[sflag:s21] =	ssyncadd.s32 $0xFFFFE800  }
0x33: {  	[spmem:s10] =	stream.linear.scatter [tilespmem:s22], [sflag:$0x9], $0x1800, $0x38;
	[tilespmem:$0x1ED30] =	vst v63  }
0x34: {  	_ =	swait.ge [sflag:s21], $0x1800  }
0x35: {  	[sflag:s21] =	ssyncset.done $0x0  }
0x36: {  	[sflag:s21] =	ssyncadd.s32 $0xFFFFE800  }
0x37: {  	[spmem:s11] =	stream.linear.scatter [tilespmem:s22], [sflag:$0x9], $0x1800, $0x38;
	[tilespmem:$0x1ED30] =	vst v63  }
0x38: {  	_ =	swait.ge [sflag:s21], $0x1800  }
0x39: {  	[sflag:s21] =	ssyncset.done $0x0  }
0x3a: {  	s13 =	simm.s32 $0x0;
	s15 =	rddreg [dreg:$0x5];
	[sflag:s21] =	ssyncadd.s32 $0xFFFFE800  }
0x3b: {  	[tilespmem:s13], [sflag:$0x9] =	stream.linear.gather [hbm4b:s15+s13], $0x5000, $0x38;
	[tilespmem:$0x1ED30] =	vst v63  }
0x3c: {  	_ =	swait.ge [sflag:s21], $0x5000  }
0x3d: {  	[sflag:s21] =	ssyncset.done $0x0  }
0x3e: {  	s15 =	simm.s32 $0x5000;
	s14 =	rddreg [dreg:$0x6];
	[sflag:s21] =	ssyncadd.s32 $0xFFFFB000  }
0x3f: {  	[tilespmem:s15], [sflag:$0x9] =	stream.linear.gather [hbm4b:s14+s13], $0x5000, $0x38;
	[tilespmem:$0x1ED30] =	vst v63  }
0x40: {  	_ =	swait.ge [sflag:s21], $0x5000  }
0x41: {  	[sflag:s21] =	ssyncset.done $0x0  }
0x42: {  	[sflag:s21] =	ssyncadd.s32 $0xFFFFB000  }
0x43: {  	[bflag:$0x0] =	sbarrier.arrive $0xFFFF  }
0x44: {  	[tilespmem:s22], [sflag:$0x1] =	stream.indirect.gather [spmem:s2], $0x30, s13, s24, $0xb8;
	[tilespmem:$0x1ED30] =	vst v63  }
0x45: {  	_ = 	snop  }
0x46: {  	[tilespmem:s25], [sflag:$0x2] =	stream.indirect.gather [spmem:s2], $0x30, s24, s24, $0xb8;
	[tilespmem:$0x1ED30] =	vst v63  }
0x47: {  	s15 =	simm.s32 $0x100  }
0x48: {  	[tilespmem:s28], [sflag:$0x3] =	stream.indirect.gather [spmem:s2], $0x30, s15, s24, $0xb8;
	[tilespmem:$0x1ED30] =	vst v63  }
0x49: {  	s14 =	simm.s32 $0x180  }
0x4a: {  	[tilespmem:s30], [sflag:$0x4] =	stream.indirect.gather [spmem:s2], $0x30, s14, s24, $0xb8;
	[tilespmem:$0x1ED30] =	vst v63  }
0x4b: {  	_ =	swait.ge [sflag:s31], $0x1800  }
0x4c: {  	[sflag:s31] =	ssyncset.done $0x0  }
0x4d: {  	s15 =	simm.s32 $0x5000;
	[sflag:s31] =	ssyncadd.s32 $0xFFFFE800  }
0x4e: {  	[spmem:s3] =	stream.indirect.scatter.add.f32 [tilespmem:s22], [sflag:$0x5], $0x30, s15, s24, $0xb8;
	[tilespmem:$0x1ED30] =	vst v63  }
0x4f: {  	_ =	swait.ge [sflag:s0], $0x1800  }
0x50: {  	[sflag:s0] =	ssyncset.done $0x0  }
0x51: {  	s14 =	simm.s32 $0x5080;
	[sflag:s0] =	ssyncadd.s32 $0xFFFFE800  }
0x52: {  	[spmem:s3] =	stream.indirect.scatter.add.f32 [tilespmem:s25], [sflag:$0x6], $0x30, s14, s24, $0xb8;
	[tilespmem:$0x1ED30] =	vst v63  }
0x53: {  	_ =	swait.ge [sflag:s1], $0x1800  }
0x54: {  	[sflag:s1] =	ssyncset.done $0x0  }
0x55: {  	s15 =	simm.s32 $0x5100;
	[sflag:s1] =	ssyncadd.s32 $0xFFFFE800  }
0x56: {  	[spmem:s3] =	stream.indirect.scatter.add.f32 [tilespmem:s28], [sflag:$0x7], $0x30, s15, s24, $0xb8;
	[tilespmem:$0x1ED30] =	vst v63  }
0x57: {  	_ =	swait.ge [sflag:s23], $0x1800  }
0x58: {  	[sflag:s23] =	ssyncset.done $0x0  }
0x59: {  	s14 =	simm.s32 $0x5180;
	[sflag:s23] =	ssyncadd.s32 $0xFFFFE800  }
0x5a: {  	[spmem:s3] =	stream.indirect.scatter.add.f32 [tilespmem:s30], [sflag:$0x8], $0x30, s14, s24, $0xb8;
	[tilespmem:$0x1ED30] =	vst v63  }
0x5b: {  	_ =	swait.ge [sflag:s26], $0x1800  }
0x5c: {  	[sflag:s26] =	ssyncset.done $0x0  }
0x5d: {  	s15 =	simm.s32 $0x200;
	[sflag:s26] =	ssyncadd.s32 $0xFFFFE800  }
0x5e: {  	[tilespmem:s22], [sflag:$0x1] =	stream.indirect.gather [spmem:s2], $0x30, s15, s24, $0xb8;
	[tilespmem:$0x1ED30] =	vst v63  }
0x5f: {  	_ =	swait.ge [sflag:s29], $0x1800  }
0x60: {  	[sflag:s29] =	ssyncset.done $0x0  }
0x61: {  	s14 =	simm.s32 $0x280;
	[sflag:s29] =	ssyncadd.s32 $0xFFFFE800  }
0x62: {  	[tilespmem:s25], [sflag:$0x2] =	stream.indirect.gather [spmem:s2], $0x30, s14, s24, $0xb8;
	[tilespmem:$0x1ED30] =	vst v63  }
0x63: {  	_ =	swait.ge [sflag:s5], $0x1800  }
0x64: {  	[sflag:s5] =	ssyncset.done $0x0  }
0x65: {  	s15 =	simm.s32 $0x300;
	[sflag:s5] =	ssyncadd.s32 $0xFFFFE800  }
0x66: {  	[tilespmem:s28], [sflag:$0x3] =	stream.indirect.gather [spmem:s2], $0x30, s15, s24, $0xb8;
	[tilespmem:$0x1ED30] =	vst v63  }
0x67: {  	_ =	swait.ge [sflag:s12], $0x1800  }
0x68: {  	[sflag:s12] =	ssyncset.done $0x0  }
0x69: {  	s13 =	simm.s32 $0x800;
	s14 =	simm.s32 $0x380;
	[sflag:s12] =	ssyncadd.s32 $0xFFFFE800  }
.LBB2_4:
0x6a: {  	[tilespmem:s30], [sflag:$0x4] =	stream.indirect.gather [spmem:s2], $0x30, s14, s24, $0xb8;
	[tilespmem:$0x1ED30] =	vst v63  }
0x6b: {  	s14 =	smov.u32 s13  }
0x6c: {  	p0 =	sne.s32 s13, $0x13000;
	s13 =	sadd.s32 $0x800, s13;
	_ =	swait.ge [sflag:s31], $0x1800  }
0x6d: {  	s14 =	sshra.s32 s14, $0x2;
	[sflag:s31] =	ssyncset.done $0x0  }
0x6e: {  	s15 =	sadd.s32 $0x5000, s14;
	[sflag:s31] =	ssyncadd.s32 $0xFFFFE800  }
0x6f: {  	[spmem:s3] =	stream.indirect.scatter.add.f32 [tilespmem:s22], [sflag:$0x5], $0x30, s15, s24, $0xb8;
	[tilespmem:$0x1ED30] =	vst v63  }
0x70: {  	_ =	swait.ge [sflag:s0], $0x1800  }
0x71: {  	[sflag:s0] =	ssyncset.done $0x0  }
0x72: {  	s15 =	sadd.s32 $0x5080, s14;
	[sflag:s0] =	ssyncadd.s32 $0xFFFFE800  }
0x73: {  	[spmem:s3] =	stream.indirect.scatter.add.f32 [tilespmem:s25], [sflag:$0x6], $0x30, s15, s24, $0xb8;
	[tilespmem:$0x1ED30] =	vst v63  }
0x74: {  	_ =	swait.ge [sflag:s1], $0x1800  }
0x75: {  	[sflag:s1] =	ssyncset.done $0x0  }
0x76: {  	s15 =	sadd.s32 $0x5100, s14;
	[sflag:s1] =	ssyncadd.s32 $0xFFFFE800  }
0x77: {  	[spmem:s3] =	stream.indirect.scatter.add.f32 [tilespmem:s28], [sflag:$0x7], $0x30, s15, s24, $0xb8;
	[tilespmem:$0x1ED30] =	vst v63  }
0x78: {  	_ =	swait.ge [sflag:s23], $0x1800  }
0x79: {  	[sflag:s23] =	ssyncset.done $0x0  }
0x7a: {  	s15 =	sadd.s32 $0x5180, s14;
	[sflag:s23] =	ssyncadd.s32 $0xFFFFE800  }
0x7b: {  	[spmem:s3] =	stream.indirect.scatter.add.f32 [tilespmem:s30], [sflag:$0x8], $0x30, s15, s24, $0xb8;
	[tilespmem:$0x1ED30] =	vst v63  }
0x7c: {  	_ =	swait.ge [sflag:s26], $0x1800  }
0x7d: {  	[sflag:s26] =	ssyncset.done $0x0  }
0x7e: {  	s15 =	sadd.s32 $0x200, s14;
	[sflag:s26] =	ssyncadd.s32 $0xFFFFE800  }
0x7f: {  	[tilespmem:s22], [sflag:$0x1] =	stream.indirect.gather [spmem:s2], $0x30, s15, s24, $0xb8;
	[tilespmem:$0x1ED30] =	vst v63  }
0x80: {  	_ =	swait.ge [sflag:s29], $0x1800  }
0x81: {  	[sflag:s29] =	ssyncset.done $0x0  }
0x82: {  	s15 =	sadd.s32 $0x280, s14;
	[sflag:s29] =	ssyncadd.s32 $0xFFFFE800  }
0x83: {  	[tilespmem:s25], [sflag:$0x2] =	stream.indirect.gather [spmem:s2], $0x30, s15, s24, $0xb8;
	[tilespmem:$0x1ED30] =	vst v63  }
0x84: {  	_ =	swait.ge [sflag:s5], $0x1800  }
0x85: {  	[sflag:s5] =	ssyncset.done $0x0  }
.Ltmp1:
0x86: {  	s15 =	sadd.s32 $0x300, s14;
	[sflag:s5] =	ssyncadd.s32 $0xFFFFE800;
	(pc) =	sbr.rel @p0 .LBB2_4-.Ltmp1, $4  }
0x87: {  	[tilespmem:s28], [sflag:$0x3] =	stream.indirect.gather [spmem:s2], $0x30, s15, s24, $0xb8;
	[tilespmem:$0x1ED30] =	vst v63  }
0x88: {  	_ =	swait.ge [sflag:s12], $0x1800  }
0x89: {  	[sflag:s12] =	ssyncset.done $0x0  }
0x8a: {  	s14 =	sadd.s32 $0x380, s14;
	[sflag:s12] =	ssyncadd.s32 $0xFFFFE800  }
0x8b: {  	[tilespmem:s30], [sflag:$0x4] =	stream.indirect.gather [spmem:s2], $0x30, s14, s24, $0xb8;
	[tilespmem:$0x1ED30] =	vst v63  }
0x8c: {  	_ =	swait.ge [sflag:s31], $0x1800  }
0x8d: {  	[sflag:s31] =	ssyncset.done $0x0  }
0x8e: {  	s13 =	simm.s32 $0x9E00;
	[sflag:s31] =	ssyncadd.s32 $0xFFFFE800  }
0x8f: {  	[spmem:s3] =	stream.indirect.scatter.add.f32 [tilespmem:s22], [sflag:$0x5], $0x30, s13, s24, $0xb8;
	[tilespmem:$0x1ED30] =	vst v63  }
0x90: {  	_ =	swait.ge [sflag:s0], $0x1800  }
0x91: {  	[sflag:s0] =	ssyncset.done $0x0  }
0x92: {  	s15 =	simm.s32 $0x9E80;
	[sflag:s0] =	ssyncadd.s32 $0xFFFFE800  }
0x93: {  	[spmem:s3] =	stream.indirect.scatter.add.f32 [tilespmem:s25], [sflag:$0x6], $0x30, s15, s24, $0xb8;
	[tilespmem:$0x1ED30] =	vst v63  }
0x94: {  	_ =	swait.ge [sflag:s1], $0x1800  }
0x95: {  	[sflag:s1] =	ssyncset.done $0x0  }
0x96: {  	s14 =	simm.s32 $0x9F00;
	[sflag:s1] =	ssyncadd.s32 $0xFFFFE800  }
0x97: {  	[spmem:s3] =	stream.indirect.scatter.add.f32 [tilespmem:s28], [sflag:$0x7], $0x30, s14, s24, $0xb8;
	[tilespmem:$0x1ED30] =	vst v63  }
0x98: {  	_ =	swait.ge [sflag:s23], $0x1800  }
0x99: {  	[sflag:s23] =	ssyncset.done $0x0  }
0x9a: {  	s15 =	simm.s32 $0x9F80;
	[sflag:s23] =	ssyncadd.s32 $0xFFFFE800  }
0x9b: {  	[spmem:s3] =	stream.indirect.scatter.add.f32 [tilespmem:s30], [sflag:$0x8], $0x30, s15, s24, $0xb8;
	[tilespmem:$0x1ED30] =	vst v63  }
0x9c: {  	_ =	swait.ge [sflag:s26], $0x1800  }
0x9d: {  	[sflag:s26] =	ssyncset.done $0x0  }
0x9e: {  	[sflag:s26] =	ssyncadd.s32 $0xFFFFE800  }
0x9f: {  	_ =	swait.ge [sflag:s29], $0x1800  }
0xa0: {  	[sflag:s29] =	ssyncset.done $0x0  }
0xa1: {  	[sflag:s29] =	ssyncadd.s32 $0xFFFFE800  }
0xa2: {  	_ =	swait.ge [sflag:s5], $0x1800  }
0xa3: {  	[sflag:s5] =	ssyncset.done $0x0  }
0xa4: {  	[sflag:s5] =	ssyncadd.s32 $0xFFFFE800  }
0xa5: {  	_ =	swait.ge [sflag:s12], $0x1800  }
0xa6: {  	[sflag:s12] =	ssyncset.done $0x0  }
0xa7: {  	[sflag:s12] =	ssyncadd.s32 $0xFFFFE800  }
0xa8: {  	[bflag:$0x0] =	sbarrier.arrive $0xFFFF  }
0xa9: {  	s14 =	sshrl.u32 s7, $0x3;
	s15 =	rddreg [dreg:$0x7]  }
0xaa: {  	[hbm:s15], [sflag:s6] =	dma.local [spmem:s14], $0x300  }
0xab: {  	_ =	swait.ge [sflag:s21], $0x300  }
0xac: {  	[sflag:s21] =	ssyncset.done $0x0  }
0xad: {  	s14 =	sshrl.u32 s8, $0x3;
	s15 =	rddreg [dreg:$0x8];
	[sflag:s21] =	ssyncadd.s32 $0xFFFFFD00  }
0xae: {  	[hbm:s15], [sflag:s6] =	dma.local [spmem:s14], $0x300  }
0xaf: {  	_ =	swait.ge [sflag:s21], $0x300  }
0xb0: {  	[sflag:s21] =	ssyncset.done $0x0  }
0xb1: {  	s15 =	sshrl.u32 s9, $0x3;
	[sflag:s21] =	ssyncadd.s32 $0xFFFFFD00  }
0xb2: {  	[hbm:s16], [sflag:s6] =	dma.local [spmem:s15], $0x300  }
0xb3: {  	_ =	swait.ge [sflag:s21], $0x300  }
0xb4: {  	[sflag:s21] =	ssyncset.done $0x0  }
0xb5: {  	s14 =	sshrl.u32 s10, $0x3;
	[sflag:s21] =	ssyncadd.s32 $0xFFFFFD00  }
0xb6: {  	[hbm:s17], [sflag:s6] =	dma.local [spmem:s14], $0x300  }
0xb7: {  	s4 =	sadd.s32 $0x1, s4;
	_ =	swait.ge [sflag:s21], $0x300  }
0xb8: {  	p0 =	sne.s32 s4, s19;
	[sflag:s21] =	ssyncset.done $0x0  }
.Ltmp2:
0xb9: {  	s15 =	sshrl.u32 s11, $0x3;
	[sflag:s21] =	ssyncadd.s32 $0xFFFFFD00;
	(pc) =	sbr.rel @p0 .LBB2_1-.Ltmp2, $4  }
0xba: {  	[hbm:s18], [sflag:s6] =	dma.local [spmem:s15], $0x300  }
0xbb: {  	_ =	swait.ge [sflag:s21], $0x300  }
0xbc: {  	[sflag:s21] =	ssyncset.done $0x0  }
0xbd: {  	[sflag:s21] =	ssyncadd.s32 $0xFFFFFD00  }
0xbe: {  	_ =	sfence.sel $0x180000  }
0xbf: {  	[bflag:$0x0] =	sbarrier.arrive $0xFFFF  }
0xc0: {  	_ =	strace $0x9000004A  }
0xc1: {  	s0 =	stileid.u32;
	[bflag:$0x2] =	sbarrier.arrive $0xFFFF  }
0xc2: {  	p0 =	sne.s32 s0, $0x0;
	s0 =	rddreg [dreg:$0x3]  }
0xc3: {  	s0 =	sadd.s32 @!p0 $0x100000, s0  }
0xc4: {  	[sflag:s0] =	ssyncadd.tile.s32 @!p0 $0x1;
	_ =	shalt  }
.Lfunc_end2:
_tile_overlayer_lowered:
.L_overlay_start_2:
0xc5: {  	(tag) =	ssettag $0x2  }
0xc6: {  	s0 =	rddreg [dreg:$0x0];
	s2 =	stileid.u32  }
0xc7: {  	s1 =	rddreg [dreg:$0x1];
	p0 =	sne.s32 s2, $0x0  }
0xc8: {  	s3 =	rddreg [dreg:$0x2];
	[bflag:$0x3] =	sbarrier.arrive $0xFFFF;
	s2 =	simm.s32 @!p0 $0x1C09  }
0xc9: {  	[timem:s3], [sflag:s2] =	dma.local @!p0 [hbm:s0], s1  }
0xca: {  	s0 =	simm.s32 @!p0 $0x9  }
0xcb: {  	_ =	swait.ge @!p0 [sflag:s0], s1  }
0xcc: {  	s1 =	ssub.s32 @!p0 $0x0, s1;
	[sflag:s0] =	ssyncset.done @!p0 $0x0  }
0xcd: {  	[sflag:s0] =	ssyncadd.s32 @!p0 s1  }
0xce: {  	[bflag:$0x3] =	sbarrier.arrive $0xFFFF  }
0xcf: {  	_ =	shalt  }

// kernel: kernel.18.cloned.1.call-start
scs
__scs_entry_jumppad:
0x0: {  	(pc) =	sbr.rel $0x88, $3  }
0x1: {  	(tag) =	ssettag $0x0;
	lr =	simm.s32 $0x1  }
0x2: {  	[smem:$0x3F92] =	sst lr;
	_ =	strace $0xD0000000  }
0x3: {  	_ = 	snop  }
0x4: {  	_ = 	snop  }
0x5: {  	_ = 	snop  }
0x6: {  	_ = 	snop  }
0x7: {  	_ = 	snop  }
__scs_overlays_trampoline_lowered:
0x8: {  	[smem:$0x3FA1] =	sst s0  }
0x9: {  	[smem:$0x3FA2] =	sst s1  }
0xa: {  	[smem:$0x3FA3] =	sst s2  }
0xb: {  	[smem:$0x3FA4] =	sst s3  }
0xc: {  	[smem:$0x3FA5] =	sst s4  }
0xd: {  	[smem:$0x3FA6] =	sst s5  }
0xe: {  	[smem:$0x3FA7] =	sst s6  }
0xf: {  	[smem:$0x3FA8] =	sst s7  }
0x10: {  	[smem:$0x3FA9] =	sst s8  }
0x11: {  	[smem:$0x3FAA] =	sst s9;
	s0 =	simm.s32 @!p0 $0x0  }
0x12: {  	s1 =	sld [smem:$0x3F90];
	s0 =	simm.s32 @p0 $0x1  }
0x13: {  	[smem:$0x3FAB] =	sst s0;
	s0 =	simm.s32 @!p1 $0x0  }
0x14: {  	s2 =	sld [smem:$0x3F8F];
	s0 =	simm.s32 @p1 $0x1  }
0x15: {  	[smem:$0x3FAC] =	sst s0;
	s0 =	simm.s32 @!p2 $0x0  }
0x16: {  	s3 =	sld [smem:$0x3FDB];
	s0 =	simm.s32 @p2 $0x1  }
0x17: {  	s4 =	simm.s32 $0x1BF5;
	[smem:$0x3FAE] =	sst s0  }
0x18: {  	s0 =	sld [smem:$0x3F91];
	_ =	swait.ge [sflag:s4], $0x0  }
0x19: {  	s7 =	sld [smem:$0x3F92]  }
0x1a: {  	s8 =	sadd.s32 $0xFFFFE003, lr  }
0x1b: {  	s9 =	sadd.s32 $0xFFFFFEF7, lr;
	s5 =	simm.s32 $0xFFFFFFFF;
	p2 =	slt.u32 s8, $0xFFFFF086  }
0x1c: {  	p1 =	slt.u32 s9, $0xF7A;
	s5 =	simm.s32 @!p2 $0x0  }
0x1d: {  	s5 =	simm.s32 @p1 $0x1;
	p0 =	seq.s32 s7, s2  }
0x1e: {  	s7 =	smul.u32 @!p0 $0xF7A, s2;
	p2 =	seq.s32 @!p0 s5, $0x0  }
0x1f: {  	s9 =	smul.u32 $0xF7A, s1;
	s8 =	simm.s32 @!p0 $0x1BF5;
	p2 =	por !p2, p0  }
0x20: {  	[sflag:s8] =	ssyncset.s32 @!p0 $0xFFFFF086;
	s6 =	sadd.s32 @!p0 s3, s7;
	s7 =	simm.s32 @!p0 $0x108  }
0x21: {  	s3 =	sadd.s32 s3, s9;
	s6 =	sadd.s32 @!p0 $0x88, s6;
	s7 =	simm.s32 @p2 $0x1082  }
0x22: {  	[simem:s7], [sflag:s8] =	dma.local @!p0 [hbm:s6], $0xF7A  }
0x23: {  	s9 =	sor.u32 $0xD0000000, s2;
	s6 =	simm.s32 $0x108;
	_ =	swait.ge @!p0 [sflag:s8], $0x0  }
0x24: {  	s3 =	sadd.s32 $0x88, s3;
	s6 =	simm.s32 @!p1 $0x1082;
	[sflag:s4] =	ssyncset.s32 $0xFFFFF086  }
0x25: {  	[simem:s6], [sflag:s4] =	dma.local [hbm:s3], $0xF7A  }
0x26: {  	[smem:$0x3F92] =	sst s1;
	(tag) =	ssettag s2;
	_ =	strace s9  }
0x27: {  	s1 =	sld [smem:$0x3FA2]  }
0x28: {  	s2 =	sld [smem:$0x3FA3]  }
0x29: {  	s4 =	sld [smem:$0x3FA5]  }
0x2a: {  	p0 =	seq.s32 s5, $0x0;
	s5 =	sld [smem:$0x3FA6]  }
0x2b: {  	s6 =	sld [smem:$0x3FA7]  }
0x2c: {  	s7 =	sld [smem:$0x3FA8]  }
0x2d: {  	s3 =	simm.s32 $0x108;
	s8 =	sld [smem:$0x3FA9]  }
0x2e: {  	s3 =	simm.s32 @!p0 $0x1082;
	s9 =	sld [smem:$0x3FAA]  }
0x2f: {  	lr =	sadd.s32 s0, s3;
	s0 =	sld [smem:$0x3FA1]  }
0x30: {  	s3 =	sld [smem:$0x3FA4]  }
0x31: {  	[smem:$0x3FAD] =	sst s10  }
0x32: {  	s10 =	sld [smem:$0x3FAB];
	_ =	sdelay $0x3  }
0x33: {  	p0 =	seq.s32 s10, $0x1;
	s10 =	sld [smem:$0x3FAD];
	_ =	sdelay $0x3  }
0x34: {  	[smem:$0x3FAD] =	sst s10  }
0x35: {  	s10 =	sld [smem:$0x3FAC];
	_ =	sdelay $0x3  }
0x36: {  	p1 =	seq.s32 s10, $0x1;
	s10 =	sld [smem:$0x3FAD];
	_ =	sdelay $0x3  }
0x37: {  	[smem:$0x3FAD] =	sst s10  }
0x38: {  	s10 =	sld [smem:$0x3FAE]  }
0x39: {  	_ = 	snop;
	(pc) =	sbr.ind lr, $3  }
0x3a: {  	_ = 	snop  }
0x3b: {  	_ = 	snop  }
0x3c: {  	p2 =	seq.s32 s10, $0x1;
	s10 =	sld [smem:$0x3FAD]  }
0x3d: {  	_ =	shalt  }
0x3e: {  	_ =	shalt  }
0x3f: {  	_ =	shalt  }
0x40: {  	_ =	shalt  }
0x41: {  	_ =	shalt  }
0x42: {  	_ =	shalt  }
0x43: {  	_ =	shalt  }
0x44: {  	_ =	shalt  }
0x45: {  	_ =	shalt  }
0x46: {  	_ =	shalt  }
0x47: {  	_ =	shalt  }
0x48: {  	_ =	shalt  }
0x49: {  	_ =	shalt  }
0x4a: {  	_ =	shalt  }
0x4b: {  	_ =	shalt  }
0x4c: {  	_ =	shalt  }
0x4d: {  	_ =	shalt  }
0x4e: {  	_ =	shalt  }
0x4f: {  	_ =	shalt  }
0x50: {  	_ =	shalt  }
0x51: {  	_ =	shalt  }
0x52: {  	_ =	shalt  }
0x53: {  	_ =	shalt  }
0x54: {  	_ =	shalt  }
0x55: {  	_ =	shalt  }
0x56: {  	_ =	shalt  }
0x57: {  	_ =	shalt  }
0x58: {  	_ =	shalt  }
0x59: {  	_ =	shalt  }
0x5a: {  	_ =	shalt  }
0x5b: {  	_ =	shalt  }
0x5c: {  	_ =	shalt  }
0x5d: {  	_ =	shalt  }
0x5e: {  	_ =	shalt  }
0x5f: {  	_ =	shalt  }
0x60: {  	_ =	shalt  }
0x61: {  	_ =	shalt  }
0x62: {  	_ =	shalt  }
0x63: {  	_ =	shalt  }
0x64: {  	_ =	shalt  }
0x65: {  	_ =	shalt  }
0x66: {  	_ =	shalt  }
0x67: {  	_ =	shalt  }
0x68: {  	_ =	shalt  }
0x69: {  	_ =	shalt  }
0x6a: {  	_ =	shalt  }
0x6b: {  	_ =	shalt  }
0x6c: {  	_ =	shalt  }
0x6d: {  	_ =	shalt  }
0x6e: {  	_ =	shalt  }
0x6f: {  	_ =	shalt  }
0x70: {  	_ =	shalt  }
0x71: {  	_ =	shalt  }
0x72: {  	_ =	shalt  }
0x73: {  	_ =	shalt  }
0x74: {  	_ =	shalt  }
0x75: {  	_ =	shalt  }
0x76: {  	_ =	shalt  }
0x77: {  	_ =	shalt  }
0x78: {  	_ =	shalt  }
0x79: {  	_ =	shalt  }
0x7a: {  	_ =	shalt  }
0x7b: {  	_ =	shalt  }
0x7c: {  	_ =	shalt  }
0x7d: {  	_ =	shalt  }
0x7e: {  	_ =	shalt  }
0x7f: {  	_ =	shalt  }
0x80: {  	_ =	shalt  }
0x81: {  	_ =	shalt  }
0x82: {  	_ =	shalt  }
0x83: {  	_ =	shalt  }
0x84: {  	_ =	shalt  }
0x85: {  	_ =	shalt  }
0x86: {  	_ =	shalt  }
0x87: {  	_ =	shalt  }
.Lfunc_end0:
.L_simem_size_0:
called_computation.2_lowered:
.L_overlay_start_0:
0x88: {  	s2 =	sld [smem:$0x3FD9]  }
0x89: {  	s3 =	sld [smem:$0x3FFE];
	_ =	sdelay $0x1  }
0x8a: {  	s1 =	srdreg.scid  }
0x8b: {  	s0 =	sand.u32 $0x1, s1  }
0x8c: {  	s16 =	sshll.u32 s0, $0xA;
	s2 =	sadd.s32 s3, s2  }
0x8d: {  	s2 =	sadd.s32 s2, s16  }
0x8e: {  	[smem:$0x3FB9] =	sst s2  }
0x8f: {  	_ = 	snop  }
0x90: {  	(tm) =	ssettm $0x1  }
0x91: {  	s17 =	sld [smem:$0x3FFB];
	_ =	sdelay $0x3  }
0x92: {  	_ =	strace s17  }
0x93: {  	s2 =	sld [smem:$0x3FFC];
	_ =	sdelay $0x3  }
0x94: {  	_ =	strace s2  }
0x95: {  	s2 =	sld [smem:$0x3FFD];
	_ =	sdelay $0x3  }
0x96: {  	_ =	strace s2  }
0x97: {  	_ =	strace $0x8FFFFFFF  }
0x98: {  	s18 =	sld [smem:$0x3FDB];
	_ =	sdelay $0x1  }
0x99: {  	s19 =	simm.s32 $_scs_section_size  }
0x9a: {  	s4 =	simm.s32 $_size__tile_overlayer_lowered;
	s5 =	simm.s32 $_tile_overlayer_lowered  }
0x9b: {  	s22 =	simm.s32 $0x1BFF;
	s21 =	sshll.u32 s5, $0x1;
	s2 =	sadd.s32 s19, s18  }
0x9c: {  	s6 =	simm.s32 $0x0;
	s20 =	sshll.u32 s4, $0x1;
	s4 =	sadd.s32 s21, s2  }
0x9d: {  	[timem:s6], [sflag:s22] =	dma.local [hbm:s4], s20  }
0x9e: {  	_ =	swait.ge [sflag:s22], s20  }
0x9f: {  	s3 =	ssub.s32 $0x0, s20;
	[sflag:s22] =	ssyncset.done $0x0  }
0xa0: {  	[sflag:s22] =	ssyncadd.s32 s3;
	_ =	sdelay $0x1  }
0xa1: {  	s23 =	simm.s32 $0x1B8B  }
0xa2: {  	_ =	swait.ge [sflag:s23], $0x1  }
0xa3: {  	[sflag:s23] =	ssyncset.done $0x0  }
0xa4: {  	s25 =	simm.s32 $0x1B8E;
	s24 =	sld [smem:$0x3FFE];
	[sflag:s23] =	ssyncadd.s32 $0xFFFFFFFF  }
0xa5: {  	s26 =	simm.s32 $execute0_lowered;
	[smem:$0x3FD2] =	sst s25  }
0xa6: {  	s4 =	sshll.u32 s26, $0x1;
	_ =	strace $0x8000004C;
	[dreg:$0x1] =	wrdreg $0xFFFFFFFF  }
0xa7: {  	s28 =	simm.s32 $_size_execute0_lowered;
	s2 =	sadd.s32 s2, s4;
	[dreg:$0x0] =	wrdreg $0x0  }
0xa8: {  	s4 =	sshll.u32 s28, $0x1;
	[dreg:$0x2] =	wrdreg s2  }
0xa9: {  	[dreg:$0x3] =	wrdreg s4  }
0xaa: {  	[dreg:$0x4] =	wrdreg $0xC0  }
0xab: {  	_ =	task [dreg:s6], $0x5FFFF  }
0xac: {  	[dreg:$0x1] =	wrdreg $0xFFFFFFFF  }
0xad: {  	[dreg:$0x0] =	wrdreg $0x60  }
0xae: {  	[dreg:$0x2] =	wrdreg s24  }
0xaf: {  	[dreg:$0x3] =	wrdreg $0x100000  }
0xb0: {  	[dreg:$0x4] =	wrdreg $0x175300  }
0xb1: {  	[dreg:$0x5] =	wrdreg $0x9  }
0xb2: {  	_ =	task.clear_ibuf [dreg:s6], $0x6FFFF;
	_ =	strace $0x9000004C  }
0xb3: {  	s29 =	simm.s32 $0x9;
	_ =	strace $0x8000004E  }
0xb4: {  	_ =	swait.ge [sflag:s29], $0x1  }
0xb5: {  	[sflag:s29] =	ssyncadd.s32 $0xFFFFFFFF  }
0xb6: {  	_ =	strace $0x9000004E  }
0xb7: {  	_ =	sfence  }
0xb8: {  	s30 =	sld [smem:$0x0];
	_ =	sdelay $0x2  }
0xb9: {  	s31 =	sshll.u32 s1, $0xD;
	s1 =	sshrl.u32 s1, $0x2  }
0xba: {  	s3 =	sand.u32 $0x4000, s31;
	s1 =	sadd.s32 s1, s30  }
0xbb: {  	s0 =	sor.u32 s3, s0;
	s1 =	sshll.u32 s1, $0x11  }
0xbc: {  	s0 =	sor.u32 s1, s0  }
0xbd: {  	s0 =	sadd.s32 $0x8F2B, s0  }
0xbe: {  	[sflag:s0] =	ssyncadd.remote.s32 $0x1  }
0xbf: {  	_ =	sfence.sel $0xFFFF  }
0xc0: {  	[dreg:$0x0] =	wrdreg $0xFFFFFFFF;
	(pc) =	sbr.abs _section_cstart, $3  }
0xc1: {  	[dreg:$0x1] =	wrdreg $0xFFFFFFFF  }
0xc2: {  	_ =	task.clear_ibuf [dreg:s6], $0x2FFFF;
	_ =	strace $0x9FFFFFFF  }
0xc3: {  	(tm) =	ssettm $0x7FFFFFFF  }
tec
execute0_lowered:
.L_overlay_start_1:
0x0: {  	(tag) =	ssettag $0x1  }
0x1: {  	s0 =	rddreg [dreg:$0x0]  }
0x2: {  	s2 =	rddreg [dreg:$0x1];
	s1 =	srdreg.scid  }
0x3: {  	s3 =	rddreg [dreg:$0x2];
	s9 =	stileid.u32  }
0x4: {  	s4 =	simm.s32 $0x0;
	s28 =	simm.s32 $0xD000;
	s6 =	smul.u32 $0xEA6, s9  }
0x5: {  	s30 =	simm.s32 $0xE800;
	s31 =	simm.s32 $0x1;
	s19 =	smul.u32 $0xA00, s9  }
0x6: {  	s29 =	simm.s32 $0x6;
	s1 =	sand.u32 $0x1, s1;
	s8 =	smul.u32 $0x1D4C0, s9  }
0x7: {  	[smem:$0x7FF] =	sst s4;
	s14 =	smul.u32 $0x7800, s9;
	s22 =	sshll.u32 s9, $0x6  }
0x8: {  	s5 =	smul.u32 $0xEA60, s1;
	_ =	strace $0x8000004D;
	s7 =	ssub.s32 $0x2, s1  }
0x9: {  	s1 =	smul.u32 $0x78000, s1;
	s12 =	sadd.s32 s19, s0;
	s20 =	sshrl.u32 s7, $0x1  }
0xa: {  	s21 =	sshrl.u32 s8, $0x2;
	s23 =	sadd.s32 $0x1800, s14;
	s16 =	sadd.s32 $0x3000, s14  }
0xb: {  	s17 =	sadd.s32 $0x4800, s14;
	s18 =	sadd.s32 $0x6000, s14;
	s5 =	sadd.s32 s6, s5  }
0xc: {  	s13 =	ssub.s32 s7, s20;
	s20 =	sadd.s32 s21, s2;
	s6 =	sor.u32 $0x1C09, s22  }
0xd: {  	s7 =	sadd.s32 s14, s3;
	s8 =	sadd.s32 s23, s3;
	s9 =	sadd.s32 s16, s3  }
0xe: {  	s10 =	sadd.s32 s17, s3;
	s11 =	sadd.s32 s18, s3;
	s14 =	sadd.s32 s14, s1  }
0xf: {  	s15 =	sadd.s32 $0x20E00, s12;
	s12 =	sadd.s32 $0x16E00, s12;
	s25 =	sadd.s32 s1, s16  }
0x10: {  	s26 =	sadd.s32 s1, s17;
	s21 =	simm.s32 $0x9;
	s22 =	simm.s32 $0xA000  }
0x11: {  	s5 =	sadd.s32 s5, s0;
	s0 =	sadd.s32 $0x96600, s0;
	[dreg:$0x5] =	wrdreg s15  }
0x12: {  	s14 =	sshrl.u32 s14, $0x3;
	[dreg:$0x6] =	wrdreg s12;
	s12 =	sshrl.u32 s26, $0x3  }
0x13: {  	s19 =	smax.u32 s13, $0x1;
	s20 =	sshrl.u32 s20, $0x3;
	s26 =	simm.s32 $0x5  }
0x14: {  	s5 =	sadd.s32 $0x79000, s5;
	s24 =	sadd.s32 s0, s14;
	s17 =	sadd.s32 s0, s12  }
0x15: {  	s12 =	simm.s32 $0x8;
	[dreg:$0x4] =	wrdreg s5;
	s5 =	sadd.s32 s1, s23  }
0x16: {  	[dreg:$0x7] =	wrdreg s24;
	s1 =	sadd.s32 s1, s18;
	s24 =	simm.s32 $0x80  }
0x17: {  	s23 =	simm.s32 $0x4;
	s5 =	sshrl.u32 s5, $0x3;
	s1 =	sshrl.u32 s1, $0x3  }
0x18: {  	s5 =	sadd.s32 s0, s5;
	s18 =	sadd.s32 s0, s1;
	s1 =	simm.s32 $0x3  }
0x19: {  	[dreg:$0x8] =	wrdreg s5;
	s5 =	sshrl.u32 s25, $0x3;
	s25 =	simm.s32 $0xB800  }
0x1a: {  	v0 =	vimm.f32 $0.0e+00;
	s16 =	sadd.s32 s0, s5;
	s0 =	simm.s32 $0x2;
	s5 =	simm.s32 $0x7  }
.LBB2_1:
0x1b: {  	s13 =	rddreg [dreg:$0x4]  }
0x1c: {  	[spmem:s20], [sflag:s6] =	dma.local [hbm:s13], $0xEA6  }
0x1d: {  	_ =	swait.ge [sflag:s21], $0xEA6  }
0x1e: {  	[sflag:s21] =	ssyncset.done $0x0  }
0x1f: {  	s14 =	simm.s32 $0x0;
	s13 =	simm.s32 $0xC0;
	[sflag:s21] =	ssyncadd.s32 $0xFFFFF15A  }
.LBB2_2:
0x20: {  	p0 =	sne.s32 s13, $0x5F40;
	[tilespmem:s14+$0xA020] =	vst v0;
	s15 =	smov.u32 s13;
	s13 =	sadd.s32 $0xC0, s13  }
.Ltmp0:
0x21: {  	[tilespmem:s14+$0xA000] =	vst v0;
	(pc) =	sbr.rel @p0 .LBB2_2-.Ltmp0, $2  }
0x22: {  	[tilespmem:s14+$0xA010] =	vst v0;
	_ =	sdelay $0x2  }
0x23: {  	s14 =	sshra.s32 s15, $0x2  }
0x24: {  	[tilespmem:s14+$0xA020] =	vst v0  }
0x25: {  	[tilespmem:s14+$0xA000] =	vst v0  }
0x26: {  	[tilespmem:s14+$0xA010] =	vst v0  }
0x27: {  	[spmem:s7] =	stream.linear.scatter [tilespmem:s22], [sflag:$0x9], $0x1800, $0x38;
	[tilespmem:$0x1ED30] =	vst v63  }
0x28: {  	_ =	swait.ge [sflag:s21], $0x1800  }
0x29: {  	[sflag:s21] =	ssyncset.done $0x0  }
0x2a: {  	[sflag:s21] =	ssyncadd.s32 $0xFFFFE800  }
0x2b: {  	[spmem:s8] =	stream.linear.scatter [tilespmem:s22], [sflag:$0x9], $0x1800, $0x38;
	[tilespmem:$0x1ED30] =	vst v63  }
0x2c: {  	_ =	swait.ge [sflag:s21], $0x1800  }
0x2d: {  	[sflag:s21] =	ssyncset.done $0x0  }
0x2e: {  	[sflag:s21] =	ssyncadd.s32 $0xFFFFE800  }
0x2f: {  	[spmem:s9] =	stream.linear.scatter [tilespmem:s22], [sflag:$0x9], $0x1800, $0x38;
	[tilespmem:$0x1ED30] =	vst v63  }
0x30: {  	_ =	swait.ge [sflag:s21], $0x1800  }
0x31: {  	[sflag:s21] =	ssyncset.done $0x0  }
0x32: {  	[sflag:s21] =	ssyncadd.s32 $0xFFFFE800  }
0x33: {  	[spmem:s10] =	stream.linear.scatter [tilespmem:s22], [sflag:$0x9], $0x1800, $0x38;
	[tilespmem:$0x1ED30] =	vst v63  }
0x34: {  	_ =	swait.ge [sflag:s21], $0x1800  }
0x35: {  	[sflag:s21] =	ssyncset.done $0x0  }
0x36: {  	[sflag:s21] =	ssyncadd.s32 $0xFFFFE800  }
0x37: {  	[spmem:s11] =	stream.linear.scatter [tilespmem:s22], [sflag:$0x9], $0x1800, $0x38;
	[tilespmem:$0x1ED30] =	vst v63  }
0x38: {  	_ =	swait.ge [sflag:s21], $0x1800  }
0x39: {  	[sflag:s21] =	ssyncset.done $0x0  }
0x3a: {  	s13 =	simm.s32 $0x0;
	s15 =	rddreg [dreg:$0x5];
	[sflag:s21] =	ssyncadd.s32 $0xFFFFE800  }
0x3b: {  	[tilespmem:s13], [sflag:$0x9] =	stream.linear.gather [hbm4b:s15+s13], $0x5000, $0x38;
	[tilespmem:$0x1ED30] =	vst v63  }
0x3c: {  	_ =	swait.ge [sflag:s21], $0x5000  }
0x3d: {  	[sflag:s21] =	ssyncset.done $0x0  }
0x3e: {  	s15 =	simm.s32 $0x5000;
	s14 =	rddreg [dreg:$0x6];
	[sflag:s21] =	ssyncadd.s32 $0xFFFFB000  }
0x3f: {  	[tilespmem:s15], [sflag:$0x9] =	stream.linear.gather [hbm4b:s14+s13], $0x5000, $0x38;
	[tilespmem:$0x1ED30] =	vst v63  }
0x40: {  	_ =	swait.ge [sflag:s21], $0x5000  }
0x41: {  	[sflag:s21] =	ssyncset.done $0x0  }
0x42: {  	[sflag:s21] =	ssyncadd.s32 $0xFFFFB000  }
0x43: {  	[bflag:$0x0] =	sbarrier.arrive $0xFFFF  }
0x44: {  	[tilespmem:s22], [sflag:$0x1] =	stream.indirect.gather [spmem:s2], $0x30, s13, s24, $0xb8;
	[tilespmem:$0x1ED30] =	vst v63  }
0x45: {  	_ = 	snop  }
0x46: {  	[tilespmem:s25], [sflag:$0x2] =	stream.indirect.gather [spmem:s2], $0x30, s24, s24, $0xb8;
	[tilespmem:$0x1ED30] =	vst v63  }
0x47: {  	s15 =	simm.s32 $0x100  }
0x48: {  	[tilespmem:s28], [sflag:$0x3] =	stream.indirect.gather [spmem:s2], $0x30, s15, s24, $0xb8;
	[tilespmem:$0x1ED30] =	vst v63  }
0x49: {  	s14 =	simm.s32 $0x180  }
0x4a: {  	[tilespmem:s30], [sflag:$0x4] =	stream.indirect.gather [spmem:s2], $0x30, s14, s24, $0xb8;
	[tilespmem:$0x1ED30] =	vst v63  }
0x4b: {  	_ =	swait.ge [sflag:s31], $0x1800  }
0x4c: {  	[sflag:s31] =	ssyncset.done $0x0  }
0x4d: {  	s15 =	simm.s32 $0x5000;
	[sflag:s31] =	ssyncadd.s32 $0xFFFFE800  }
0x4e: {  	[spmem:s3] =	stream.indirect.scatter.add.f32 [tilespmem:s22], [sflag:$0x5], $0x30, s15, s24, $0xb8;
	[tilespmem:$0x1ED30] =	vst v63  }
0x4f: {  	_ =	swait.ge [sflag:s0], $0x1800  }
0x50: {  	[sflag:s0] =	ssyncset.done $0x0  }
0x51: {  	s14 =	simm.s32 $0x5080;
	[sflag:s0] =	ssyncadd.s32 $0xFFFFE800  }
0x52: {  	[spmem:s3] =	stream.indirect.scatter.add.f32 [tilespmem:s25], [sflag:$0x6], $0x30, s14, s24, $0xb8;
	[tilespmem:$0x1ED30] =	vst v63  }
0x53: {  	_ =	swait.ge [sflag:s1], $0x1800  }
0x54: {  	[sflag:s1] =	ssyncset.done $0x0  }
0x55: {  	s15 =	simm.s32 $0x5100;
	[sflag:s1] =	ssyncadd.s32 $0xFFFFE800  }
0x56: {  	[spmem:s3] =	stream.indirect.scatter.add.f32 [tilespmem:s28], [sflag:$0x7], $0x30, s15, s24, $0xb8;
	[tilespmem:$0x1ED30] =	vst v63  }
0x57: {  	_ =	swait.ge [sflag:s23], $0x1800  }
0x58: {  	[sflag:s23] =	ssyncset.done $0x0  }
0x59: {  	s14 =	simm.s32 $0x5180;
	[sflag:s23] =	ssyncadd.s32 $0xFFFFE800  }
0x5a: {  	[spmem:s3] =	stream.indirect.scatter.add.f32 [tilespmem:s30], [sflag:$0x8], $0x30, s14, s24, $0xb8;
	[tilespmem:$0x1ED30] =	vst v63  }
0x5b: {  	_ =	swait.ge [sflag:s26], $0x1800  }
0x5c: {  	[sflag:s26] =	ssyncset.done $0x0  }
0x5d: {  	s15 =	simm.s32 $0x200;
	[sflag:s26] =	ssyncadd.s32 $0xFFFFE800  }
0x5e: {  	[tilespmem:s22], [sflag:$0x1] =	stream.indirect.gather [spmem:s2], $0x30, s15, s24, $0xb8;
	[tilespmem:$0x1ED30] =	vst v63  }
0x5f: {  	_ =	swait.ge [sflag:s29], $0x1800  }
0x60: {  	[sflag:s29] =	ssyncset.done $0x0  }
0x61: {  	s14 =	simm.s32 $0x280;
	[sflag:s29] =	ssyncadd.s32 $0xFFFFE800  }
0x62: {  	[tilespmem:s25], [sflag:$0x2] =	stream.indirect.gather [spmem:s2], $0x30, s14, s24, $0xb8;
	[tilespmem:$0x1ED30] =	vst v63  }
0x63: {  	_ =	swait.ge [sflag:s5], $0x1800  }
0x64: {  	[sflag:s5] =	ssyncset.done $0x0  }
0x65: {  	s15 =	simm.s32 $0x300;
	[sflag:s5] =	ssyncadd.s32 $0xFFFFE800  }
0x66: {  	[tilespmem:s28], [sflag:$0x3] =	stream.indirect.gather [spmem:s2], $0x30, s15, s24, $0xb8;
	[tilespmem:$0x1ED30] =	vst v63  }
0x67: {  	_ =	swait.ge [sflag:s12], $0x1800  }
0x68: {  	[sflag:s12] =	ssyncset.done $0x0  }
0x69: {  	s13 =	simm.s32 $0x800;
	s14 =	simm.s32 $0x380;
	[sflag:s12] =	ssyncadd.s32 $0xFFFFE800  }
.LBB2_4:
0x6a: {  	[tilespmem:s30], [sflag:$0x4] =	stream.indirect.gather [spmem:s2], $0x30, s14, s24, $0xb8;
	[tilespmem:$0x1ED30] =	vst v63  }
0x6b: {  	s14 =	smov.u32 s13  }
0x6c: {  	p0 =	sne.s32 s13, $0x13000;
	s13 =	sadd.s32 $0x800, s13;
	_ =	swait.ge [sflag:s31], $0x1800  }
0x6d: {  	s14 =	sshra.s32 s14, $0x2;
	[sflag:s31] =	ssyncset.done $0x0  }
0x6e: {  	s15 =	sadd.s32 $0x5000, s14;
	[sflag:s31] =	ssyncadd.s32 $0xFFFFE800  }
0x6f: {  	[spmem:s3] =	stream.indirect.scatter.add.f32 [tilespmem:s22], [sflag:$0x5], $0x30, s15, s24, $0xb8;
	[tilespmem:$0x1ED30] =	vst v63  }
0x70: {  	_ =	swait.ge [sflag:s0], $0x1800  }
0x71: {  	[sflag:s0] =	ssyncset.done $0x0  }
0x72: {  	s15 =	sadd.s32 $0x5080, s14;
	[sflag:s0] =	ssyncadd.s32 $0xFFFFE800  }
0x73: {  	[spmem:s3] =	stream.indirect.scatter.add.f32 [tilespmem:s25], [sflag:$0x6], $0x30, s15, s24, $0xb8;
	[tilespmem:$0x1ED30] =	vst v63  }
0x74: {  	_ =	swait.ge [sflag:s1], $0x1800  }
0x75: {  	[sflag:s1] =	ssyncset.done $0x0  }
0x76: {  	s15 =	sadd.s32 $0x5100, s14;
	[sflag:s1] =	ssyncadd.s32 $0xFFFFE800  }
0x77: {  	[spmem:s3] =	stream.indirect.scatter.add.f32 [tilespmem:s28], [sflag:$0x7], $0x30, s15, s24, $0xb8;
	[tilespmem:$0x1ED30] =	vst v63  }
0x78: {  	_ =	swait.ge [sflag:s23], $0x1800  }
0x79: {  	[sflag:s23] =	ssyncset.done $0x0  }
0x7a: {  	s15 =	sadd.s32 $0x5180, s14;
	[sflag:s23] =	ssyncadd.s32 $0xFFFFE800  }
0x7b: {  	[spmem:s3] =	stream.indirect.scatter.add.f32 [tilespmem:s30], [sflag:$0x8], $0x30, s15, s24, $0xb8;
	[tilespmem:$0x1ED30] =	vst v63  }
0x7c: {  	_ =	swait.ge [sflag:s26], $0x1800  }
0x7d: {  	[sflag:s26] =	ssyncset.done $0x0  }
0x7e: {  	s15 =	sadd.s32 $0x200, s14;
	[sflag:s26] =	ssyncadd.s32 $0xFFFFE800  }
0x7f: {  	[tilespmem:s22], [sflag:$0x1] =	stream.indirect.gather [spmem:s2], $0x30, s15, s24, $0xb8;
	[tilespmem:$0x1ED30] =	vst v63  }
0x80: {  	_ =	swait.ge [sflag:s29], $0x1800  }
0x81: {  	[sflag:s29] =	ssyncset.done $0x0  }
0x82: {  	s15 =	sadd.s32 $0x280, s14;
	[sflag:s29] =	ssyncadd.s32 $0xFFFFE800  }
0x83: {  	[tilespmem:s25], [sflag:$0x2] =	stream.indirect.gather [spmem:s2], $0x30, s15, s24, $0xb8;
	[tilespmem:$0x1ED30] =	vst v63  }
0x84: {  	_ =	swait.ge [sflag:s5], $0x1800  }
0x85: {  	[sflag:s5] =	ssyncset.done $0x0  }
.Ltmp1:
0x86: {  	s15 =	sadd.s32 $0x300, s14;
	[sflag:s5] =	ssyncadd.s32 $0xFFFFE800;
	(pc) =	sbr.rel @p0 .LBB2_4-.Ltmp1, $4  }
0x87: {  	[tilespmem:s28], [sflag:$0x3] =	stream.indirect.gather [spmem:s2], $0x30, s15, s24, $0xb8;
	[tilespmem:$0x1ED30] =	vst v63  }
0x88: {  	_ =	swait.ge [sflag:s12], $0x1800  }
0x89: {  	[sflag:s12] =	ssyncset.done $0x0  }
0x8a: {  	s14 =	sadd.s32 $0x380, s14;
	[sflag:s12] =	ssyncadd.s32 $0xFFFFE800  }
0x8b: {  	[tilespmem:s30], [sflag:$0x4] =	stream.indirect.gather [spmem:s2], $0x30, s14, s24, $0xb8;
	[tilespmem:$0x1ED30] =	vst v63  }
0x8c: {  	_ =	swait.ge [sflag:s31], $0x1800  }
0x8d: {  	[sflag:s31] =	ssyncset.done $0x0  }
0x8e: {  	s13 =	simm.s32 $0x9E00;
	[sflag:s31] =	ssyncadd.s32 $0xFFFFE800  }
0x8f: {  	[spmem:s3] =	stream.indirect.scatter.add.f32 [tilespmem:s22], [sflag:$0x5], $0x30, s13, s24, $0xb8;
	[tilespmem:$0x1ED30] =	vst v63  }
0x90: {  	_ =	swait.ge [sflag:s0], $0x1800  }
0x91: {  	[sflag:s0] =	ssyncset.done $0x0  }
0x92: {  	s15 =	simm.s32 $0x9E80;
	[sflag:s0] =	ssyncadd.s32 $0xFFFFE800  }
0x93: {  	[spmem:s3] =	stream.indirect.scatter.add.f32 [tilespmem:s25], [sflag:$0x6], $0x30, s15, s24, $0xb8;
	[tilespmem:$0x1ED30] =	vst v63  }
0x94: {  	_ =	swait.ge [sflag:s1], $0x1800  }
0x95: {  	[sflag:s1] =	ssyncset.done $0x0  }
0x96: {  	s14 =	simm.s32 $0x9F00;
	[sflag:s1] =	ssyncadd.s32 $0xFFFFE800  }
0x97: {  	[spmem:s3] =	stream.indirect.scatter.add.f32 [tilespmem:s28], [sflag:$0x7], $0x30, s14, s24, $0xb8;
	[tilespmem:$0x1ED30] =	vst v63  }
0x98: {  	_ =	swait.ge [sflag:s23], $0x1800  }
0x99: {  	[sflag:s23] =	ssyncset.done $0x0  }
0x9a: {  	s15 =	simm.s32 $0x9F80;
	[sflag:s23] =	ssyncadd.s32 $0xFFFFE800  }
0x9b: {  	[spmem:s3] =	stream.indirect.scatter.add.f32 [tilespmem:s30], [sflag:$0x8], $0x30, s15, s24, $0xb8;
	[tilespmem:$0x1ED30] =	vst v63  }
0x9c: {  	_ =	swait.ge [sflag:s26], $0x1800  }
0x9d: {  	[sflag:s26] =	ssyncset.done $0x0  }
0x9e: {  	[sflag:s26] =	ssyncadd.s32 $0xFFFFE800  }
0x9f: {  	_ =	swait.ge [sflag:s29], $0x1800  }
0xa0: {  	[sflag:s29] =	ssyncset.done $0x0  }
0xa1: {  	[sflag:s29] =	ssyncadd.s32 $0xFFFFE800  }
0xa2: {  	_ =	swait.ge [sflag:s5], $0x1800  }
0xa3: {  	[sflag:s5] =	ssyncset.done $0x0  }
0xa4: {  	[sflag:s5] =	ssyncadd.s32 $0xFFFFE800  }
0xa5: {  	_ =	swait.ge [sflag:s12], $0x1800  }
0xa6: {  	[sflag:s12] =	ssyncset.done $0x0  }
0xa7: {  	[sflag:s12] =	ssyncadd.s32 $0xFFFFE800  }
0xa8: {  	[bflag:$0x0] =	sbarrier.arrive $0xFFFF  }
0xa9: {  	s14 =	sshrl.u32 s7, $0x3;
	s15 =	rddreg [dreg:$0x7]  }
0xaa: {  	[hbm:s15], [sflag:s6] =	dma.local [spmem:s14], $0x300  }
0xab: {  	_ =	swait.ge [sflag:s21], $0x300  }
0xac: {  	[sflag:s21] =	ssyncset.done $0x0  }
0xad: {  	s14 =	sshrl.u32 s8, $0x3;
	s15 =	rddreg [dreg:$0x8];
	[sflag:s21] =	ssyncadd.s32 $0xFFFFFD00  }
0xae: {  	[hbm:s15], [sflag:s6] =	dma.local [spmem:s14], $0x300  }
0xaf: {  	_ =	swait.ge [sflag:s21], $0x300  }
0xb0: {  	[sflag:s21] =	ssyncset.done $0x0  }
0xb1: {  	s15 =	sshrl.u32 s9, $0x3;
	[sflag:s21] =	ssyncadd.s32 $0xFFFFFD00  }
0xb2: {  	[hbm:s16], [sflag:s6] =	dma.local [spmem:s15], $0x300  }
0xb3: {  	_ =	swait.ge [sflag:s21], $0x300  }
0xb4: {  	[sflag:s21] =	ssyncset.done $0x0  }
0xb5: {  	s14 =	sshrl.u32 s10, $0x3;
	[sflag:s21] =	ssyncadd.s32 $0xFFFFFD00  }
0xb6: {  	[hbm:s17], [sflag:s6] =	dma.local [spmem:s14], $0x300  }
0xb7: {  	s4 =	sadd.s32 $0x1, s4;
	_ =	swait.ge [sflag:s21], $0x300  }
0xb8: {  	p0 =	sne.s32 s4, s19;
	[sflag:s21] =	ssyncset.done $0x0  }
.Ltmp2:
0xb9: {  	s15 =	sshrl.u32 s11, $0x3;
	[sflag:s21] =	ssyncadd.s32 $0xFFFFFD00;
	(pc) =	sbr.rel @p0 .LBB2_1-.Ltmp2, $4  }
0xba: {  	[hbm:s18], [sflag:s6] =	dma.local [spmem:s15], $0x300  }
0xbb: {  	_ =	swait.ge [sflag:s21], $0x300  }
0xbc: {  	[sflag:s21] =	ssyncset.done $0x0  }
0xbd: {  	[sflag:s21] =	ssyncadd.s32 $0xFFFFFD00  }
0xbe: {  	_ =	sfence.sel $0x180000  }
0xbf: {  	[bflag:$0x0] =	sbarrier.arrive $0xFFFF  }
0xc0: {  	_ =	strace $0x9000004D  }
0xc1: {  	s0 =	stileid.u32;
	[bflag:$0x2] =	sbarrier.arrive $0xFFFF  }
0xc2: {  	p0 =	sne.s32 s0, $0x0;
	s0 =	rddreg [dreg:$0x3]  }
0xc3: {  	s0 =	sadd.s32 @!p0 $0x100000, s0  }
0xc4: {  	[sflag:s0] =	ssyncadd.tile.s32 @!p0 $0x1;
	_ =	shalt  }
.Lfunc_end2:
_tile_overlayer_lowered:
.L_overlay_start_2:
0xc5: {  	(tag) =	ssettag $0x2  }
0xc6: {  	s0 =	rddreg [dreg:$0x0];
	s2 =	stileid.u32  }
0xc7: {  	s1 =	rddreg [dreg:$0x1];
	p0 =	sne.s32 s2, $0x0  }
0xc8: {  	s3 =	rddreg [dreg:$0x2];
	[bflag:$0x3] =	sbarrier.arrive $0xFFFF;
	s2 =	simm.s32 @!p0 $0x1C09  }
0xc9: {  	[timem:s3], [sflag:s2] =	dma.local @!p0 [hbm:s0], s1  }
0xca: {  	s0 =	simm.s32 @!p0 $0x9  }
0xcb: {  	_ =	swait.ge @!p0 [sflag:s0], s1  }
0xcc: {  	s1 =	ssub.s32 @!p0 $0x0, s1;
	[sflag:s0] =	ssyncset.done @!p0 $0x0  }
0xcd: {  	[sflag:s0] =	ssyncadd.s32 @!p0 s1  }
0xce: {  	[bflag:$0x3] =	sbarrier.arrive $0xFFFF  }
0xcf: {  	_ =	shalt  }

// kernel: kernel.21.cloned.1.call-start
scs
__scs_entry_jumppad:
0x0: {  	(pc) =	sbr.rel $0x88, $3  }
0x1: {  	(tag) =	ssettag $0x0;
	lr =	simm.s32 $0x1  }
0x2: {  	[smem:$0x3F92] =	sst lr;
	_ =	strace $0xD0000000  }
0x3: {  	_ = 	snop  }
0x4: {  	_ = 	snop  }
0x5: {  	_ = 	snop  }
0x6: {  	_ = 	snop  }
0x7: {  	_ = 	snop  }
__scs_overlays_trampoline_lowered:
0x8: {  	[smem:$0x3FA1] =	sst s0  }
0x9: {  	[smem:$0x3FA2] =	sst s1  }
0xa: {  	[smem:$0x3FA3] =	sst s2  }
0xb: {  	[smem:$0x3FA4] =	sst s3  }
0xc: {  	[smem:$0x3FA5] =	sst s4  }
0xd: {  	[smem:$0x3FA6] =	sst s5  }
0xe: {  	[smem:$0x3FA7] =	sst s6  }
0xf: {  	[smem:$0x3FA8] =	sst s7  }
0x10: {  	[smem:$0x3FA9] =	sst s8  }
0x11: {  	[smem:$0x3FAA] =	sst s9;
	s0 =	simm.s32 @!p0 $0x0  }
0x12: {  	s1 =	sld [smem:$0x3F90];
	s0 =	simm.s32 @p0 $0x1  }
0x13: {  	[smem:$0x3FAB] =	sst s0;
	s0 =	simm.s32 @!p1 $0x0  }
0x14: {  	s2 =	sld [smem:$0x3F8F];
	s0 =	simm.s32 @p1 $0x1  }
0x15: {  	[smem:$0x3FAC] =	sst s0;
	s0 =	simm.s32 @!p2 $0x0  }
0x16: {  	s3 =	sld [smem:$0x3FDB];
	s0 =	simm.s32 @p2 $0x1  }
0x17: {  	s4 =	simm.s32 $0x1BF5;
	[smem:$0x3FAE] =	sst s0  }
0x18: {  	s0 =	sld [smem:$0x3F91];
	_ =	swait.ge [sflag:s4], $0x0  }
0x19: {  	s7 =	sld [smem:$0x3F92]  }
0x1a: {  	s8 =	sadd.s32 $0xFFFFE003, lr  }
0x1b: {  	s9 =	sadd.s32 $0xFFFFFEF7, lr;
	s5 =	simm.s32 $0xFFFFFFFF;
	p2 =	slt.u32 s8, $0xFFFFF086  }
0x1c: {  	p1 =	slt.u32 s9, $0xF7A;
	s5 =	simm.s32 @!p2 $0x0  }
0x1d: {  	s5 =	simm.s32 @p1 $0x1;
	p0 =	seq.s32 s7, s2  }
0x1e: {  	s7 =	smul.u32 @!p0 $0xF7A, s2;
	p2 =	seq.s32 @!p0 s5, $0x0  }
0x1f: {  	s9 =	smul.u32 $0xF7A, s1;
	s8 =	simm.s32 @!p0 $0x1BF5;
	p2 =	por !p2, p0  }
0x20: {  	[sflag:s8] =	ssyncset.s32 @!p0 $0xFFFFF086;
	s6 =	sadd.s32 @!p0 s3, s7;
	s7 =	simm.s32 @!p0 $0x108  }
0x21: {  	s3 =	sadd.s32 s3, s9;
	s6 =	sadd.s32 @!p0 $0x88, s6;
	s7 =	simm.s32 @p2 $0x1082  }
0x22: {  	[simem:s7], [sflag:s8] =	dma.local @!p0 [hbm:s6], $0xF7A  }
0x23: {  	s9 =	sor.u32 $0xD0000000, s2;
	s6 =	simm.s32 $0x108;
	_ =	swait.ge @!p0 [sflag:s8], $0x0  }
0x24: {  	s3 =	sadd.s32 $0x88, s3;
	s6 =	simm.s32 @!p1 $0x1082;
	[sflag:s4] =	ssyncset.s32 $0xFFFFF086  }
0x25: {  	[simem:s6], [sflag:s4] =	dma.local [hbm:s3], $0xF7A  }
0x26: {  	[smem:$0x3F92] =	sst s1;
	(tag) =	ssettag s2;
	_ =	strace s9  }
0x27: {  	s1 =	sld [smem:$0x3FA2]  }
0x28: {  	s2 =	sld [smem:$0x3FA3]  }
0x29: {  	s4 =	sld [smem:$0x3FA5]  }
0x2a: {  	p0 =	seq.s32 s5, $0x0;
	s5 =	sld [smem:$0x3FA6]  }
0x2b: {  	s6 =	sld [smem:$0x3FA7]  }
0x2c: {  	s7 =	sld [smem:$0x3FA8]  }
0x2d: {  	s3 =	simm.s32 $0x108;
	s8 =	sld [smem:$0x3FA9]  }
0x2e: {  	s3 =	simm.s32 @!p0 $0x1082;
	s9 =	sld [smem:$0x3FAA]  }
0x2f: {  	lr =	sadd.s32 s0, s3;
	s0 =	sld [smem:$0x3FA1]  }
0x30: {  	s3 =	sld [smem:$0x3FA4]  }
0x31: {  	[smem:$0x3FAD] =	sst s10  }
0x32: {  	s10 =	sld [smem:$0x3FAB];
	_ =	sdelay $0x3  }
0x33: {  	p0 =	seq.s32 s10, $0x1;
	s10 =	sld [smem:$0x3FAD];
	_ =	sdelay $0x3  }
0x34: {  	[smem:$0x3FAD] =	sst s10  }
0x35: {  	s10 =	sld [smem:$0x3FAC];
	_ =	sdelay $0x3  }
0x36: {  	p1 =	seq.s32 s10, $0x1;
	s10 =	sld [smem:$0x3FAD];
	_ =	sdelay $0x3  }
0x37: {  	[smem:$0x3FAD] =	sst s10  }
0x38: {  	s10 =	sld [smem:$0x3FAE]  }
0x39: {  	_ = 	snop;
	(pc) =	sbr.ind lr, $3  }
0x3a: {  	_ = 	snop  }
0x3b: {  	_ = 	snop  }
0x3c: {  	p2 =	seq.s32 s10, $0x1;
	s10 =	sld [smem:$0x3FAD]  }
0x3d: {  	_ =	shalt  }
0x3e: {  	_ =	shalt  }
0x3f: {  	_ =	shalt  }
0x40: {  	_ =	shalt  }
0x41: {  	_ =	shalt  }
0x42: {  	_ =	shalt  }
0x43: {  	_ =	shalt  }
0x44: {  	_ =	shalt  }
0x45: {  	_ =	shalt  }
0x46: {  	_ =	shalt  }
0x47: {  	_ =	shalt  }
0x48: {  	_ =	shalt  }
0x49: {  	_ =	shalt  }
0x4a: {  	_ =	shalt  }
0x4b: {  	_ =	shalt  }
0x4c: {  	_ =	shalt  }
0x4d: {  	_ =	shalt  }
0x4e: {  	_ =	shalt  }
0x4f: {  	_ =	shalt  }
0x50: {  	_ =	shalt  }
0x51: {  	_ =	shalt  }
0x52: {  	_ =	shalt  }
0x53: {  	_ =	shalt  }
0x54: {  	_ =	shalt  }
0x55: {  	_ =	shalt  }
0x56: {  	_ =	shalt  }
0x57: {  	_ =	shalt  }
0x58: {  	_ =	shalt  }
0x59: {  	_ =	shalt  }
0x5a: {  	_ =	shalt  }
0x5b: {  	_ =	shalt  }
0x5c: {  	_ =	shalt  }
0x5d: {  	_ =	shalt  }
0x5e: {  	_ =	shalt  }
0x5f: {  	_ =	shalt  }
0x60: {  	_ =	shalt  }
0x61: {  	_ =	shalt  }
0x62: {  	_ =	shalt  }
0x63: {  	_ =	shalt  }
0x64: {  	_ =	shalt  }
0x65: {  	_ =	shalt  }
0x66: {  	_ =	shalt  }
0x67: {  	_ =	shalt  }
0x68: {  	_ =	shalt  }
0x69: {  	_ =	shalt  }
0x6a: {  	_ =	shalt  }
0x6b: {  	_ =	shalt  }
0x6c: {  	_ =	shalt  }
0x6d: {  	_ =	shalt  }
0x6e: {  	_ =	shalt  }
0x6f: {  	_ =	shalt  }
0x70: {  	_ =	shalt  }
0x71: {  	_ =	shalt  }
0x72: {  	_ =	shalt  }
0x73: {  	_ =	shalt  }
0x74: {  	_ =	shalt  }
0x75: {  	_ =	shalt  }
0x76: {  	_ =	shalt  }
0x77: {  	_ =	shalt  }
0x78: {  	_ =	shalt  }
0x79: {  	_ =	shalt  }
0x7a: {  	_ =	shalt  }
0x7b: {  	_ =	shalt  }
0x7c: {  	_ =	shalt  }
0x7d: {  	_ =	shalt  }
0x7e: {  	_ =	shalt  }
0x7f: {  	_ =	shalt  }
0x80: {  	_ =	shalt  }
0x81: {  	_ =	shalt  }
0x82: {  	_ =	shalt  }
0x83: {  	_ =	shalt  }
0x84: {  	_ =	shalt  }
0x85: {  	_ =	shalt  }
0x86: {  	_ =	shalt  }
0x87: {  	_ =	shalt  }
.Lfunc_end0:
.L_simem_size_0:
called_computation.3_lowered:
.L_overlay_start_0:
0x88: {  	s2 =	sld [smem:$0x3FD9]  }
0x89: {  	s3 =	sld [smem:$0x3FFE];
	_ =	sdelay $0x1  }
0x8a: {  	s1 =	srdreg.scid  }
0x8b: {  	s0 =	sand.u32 $0x1, s1  }
0x8c: {  	s16 =	sshll.u32 s0, $0xA;
	s2 =	sadd.s32 s3, s2  }
0x8d: {  	s2 =	sadd.s32 s2, s16  }
0x8e: {  	[smem:$0x3FB9] =	sst s2  }
0x8f: {  	_ = 	snop  }
0x90: {  	(tm) =	ssettm $0x1  }
0x91: {  	s17 =	sld [smem:$0x3FFB];
	_ =	sdelay $0x3  }
0x92: {  	_ =	strace s17  }
0x93: {  	s2 =	sld [smem:$0x3FFC];
	_ =	sdelay $0x3  }
0x94: {  	_ =	strace s2  }
0x95: {  	s2 =	sld [smem:$0x3FFD];
	_ =	sdelay $0x3  }
0x96: {  	_ =	strace s2  }
0x97: {  	_ =	strace $0x8FFFFFFF  }
0x98: {  	s18 =	sld [smem:$0x3FDB];
	_ =	sdelay $0x1  }
0x99: {  	s19 =	simm.s32 $_scs_section_size  }
0x9a: {  	s4 =	simm.s32 $_size__tile_overlayer_lowered;
	s5 =	simm.s32 $_tile_overlayer_lowered  }
0x9b: {  	s22 =	simm.s32 $0x1BFF;
	s21 =	sshll.u32 s5, $0x1;
	s2 =	sadd.s32 s19, s18  }
0x9c: {  	s6 =	simm.s32 $0x0;
	s20 =	sshll.u32 s4, $0x1;
	s4 =	sadd.s32 s21, s2  }
0x9d: {  	[timem:s6], [sflag:s22] =	dma.local [hbm:s4], s20  }
0x9e: {  	_ =	swait.ge [sflag:s22], s20  }
0x9f: {  	s3 =	ssub.s32 $0x0, s20;
	[sflag:s22] =	ssyncset.done $0x0  }
0xa0: {  	[sflag:s22] =	ssyncadd.s32 s3;
	_ =	sdelay $0x1  }
0xa1: {  	s23 =	simm.s32 $0x1B8B  }
0xa2: {  	_ =	swait.ge [sflag:s23], $0x1  }
0xa3: {  	[sflag:s23] =	ssyncset.done $0x0  }
0xa4: {  	s25 =	simm.s32 $0x1B8E;
	s24 =	sld [smem:$0x3FFE];
	[sflag:s23] =	ssyncadd.s32 $0xFFFFFFFF  }
0xa5: {  	s26 =	simm.s32 $execute0_lowered;
	[smem:$0x3FD2] =	sst s25  }
0xa6: {  	s4 =	sshll.u32 s26, $0x1;
	_ =	strace $0x8000004F;
	[dreg:$0x1] =	wrdreg $0xFFFFFFFF  }
0xa7: {  	s28 =	simm.s32 $_size_execute0_lowered;
	s2 =	sadd.s32 s2, s4;
	[dreg:$0x0] =	wrdreg $0x0  }
0xa8: {  	s4 =	sshll.u32 s28, $0x1;
	[dreg:$0x2] =	wrdreg s2  }
0xa9: {  	[dreg:$0x3] =	wrdreg s4  }
0xaa: {  	[dreg:$0x4] =	wrdreg $0xC0  }
0xab: {  	_ =	task [dreg:s6], $0x5FFFF  }
0xac: {  	[dreg:$0x1] =	wrdreg $0xFFFFFFFF  }
0xad: {  	[dreg:$0x0] =	wrdreg $0x60  }
0xae: {  	[dreg:$0x2] =	wrdreg s24  }
0xaf: {  	[dreg:$0x3] =	wrdreg $0x100000  }
0xb0: {  	[dreg:$0x4] =	wrdreg $0x175300  }
0xb1: {  	[dreg:$0x5] =	wrdreg $0x9  }
0xb2: {  	_ =	task.clear_ibuf [dreg:s6], $0x6FFFF;
	_ =	strace $0x9000004F  }
0xb3: {  	s29 =	simm.s32 $0x9;
	_ =	strace $0x80000051  }
0xb4: {  	_ =	swait.ge [sflag:s29], $0x1  }
0xb5: {  	[sflag:s29] =	ssyncadd.s32 $0xFFFFFFFF  }
0xb6: {  	_ =	strace $0x90000051  }
0xb7: {  	_ =	sfence  }
0xb8: {  	s30 =	sld [smem:$0x0];
	_ =	sdelay $0x2  }
0xb9: {  	s31 =	sshll.u32 s1, $0xD;
	s1 =	sshrl.u32 s1, $0x2  }
0xba: {  	s3 =	sand.u32 $0x4000, s31;
	s1 =	sadd.s32 s1, s30  }
0xbb: {  	s0 =	sor.u32 s3, s0;
	s1 =	sshll.u32 s1, $0x11  }
0xbc: {  	s0 =	sor.u32 s1, s0  }
0xbd: {  	s0 =	sadd.s32 $0x8F2B, s0  }
0xbe: {  	[sflag:s0] =	ssyncadd.remote.s32 $0x1  }
0xbf: {  	_ =	sfence.sel $0xFFFF  }
0xc0: {  	[dreg:$0x0] =	wrdreg $0xFFFFFFFF;
	(pc) =	sbr.abs _section_cstart, $3  }
0xc1: {  	[dreg:$0x1] =	wrdreg $0xFFFFFFFF  }
0xc2: {  	_ =	task.clear_ibuf [dreg:s6], $0x2FFFF;
	_ =	strace $0x9FFFFFFF  }
0xc3: {  	(tm) =	ssettm $0x7FFFFFFF  }
tec
execute0_lowered:
.L_overlay_start_1:
0x0: {  	(tag) =	ssettag $0x1  }
0x1: {  	s0 =	rddreg [dreg:$0x0]  }
0x2: {  	s2 =	rddreg [dreg:$0x1];
	s1 =	srdreg.scid  }
0x3: {  	s3 =	rddreg [dreg:$0x2];
	s9 =	stileid.u32  }
0x4: {  	s4 =	simm.s32 $0x0;
	s28 =	simm.s32 $0xD000;
	s6 =	smul.u32 $0xEA6, s9  }
0x5: {  	s30 =	simm.s32 $0xE800;
	s31 =	simm.s32 $0x1;
	s19 =	smul.u32 $0xA00, s9  }
0x6: {  	s29 =	simm.s32 $0x6;
	s1 =	sand.u32 $0x1, s1;
	s8 =	smul.u32 $0x1D4C0, s9  }
0x7: {  	[smem:$0x7FF] =	sst s4;
	s14 =	smul.u32 $0x7800, s9;
	s22 =	sshll.u32 s9, $0x6  }
0x8: {  	s5 =	smul.u32 $0xEA60, s1;
	_ =	strace $0x80000050;
	s7 =	ssub.s32 $0x2, s1  }
0x9: {  	s1 =	smul.u32 $0x78000, s1;
	s12 =	sadd.s32 s19, s0;
	s20 =	sshrl.u32 s7, $0x1  }
0xa: {  	s21 =	sshrl.u32 s8, $0x2;
	s23 =	sadd.s32 $0x1800, s14;
	s16 =	sadd.s32 $0x3000, s14  }
0xb: {  	s17 =	sadd.s32 $0x4800, s14;
	s18 =	sadd.s32 $0x6000, s14;
	s5 =	sadd.s32 s6, s5  }
0xc: {  	s13 =	ssub.s32 s7, s20;
	s20 =	sadd.s32 s21, s2;
	s6 =	sor.u32 $0x1C09, s22  }
0xd: {  	s7 =	sadd.s32 s14, s3;
	s8 =	sadd.s32 s23, s3;
	s9 =	sadd.s32 s16, s3  }
0xe: {  	s10 =	sadd.s32 s17, s3;
	s11 =	sadd.s32 s18, s3;
	s14 =	sadd.s32 s14, s1  }
0xf: {  	s15 =	sadd.s32 $0x20E00, s12;
	s12 =	sadd.s32 $0x16E00, s12;
	s25 =	sadd.s32 s1, s16  }
0x10: {  	s26 =	sadd.s32 s1, s17;
	s21 =	simm.s32 $0x9;
	s22 =	simm.s32 $0xA000  }
0x11: {  	s5 =	sadd.s32 s5, s0;
	s0 =	sadd.s32 $0x96600, s0;
	[dreg:$0x5] =	wrdreg s15  }
0x12: {  	s14 =	sshrl.u32 s14, $0x3;
	[dreg:$0x6] =	wrdreg s12;
	s12 =	sshrl.u32 s26, $0x3  }
0x13: {  	s19 =	smax.u32 s13, $0x1;
	s20 =	sshrl.u32 s20, $0x3;
	s26 =	simm.s32 $0x5  }
0x14: {  	s5 =	sadd.s32 $0x79000, s5;
	s24 =	sadd.s32 s0, s14;
	s17 =	sadd.s32 s0, s12  }
0x15: {  	s12 =	simm.s32 $0x8;
	[dreg:$0x4] =	wrdreg s5;
	s5 =	sadd.s32 s1, s23  }
0x16: {  	[dreg:$0x7] =	wrdreg s24;
	s1 =	sadd.s32 s1, s18;
	s24 =	simm.s32 $0x80  }
0x17: {  	s23 =	simm.s32 $0x4;
	s5 =	sshrl.u32 s5, $0x3;
	s1 =	sshrl.u32 s1, $0x3  }
0x18: {  	s5 =	sadd.s32 s0, s5;
	s18 =	sadd.s32 s0, s1;
	s1 =	simm.s32 $0x3  }
0x19: {  	[dreg:$0x8] =	wrdreg s5;
	s5 =	sshrl.u32 s25, $0x3;
	s25 =	simm.s32 $0xB800  }
0x1a: {  	v0 =	vimm.f32 $0.0e+00;
	s16 =	sadd.s32 s0, s5;
	s0 =	simm.s32 $0x2;
	s5 =	simm.s32 $0x7  }
.LBB2_1:
0x1b: {  	s13 =	rddreg [dreg:$0x4]  }
0x1c: {  	[spmem:s20], [sflag:s6] =	dma.local [hbm:s13], $0xEA6  }
0x1d: {  	_ =	swait.ge [sflag:s21], $0xEA6  }
0x1e: {  	[sflag:s21] =	ssyncset.done $0x0  }
0x1f: {  	s14 =	simm.s32 $0x0;
	s13 =	simm.s32 $0xC0;
	[sflag:s21] =	ssyncadd.s32 $0xFFFFF15A  }
.LBB2_2:
0x20: {  	p0 =	sne.s32 s13, $0x5F40;
	[tilespmem:s14+$0xA020] =	vst v0;
	s15 =	smov.u32 s13;
	s13 =	sadd.s32 $0xC0, s13  }
.Ltmp0:
0x21: {  	[tilespmem:s14+$0xA000] =	vst v0;
	(pc) =	sbr.rel @p0 .LBB2_2-.Ltmp0, $2  }
0x22: {  	[tilespmem:s14+$0xA010] =	vst v0;
	_ =	sdelay $0x2  }
0x23: {  	s14 =	sshra.s32 s15, $0x2  }
0x24: {  	[tilespmem:s14+$0xA020] =	vst v0  }
0x25: {  	[tilespmem:s14+$0xA000] =	vst v0  }
0x26: {  	[tilespmem:s14+$0xA010] =	vst v0  }
0x27: {  	[spmem:s7] =	stream.linear.scatter [tilespmem:s22], [sflag:$0x9], $0x1800, $0x38;
	[tilespmem:$0x1ED30] =	vst v63  }
0x28: {  	_ =	swait.ge [sflag:s21], $0x1800  }
0x29: {  	[sflag:s21] =	ssyncset.done $0x0  }
0x2a: {  	[sflag:s21] =	ssyncadd.s32 $0xFFFFE800  }
0x2b: {  	[spmem:s8] =	stream.linear.scatter [tilespmem:s22], [sflag:$0x9], $0x1800, $0x38;
	[tilespmem:$0x1ED30] =	vst v63  }
0x2c: {  	_ =	swait.ge [sflag:s21], $0x1800  }
0x2d: {  	[sflag:s21] =	ssyncset.done $0x0  }
0x2e: {  	[sflag:s21] =	ssyncadd.s32 $0xFFFFE800  }
0x2f: {  	[spmem:s9] =	stream.linear.scatter [tilespmem:s22], [sflag:$0x9], $0x1800, $0x38;
	[tilespmem:$0x1ED30] =	vst v63  }
0x30: {  	_ =	swait.ge [sflag:s21], $0x1800  }
0x31: {  	[sflag:s21] =	ssyncset.done $0x0  }
0x32: {  	[sflag:s21] =	ssyncadd.s32 $0xFFFFE800  }
0x33: {  	[spmem:s10] =	stream.linear.scatter [tilespmem:s22], [sflag:$0x9], $0x1800, $0x38;
	[tilespmem:$0x1ED30] =	vst v63  }
0x34: {  	_ =	swait.ge [sflag:s21], $0x1800  }
0x35: {  	[sflag:s21] =	ssyncset.done $0x0  }
0x36: {  	[sflag:s21] =	ssyncadd.s32 $0xFFFFE800  }
0x37: {  	[spmem:s11] =	stream.linear.scatter [tilespmem:s22], [sflag:$0x9], $0x1800, $0x38;
	[tilespmem:$0x1ED30] =	vst v63  }
0x38: {  	_ =	swait.ge [sflag:s21], $0x1800  }
0x39: {  	[sflag:s21] =	ssyncset.done $0x0  }
0x3a: {  	s13 =	simm.s32 $0x0;
	s15 =	rddreg [dreg:$0x5];
	[sflag:s21] =	ssyncadd.s32 $0xFFFFE800  }
0x3b: {  	[tilespmem:s13], [sflag:$0x9] =	stream.linear.gather [hbm4b:s15+s13], $0x5000, $0x38;
	[tilespmem:$0x1ED30] =	vst v63  }
0x3c: {  	_ =	swait.ge [sflag:s21], $0x5000  }
0x3d: {  	[sflag:s21] =	ssyncset.done $0x0  }
0x3e: {  	s15 =	simm.s32 $0x5000;
	s14 =	rddreg [dreg:$0x6];
	[sflag:s21] =	ssyncadd.s32 $0xFFFFB000  }
0x3f: {  	[tilespmem:s15], [sflag:$0x9] =	stream.linear.gather [hbm4b:s14+s13], $0x5000, $0x38;
	[tilespmem:$0x1ED30] =	vst v63  }
0x40: {  	_ =	swait.ge [sflag:s21], $0x5000  }
0x41: {  	[sflag:s21] =	ssyncset.done $0x0  }
0x42: {  	[sflag:s21] =	ssyncadd.s32 $0xFFFFB000  }
0x43: {  	[bflag:$0x0] =	sbarrier.arrive $0xFFFF  }
0x44: {  	[tilespmem:s22], [sflag:$0x1] =	stream.indirect.gather [spmem:s2], $0x30, s13, s24, $0xb8;
	[tilespmem:$0x1ED30] =	vst v63  }
0x45: {  	_ = 	snop  }
0x46: {  	[tilespmem:s25], [sflag:$0x2] =	stream.indirect.gather [spmem:s2], $0x30, s24, s24, $0xb8;
	[tilespmem:$0x1ED30] =	vst v63  }
0x47: {  	s15 =	simm.s32 $0x100  }
0x48: {  	[tilespmem:s28], [sflag:$0x3] =	stream.indirect.gather [spmem:s2], $0x30, s15, s24, $0xb8;
	[tilespmem:$0x1ED30] =	vst v63  }
0x49: {  	s14 =	simm.s32 $0x180  }
0x4a: {  	[tilespmem:s30], [sflag:$0x4] =	stream.indirect.gather [spmem:s2], $0x30, s14, s24, $0xb8;
	[tilespmem:$0x1ED30] =	vst v63  }
0x4b: {  	_ =	swait.ge [sflag:s31], $0x1800  }
0x4c: {  	[sflag:s31] =	ssyncset.done $0x0  }
0x4d: {  	s15 =	simm.s32 $0x5000;
	[sflag:s31] =	ssyncadd.s32 $0xFFFFE800  }
0x4e: {  	[spmem:s3] =	stream.indirect.scatter.add.f32 [tilespmem:s22], [sflag:$0x5], $0x30, s15, s24, $0xb8;
	[tilespmem:$0x1ED30] =	vst v63  }
0x4f: {  	_ =	swait.ge [sflag:s0], $0x1800  }
0x50: {  	[sflag:s0] =	ssyncset.done $0x0  }
0x51: {  	s14 =	simm.s32 $0x5080;
	[sflag:s0] =	ssyncadd.s32 $0xFFFFE800  }
0x52: {  	[spmem:s3] =	stream.indirect.scatter.add.f32 [tilespmem:s25], [sflag:$0x6], $0x30, s14, s24, $0xb8;
	[tilespmem:$0x1ED30] =	vst v63  }
0x53: {  	_ =	swait.ge [sflag:s1], $0x1800  }
0x54: {  	[sflag:s1] =	ssyncset.done $0x0  }
0x55: {  	s15 =	simm.s32 $0x5100;
	[sflag:s1] =	ssyncadd.s32 $0xFFFFE800  }
0x56: {  	[spmem:s3] =	stream.indirect.scatter.add.f32 [tilespmem:s28], [sflag:$0x7], $0x30, s15, s24, $0xb8;
	[tilespmem:$0x1ED30] =	vst v63  }
0x57: {  	_ =	swait.ge [sflag:s23], $0x1800  }
0x58: {  	[sflag:s23] =	ssyncset.done $0x0  }
0x59: {  	s14 =	simm.s32 $0x5180;
	[sflag:s23] =	ssyncadd.s32 $0xFFFFE800  }
0x5a: {  	[spmem:s3] =	stream.indirect.scatter.add.f32 [tilespmem:s30], [sflag:$0x8], $0x30, s14, s24, $0xb8;
	[tilespmem:$0x1ED30] =	vst v63  }
0x5b: {  	_ =	swait.ge [sflag:s26], $0x1800  }
0x5c: {  	[sflag:s26] =	ssyncset.done $0x0  }
0x5d: {  	s15 =	simm.s32 $0x200;
	[sflag:s26] =	ssyncadd.s32 $0xFFFFE800  }
0x5e: {  	[tilespmem:s22], [sflag:$0x1] =	stream.indirect.gather [spmem:s2], $0x30, s15, s24, $0xb8;
	[tilespmem:$0x1ED30] =	vst v63  }
0x5f: {  	_ =	swait.ge [sflag:s29], $0x1800  }
0x60: {  	[sflag:s29] =	ssyncset.done $0x0  }
0x61: {  	s14 =	simm.s32 $0x280;
	[sflag:s29] =	ssyncadd.s32 $0xFFFFE800  }
0x62: {  	[tilespmem:s25], [sflag:$0x2] =	stream.indirect.gather [spmem:s2], $0x30, s14, s24, $0xb8;
	[tilespmem:$0x1ED30] =	vst v63  }
0x63: {  	_ =	swait.ge [sflag:s5], $0x1800  }
0x64: {  	[sflag:s5] =	ssyncset.done $0x0  }
0x65: {  	s15 =	simm.s32 $0x300;
	[sflag:s5] =	ssyncadd.s32 $0xFFFFE800  }
0x66: {  	[tilespmem:s28], [sflag:$0x3] =	stream.indirect.gather [spmem:s2], $0x30, s15, s24, $0xb8;
	[tilespmem:$0x1ED30] =	vst v63  }
0x67: {  	_ =	swait.ge [sflag:s12], $0x1800  }
0x68: {  	[sflag:s12] =	ssyncset.done $0x0  }
0x69: {  	s13 =	simm.s32 $0x800;
	s14 =	simm.s32 $0x380;
	[sflag:s12] =	ssyncadd.s32 $0xFFFFE800  }
.LBB2_4:
0x6a: {  	[tilespmem:s30], [sflag:$0x4] =	stream.indirect.gather [spmem:s2], $0x30, s14, s24, $0xb8;
	[tilespmem:$0x1ED30] =	vst v63  }
0x6b: {  	s14 =	smov.u32 s13  }
0x6c: {  	p0 =	sne.s32 s13, $0x13000;
	s13 =	sadd.s32 $0x800, s13;
	_ =	swait.ge [sflag:s31], $0x1800  }
0x6d: {  	s14 =	sshra.s32 s14, $0x2;
	[sflag:s31] =	ssyncset.done $0x0  }
0x6e: {  	s15 =	sadd.s32 $0x5000, s14;
	[sflag:s31] =	ssyncadd.s32 $0xFFFFE800  }
0x6f: {  	[spmem:s3] =	stream.indirect.scatter.add.f32 [tilespmem:s22], [sflag:$0x5], $0x30, s15, s24, $0xb8;
	[tilespmem:$0x1ED30] =	vst v63  }
0x70: {  	_ =	swait.ge [sflag:s0], $0x1800  }
0x71: {  	[sflag:s0] =	ssyncset.done $0x0  }
0x72: {  	s15 =	sadd.s32 $0x5080, s14;
	[sflag:s0] =	ssyncadd.s32 $0xFFFFE800  }
0x73: {  	[spmem:s3] =	stream.indirect.scatter.add.f32 [tilespmem:s25], [sflag:$0x6], $0x30, s15, s24, $0xb8;
	[tilespmem:$0x1ED30] =	vst v63  }
0x74: {  	_ =	swait.ge [sflag:s1], $0x1800  }
0x75: {  	[sflag:s1] =	ssyncset.done $0x0  }
0x76: {  	s15 =	sadd.s32 $0x5100, s14;
	[sflag:s1] =	ssyncadd.s32 $0xFFFFE800  }
0x77: {  	[spmem:s3] =	stream.indirect.scatter.add.f32 [tilespmem:s28], [sflag:$0x7], $0x30, s15, s24, $0xb8;
	[tilespmem:$0x1ED30] =	vst v63  }
0x78: {  	_ =	swait.ge [sflag:s23], $0x1800  }
0x79: {  	[sflag:s23] =	ssyncset.done $0x0  }
0x7a: {  	s15 =	sadd.s32 $0x5180, s14;
	[sflag:s23] =	ssyncadd.s32 $0xFFFFE800  }
0x7b: {  	[spmem:s3] =	stream.indirect.scatter.add.f32 [tilespmem:s30], [sflag:$0x8], $0x30, s15, s24, $0xb8;
	[tilespmem:$0x1ED30] =	vst v63  }
0x7c: {  	_ =	swait.ge [sflag:s26], $0x1800  }
0x7d: {  	[sflag:s26] =	ssyncset.done $0x0  }
0x7e: {  	s15 =	sadd.s32 $0x200, s14;
	[sflag:s26] =	ssyncadd.s32 $0xFFFFE800  }
0x7f: {  	[tilespmem:s22], [sflag:$0x1] =	stream.indirect.gather [spmem:s2], $0x30, s15, s24, $0xb8;
	[tilespmem:$0x1ED30] =	vst v63  }
0x80: {  	_ =	swait.ge [sflag:s29], $0x1800  }
0x81: {  	[sflag:s29] =	ssyncset.done $0x0  }
0x82: {  	s15 =	sadd.s32 $0x280, s14;
	[sflag:s29] =	ssyncadd.s32 $0xFFFFE800  }
0x83: {  	[tilespmem:s25], [sflag:$0x2] =	stream.indirect.gather [spmem:s2], $0x30, s15, s24, $0xb8;
	[tilespmem:$0x1ED30] =	vst v63  }
0x84: {  	_ =	swait.ge [sflag:s5], $0x1800  }
0x85: {  	[sflag:s5] =	ssyncset.done $0x0  }
.Ltmp1:
0x86: {  	s15 =	sadd.s32 $0x300, s14;
	[sflag:s5] =	ssyncadd.s32 $0xFFFFE800;
	(pc) =	sbr.rel @p0 .LBB2_4-.Ltmp1, $4  }
0x87: {  	[tilespmem:s28], [sflag:$0x3] =	stream.indirect.gather [spmem:s2], $0x30, s15, s24, $0xb8;
	[tilespmem:$0x1ED30] =	vst v63  }
0x88: {  	_ =	swait.ge [sflag:s12], $0x1800  }
0x89: {  	[sflag:s12] =	ssyncset.done $0x0  }
0x8a: {  	s14 =	sadd.s32 $0x380, s14;
	[sflag:s12] =	ssyncadd.s32 $0xFFFFE800  }
0x8b: {  	[tilespmem:s30], [sflag:$0x4] =	stream.indirect.gather [spmem:s2], $0x30, s14, s24, $0xb8;
	[tilespmem:$0x1ED30] =	vst v63  }
0x8c: {  	_ =	swait.ge [sflag:s31], $0x1800  }
0x8d: {  	[sflag:s31] =	ssyncset.done $0x0  }
0x8e: {  	s13 =	simm.s32 $0x9E00;
	[sflag:s31] =	ssyncadd.s32 $0xFFFFE800  }
0x8f: {  	[spmem:s3] =	stream.indirect.scatter.add.f32 [tilespmem:s22], [sflag:$0x5], $0x30, s13, s24, $0xb8;
	[tilespmem:$0x1ED30] =	vst v63  }
0x90: {  	_ =	swait.ge [sflag:s0], $0x1800  }
0x91: {  	[sflag:s0] =	ssyncset.done $0x0  }
0x92: {  	s15 =	simm.s32 $0x9E80;
	[sflag:s0] =	ssyncadd.s32 $0xFFFFE800  }
0x93: {  	[spmem:s3] =	stream.indirect.scatter.add.f32 [tilespmem:s25], [sflag:$0x6], $0x30, s15, s24, $0xb8;
	[tilespmem:$0x1ED30] =	vst v63  }
0x94: {  	_ =	swait.ge [sflag:s1], $0x1800  }
0x95: {  	[sflag:s1] =	ssyncset.done $0x0  }
0x96: {  	s14 =	simm.s32 $0x9F00;
	[sflag:s1] =	ssyncadd.s32 $0xFFFFE800  }
0x97: {  	[spmem:s3] =	stream.indirect.scatter.add.f32 [tilespmem:s28], [sflag:$0x7], $0x30, s14, s24, $0xb8;
	[tilespmem:$0x1ED30] =	vst v63  }
0x98: {  	_ =	swait.ge [sflag:s23], $0x1800  }
0x99: {  	[sflag:s23] =	ssyncset.done $0x0  }
0x9a: {  	s15 =	simm.s32 $0x9F80;
	[sflag:s23] =	ssyncadd.s32 $0xFFFFE800  }
0x9b: {  	[spmem:s3] =	stream.indirect.scatter.add.f32 [tilespmem:s30], [sflag:$0x8], $0x30, s15, s24, $0xb8;
	[tilespmem:$0x1ED30] =	vst v63  }
0x9c: {  	_ =	swait.ge [sflag:s26], $0x1800  }
0x9d: {  	[sflag:s26] =	ssyncset.done $0x0  }
0x9e: {  	[sflag:s26] =	ssyncadd.s32 $0xFFFFE800  }
0x9f: {  	_ =	swait.ge [sflag:s29], $0x1800  }
0xa0: {  	[sflag:s29] =	ssyncset.done $0x0  }
0xa1: {  	[sflag:s29] =	ssyncadd.s32 $0xFFFFE800  }
0xa2: {  	_ =	swait.ge [sflag:s5], $0x1800  }
0xa3: {  	[sflag:s5] =	ssyncset.done $0x0  }
0xa4: {  	[sflag:s5] =	ssyncadd.s32 $0xFFFFE800  }
0xa5: {  	_ =	swait.ge [sflag:s12], $0x1800  }
0xa6: {  	[sflag:s12] =	ssyncset.done $0x0  }
0xa7: {  	[sflag:s12] =	ssyncadd.s32 $0xFFFFE800  }
0xa8: {  	[bflag:$0x0] =	sbarrier.arrive $0xFFFF  }
0xa9: {  	s14 =	sshrl.u32 s7, $0x3;
	s15 =	rddreg [dreg:$0x7]  }
0xaa: {  	[hbm:s15], [sflag:s6] =	dma.local [spmem:s14], $0x300  }
0xab: {  	_ =	swait.ge [sflag:s21], $0x300  }
0xac: {  	[sflag:s21] =	ssyncset.done $0x0  }
0xad: {  	s14 =	sshrl.u32 s8, $0x3;
	s15 =	rddreg [dreg:$0x8];
	[sflag:s21] =	ssyncadd.s32 $0xFFFFFD00  }
0xae: {  	[hbm:s15], [sflag:s6] =	dma.local [spmem:s14], $0x300  }
0xaf: {  	_ =	swait.ge [sflag:s21], $0x300  }
0xb0: {  	[sflag:s21] =	ssyncset.done $0x0  }
0xb1: {  	s15 =	sshrl.u32 s9, $0x3;
	[sflag:s21] =	ssyncadd.s32 $0xFFFFFD00  }
0xb2: {  	[hbm:s16], [sflag:s6] =	dma.local [spmem:s15], $0x300  }
0xb3: {  	_ =	swait.ge [sflag:s21], $0x300  }
0xb4: {  	[sflag:s21] =	ssyncset.done $0x0  }
0xb5: {  	s14 =	sshrl.u32 s10, $0x3;
	[sflag:s21] =	ssyncadd.s32 $0xFFFFFD00  }
0xb6: {  	[hbm:s17], [sflag:s6] =	dma.local [spmem:s14], $0x300  }
0xb7: {  	s4 =	sadd.s32 $0x1, s4;
	_ =	swait.ge [sflag:s21], $0x300  }
0xb8: {  	p0 =	sne.s32 s4, s19;
	[sflag:s21] =	ssyncset.done $0x0  }
.Ltmp2:
0xb9: {  	s15 =	sshrl.u32 s11, $0x3;
	[sflag:s21] =	ssyncadd.s32 $0xFFFFFD00;
	(pc) =	sbr.rel @p0 .LBB2_1-.Ltmp2, $4  }
0xba: {  	[hbm:s18], [sflag:s6] =	dma.local [spmem:s15], $0x300  }
0xbb: {  	_ =	swait.ge [sflag:s21], $0x300  }
0xbc: {  	[sflag:s21] =	ssyncset.done $0x0  }
0xbd: {  	[sflag:s21] =	ssyncadd.s32 $0xFFFFFD00  }
0xbe: {  	_ =	sfence.sel $0x180000  }
0xbf: {  	[bflag:$0x0] =	sbarrier.arrive $0xFFFF  }
0xc0: {  	_ =	strace $0x90000050  }
0xc1: {  	s0 =	stileid.u32;
	[bflag:$0x2] =	sbarrier.arrive $0xFFFF  }
0xc2: {  	p0 =	sne.s32 s0, $0x0;
	s0 =	rddreg [dreg:$0x3]  }
0xc3: {  	s0 =	sadd.s32 @!p0 $0x100000, s0  }
0xc4: {  	[sflag:s0] =	ssyncadd.tile.s32 @!p0 $0x1;
	_ =	shalt  }
.Lfunc_end2:
_tile_overlayer_lowered:
.L_overlay_start_2:
0xc5: {  	(tag) =	ssettag $0x2  }
0xc6: {  	s0 =	rddreg [dreg:$0x0];
	s2 =	stileid.u32  }
0xc7: {  	s1 =	rddreg [dreg:$0x1];
	p0 =	sne.s32 s2, $0x0  }
0xc8: {  	s3 =	rddreg [dreg:$0x2];
	[bflag:$0x3] =	sbarrier.arrive $0xFFFF;
	s2 =	simm.s32 @!p0 $0x1C09  }
0xc9: {  	[timem:s3], [sflag:s2] =	dma.local @!p0 [hbm:s0], s1  }
0xca: {  	s0 =	simm.s32 @!p0 $0x9  }
0xcb: {  	_ =	swait.ge @!p0 [sflag:s0], s1  }
0xcc: {  	s1 =	ssub.s32 @!p0 $0x0, s1;
	[sflag:s0] =	ssyncset.done @!p0 $0x0  }
0xcd: {  	[sflag:s0] =	ssyncadd.s32 @!p0 s1  }
0xce: {  	[bflag:$0x3] =	sbarrier.arrive $0xFFFF  }
0xcf: {  	_ =	shalt  }

// kernel: kernel.24.cloned.1.call-start
scs
__scs_entry_jumppad:
0x0: {  	(pc) =	sbr.rel $0x88, $3  }
0x1: {  	(tag) =	ssettag $0x0;
	lr =	simm.s32 $0x1  }
0x2: {  	[smem:$0x3F92] =	sst lr;
	_ =	strace $0xD0000000  }
0x3: {  	_ = 	snop  }
0x4: {  	_ = 	snop  }
0x5: {  	_ = 	snop  }
0x6: {  	_ = 	snop  }
0x7: {  	_ = 	snop  }
__scs_overlays_trampoline_lowered:
0x8: {  	[smem:$0x3FA1] =	sst s0  }
0x9: {  	[smem:$0x3FA2] =	sst s1  }
0xa: {  	[smem:$0x3FA3] =	sst s2  }
0xb: {  	[smem:$0x3FA4] =	sst s3  }
0xc: {  	[smem:$0x3FA5] =	sst s4  }
0xd: {  	[smem:$0x3FA6] =	sst s5  }
0xe: {  	[smem:$0x3FA7] =	sst s6  }
0xf: {  	[smem:$0x3FA8] =	sst s7  }
0x10: {  	[smem:$0x3FA9] =	sst s8  }
0x11: {  	[smem:$0x3FAA] =	sst s9;
	s0 =	simm.s32 @!p0 $0x0  }
0x12: {  	s1 =	sld [smem:$0x3F90];
	s0 =	simm.s32 @p0 $0x1  }
0x13: {  	[smem:$0x3FAB] =	sst s0;
	s0 =	simm.s32 @!p1 $0x0  }
0x14: {  	s2 =	sld [smem:$0x3F8F];
	s0 =	simm.s32 @p1 $0x1  }
0x15: {  	[smem:$0x3FAC] =	sst s0;
	s0 =	simm.s32 @!p2 $0x0  }
0x16: {  	s3 =	sld [smem:$0x3FDB];
	s0 =	simm.s32 @p2 $0x1  }
0x17: {  	s4 =	simm.s32 $0x1BF5;
	[smem:$0x3FAE] =	sst s0  }
0x18: {  	s0 =	sld [smem:$0x3F91];
	_ =	swait.ge [sflag:s4], $0x0  }
0x19: {  	s7 =	sld [smem:$0x3F92]  }
0x1a: {  	s8 =	sadd.s32 $0xFFFFE003, lr  }
0x1b: {  	s9 =	sadd.s32 $0xFFFFFEF7, lr;
	s5 =	simm.s32 $0xFFFFFFFF;
	p2 =	slt.u32 s8, $0xFFFFF086  }
0x1c: {  	p1 =	slt.u32 s9, $0xF7A;
	s5 =	simm.s32 @!p2 $0x0  }
0x1d: {  	s5 =	simm.s32 @p1 $0x1;
	p0 =	seq.s32 s7, s2  }
0x1e: {  	s7 =	smul.u32 @!p0 $0xF7A, s2;
	p2 =	seq.s32 @!p0 s5, $0x0  }
0x1f: {  	s9 =	smul.u32 $0xF7A, s1;
	s8 =	simm.s32 @!p0 $0x1BF5;
	p2 =	por !p2, p0  }
0x20: {  	[sflag:s8] =	ssyncset.s32 @!p0 $0xFFFFF086;
	s6 =	sadd.s32 @!p0 s3, s7;
	s7 =	simm.s32 @!p0 $0x108  }
0x21: {  	s3 =	sadd.s32 s3, s9;
	s6 =	sadd.s32 @!p0 $0x88, s6;
	s7 =	simm.s32 @p2 $0x1082  }
0x22: {  	[simem:s7], [sflag:s8] =	dma.local @!p0 [hbm:s6], $0xF7A  }
0x23: {  	s9 =	sor.u32 $0xD0000000, s2;
	s6 =	simm.s32 $0x108;
	_ =	swait.ge @!p0 [sflag:s8], $0x0  }
0x24: {  	s3 =	sadd.s32 $0x88, s3;
	s6 =	simm.s32 @!p1 $0x1082;
	[sflag:s4] =	ssyncset.s32 $0xFFFFF086  }
0x25: {  	[simem:s6], [sflag:s4] =	dma.local [hbm:s3], $0xF7A  }
0x26: {  	[smem:$0x3F92] =	sst s1;
	(tag) =	ssettag s2;
	_ =	strace s9  }
0x27: {  	s1 =	sld [smem:$0x3FA2]  }
0x28: {  	s2 =	sld [smem:$0x3FA3]  }
0x29: {  	s4 =	sld [smem:$0x3FA5]  }
0x2a: {  	p0 =	seq.s32 s5, $0x0;
	s5 =	sld [smem:$0x3FA6]  }
0x2b: {  	s6 =	sld [smem:$0x3FA7]  }
0x2c: {  	s7 =	sld [smem:$0x3FA8]  }
0x2d: {  	s3 =	simm.s32 $0x108;
	s8 =	sld [smem:$0x3FA9]  }
0x2e: {  	s3 =	simm.s32 @!p0 $0x1082;
	s9 =	sld [smem:$0x3FAA]  }
0x2f: {  	lr =	sadd.s32 s0, s3;
	s0 =	sld [smem:$0x3FA1]  }
0x30: {  	s3 =	sld [smem:$0x3FA4]  }
0x31: {  	[smem:$0x3FAD] =	sst s10  }
0x32: {  	s10 =	sld [smem:$0x3FAB];
	_ =	sdelay $0x3  }
0x33: {  	p0 =	seq.s32 s10, $0x1;
	s10 =	sld [smem:$0x3FAD];
	_ =	sdelay $0x3  }
0x34: {  	[smem:$0x3FAD] =	sst s10  }
0x35: {  	s10 =	sld [smem:$0x3FAC];
	_ =	sdelay $0x3  }
0x36: {  	p1 =	seq.s32 s10, $0x1;
	s10 =	sld [smem:$0x3FAD];
	_ =	sdelay $0x3  }
0x37: {  	[smem:$0x3FAD] =	sst s10  }
0x38: {  	s10 =	sld [smem:$0x3FAE]  }
0x39: {  	_ = 	snop;
	(pc) =	sbr.ind lr, $3  }
0x3a: {  	_ = 	snop  }
0x3b: {  	_ = 	snop  }
0x3c: {  	p2 =	seq.s32 s10, $0x1;
	s10 =	sld [smem:$0x3FAD]  }
0x3d: {  	_ =	shalt  }
0x3e: {  	_ =	shalt  }
0x3f: {  	_ =	shalt  }
0x40: {  	_ =	shalt  }
0x41: {  	_ =	shalt  }
0x42: {  	_ =	shalt  }
0x43: {  	_ =	shalt  }
0x44: {  	_ =	shalt  }
0x45: {  	_ =	shalt  }
0x46: {  	_ =	shalt  }
0x47: {  	_ =	shalt  }
0x48: {  	_ =	shalt  }
0x49: {  	_ =	shalt  }
0x4a: {  	_ =	shalt  }
0x4b: {  	_ =	shalt  }
0x4c: {  	_ =	shalt  }
0x4d: {  	_ =	shalt  }
0x4e: {  	_ =	shalt  }
0x4f: {  	_ =	shalt  }
0x50: {  	_ =	shalt  }
0x51: {  	_ =	shalt  }
0x52: {  	_ =	shalt  }
0x53: {  	_ =	shalt  }
0x54: {  	_ =	shalt  }
0x55: {  	_ =	shalt  }
0x56: {  	_ =	shalt  }
0x57: {  	_ =	shalt  }
0x58: {  	_ =	shalt  }
0x59: {  	_ =	shalt  }
0x5a: {  	_ =	shalt  }
0x5b: {  	_ =	shalt  }
0x5c: {  	_ =	shalt  }
0x5d: {  	_ =	shalt  }
0x5e: {  	_ =	shalt  }
0x5f: {  	_ =	shalt  }
0x60: {  	_ =	shalt  }
0x61: {  	_ =	shalt  }
0x62: {  	_ =	shalt  }
0x63: {  	_ =	shalt  }
0x64: {  	_ =	shalt  }
0x65: {  	_ =	shalt  }
0x66: {  	_ =	shalt  }
0x67: {  	_ =	shalt  }
0x68: {  	_ =	shalt  }
0x69: {  	_ =	shalt  }
0x6a: {  	_ =	shalt  }
0x6b: {  	_ =	shalt  }
0x6c: {  	_ =	shalt  }
0x6d: {  	_ =	shalt  }
0x6e: {  	_ =	shalt  }
0x6f: {  	_ =	shalt  }
0x70: {  	_ =	shalt  }
0x71: {  	_ =	shalt  }
0x72: {  	_ =	shalt  }
0x73: {  	_ =	shalt  }
0x74: {  	_ =	shalt  }
0x75: {  	_ =	shalt  }
0x76: {  	_ =	shalt  }
0x77: {  	_ =	shalt  }
0x78: {  	_ =	shalt  }
0x79: {  	_ =	shalt  }
0x7a: {  	_ =	shalt  }
0x7b: {  	_ =	shalt  }
0x7c: {  	_ =	shalt  }
0x7d: {  	_ =	shalt  }
0x7e: {  	_ =	shalt  }
0x7f: {  	_ =	shalt  }
0x80: {  	_ =	shalt  }
0x81: {  	_ =	shalt  }
0x82: {  	_ =	shalt  }
0x83: {  	_ =	shalt  }
0x84: {  	_ =	shalt  }
0x85: {  	_ =	shalt  }
0x86: {  	_ =	shalt  }
0x87: {  	_ =	shalt  }
.Lfunc_end0:
.L_simem_size_0:
called_computation.4_lowered:
.L_overlay_start_0:
0x88: {  	s2 =	sld [smem:$0x3FD9]  }
0x89: {  	s3 =	sld [smem:$0x3FFE];
	_ =	sdelay $0x1  }
0x8a: {  	s1 =	srdreg.scid  }
0x8b: {  	s0 =	sand.u32 $0x1, s1  }
0x8c: {  	s16 =	sshll.u32 s0, $0xA;
	s2 =	sadd.s32 s3, s2  }
0x8d: {  	s2 =	sadd.s32 s2, s16  }
0x8e: {  	[smem:$0x3FB9] =	sst s2  }
0x8f: {  	_ = 	snop  }
0x90: {  	(tm) =	ssettm $0x1  }
0x91: {  	s17 =	sld [smem:$0x3FFB];
	_ =	sdelay $0x3  }
0x92: {  	_ =	strace s17  }
0x93: {  	s2 =	sld [smem:$0x3FFC];
	_ =	sdelay $0x3  }
0x94: {  	_ =	strace s2  }
0x95: {  	s2 =	sld [smem:$0x3FFD];
	_ =	sdelay $0x3  }
0x96: {  	_ =	strace s2  }
0x97: {  	_ =	strace $0x8FFFFFFF  }
0x98: {  	s18 =	sld [smem:$0x3FDB];
	_ =	sdelay $0x1  }
0x99: {  	s19 =	simm.s32 $_scs_section_size  }
0x9a: {  	s4 =	simm.s32 $_size__tile_overlayer_lowered;
	s5 =	simm.s32 $_tile_overlayer_lowered  }
0x9b: {  	s22 =	simm.s32 $0x1BFF;
	s21 =	sshll.u32 s5, $0x1;
	s2 =	sadd.s32 s19, s18  }
0x9c: {  	s6 =	simm.s32 $0x0;
	s20 =	sshll.u32 s4, $0x1;
	s4 =	sadd.s32 s21, s2  }
0x9d: {  	[timem:s6], [sflag:s22] =	dma.local [hbm:s4], s20  }
0x9e: {  	_ =	swait.ge [sflag:s22], s20  }
0x9f: {  	s3 =	ssub.s32 $0x0, s20;
	[sflag:s22] =	ssyncset.done $0x0  }
0xa0: {  	[sflag:s22] =	ssyncadd.s32 s3;
	_ =	sdelay $0x1  }
0xa1: {  	s23 =	simm.s32 $0x1B8B  }
0xa2: {  	_ =	swait.ge [sflag:s23], $0x1  }
0xa3: {  	[sflag:s23] =	ssyncset.done $0x0  }
0xa4: {  	s25 =	simm.s32 $0x1B8E;
	s24 =	sld [smem:$0x3FFE];
	[sflag:s23] =	ssyncadd.s32 $0xFFFFFFFF  }
0xa5: {  	s26 =	simm.s32 $execute0_lowered;
	[smem:$0x3FD2] =	sst s25  }
0xa6: {  	s4 =	sshll.u32 s26, $0x1;
	_ =	strace $0x80000052;
	[dreg:$0x1] =	wrdreg $0xFFFFFFFF  }
0xa7: {  	s28 =	simm.s32 $_size_execute0_lowered;
	s2 =	sadd.s32 s2, s4;
	[dreg:$0x0] =	wrdreg $0x0  }
0xa8: {  	s4 =	sshll.u32 s28, $0x1;
	[dreg:$0x2] =	wrdreg s2  }
0xa9: {  	[dreg:$0x3] =	wrdreg s4  }
0xaa: {  	[dreg:$0x4] =	wrdreg $0xC0  }
0xab: {  	_ =	task [dreg:s6], $0x5FFFF  }
0xac: {  	[dreg:$0x1] =	wrdreg $0xFFFFFFFF  }
0xad: {  	[dreg:$0x0] =	wrdreg $0x60  }
0xae: {  	[dreg:$0x2] =	wrdreg s24  }
0xaf: {  	[dreg:$0x3] =	wrdreg $0x100000  }
0xb0: {  	[dreg:$0x4] =	wrdreg $0x175300  }
0xb1: {  	[dreg:$0x5] =	wrdreg $0x9  }
0xb2: {  	_ =	task.clear_ibuf [dreg:s6], $0x6FFFF;
	_ =	strace $0x90000052  }
0xb3: {  	s29 =	simm.s32 $0x9;
	_ =	strace $0x80000054  }
0xb4: {  	_ =	swait.ge [sflag:s29], $0x1  }
0xb5: {  	[sflag:s29] =	ssyncadd.s32 $0xFFFFFFFF  }
0xb6: {  	_ =	strace $0x90000054  }
0xb7: {  	_ =	sfence  }
0xb8: {  	s30 =	sld [smem:$0x0];
	_ =	sdelay $0x2  }
0xb9: {  	s31 =	sshll.u32 s1, $0xD;
	s1 =	sshrl.u32 s1, $0x2  }
0xba: {  	s3 =	sand.u32 $0x4000, s31;
	s1 =	sadd.s32 s1, s30  }
0xbb: {  	s0 =	sor.u32 s3, s0;
	s1 =	sshll.u32 s1, $0x11  }
0xbc: {  	s0 =	sor.u32 s1, s0  }
0xbd: {  	s0 =	sadd.s32 $0x8F2B, s0  }
0xbe: {  	[sflag:s0] =	ssyncadd.remote.s32 $0x1  }
0xbf: {  	_ =	sfence.sel $0xFFFF  }
0xc0: {  	[dreg:$0x0] =	wrdreg $0xFFFFFFFF;
	(pc) =	sbr.abs _section_cstart, $3  }
0xc1: {  	[dreg:$0x1] =	wrdreg $0xFFFFFFFF  }
0xc2: {  	_ =	task.clear_ibuf [dreg:s6], $0x2FFFF;
	_ =	strace $0x9FFFFFFF  }
0xc3: {  	(tm) =	ssettm $0x7FFFFFFF  }
tec
execute0_lowered:
.L_overlay_start_1:
0x0: {  	(tag) =	ssettag $0x1  }
0x1: {  	s0 =	rddreg [dreg:$0x0]  }
0x2: {  	s2 =	rddreg [dreg:$0x1];
	s1 =	srdreg.scid  }
0x3: {  	s3 =	rddreg [dreg:$0x2];
	s9 =	stileid.u32  }
0x4: {  	s4 =	simm.s32 $0x0;
	s28 =	simm.s32 $0xD000;
	s6 =	smul.u32 $0xEA6, s9  }
0x5: {  	s30 =	simm.s32 $0xE800;
	s31 =	simm.s32 $0x1;
	s19 =	smul.u32 $0xA00, s9  }
0x6: {  	s29 =	simm.s32 $0x6;
	s1 =	sand.u32 $0x1, s1;
	s8 =	smul.u32 $0x1D4C0, s9  }
0x7: {  	[smem:$0x7FF] =	sst s4;
	s14 =	smul.u32 $0x7800, s9;
	s22 =	sshll.u32 s9, $0x6  }
0x8: {  	s5 =	smul.u32 $0xEA60, s1;
	_ =	strace $0x80000053;
	s7 =	ssub.s32 $0x2, s1  }
0x9: {  	s1 =	smul.u32 $0x78000, s1;
	s12 =	sadd.s32 s19, s0;
	s20 =	sshrl.u32 s7, $0x1  }
0xa: {  	s21 =	sshrl.u32 s8, $0x2;
	s23 =	sadd.s32 $0x1800, s14;
	s16 =	sadd.s32 $0x3000, s14  }
0xb: {  	s17 =	sadd.s32 $0x4800, s14;
	s18 =	sadd.s32 $0x6000, s14;
	s5 =	sadd.s32 s6, s5  }
0xc: {  	s13 =	ssub.s32 s7, s20;
	s20 =	sadd.s32 s21, s2;
	s6 =	sor.u32 $0x1C09, s22  }
0xd: {  	s7 =	sadd.s32 s14, s3;
	s8 =	sadd.s32 s23, s3;
	s9 =	sadd.s32 s16, s3  }
0xe: {  	s10 =	sadd.s32 s17, s3;
	s11 =	sadd.s32 s18, s3;
	s14 =	sadd.s32 s14, s1  }
0xf: {  	s15 =	sadd.s32 $0x20E00, s12;
	s12 =	sadd.s32 $0x16E00, s12;
	s25 =	sadd.s32 s1, s16  }
0x10: {  	s26 =	sadd.s32 s1, s17;
	s21 =	simm.s32 $0x9;
	s22 =	simm.s32 $0xA000  }
0x11: {  	s5 =	sadd.s32 s5, s0;
	s0 =	sadd.s32 $0x96600, s0;
	[dreg:$0x5] =	wrdreg s15  }
0x12: {  	s14 =	sshrl.u32 s14, $0x3;
	[dreg:$0x6] =	wrdreg s12;
	s12 =	sshrl.u32 s26, $0x3  }
0x13: {  	s19 =	smax.u32 s13, $0x1;
	s20 =	sshrl.u32 s20, $0x3;
	s26 =	simm.s32 $0x5  }
0x14: {  	s5 =	sadd.s32 $0x79000, s5;
	s24 =	sadd.s32 s0, s14;
	s17 =	sadd.s32 s0, s12  }
0x15: {  	s12 =	simm.s32 $0x8;
	[dreg:$0x4] =	wrdreg s5;
	s5 =	sadd.s32 s1, s23  }
0x16: {  	[dreg:$0x7] =	wrdreg s24;
	s1 =	sadd.s32 s1, s18;
	s24 =	simm.s32 $0x80  }
0x17: {  	s23 =	simm.s32 $0x4;
	s5 =	sshrl.u32 s5, $0x3;
	s1 =	sshrl.u32 s1, $0x3  }
0x18: {  	s5 =	sadd.s32 s0, s5;
	s18 =	sadd.s32 s0, s1;
	s1 =	simm.s32 $0x3  }
0x19: {  	[dreg:$0x8] =	wrdreg s5;
	s5 =	sshrl.u32 s25, $0x3;
	s25 =	simm.s32 $0xB800  }
0x1a: {  	v0 =	vimm.f32 $0.0e+00;
	s16 =	sadd.s32 s0, s5;
	s0 =	simm.s32 $0x2;
	s5 =	simm.s32 $0x7  }
.LBB2_1:
0x1b: {  	s13 =	rddreg [dreg:$0x4]  }
0x1c: {  	[spmem:s20], [sflag:s6] =	dma.local [hbm:s13], $0xEA6  }
0x1d: {  	_ =	swait.ge [sflag:s21], $0xEA6  }
0x1e: {  	[sflag:s21] =	ssyncset.done $0x0  }
0x1f: {  	s14 =	simm.s32 $0x0;
	s13 =	simm.s32 $0xC0;
	[sflag:s21] =	ssyncadd.s32 $0xFFFFF15A  }
.LBB2_2:
0x20: {  	p0 =	sne.s32 s13, $0x5F40;
	[tilespmem:s14+$0xA020] =	vst v0;
	s15 =	smov.u32 s13;
	s13 =	sadd.s32 $0xC0, s13  }
.Ltmp0:
0x21: {  	[tilespmem:s14+$0xA000] =	vst v0;
	(pc) =	sbr.rel @p0 .LBB2_2-.Ltmp0, $2  }
0x22: {  	[tilespmem:s14+$0xA010] =	vst v0;
	_ =	sdelay $0x2  }
0x23: {  	s14 =	sshra.s32 s15, $0x2  }
0x24: {  	[tilespmem:s14+$0xA020] =	vst v0  }
0x25: {  	[tilespmem:s14+$0xA000] =	vst v0  }
0x26: {  	[tilespmem:s14+$0xA010] =	vst v0  }
0x27: {  	[spmem:s7] =	stream.linear.scatter [tilespmem:s22], [sflag:$0x9], $0x1800, $0x38;
	[tilespmem:$0x1ED30] =	vst v63  }
0x28: {  	_ =	swait.ge [sflag:s21], $0x1800  }
0x29: {  	[sflag:s21] =	ssyncset.done $0x0  }
0x2a: {  	[sflag:s21] =	ssyncadd.s32 $0xFFFFE800  }
0x2b: {  	[spmem:s8] =	stream.linear.scatter [tilespmem:s22], [sflag:$0x9], $0x1800, $0x38;
	[tilespmem:$0x1ED30] =	vst v63  }
0x2c: {  	_ =	swait.ge [sflag:s21], $0x1800  }
0x2d: {  	[sflag:s21] =	ssyncset.done $0x0  }
0x2e: {  	[sflag:s21] =	ssyncadd.s32 $0xFFFFE800  }
0x2f: {  	[spmem:s9] =	stream.linear.scatter [tilespmem:s22], [sflag:$0x9], $0x1800, $0x38;
	[tilespmem:$0x1ED30] =	vst v63  }
0x30: {  	_ =	swait.ge [sflag:s21], $0x1800  }
0x31: {  	[sflag:s21] =	ssyncset.done $0x0  }
0x32: {  	[sflag:s21] =	ssyncadd.s32 $0xFFFFE800  }
0x33: {  	[spmem:s10] =	stream.linear.scatter [tilespmem:s22], [sflag:$0x9], $0x1800, $0x38;
	[tilespmem:$0x1ED30] =	vst v63  }
0x34: {  	_ =	swait.ge [sflag:s21], $0x1800  }
0x35: {  	[sflag:s21] =	ssyncset.done $0x0  }
0x36: {  	[sflag:s21] =	ssyncadd.s32 $0xFFFFE800  }
0x37: {  	[spmem:s11] =	stream.linear.scatter [tilespmem:s22], [sflag:$0x9], $0x1800, $0x38;
	[tilespmem:$0x1ED30] =	vst v63  }
0x38: {  	_ =	swait.ge [sflag:s21], $0x1800  }
0x39: {  	[sflag:s21] =	ssyncset.done $0x0  }
0x3a: {  	s13 =	simm.s32 $0x0;
	s15 =	rddreg [dreg:$0x5];
	[sflag:s21] =	ssyncadd.s32 $0xFFFFE800  }
0x3b: {  	[tilespmem:s13], [sflag:$0x9] =	stream.linear.gather [hbm4b:s15+s13], $0x5000, $0x38;
	[tilespmem:$0x1ED30] =	vst v63  }
0x3c: {  	_ =	swait.ge [sflag:s21], $0x5000  }
0x3d: {  	[sflag:s21] =	ssyncset.done $0x0  }
0x3e: {  	s15 =	simm.s32 $0x5000;
	s14 =	rddreg [dreg:$0x6];
	[sflag:s21] =	ssyncadd.s32 $0xFFFFB000  }
0x3f: {  	[tilespmem:s15], [sflag:$0x9] =	stream.linear.gather [hbm4b:s14+s13], $0x5000, $0x38;
	[tilespmem:$0x1ED30] =	vst v63  }
0x40: {  	_ =	swait.ge [sflag:s21], $0x5000  }
0x41: {  	[sflag:s21] =	ssyncset.done $0x0  }
0x42: {  	[sflag:s21] =	ssyncadd.s32 $0xFFFFB000  }
0x43: {  	[bflag:$0x0] =	sbarrier.arrive $0xFFFF  }
0x44: {  	[tilespmem:s22], [sflag:$0x1] =	stream.indirect.gather [spmem:s2], $0x30, s13, s24, $0xb8;
	[tilespmem:$0x1ED30] =	vst v63  }
0x45: {  	_ = 	snop  }
0x46: {  	[tilespmem:s25], [sflag:$0x2] =	stream.indirect.gather [spmem:s2], $0x30, s24, s24, $0xb8;
	[tilespmem:$0x1ED30] =	vst v63  }
0x47: {  	s15 =	simm.s32 $0x100  }
0x48: {  	[tilespmem:s28], [sflag:$0x3] =	stream.indirect.gather [spmem:s2], $0x30, s15, s24, $0xb8;
	[tilespmem:$0x1ED30] =	vst v63  }
0x49: {  	s14 =	simm.s32 $0x180  }
0x4a: {  	[tilespmem:s30], [sflag:$0x4] =	stream.indirect.gather [spmem:s2], $0x30, s14, s24, $0xb8;
	[tilespmem:$0x1ED30] =	vst v63  }
0x4b: {  	_ =	swait.ge [sflag:s31], $0x1800  }
0x4c: {  	[sflag:s31] =	ssyncset.done $0x0  }
0x4d: {  	s15 =	simm.s32 $0x5000;
	[sflag:s31] =	ssyncadd.s32 $0xFFFFE800  }
0x4e: {  	[spmem:s3] =	stream.indirect.scatter.add.f32 [tilespmem:s22], [sflag:$0x5], $0x30, s15, s24, $0xb8;
	[tilespmem:$0x1ED30] =	vst v63  }
0x4f: {  	_ =	swait.ge [sflag:s0], $0x1800  }
0x50: {  	[sflag:s0] =	ssyncset.done $0x0  }
0x51: {  	s14 =	simm.s32 $0x5080;
	[sflag:s0] =	ssyncadd.s32 $0xFFFFE800  }
0x52: {  	[spmem:s3] =	stream.indirect.scatter.add.f32 [tilespmem:s25], [sflag:$0x6], $0x30, s14, s24, $0xb8;
	[tilespmem:$0x1ED30] =	vst v63  }
0x53: {  	_ =	swait.ge [sflag:s1], $0x1800  }
0x54: {  	[sflag:s1] =	ssyncset.done $0x0  }
0x55: {  	s15 =	simm.s32 $0x5100;
	[sflag:s1] =	ssyncadd.s32 $0xFFFFE800  }
0x56: {  	[spmem:s3] =	stream.indirect.scatter.add.f32 [tilespmem:s28], [sflag:$0x7], $0x30, s15, s24, $0xb8;
	[tilespmem:$0x1ED30] =	vst v63  }
0x57: {  	_ =	swait.ge [sflag:s23], $0x1800  }
0x58: {  	[sflag:s23] =	ssyncset.done $0x0  }
0x59: {  	s14 =	simm.s32 $0x5180;
	[sflag:s23] =	ssyncadd.s32 $0xFFFFE800  }
0x5a: {  	[spmem:s3] =	stream.indirect.scatter.add.f32 [tilespmem:s30], [sflag:$0x8], $0x30, s14, s24, $0xb8;
	[tilespmem:$0x1ED30] =	vst v63  }
0x5b: {  	_ =	swait.ge [sflag:s26], $0x1800  }
0x5c: {  	[sflag:s26] =	ssyncset.done $0x0  }
0x5d: {  	s15 =	simm.s32 $0x200;
	[sflag:s26] =	ssyncadd.s32 $0xFFFFE800  }
0x5e: {  	[tilespmem:s22], [sflag:$0x1] =	stream.indirect.gather [spmem:s2], $0x30, s15, s24, $0xb8;
	[tilespmem:$0x1ED30] =	vst v63  }
0x5f: {  	_ =	swait.ge [sflag:s29], $0x1800  }
0x60: {  	[sflag:s29] =	ssyncset.done $0x0  }
0x61: {  	s14 =	simm.s32 $0x280;
	[sflag:s29] =	ssyncadd.s32 $0xFFFFE800  }
0x62: {  	[tilespmem:s25], [sflag:$0x2] =	stream.indirect.gather [spmem:s2], $0x30, s14, s24, $0xb8;
	[tilespmem:$0x1ED30] =	vst v63  }
0x63: {  	_ =	swait.ge [sflag:s5], $0x1800  }
0x64: {  	[sflag:s5] =	ssyncset.done $0x0  }
0x65: {  	s15 =	simm.s32 $0x300;
	[sflag:s5] =	ssyncadd.s32 $0xFFFFE800  }
0x66: {  	[tilespmem:s28], [sflag:$0x3] =	stream.indirect.gather [spmem:s2], $0x30, s15, s24, $0xb8;
	[tilespmem:$0x1ED30] =	vst v63  }
0x67: {  	_ =	swait.ge [sflag:s12], $0x1800  }
0x68: {  	[sflag:s12] =	ssyncset.done $0x0  }
0x69: {  	s13 =	simm.s32 $0x800;
	s14 =	simm.s32 $0x380;
	[sflag:s12] =	ssyncadd.s32 $0xFFFFE800  }
.LBB2_4:
0x6a: {  	[tilespmem:s30], [sflag:$0x4] =	stream.indirect.gather [spmem:s2], $0x30, s14, s24, $0xb8;
	[tilespmem:$0x1ED30] =	vst v63  }
0x6b: {  	s14 =	smov.u32 s13  }
0x6c: {  	p0 =	sne.s32 s13, $0x13000;
	s13 =	sadd.s32 $0x800, s13;
	_ =	swait.ge [sflag:s31], $0x1800  }
0x6d: {  	s14 =	sshra.s32 s14, $0x2;
	[sflag:s31] =	ssyncset.done $0x0  }
0x6e: {  	s15 =	sadd.s32 $0x5000, s14;
	[sflag:s31] =	ssyncadd.s32 $0xFFFFE800  }
0x6f: {  	[spmem:s3] =	stream.indirect.scatter.add.f32 [tilespmem:s22], [sflag:$0x5], $0x30, s15, s24, $0xb8;
	[tilespmem:$0x1ED30] =	vst v63  }
0x70: {  	_ =	swait.ge [sflag:s0], $0x1800  }
0x71: {  	[sflag:s0] =	ssyncset.done $0x0  }
0x72: {  	s15 =	sadd.s32 $0x5080, s14;
	[sflag:s0] =	ssyncadd.s32 $0xFFFFE800  }
0x73: {  	[spmem:s3] =	stream.indirect.scatter.add.f32 [tilespmem:s25], [sflag:$0x6], $0x30, s15, s24, $0xb8;
	[tilespmem:$0x1ED30] =	vst v63  }
0x74: {  	_ =	swait.ge [sflag:s1], $0x1800  }
0x75: {  	[sflag:s1] =	ssyncset.done $0x0  }
0x76: {  	s15 =	sadd.s32 $0x5100, s14;
	[sflag:s1] =	ssyncadd.s32 $0xFFFFE800  }
0x77: {  	[spmem:s3] =	stream.indirect.scatter.add.f32 [tilespmem:s28], [sflag:$0x7], $0x30, s15, s24, $0xb8;
	[tilespmem:$0x1ED30] =	vst v63  }
0x78: {  	_ =	swait.ge [sflag:s23], $0x1800  }
0x79: {  	[sflag:s23] =	ssyncset.done $0x0  }
0x7a: {  	s15 =	sadd.s32 $0x5180, s14;
	[sflag:s23] =	ssyncadd.s32 $0xFFFFE800  }
0x7b: {  	[spmem:s3] =	stream.indirect.scatter.add.f32 [tilespmem:s30], [sflag:$0x8], $0x30, s15, s24, $0xb8;
	[tilespmem:$0x1ED30] =	vst v63  }
0x7c: {  	_ =	swait.ge [sflag:s26], $0x1800  }
0x7d: {  	[sflag:s26] =	ssyncset.done $0x0  }
0x7e: {  	s15 =	sadd.s32 $0x200, s14;
	[sflag:s26] =	ssyncadd.s32 $0xFFFFE800  }
0x7f: {  	[tilespmem:s22], [sflag:$0x1] =	stream.indirect.gather [spmem:s2], $0x30, s15, s24, $0xb8;
	[tilespmem:$0x1ED30] =	vst v63  }
0x80: {  	_ =	swait.ge [sflag:s29], $0x1800  }
0x81: {  	[sflag:s29] =	ssyncset.done $0x0  }
0x82: {  	s15 =	sadd.s32 $0x280, s14;
	[sflag:s29] =	ssyncadd.s32 $0xFFFFE800  }
0x83: {  	[tilespmem:s25], [sflag:$0x2] =	stream.indirect.gather [spmem:s2], $0x30, s15, s24, $0xb8;
	[tilespmem:$0x1ED30] =	vst v63  }
0x84: {  	_ =	swait.ge [sflag:s5], $0x1800  }
0x85: {  	[sflag:s5] =	ssyncset.done $0x0  }
.Ltmp1:
0x86: {  	s15 =	sadd.s32 $0x300, s14;
	[sflag:s5] =	ssyncadd.s32 $0xFFFFE800;
	(pc) =	sbr.rel @p0 .LBB2_4-.Ltmp1, $4  }
0x87: {  	[tilespmem:s28], [sflag:$0x3] =	stream.indirect.gather [spmem:s2], $0x30, s15, s24, $0xb8;
	[tilespmem:$0x1ED30] =	vst v63  }
0x88: {  	_ =	swait.ge [sflag:s12], $0x1800  }
0x89: {  	[sflag:s12] =	ssyncset.done $0x0  }
0x8a: {  	s14 =	sadd.s32 $0x380, s14;
	[sflag:s12] =	ssyncadd.s32 $0xFFFFE800  }
0x8b: {  	[tilespmem:s30], [sflag:$0x4] =	stream.indirect.gather [spmem:s2], $0x30, s14, s24, $0xb8;
	[tilespmem:$0x1ED30] =	vst v63  }
0x8c: {  	_ =	swait.ge [sflag:s31], $0x1800  }
0x8d: {  	[sflag:s31] =	ssyncset.done $0x0  }
0x8e: {  	s13 =	simm.s32 $0x9E00;
	[sflag:s31] =	ssyncadd.s32 $0xFFFFE800  }
0x8f: {  	[spmem:s3] =	stream.indirect.scatter.add.f32 [tilespmem:s22], [sflag:$0x5], $0x30, s13, s24, $0xb8;
	[tilespmem:$0x1ED30] =	vst v63  }
0x90: {  	_ =	swait.ge [sflag:s0], $0x1800  }
0x91: {  	[sflag:s0] =	ssyncset.done $0x0  }
0x92: {  	s15 =	simm.s32 $0x9E80;
	[sflag:s0] =	ssyncadd.s32 $0xFFFFE800  }
0x93: {  	[spmem:s3] =	stream.indirect.scatter.add.f32 [tilespmem:s25], [sflag:$0x6], $0x30, s15, s24, $0xb8;
	[tilespmem:$0x1ED30] =	vst v63  }
0x94: {  	_ =	swait.ge [sflag:s1], $0x1800  }
0x95: {  	[sflag:s1] =	ssyncset.done $0x0  }
0x96: {  	s14 =	simm.s32 $0x9F00;
	[sflag:s1] =	ssyncadd.s32 $0xFFFFE800  }
0x97: {  	[spmem:s3] =	stream.indirect.scatter.add.f32 [tilespmem:s28], [sflag:$0x7], $0x30, s14, s24, $0xb8;
	[tilespmem:$0x1ED30] =	vst v63  }
0x98: {  	_ =	swait.ge [sflag:s23], $0x1800  }
0x99: {  	[sflag:s23] =	ssyncset.done $0x0  }
0x9a: {  	s15 =	simm.s32 $0x9F80;
	[sflag:s23] =	ssyncadd.s32 $0xFFFFE800  }
0x9b: {  	[spmem:s3] =	stream.indirect.scatter.add.f32 [tilespmem:s30], [sflag:$0x8], $0x30, s15, s24, $0xb8;
	[tilespmem:$0x1ED30] =	vst v63  }
0x9c: {  	_ =	swait.ge [sflag:s26], $0x1800  }
0x9d: {  	[sflag:s26] =	ssyncset.done $0x0  }
0x9e: {  	[sflag:s26] =	ssyncadd.s32 $0xFFFFE800  }
0x9f: {  	_ =	swait.ge [sflag:s29], $0x1800  }
0xa0: {  	[sflag:s29] =	ssyncset.done $0x0  }
0xa1: {  	[sflag:s29] =	ssyncadd.s32 $0xFFFFE800  }
0xa2: {  	_ =	swait.ge [sflag:s5], $0x1800  }
0xa3: {  	[sflag:s5] =	ssyncset.done $0x0  }
0xa4: {  	[sflag:s5] =	ssyncadd.s32 $0xFFFFE800  }
0xa5: {  	_ =	swait.ge [sflag:s12], $0x1800  }
0xa6: {  	[sflag:s12] =	ssyncset.done $0x0  }
0xa7: {  	[sflag:s12] =	ssyncadd.s32 $0xFFFFE800  }
0xa8: {  	[bflag:$0x0] =	sbarrier.arrive $0xFFFF  }
0xa9: {  	s14 =	sshrl.u32 s7, $0x3;
	s15 =	rddreg [dreg:$0x7]  }
0xaa: {  	[hbm:s15], [sflag:s6] =	dma.local [spmem:s14], $0x300  }
0xab: {  	_ =	swait.ge [sflag:s21], $0x300  }
0xac: {  	[sflag:s21] =	ssyncset.done $0x0  }
0xad: {  	s14 =	sshrl.u32 s8, $0x3;
	s15 =	rddreg [dreg:$0x8];
	[sflag:s21] =	ssyncadd.s32 $0xFFFFFD00  }
0xae: {  	[hbm:s15], [sflag:s6] =	dma.local [spmem:s14], $0x300  }
0xaf: {  	_ =	swait.ge [sflag:s21], $0x300  }
0xb0: {  	[sflag:s21] =	ssyncset.done $0x0  }
0xb1: {  	s15 =	sshrl.u32 s9, $0x3;
	[sflag:s21] =	ssyncadd.s32 $0xFFFFFD00  }
0xb2: {  	[hbm:s16], [sflag:s6] =	dma.local [spmem:s15], $0x300  }
0xb3: {  	_ =	swait.ge [sflag:s21], $0x300  }
0xb4: {  	[sflag:s21] =	ssyncset.done $0x0  }
0xb5: {  	s14 =	sshrl.u32 s10, $0x3;
	[sflag:s21] =	ssyncadd.s32 $0xFFFFFD00  }
0xb6: {  	[hbm:s17], [sflag:s6] =	dma.local [spmem:s14], $0x300  }
0xb7: {  	s4 =	sadd.s32 $0x1, s4;
	_ =	swait.ge [sflag:s21], $0x300  }
0xb8: {  	p0 =	sne.s32 s4, s19;
	[sflag:s21] =	ssyncset.done $0x0  }
.Ltmp2:
0xb9: {  	s15 =	sshrl.u32 s11, $0x3;
	[sflag:s21] =	ssyncadd.s32 $0xFFFFFD00;
	(pc) =	sbr.rel @p0 .LBB2_1-.Ltmp2, $4  }
0xba: {  	[hbm:s18], [sflag:s6] =	dma.local [spmem:s15], $0x300  }
0xbb: {  	_ =	swait.ge [sflag:s21], $0x300  }
0xbc: {  	[sflag:s21] =	ssyncset.done $0x0  }
0xbd: {  	[sflag:s21] =	ssyncadd.s32 $0xFFFFFD00  }
0xbe: {  	_ =	sfence.sel $0x180000  }
0xbf: {  	[bflag:$0x0] =	sbarrier.arrive $0xFFFF  }
0xc0: {  	_ =	strace $0x90000053  }
0xc1: {  	s0 =	stileid.u32;
	[bflag:$0x2] =	sbarrier.arrive $0xFFFF  }
0xc2: {  	p0 =	sne.s32 s0, $0x0;
	s0 =	rddreg [dreg:$0x3]  }
0xc3: {  	s0 =	sadd.s32 @!p0 $0x100000, s0  }
0xc4: {  	[sflag:s0] =	ssyncadd.tile.s32 @!p0 $0x1;
	_ =	shalt  }
.Lfunc_end2:
_tile_overlayer_lowered:
.L_overlay_start_2:
0xc5: {  	(tag) =	ssettag $0x2  }
0xc6: {  	s0 =	rddreg [dreg:$0x0];
	s2 =	stileid.u32  }
0xc7: {  	s1 =	rddreg [dreg:$0x1];
	p0 =	sne.s32 s2, $0x0  }
0xc8: {  	s3 =	rddreg [dreg:$0x2];
	[bflag:$0x3] =	sbarrier.arrive $0xFFFF;
	s2 =	simm.s32 @!p0 $0x1C09  }
0xc9: {  	[timem:s3], [sflag:s2] =	dma.local @!p0 [hbm:s0], s1  }
0xca: {  	s0 =	simm.s32 @!p0 $0x9  }
0xcb: {  	_ =	swait.ge @!p0 [sflag:s0], s1  }
0xcc: {  	s1 =	ssub.s32 @!p0 $0x0, s1;
	[sflag:s0] =	ssyncset.done @!p0 $0x0  }
0xcd: {  	[sflag:s0] =	ssyncadd.s32 @!p0 s1  }
0xce: {  	[bflag:$0x3] =	sbarrier.arrive $0xFFFF  }
0xcf: {  	_ =	shalt  }

</sc_bundles>
